<compile_context>
chip_gen: v7x
topology: tpu7x:2x2x1
jax: 0.10.2.dev20260603
libtpu: 0.0.44.dev20260713+nightly
codegen_flags: <defaults>
</compile_context>

<pallas_src>
import functools

import jax
import jax.numpy as jnp
from jax import lax
from jax.experimental import pallas as pl
from jax.experimental.pallas import tpu as pltpu
from jax.experimental.pallas import tpu_sc as plsc

_NUM_CORES = 2
_NUM_SUBCORES = 16
_NUM_WORKERS = _NUM_CORES * _NUM_SUBCORES
_GROUP = 16


def _make_scatter(M, D, B):
  per_worker = B // _NUM_WORKERS
  n_groups = per_worker // _GROUP
  assert per_worker % _GROUP == 0

  mesh = plsc.VectorSubcoreMesh(core_axis_name="c", subcore_axis_name="s")

  @functools.partial(
      pl.kernel,
      out_type=(),
      mesh=mesh,
      scratch_types=[
          pltpu.VMEM((per_worker,), jnp.int32),
          pltpu.VMEM((per_worker,), jnp.int32),
          pltpu.VMEM((2 * _GROUP, 64), jnp.float32),
          pltpu.SemaphoreType.DMA,
          pltpu.SemaphoreType.DMA,
          pltpu.SemaphoreType.DMA,
      ],
  )
  def scatter_kernel(sidx_hbm, src_hbm, val_hbm, table_ref,
                     sidx_v, src_v, rows_v, gsem, ssem0, ssem1):
    wid = lax.axis_index("s") * _NUM_CORES + lax.axis_index("c")
    pltpu.sync_copy(sidx_hbm.at[pl.ds(wid * per_worker, per_worker)], sidx_v)
    pltpu.sync_copy(src_hbm.at[pl.ds(wid * per_worker, per_worker)], src_v)
    ssems = (ssem0, ssem1)

    @pl.loop(0, n_groups // 2)
    def _pipe(h):
      for p in range(2):
        g = h * 2 + p
        dv = sidx_v[pl.ds(g * _GROUP, _GROUP)]
        gv = src_v[pl.ds(g * _GROUP, _GROUP)]
        buf = rows_v.at[pl.ds(p * _GROUP, _GROUP)]
        for l in range(_GROUP):
          pltpu.async_copy(val_hbm.at[pl.ds(gv[l], 1), :],
                           buf.at[pl.ds(l, 1)], gsem)
        for l in range(_GROUP):
          pltpu.make_async_copy(val_hbm.at[pl.ds(0, 1), :],
                                buf.at[pl.ds(l, 1)], gsem).wait()
        for l in range(_GROUP):
          pltpu.async_copy(buf.at[pl.ds(l, 1)],
                           table_ref.at[pl.ds(dv[l], 1), :], ssems[p])
      for p in range(2):
        for l in range(_GROUP):
          pltpu.make_async_copy(rows_v.at[pl.ds(p * _GROUP + l, 1)],
                                table_ref.at[pl.ds(0, 1), :],
                                ssems[p]).wait()

  return scatter_kernel


def kernel(mem, idx, val):
  M, D = mem.shape
  B = idx.shape[0]

  pos = jnp.arange(B, dtype=jnp.int32)
  last = jnp.zeros((M,), jnp.int32).at[idx].max(pos, mode="drop",
                                               unique_indices=False)
  src = jnp.take(last, idx)

  table_ref = jax.new_ref(mem)
  _make_scatter(M, D, B)(idx, src, val, table_ref)
  return table_ref[...]

# --- scband reference (transcript-rebuilt; emitter-appended) ---
"""Pipeline reference for scband-advanced-multi-trajectory-navigator-70660801953838 (READ-ONLY COPY).

The authoritative reference and input builder live on the scoring server;
editing this copy changes nothing except your own understanding.
"""

import jax, jax.numpy as jnp
import numpy as np

M, D, B = 1000000, 64, 16384

def setup_inputs(seed: int = 0) -> dict:
    key = jax.random.key(seed)
    k1, k2, k3 = jax.random.split(key, 3)
    mem = jax.random.normal(k1, (M, D), dtype=jnp.float32)
    val = jax.random.normal(k2, (B, D), dtype=jnp.float32)
    idx = jax.random.randint(k3, (B,), 0, M, dtype=jnp.int32)
    return {"mem": mem, "idx": idx, "val": val}

def reference(mem, idx, val):
    # GraphMemoryBank.write: overwrite memory node slots with new trajectory
    # positions (self.nodes[ptr] = position), batched over B concurrent writes.
    # Scatter-overwrite of B rows into an M-row memory table.
    new_mem = mem.at[idx].set(val)
    return new_mem

if __name__ == "__main__":
    import jax
    _d = setup_inputs()
    print(jax.jit(kernel)(*tuple(_d.values())))

</pallas_src>

<mosaic_0001>
#map = affine_map<(d0, d1) -> (0)>
#map1 = affine_map<(d0, d1) -> (0, 0)>
module attributes {stable_mosaic.version = 14 : i64} {
  func.func @new_body(%arg0: i32, %arg1: i32, %arg2: memref<16384xi32, #tpu.memory_space<hbm>>, %arg3: memref<16384xi32, #tpu.memory_space<hbm>>, %arg4: memref<16384x64xf32, #tpu.memory_space<hbm>>, %arg5: memref<1000000x64xf32, #tpu.memory_space<hbm>>, %arg6: memref<1000000x64xf32, #tpu.memory_space<hbm>>, %arg7: memref<512xi32, #tpu.memory_space<vmem>>, %arg8: memref<512xi32, #tpu.memory_space<vmem>>, %arg9: memref<32x64xf32, #tpu.memory_space<vmem>>, %arg10: memref<!tpu.dma_semaphore, #tpu.memory_space<semaphore_mem>>, %arg11: memref<!tpu.dma_semaphore, #tpu.memory_space<semaphore_mem>>, %arg12: memref<!tpu.dma_semaphore, #tpu.memory_space<semaphore_mem>>) attributes {dimension_semantics = [#tpu.dimension_semantics<core_parallel>, #tpu.dimension_semantics<subcore_parallel>], iteration_bounds = array<i64: 2, 16>, scalar_prefetch = 0 : i64, scratch_operands = 6 : i64, tpu.core_type = #tpu.core_type<sc_vector_subcore>, window_params = [{transform_indices = #map}, {transform_indices = #map}, {transform_indices = #map1}, {transform_indices = #map1}, {transform_indices = #map1}]} {
    %mul3A = arith.constant 2 : i32
    %mul3A_0 = arith.muli %arg1, %mul3A : i32
    %add3A = arith.addi %mul3A_0, %arg0 : i32
    %mul3A_1 = arith.constant 512 : i32
    %mul3A_2 = arith.muli %add3A, %mul3A_1 : i32
    "tpu.region"() ({
      %run_scoped3A = tpu.sem_alloc : memref<!tpu.dma_semaphore, #tpu.memory_space<semaphore_mem>>
      %dma_start3A = tpu.memref_slice %arg2[%mul3A_2] : memref<16384xi32, #tpu.memory_space<hbm>> -> memref<512xi32, #tpu.memory_space<hbm>>
      %dma_start3A_9 = tpu.memref_slice %arg2[%mul3A_2] : memref<16384xi32, #tpu.memory_space<hbm>> -> memref<512xi32, #tpu.memory_space<hbm>>
      tpu.enqueue_dma source(%dma_start3A_9 : memref<512xi32, #tpu.memory_space<hbm>>) target(%arg7 : memref<512xi32, #tpu.memory_space<vmem>>) target_semaphore(%run_scoped3A : memref<!tpu.dma_semaphore, #tpu.memory_space<semaphore_mem>>)
      %dma_wait3A = tpu.memref_slice %arg2[%mul3A_2] : memref<16384xi32, #tpu.memory_space<hbm>> -> memref<512xi32, #tpu.memory_space<hbm>>
      %dma_wait3A_10 = tpu.memref_slice %arg2[%mul3A_2] : memref<16384xi32, #tpu.memory_space<hbm>> -> memref<512xi32, #tpu.memory_space<hbm>>
      tpu.wait_dma2 semaphore(%run_scoped3A : memref<!tpu.dma_semaphore, #tpu.memory_space<semaphore_mem>>) src(%dma_wait3A_10 : memref<512xi32, #tpu.memory_space<hbm>>) dst(%arg7 : memref<512xi32, #tpu.memory_space<vmem>>)
      tpu.yield
    }) : () -> ()
    %mul3A_3 = arith.constant 512 : i32
    %mul3A_4 = arith.muli %add3A, %mul3A_3 : i32
    "tpu.region"() ({
      %run_scoped3A = tpu.sem_alloc : memref<!tpu.dma_semaphore, #tpu.memory_space<semaphore_mem>>
      %dma_start3A = tpu.memref_slice %arg3[%mul3A_4] : memref<16384xi32, #tpu.memory_space<hbm>> -> memref<512xi32, #tpu.memory_space<hbm>>
      %dma_start3A_9 = tpu.memref_slice %arg3[%mul3A_4] : memref<16384xi32, #tpu.memory_space<hbm>> -> memref<512xi32, #tpu.memory_space<hbm>>
      tpu.enqueue_dma source(%dma_start3A_9 : memref<512xi32, #tpu.memory_space<hbm>>) target(%arg8 : memref<512xi32, #tpu.memory_space<vmem>>) target_semaphore(%run_scoped3A : memref<!tpu.dma_semaphore, #tpu.memory_space<semaphore_mem>>)
      %dma_wait3A = tpu.memref_slice %arg3[%mul3A_4] : memref<16384xi32, #tpu.memory_space<hbm>> -> memref<512xi32, #tpu.memory_space<hbm>>
      %dma_wait3A_10 = tpu.memref_slice %arg3[%mul3A_4] : memref<16384xi32, #tpu.memory_space<hbm>> -> memref<512xi32, #tpu.memory_space<hbm>>
      tpu.wait_dma2 semaphore(%run_scoped3A : memref<!tpu.dma_semaphore, #tpu.memory_space<semaphore_mem>>) src(%dma_wait3A_10 : memref<512xi32, #tpu.memory_space<hbm>>) dst(%arg8 : memref<512xi32, #tpu.memory_space<vmem>>)
      tpu.yield
    }) : () -> ()
    %scan3A = arith.constant 0 : i32
    %scan3A_5 = arith.constant 16 : i32
    %scan3A_6 = arith.addi %scan3A, %scan3A_5 : i32
    %scan3A_7 = arith.constant 1 : i32
    scf.for %scan3A_9 = %scan3A to %scan3A_6 step %scan3A_7  : i32 {
      %mul3A_10 = arith.constant 1 : i32
      %mul3A_11 = arith.muli %scan3A_9, %mul3A_10 : i32
      %add3A_12 = arith.constant 0 : i32
      %add3A_13 = arith.addi %add3A_12, %mul3A_11 : i32
      %mul3A_14 = arith.constant 2 : i32
      %mul3A_15 = arith.muli %add3A_13, %mul3A_14 : i32
      %add3A_16 = arith.constant 0 : i32
      %add3A_17 = arith.addi %mul3A_15, %add3A_16 : i32
      %mul3A_18 = arith.constant 16 : i32
      %mul3A_19 = arith.muli %add3A_17, %mul3A_18 : i32
      %get3A = arith.index_cast %mul3A_19 : i32 to index
      %get3A_20 = tpu.vector_load %arg7[%get3A] {strides = array<i32>} : memref<512xi32, #tpu.memory_space<vmem>>, vector<16xi32>,
      %get3A_21 = vector.shape_cast %get3A_20 : vector<16xi32> to vector<16xi32>
      %mul3A_22 = arith.constant 16 : i32
      %mul3A_23 = arith.muli %add3A_17, %mul3A_22 : i32
      %get3A_24 = arith.index_cast %mul3A_23 : i32 to index
      %get3A_25 = tpu.vector_load %arg8[%get3A_24] {strides = array<i32>} : memref<512xi32, #tpu.memory_space<vmem>>, vector<16xi32>,
      %get3A_26 = vector.shape_cast %get3A_25 : vector<16xi32> to vector<16xi32>
      %slice3A = vector.extract_strided_slice %get3A_26 {offsets = [0], sizes = [1], strides = [1]} : vector<16xi32> to vector<1xi32>
      %squeeze3A = vector.extract %slice3A[0] : i32 from vector<1xi32>
      %dma_start3A = arith.constant 0 : i32
      %dma_start3A_27 = arith.constant 0 : i32
      %dma_start3A_28 = tpu.memref_slice %arg9[%dma_start3A, %dma_start3A_27] : memref<32x64xf32, #tpu.memory_space<vmem>> -> memref<16x64xf32, #tpu.memory_space<vmem>>
      %dma_start3A_29 = arith.constant 0 : i32
      %dma_start3A_30 = arith.constant 0 : i32
      %dma_start3A_31 = tpu.memref_slice %dma_start3A_28[%dma_start3A_29, %dma_start3A_30] : memref<16x64xf32, #tpu.memory_space<vmem>> -> memref<1x64xf32, #tpu.memory_space<vmem>>
      %dma_start3A_32 = arith.constant 0 : i32
      %dma_start3A_33 = tpu.memref_slice %arg4[%squeeze3A, %dma_start3A_32] : memref<16384x64xf32, #tpu.memory_space<hbm>> -> memref<1x64xf32, #tpu.memory_space<hbm>>
      %dma_start3A_34 = arith.constant 0 : i32
      %dma_start3A_35 = arith.constant 0 : i32
      %dma_start3A_36 = tpu.memref_slice %arg9[%dma_start3A_34, %dma_start3A_35] : memref<32x64xf32, #tpu.memory_space<vmem>> -> memref<16x64xf32, #tpu.memory_space<vmem>>
      %dma_start3A_37 = arith.constant 0 : i32
      %dma_start3A_38 = arith.constant 0 : i32
      %dma_start3A_39 = tpu.memref_slice %dma_start3A_36[%dma_start3A_37, %dma_start3A_38] : memref<16x64xf32, #tpu.memory_space<vmem>> -> memref<1x64xf32, #tpu.memory_space<vmem>>
      %dma_start3A_40 = arith.constant 0 : i32
      %dma_start3A_41 = tpu.memref_slice %arg4[%squeeze3A, %dma_start3A_40] : memref<16384x64xf32, #tpu.memory_space<hbm>> -> memref<1x64xf32, #tpu.memory_space<hbm>>
      tpu.enqueue_dma source(%dma_start3A_41 : memref<1x64xf32, #tpu.memory_space<hbm>>) target(%dma_start3A_39 : memref<1x64xf32, #tpu.memory_space<vmem>>) target_semaphore(%arg10 : memref<!tpu.dma_semaphore, #tpu.memory_space<semaphore_mem>>)
      %slice3A_42 = vector.extract_strided_slice %get3A_26 {offsets = [1], sizes = [1], strides = [1]} : vector<16xi32> to vector<1xi32>
      %squeeze3A_43 = vector.extract %slice3A_42[0] : i32 from vector<1xi32>
      %dma_start3A_44 = arith.constant 0 : i32
      %dma_start3A_45 = arith.constant 0 : i32
      %dma_start3A_46 = tpu.memref_slice %arg9[%dma_start3A_44, %dma_start3A_45] : memref<32x64xf32, #tpu.memory_space<vmem>> -> memref<16x64xf32, #tpu.memory_space<vmem>>
      %dma_start3A_47 = arith.constant 1 : i32
      %dma_start3A_48 = arith.constant 0 : i32
      %dma_start3A_49 = tpu.memref_slice %dma_start3A_46[%dma_start3A_47, %dma_start3A_48] : memref<16x64xf32, #tpu.memory_space<vmem>> -> memref<1x64xf32, #tpu.memory_space<vmem>>
      %dma_start3A_50 = arith.constant 0 : i32
      %dma_start3A_51 = tpu.memref_slice %arg4[%squeeze3A_43, %dma_start3A_50] : memref<16384x64xf32, #tpu.memory_space<hbm>> -> memref<1x64xf32, #tpu.memory_space<hbm>>
      %dma_start3A_52 = arith.constant 0 : i32
      %dma_start3A_53 = arith.constant 0 : i32
      %dma_start3A_54 = tpu.memref_slice %arg9[%dma_start3A_52, %dma_start3A_53] : memref<32x64xf32, #tpu.memory_space<vmem>> -> memref<16x64xf32, #tpu.memory_space<vmem>>
      %dma_start3A_55 = arith.constant 1 : i32
      %dma_start3A_56 = arith.constant 0 : i32
      %dma_start3A_57 = tpu.memref_slice %dma_start3A_54[%dma_start3A_55, %dma_start3A_56] : memref<16x64xf32, #tpu.memory_space<vmem>> -> memref<1x64xf32, #tpu.memory_space<vmem>>
      %dma_start3A_58 = arith.constant 0 : i32
      %dma_start3A_59 = tpu.memref_slice %arg4[%squeeze3A_43, %dma_start3A_58] : memref<16384x64xf32, #tpu.memory_space<hbm>> -> memref<1x64xf32, #tpu.memory_space<hbm>>
      tpu.enqueue_dma source(%dma_start3A_59 : memref<1x64xf32, #tpu.memory_space<hbm>>) target(%dma_start3A_57 : memref<1x64xf32, #tpu.memory_space<vmem>>) target_semaphore(%arg10 : memref<!tpu.dma_semaphore, #tpu.memory_space<semaphore_mem>>)
      %slice3A_60 = vector.extract_strided_slice %get3A_26 {offsets = [2], sizes = [1], strides = [1]} : vector<16xi32> to vector<1xi32>
      %squeeze3A_61 = vector.extract %slice3A_60[0] : i32 from vector<1xi32>
      %dma_start3A_62 = arith.constant 0 : i32
      %dma_start3A_63 = arith.constant 0 : i32
      %dma_start3A_64 = tpu.memref_slice %arg9[%dma_start3A_62, %dma_start3A_63] : memref<32x64xf32, #tpu.memory_space<vmem>> -> memref<16x64xf32, #tpu.memory_space<vmem>>
      %dma_start3A_65 = arith.constant 2 : i32
      %dma_start3A_66 = arith.constant 0 : i32
      %dma_start3A_67 = tpu.memref_slice %dma_start3A_64[%dma_start3A_65, %dma_start3A_66] : memref<16x64xf32, #tpu.memory_space<vmem>> -> memref<1x64xf32, #tpu.memory_space<vmem>>
      %dma_start3A_68 = arith.constant 0 : i32
      %dma_start3A_69 = tpu.memref_slice %arg4[%squeeze3A_61, %dma_start3A_68] : memref<16384x64xf32, #tpu.memory_space<hbm>> -> memref<1x64xf32, #tpu.memory_space<hbm>>
      %dma_start3A_70 = arith.constant 0 : i32
      %dma_start3A_71 = arith.constant 0 : i32
      %dma_start3A_72 = tpu.memref_slice %arg9[%dma_start3A_70, %dma_start3A_71] : memref<32x64xf32, #tpu.memory_space<vmem>> -> memref<16x64xf32, #tpu.memory_space<vmem>>
      %dma_start3A_73 = arith.constant 2 : i32
      %dma_start3A_74 = arith.constant 0 : i32
      %dma_start3A_75 = tpu.memref_slice %dma_start3A_72[%dma_start3A_73, %dma_start3A_74] : memref<16x64xf32, #tpu.memory_space<vmem>> -> memref<1x64xf32, #tpu.memory_space<vmem>>
      %dma_start3A_76 = arith.constant 0 : i32
      %dma_start3A_77 = tpu.memref_slice %arg4[%squeeze3A_61, %dma_start3A_76] : memref<16384x64xf32, #tpu.memory_space<hbm>> -> memref<1x64xf32, #tpu.memory_space<hbm>>
      tpu.enqueue_dma source(%dma_start3A_77 : memref<1x64xf32, #tpu.memory_space<hbm>>) target(%dma_start3A_75 : memref<1x64xf32, #tpu.memory_space<vmem>>) target_semaphore(%arg10 : memref<!tpu.dma_semaphore, #tpu.memory_space<semaphore_mem>>)
      %slice3A_78 = vector.extract_strided_slice %get3A_26 {offsets = [3], sizes = [1], strides = [1]} : vector<16xi32> to vector<1xi32>
      %squeeze3A_79 = vector.extract %slice3A_78[0] : i32 from vector<1xi32>
      %dma_start3A_80 = arith.constant 0 : i32
      %dma_start3A_81 = arith.constant 0 : i32
      %dma_start3A_82 = tpu.memref_slice %arg9[%dma_start3A_80, %dma_start3A_81] : memref<32x64xf32, #tpu.memory_space<vmem>> -> memref<16x64xf32, #tpu.memory_space<vmem>>
      %dma_start3A_83 = arith.constant 3 : i32
      %dma_start3A_84 = arith.constant 0 : i32
      %dma_start3A_85 = tpu.memref_slice %dma_start3A_82[%dma_start3A_83, %dma_start3A_84] : memref<16x64xf32, #tpu.memory_space<vmem>> -> memref<1x64xf32, #tpu.memory_space<vmem>>
      %dma_start3A_86 = arith.constant 0 : i32
      %dma_start3A_87 = tpu.memref_slice %arg4[%squeeze3A_79, %dma_start3A_86] : memref<16384x64xf32, #tpu.memory_space<hbm>> -> memref<1x64xf32, #tpu.memory_space<hbm>>
      %dma_start3A_88 = arith.constant 0 : i32
      %dma_start3A_89 = arith.constant 0 : i32
      %dma_start3A_90 = tpu.memref_slice %arg9[%dma_start3A_88, %dma_start3A_89] : memref<32x64xf32, #tpu.memory_space<vmem>> -> memref<16x64xf32, #tpu.memory_space<vmem>>
      %dma_start3A_91 = arith.constant 3 : i32
      %dma_start3A_92 = arith.constant 0 : i32
      %dma_start3A_93 = tpu.memref_slice %dma_start3A_90[%dma_start3A_91, %dma_start3A_92] : memref<16x64xf32, #tpu.memory_space<vmem>> -> memref<1x64xf32, #tpu.memory_space<vmem>>
      %dma_start3A_94 = arith.constant 0 : i32
      %dma_start3A_95 = tpu.memref_slice %arg4[%squeeze3A_79, %dma_start3A_94] : memref<16384x64xf32, #tpu.memory_space<hbm>> -> memref<1x64xf32, #tpu.memory_space<hbm>>
      tpu.enqueue_dma source(%dma_start3A_95 : memref<1x64xf32, #tpu.memory_space<hbm>>) target(%dma_start3A_93 : memref<1x64xf32, #tpu.memory_space<vmem>>) target_semaphore(%arg10 : memref<!tpu.dma_semaphore, #tpu.memory_space<semaphore_mem>>)
      %slice3A_96 = vector.extract_strided_slice %get3A_26 {offsets = [4], sizes = [1], strides = [1]} : vector<16xi32> to vector<1xi32>
      %squeeze3A_97 = vector.extract %slice3A_96[0] : i32 from vector<1xi32>
      %dma_start3A_98 = arith.constant 0 : i32
      %dma_start3A_99 = arith.constant 0 : i32
      %dma_start3A_100 = tpu.memref_slice %arg9[%dma_start3A_98, %dma_start3A_99] : memref<32x64xf32, #tpu.memory_space<vmem>> -> memref<16x64xf32, #tpu.memory_space<vmem>>
      %dma_start3A_101 = arith.constant 4 : i32
      %dma_start3A_102 = arith.constant 0 : i32
      %dma_start3A_103 = tpu.memref_slice %dma_start3A_100[%dma_start3A_101, %dma_start3A_102] : memref<16x64xf32, #tpu.memory_space<vmem>> -> memref<1x64xf32, #tpu.memory_space<vmem>>
      %dma_start3A_104 = arith.constant 0 : i32
      %dma_start3A_105 = tpu.memref_slice %arg4[%squeeze3A_97, %dma_start3A_104] : memref<16384x64xf32, #tpu.memory_space<hbm>> -> memref<1x64xf32, #tpu.memory_space<hbm>>
      %dma_start3A_106 = arith.constant 0 : i32
      %dma_start3A_107 = arith.constant 0 : i32
      %dma_start3A_108 = tpu.memref_slice %arg9[%dma_start3A_106, %dma_start3A_107] : memref<32x64xf32, #tpu.memory_space<vmem>> -> memref<16x64xf32, #tpu.memory_space<vmem>>
      %dma_start3A_109 = arith.constant 4 : i32
      %dma_start3A_110 = arith.constant 0 : i32
      %dma_start3A_111 = tpu.memref_slice %dma_start3A_108[%dma_start3A_109, %dma_start3A_110] : memref<16x64xf32, #tpu.memory_space<vmem>> -> memref<1x64xf32, #tpu.memory_space<vmem>>
      %dma_start3A_112 = arith.constant 0 : i32
      %dma_start3A_113 = tpu.memref_slice %arg4[%squeeze3A_97, %dma_start3A_112] : memref<16384x64xf32, #tpu.memory_space<hbm>> -> memref<1x64xf32, #tpu.memory_space<hbm>>
      tpu.enqueue_dma source(%dma_start3A_113 : memref<1x64xf32, #tpu.memory_space<hbm>>) target(%dma_start3A_111 : memref<1x64xf32, #tpu.memory_space<vmem>>) target_semaphore(%arg10 : memref<!tpu.dma_semaphore, #tpu.memory_space<semaphore_mem>>)
      %slice3A_114 = vector.extract_strided_slice %get3A_26 {offsets = [5], sizes = [1], strides = [1]} : vector<16xi32> to vector<1xi32>
      %squeeze3A_115 = vector.extract %slice3A_114[0] : i32 from vector<1xi32>
      %dma_start3A_116 = arith.constant 0 : i32
      %dma_start3A_117 = arith.constant 0 : i32
      %dma_start3A_118 = tpu.memref_slice %arg9[%dma_start3A_116, %dma_start3A_117] : memref<32x64xf32, #tpu.memory_space<vmem>> -> memref<16x64xf32, #tpu.memory_space<vmem>>
      %dma_start3A_119 = arith.constant 5 : i32
      %dma_start3A_120 = arith.constant 0 : i32
      %dma_start3A_121 = tpu.memref_slice %dma_start3A_118[%dma_start3A_119, %dma_start3A_120] : memref<16x64xf32, #tpu.memory_space<vmem>> -> memref<1x64xf32, #tpu.memory_space<vmem>>
      %dma_start3A_122 = arith.constant 0 : i32
      %dma_start3A_123 = tpu.memref_slice %arg4[%squeeze3A_115, %dma_start3A_122] : memref<16384x64xf32, #tpu.memory_space<hbm>> -> memref<1x64xf32, #tpu.memory_space<hbm>>
      %dma_start3A_124 = arith.constant 0 : i32
      %dma_start3A_125 = arith.constant 0 : i32
      %dma_start3A_126 = tpu.memref_slice %arg9[%dma_start3A_124, %dma_start3A_125] : memref<32x64xf32, #tpu.memory_space<vmem>> -> memref<16x64xf32, #tpu.memory_space<vmem>>
      %dma_start3A_127 = arith.constant 5 : i32
      %dma_start3A_128 = arith.constant 0 : i32
      %dma_start3A_129 = tpu.memref_slice %dma_start3A_126[%dma_start3A_127, %dma_start3A_128] : memref<16x64xf32, #tpu.memory_space<vmem>> -> memref<1x64xf32, #tpu.memory_space<vmem>>
      %dma_start3A_130 = arith.constant 0 : i32
      %dma_start3A_131 = tpu.memref_slice %arg4[%squeeze3A_115, %dma_start3A_130] : memref<16384x64xf32, #tpu.memory_space<hbm>> -> memref<1x64xf32, #tpu.memory_space<hbm>>
      tpu.enqueue_dma source(%dma_start3A_131 : memref<1x64xf32, #tpu.memory_space<hbm>>) target(%dma_start3A_129 : memref<1x64xf32, #tpu.memory_space<vmem>>) target_semaphore(%arg10 : memref<!tpu.dma_semaphore, #tpu.memory_space<semaphore_mem>>)
      %slice3A_132 = vector.extract_strided_slice %get3A_26 {offsets = [6], sizes = [1], strides = [1]} : vector<16xi32> to vector<1xi32>
      %squeeze3A_133 = vector.extract %slice3A_132[0] : i32 from vector<1xi32>
      %dma_start3A_134 = arith.constant 0 : i32
      %dma_start3A_135 = arith.constant 0 : i32
      %dma_start3A_136 = tpu.memref_slice %arg9[%dma_start3A_134, %dma_start3A_135] : memref<32x64xf32, #tpu.memory_space<vmem>> -> memref<16x64xf32, #tpu.memory_space<vmem>>
      %dma_start3A_137 = arith.constant 6 : i32
      %dma_start3A_138 = arith.constant 0 : i32
      %dma_start3A_139 = tpu.memref_slice %dma_start3A_136[%dma_start3A_137, %dma_start3A_138] : memref<16x64xf32, #tpu.memory_space<vmem>> -> memref<1x64xf32, #tpu.memory_space<vmem>>
      %dma_start3A_140 = arith.constant 0 : i32
      %dma_start3A_141 = tpu.memref_slice %arg4[%squeeze3A_133, %dma_start3A_140] : memref<16384x64xf32, #tpu.memory_space<hbm>> -> memref<1x64xf32, #tpu.memory_space<hbm>>
      %dma_start3A_142 = arith.constant 0 : i32
      %dma_start3A_143 = arith.constant 0 : i32
      %dma_start3A_144 = tpu.memref_slice %arg9[%dma_start3A_142, %dma_start3A_143] : memref<32x64xf32, #tpu.memory_space<vmem>> -> memref<16x64xf32, #tpu.memory_space<vmem>>
      %dma_start3A_145 = arith.constant 6 : i32
      %dma_start3A_146 = arith.constant 0 : i32
      %dma_start3A_147 = tpu.memref_slice %dma_start3A_144[%dma_start3A_145, %dma_start3A_146] : memref<16x64xf32, #tpu.memory_space<vmem>> -> memref<1x64xf32, #tpu.memory_space<vmem>>
      %dma_start3A_148 = arith.constant 0 : i32
      %dma_start3A_149 = tpu.memref_slice %arg4[%squeeze3A_133, %dma_start3A_148] : memref<16384x64xf32, #tpu.memory_space<hbm>> -> memref<1x64xf32, #tpu.memory_space<hbm>>
      tpu.enqueue_dma source(%dma_start3A_149 : memref<1x64xf32, #tpu.memory_space<hbm>>) target(%dma_start3A_147 : memref<1x64xf32, #tpu.memory_space<vmem>>) target_semaphore(%arg10 : memref<!tpu.dma_semaphore, #tpu.memory_space<semaphore_mem>>)
      %slice3A_150 = vector.extract_strided_slice %get3A_26 {offsets = [7], sizes = [1], strides = [1]} : vector<16xi32> to vector<1xi32>
      %squeeze3A_151 = vector.extract %slice3A_150[0] : i32 from vector<1xi32>
      %dma_start3A_152 = arith.constant 0 : i32
      %dma_start3A_153 = arith.constant 0 : i32
      %dma_start3A_154 = tpu.memref_slice %arg9[%dma_start3A_152, %dma_start3A_153] : memref<32x64xf32, #tpu.memory_space<vmem>> -> memref<16x64xf32, #tpu.memory_space<vmem>>
      %dma_start3A_155 = arith.constant 7 : i32
      %dma_start3A_156 = arith.constant 0 : i32
      %dma_start3A_157 = tpu.memref_slice %dma_start3A_154[%dma_start3A_155, %dma_start3A_156] : memref<16x64xf32, #tpu.memory_space<vmem>> -> memref<1x64xf32, #tpu.memory_space<vmem>>
      %dma_start3A_158 = arith.constant 0 : i32
      %dma_start3A_159 = tpu.memref_slice %arg4[%squeeze3A_151, %dma_start3A_158] : memref<16384x64xf32, #tpu.memory_space<hbm>> -> memref<1x64xf32, #tpu.memory_space<hbm>>
      %dma_start3A_160 = arith.constant 0 : i32
      %dma_start3A_161 = arith.constant 0 : i32
      %dma_start3A_162 = tpu.memref_slice %arg9[%dma_start3A_160, %dma_start3A_161] : memref<32x64xf32, #tpu.memory_space<vmem>> -> memref<16x64xf32, #tpu.memory_space<vmem>>
      %dma_start3A_163 = arith.constant 7 : i32
      %dma_start3A_164 = arith.constant 0 : i32
      %dma_start3A_165 = tpu.memref_slice %dma_start3A_162[%dma_start3A_163, %dma_start3A_164] : memref<16x64xf32, #tpu.memory_space<vmem>> -> memref<1x64xf32, #tpu.memory_space<vmem>>
      %dma_start3A_166 = arith.constant 0 : i32
      %dma_start3A_167 = tpu.memref_slice %arg4[%squeeze3A_151, %dma_start3A_166] : memref<16384x64xf32, #tpu.memory_space<hbm>> -> memref<1x64xf32, #tpu.memory_space<hbm>>
      tpu.enqueue_dma source(%dma_start3A_167 : memref<1x64xf32, #tpu.memory_space<hbm>>) target(%dma_start3A_165 : memref<1x64xf32, #tpu.memory_space<vmem>>) target_semaphore(%arg10 : memref<!tpu.dma_semaphore, #tpu.memory_space<semaphore_mem>>)
      %slice3A_168 = vector.extract_strided_slice %get3A_26 {offsets = [8], sizes = [1], strides = [1]} : vector<16xi32> to vector<1xi32>
      %squeeze3A_169 = vector.extract %slice3A_168[0] : i32 from vector<1xi32>
      %dma_start3A_170 = arith.constant 0 : i32
      %dma_start3A_171 = arith.constant 0 : i32
      %dma_start3A_172 = tpu.memref_slice %arg9[%dma_start3A_170, %dma_start3A_171] : memref<32x64xf32, #tpu.memory_space<vmem>> -> memref<16x64xf32, #tpu.memory_space<vmem>>
      %dma_start3A_173 = arith.constant 8 : i32
      %dma_start3A_174 = arith.constant 0 : i32
      %dma_start3A_175 = tpu.memref_slice %dma_start3A_172[%dma_start3A_173, %dma_start3A_174] : memref<16x64xf32, #tpu.memory_space<vmem>> -> memref<1x64xf32, #tpu.memory_space<vmem>>
      %dma_start3A_176 = arith.constant 0 : i32
      %dma_start3A_177 = tpu.memref_slice %arg4[%squeeze3A_169, %dma_start3A_176] : memref<16384x64xf32, #tpu.memory_space<hbm>> -> memref<1x64xf32, #tpu.memory_space<hbm>>
      %dma_start3A_178 = arith.constant 0 : i32
      %dma_start3A_179 = arith.constant 0 : i32
      %dma_start3A_180 = tpu.memref_slice %arg9[%dma_start3A_178, %dma_start3A_179] : memref<32x64xf32, #tpu.memory_space<vmem>> -> memref<16x64xf32, #tpu.memory_space<vmem>>
      %dma_start3A_181 = arith.constant 8 : i32
      %dma_start3A_182 = arith.constant 0 : i32
      %dma_start3A_183 = tpu.memref_slice %dma_start3A_180[%dma_start3A_181, %dma_start3A_182] : memref<16x64xf32, #tpu.memory_space<vmem>> -> memref<1x64xf32, #tpu.memory_space<vmem>>
      %dma_start3A_184 = arith.constant 0 : i32
      %dma_start3A_185 = tpu.memref_slice %arg4[%squeeze3A_169, %dma_start3A_184] : memref<16384x64xf32, #tpu.memory_space<hbm>> -> memref<1x64xf32, #tpu.memory_space<hbm>>
      tpu.enqueue_dma source(%dma_start3A_185 : memref<1x64xf32, #tpu.memory_space<hbm>>) target(%dma_start3A_183 : memref<1x64xf32, #tpu.memory_space<vmem>>) target_semaphore(%arg10 : memref<!tpu.dma_semaphore, #tpu.memory_space<semaphore_mem>>)
      %slice3A_186 = vector.extract_strided_slice %get3A_26 {offsets = [9], sizes = [1], strides = [1]} : vector<16xi32> to vector<1xi32>
      %squeeze3A_187 = vector.extract %slice3A_186[0] : i32 from vector<1xi32>
      %dma_start3A_188 = arith.constant 0 : i32
      %dma_start3A_189 = arith.constant 0 : i32
      %dma_start3A_190 = tpu.memref_slice %arg9[%dma_start3A_188, %dma_start3A_189] : memref<32x64xf32, #tpu.memory_space<vmem>> -> memref<16x64xf32, #tpu.memory_space<vmem>>
      %dma_start3A_191 = arith.constant 9 : i32
      %dma_start3A_192 = arith.constant 0 : i32
      %dma_start3A_193 = tpu.memref_slice %dma_start3A_190[%dma_start3A_191, %dma_start3A_192] : memref<16x64xf32, #tpu.memory_space<vmem>> -> memref<1x64xf32, #tpu.memory_space<vmem>>
      %dma_start3A_194 = arith.constant 0 : i32
      %dma_start3A_195 = tpu.memref_slice %arg4[%squeeze3A_187, %dma_start3A_194] : memref<16384x64xf32, #tpu.memory_space<hbm>> -> memref<1x64xf32, #tpu.memory_space<hbm>>
      %dma_start3A_196 = arith.constant 0 : i32
      %dma_start3A_197 = arith.constant 0 : i32
      %dma_start3A_198 = tpu.memref_slice %arg9[%dma_start3A_196, %dma_start3A_197] : memref<32x64xf32, #tpu.memory_space<vmem>> -> memref<16x64xf32, #tpu.memory_space<vmem>>
      %dma_start3A_199 = arith.constant 9 : i32
      %dma_start3A_200 = arith.constant 0 : i32
      %dma_start3A_201 = tpu.memref_slice %dma_start3A_198[%dma_start3A_199, %dma_start3A_200] : memref<16x64xf32, #tpu.memory_space<vmem>> -> memref<1x64xf32, #tpu.memory_space<vmem>>
      %dma_start3A_202 = arith.constant 0 : i32
      %dma_start3A_203 = tpu.memref_slice %arg4[%squeeze3A_187, %dma_start3A_202] : memref<16384x64xf32, #tpu.memory_space<hbm>> -> memref<1x64xf32, #tpu.memory_space<hbm>>
      tpu.enqueue_dma source(%dma_start3A_203 : memref<1x64xf32, #tpu.memory_space<hbm>>) target(%dma_start3A_201 : memref<1x64xf32, #tpu.memory_space<vmem>>) target_semaphore(%arg10 : memref<!tpu.dma_semaphore, #tpu.memory_space<semaphore_mem>>)
      %slice3A_204 = vector.extract_strided_slice %get3A_26 {offsets = [10], sizes = [1], strides = [1]} : vector<16xi32> to vector<1xi32>
      %squeeze3A_205 = vector.extract %slice3A_204[0] : i32 from vector<1xi32>
      %dma_start3A_206 = arith.constant 0 : i32
      %dma_start3A_207 = arith.constant 0 : i32
      %dma_start3A_208 = tpu.memref_slice %arg9[%dma_start3A_206, %dma_start3A_207] : memref<32x64xf32, #tpu.memory_space<vmem>> -> memref<16x64xf32, #tpu.memory_space<vmem>>
      %dma_start3A_209 = arith.constant 10 : i32
      %dma_start3A_210 = arith.constant 0 : i32
      %dma_start3A_211 = tpu.memref_slice %dma_start3A_208[%dma_start3A_209, %dma_start3A_210] : memref<16x64xf32, #tpu.memory_space<vmem>> -> memref<1x64xf32, #tpu.memory_space<vmem>>
      %dma_start3A_212 = arith.constant 0 : i32
      %dma_start3A_213 = tpu.memref_slice %arg4[%squeeze3A_205, %dma_start3A_212] : memref<16384x64xf32, #tpu.memory_space<hbm>> -> memref<1x64xf32, #tpu.memory_space<hbm>>
      %dma_start3A_214 = arith.constant 0 : i32
      %dma_start3A_215 = arith.constant 0 : i32
      %dma_start3A_216 = tpu.memref_slice %arg9[%dma_start3A_214, %dma_start3A_215] : memref<32x64xf32, #tpu.memory_space<vmem>> -> memref<16x64xf32, #tpu.memory_space<vmem>>
      %dma_start3A_217 = arith.constant 10 : i32
      %dma_start3A_218 = arith.constant 0 : i32
      %dma_start3A_219 = tpu.memref_slice %dma_start3A_216[%dma_start3A_217, %dma_start3A_218] : memref<16x64xf32, #tpu.memory_space<vmem>> -> memref<1x64xf32, #tpu.memory_space<vmem>>
      %dma_start3A_220 = arith.constant 0 : i32
      %dma_start3A_221 = tpu.memref_slice %arg4[%squeeze3A_205, %dma_start3A_220] : memref<16384x64xf32, #tpu.memory_space<hbm>> -> memref<1x64xf32, #tpu.memory_space<hbm>>
      tpu.enqueue_dma source(%dma_start3A_221 : memref<1x64xf32, #tpu.memory_space<hbm>>) target(%dma_start3A_219 : memref<1x64xf32, #tpu.memory_space<vmem>>) target_semaphore(%arg10 : memref<!tpu.dma_semaphore, #tpu.memory_space<semaphore_mem>>)
      %slice3A_222 = vector.extract_strided_slice %get3A_26 {offsets = [11], sizes = [1], strides = [1]} : vector<16xi32> to vector<1xi32>
      %squeeze3A_223 = vector.extract %slice3A_222[0] : i32 from vector<1xi32>
      %dma_start3A_224 = arith.constant 0 : i32
      %dma_start3A_225 = arith.constant 0 : i32
      %dma_start3A_226 = tpu.memref_slice %arg9[%dma_start3A_224, %dma_start3A_225] : memref<32x64xf32, #tpu.memory_space<vmem>> -> memref<16x64xf32, #tpu.memory_space<vmem>>
      %dma_start3A_227 = arith.constant 11 : i32
      %dma_start3A_228 = arith.constant 0 : i32
      %dma_start3A_229 = tpu.memref_slice %dma_start3A_226[%dma_start3A_227, %dma_start3A_228] : memref<16x64xf32, #tpu.memory_space<vmem>> -> memref<1x64xf32, #tpu.memory_space<vmem>>
      %dma_start3A_230 = arith.constant 0 : i32
      %dma_start3A_231 = tpu.memref_slice %arg4[%squeeze3A_223, %dma_start3A_230] : memref<16384x64xf32, #tpu.memory_space<hbm>> -> memref<1x64xf32, #tpu.memory_space<hbm>>
      %dma_start3A_232 = arith.constant 0 : i32
      %dma_start3A_233 = arith.constant 0 : i32
      %dma_start3A_234 = tpu.memref_slice %arg9[%dma_start3A_232, %dma_start3A_233] : memref<32x64xf32, #tpu.memory_space<vmem>> -> memref<16x64xf32, #tpu.memory_space<vmem>>
      %dma_start3A_235 = arith.constant 11 : i32
      %dma_start3A_236 = arith.constant 0 : i32
      %dma_start3A_237 = tpu.memref_slice %dma_start3A_234[%dma_start3A_235, %dma_start3A_236] : memref<16x64xf32, #tpu.memory_space<vmem>> -> memref<1x64xf32, #tpu.memory_space<vmem>>
      %dma_start3A_238 = arith.constant 0 : i32
      %dma_start3A_239 = tpu.memref_slice %arg4[%squeeze3A_223, %dma_start3A_238] : memref<16384x64xf32, #tpu.memory_space<hbm>> -> memref<1x64xf32, #tpu.memory_space<hbm>>
      tpu.enqueue_dma source(%dma_start3A_239 : memref<1x64xf32, #tpu.memory_space<hbm>>) target(%dma_start3A_237 : memref<1x64xf32, #tpu.memory_space<vmem>>) target_semaphore(%arg10 : memref<!tpu.dma_semaphore, #tpu.memory_space<semaphore_mem>>)
      %slice3A_240 = vector.extract_strided_slice %get3A_26 {offsets = [12], sizes = [1], strides = [1]} : vector<16xi32> to vector<1xi32>
      %squeeze3A_241 = vector.extract %slice3A_240[0] : i32 from vector<1xi32>
      %dma_start3A_242 = arith.constant 0 : i32
      %dma_start3A_243 = arith.constant 0 : i32
      %dma_start3A_244 = tpu.memref_slice %arg9[%dma_start3A_242, %dma_start3A_243] : memref<32x64xf32, #tpu.memory_space<vmem>> -> memref<16x64xf32, #tpu.memory_space<vmem>>
      %dma_start3A_245 = arith.constant 12 : i32
      %dma_start3A_246 = arith.constant 0 : i32
      %dma_start3A_247 = tpu.memref_slice %dma_start3A_244[%dma_start3A_245, %dma_start3A_246] : memref<16x64xf32, #tpu.memory_space<vmem>> -> memref<1x64xf32, #tpu.memory_space<vmem>>
      %dma_start3A_248 = arith.constant 0 : i32
      %dma_start3A_249 = tpu.memref_slice %arg4[%squeeze3A_241, %dma_start3A_248] : memref<16384x64xf32, #tpu.memory_space<hbm>> -> memref<1x64xf32, #tpu.memory_space<hbm>>
      %dma_start3A_250 = arith.constant 0 : i32
      %dma_start3A_251 = arith.constant 0 : i32
      %dma_start3A_252 = tpu.memref_slice %arg9[%dma_start3A_250, %dma_start3A_251] : memref<32x64xf32, #tpu.memory_space<vmem>> -> memref<16x64xf32, #tpu.memory_space<vmem>>
      %dma_start3A_253 = arith.constant 12 : i32
      %dma_start3A_254 = arith.constant 0 : i32
      %dma_start3A_255 = tpu.memref_slice %dma_start3A_252[%dma_start3A_253, %dma_start3A_254] : memref<16x64xf32, #tpu.memory_space<vmem>> -> memref<1x64xf32, #tpu.memory_space<vmem>>
      %dma_start3A_256 = arith.constant 0 : i32
      %dma_start3A_257 = tpu.memref_slice %arg4[%squeeze3A_241, %dma_start3A_256] : memref<16384x64xf32, #tpu.memory_space<hbm>> -> memref<1x64xf32, #tpu.memory_space<hbm>>
      tpu.enqueue_dma source(%dma_start3A_257 : memref<1x64xf32, #tpu.memory_space<hbm>>) target(%dma_start3A_255 : memref<1x64xf32, #tpu.memory_space<vmem>>) target_semaphore(%arg10 : memref<!tpu.dma_semaphore, #tpu.memory_space<semaphore_mem>>)
      %slice3A_258 = vector.extract_strided_slice %get3A_26 {offsets = [13], sizes = [1], strides = [1]} : vector<16xi32> to vector<1xi32>
      %squeeze3A_259 = vector.extract %slice3A_258[0] : i32 from vector<1xi32>
      %dma_start3A_260 = arith.constant 0 : i32
      %dma_start3A_261 = arith.constant 0 : i32
      %dma_start3A_262 = tpu.memref_slice %arg9[%dma_start3A_260, %dma_start3A_261] : memref<32x64xf32, #tpu.memory_space<vmem>> -> memref<16x64xf32, #tpu.memory_space<vmem>>
      %dma_start3A_263 = arith.constant 13 : i32
      %dma_start3A_264 = arith.constant 0 : i32
      %dma_start3A_265 = tpu.memref_slice %dma_start3A_262[%dma_start3A_263, %dma_start3A_264] : memref<16x64xf32, #tpu.memory_space<vmem>> -> memref<1x64xf32, #tpu.memory_space<vmem>>
      %dma_start3A_266 = arith.constant 0 : i32
      %dma_start3A_267 = tpu.memref_slice %arg4[%squeeze3A_259, %dma_start3A_266] : memref<16384x64xf32, #tpu.memory_space<hbm>> -> memref<1x64xf32, #tpu.memory_space<hbm>>
      %dma_start3A_268 = arith.constant 0 : i32
      %dma_start3A_269 = arith.constant 0 : i32
      %dma_start3A_270 = tpu.memref_slice %arg9[%dma_start3A_268, %dma_start3A_269] : memref<32x64xf32, #tpu.memory_space<vmem>> -> memref<16x64xf32, #tpu.memory_space<vmem>>
      %dma_start3A_271 = arith.constant 13 : i32
      %dma_start3A_272 = arith.constant 0 : i32
      %dma_start3A_273 = tpu.memref_slice %dma_start3A_270[%dma_start3A_271, %dma_start3A_272] : memref<16x64xf32, #tpu.memory_space<vmem>> -> memref<1x64xf32, #tpu.memory_space<vmem>>
      %dma_start3A_274 = arith.constant 0 : i32
      %dma_start3A_275 = tpu.memref_slice %arg4[%squeeze3A_259, %dma_start3A_274] : memref<16384x64xf32, #tpu.memory_space<hbm>> -> memref<1x64xf32, #tpu.memory_space<hbm>>
      tpu.enqueue_dma source(%dma_start3A_275 : memref<1x64xf32, #tpu.memory_space<hbm>>) target(%dma_start3A_273 : memref<1x64xf32, #tpu.memory_space<vmem>>) target_semaphore(%arg10 : memref<!tpu.dma_semaphore, #tpu.memory_space<semaphore_mem>>)
      %slice3A_276 = vector.extract_strided_slice %get3A_26 {offsets = [14], sizes = [1], strides = [1]} : vector<16xi32> to vector<1xi32>
      %squeeze3A_277 = vector.extract %slice3A_276[0] : i32 from vector<1xi32>
      %dma_start3A_278 = arith.constant 0 : i32
      %dma_start3A_279 = arith.constant 0 : i32
      %dma_start3A_280 = tpu.memref_slice %arg9[%dma_start3A_278, %dma_start3A_279] : memref<32x64xf32, #tpu.memory_space<vmem>> -> memref<16x64xf32, #tpu.memory_space<vmem>>
      %dma_start3A_281 = arith.constant 14 : i32
      %dma_start3A_282 = arith.constant 0 : i32
      %dma_start3A_283 = tpu.memref_slice %dma_start3A_280[%dma_start3A_281, %dma_start3A_282] : memref<16x64xf32, #tpu.memory_space<vmem>> -> memref<1x64xf32, #tpu.memory_space<vmem>>
      %dma_start3A_284 = arith.constant 0 : i32
      %dma_start3A_285 = tpu.memref_slice %arg4[%squeeze3A_277, %dma_start3A_284] : memref<16384x64xf32, #tpu.memory_space<hbm>> -> memref<1x64xf32, #tpu.memory_space<hbm>>
      %dma_start3A_286 = arith.constant 0 : i32
      %dma_start3A_287 = arith.constant 0 : i32
      %dma_start3A_288 = tpu.memref_slice %arg9[%dma_start3A_286, %dma_start3A_287] : memref<32x64xf32, #tpu.memory_space<vmem>> -> memref<16x64xf32, #tpu.memory_space<vmem>>
      %dma_start3A_289 = arith.constant 14 : i32
      %dma_start3A_290 = arith.constant 0 : i32
      %dma_start3A_291 = tpu.memref_slice %dma_start3A_288[%dma_start3A_289, %dma_start3A_290] : memref<16x64xf32, #tpu.memory_space<vmem>> -> memref<1x64xf32, #tpu.memory_space<vmem>>
      %dma_start3A_292 = arith.constant 0 : i32
      %dma_start3A_293 = tpu.memref_slice %arg4[%squeeze3A_277, %dma_start3A_292] : memref<16384x64xf32, #tpu.memory_space<hbm>> -> memref<1x64xf32, #tpu.memory_space<hbm>>
      tpu.enqueue_dma source(%dma_start3A_293 : memref<1x64xf32, #tpu.memory_space<hbm>>) target(%dma_start3A_291 : memref<1x64xf32, #tpu.memory_space<vmem>>) target_semaphore(%arg10 : memref<!tpu.dma_semaphore, #tpu.memory_space<semaphore_mem>>)
      %slice3A_294 = vector.extract_strided_slice %get3A_26 {offsets = [15], sizes = [1], strides = [1]} : vector<16xi32> to vector<1xi32>
      %squeeze3A_295 = vector.extract %slice3A_294[0] : i32 from vector<1xi32>
      %dma_start3A_296 = arith.constant 0 : i32
      %dma_start3A_297 = arith.constant 0 : i32
      %dma_start3A_298 = tpu.memref_slice %arg9[%dma_start3A_296, %dma_start3A_297] : memref<32x64xf32, #tpu.memory_space<vmem>> -> memref<16x64xf32, #tpu.memory_space<vmem>>
      %dma_start3A_299 = arith.constant 15 : i32
      %dma_start3A_300 = arith.constant 0 : i32
      %dma_start3A_301 = tpu.memref_slice %dma_start3A_298[%dma_start3A_299, %dma_start3A_300] : memref<16x64xf32, #tpu.memory_space<vmem>> -> memref<1x64xf32, #tpu.memory_space<vmem>>
      %dma_start3A_302 = arith.constant 0 : i32
      %dma_start3A_303 = tpu.memref_slice %arg4[%squeeze3A_295, %dma_start3A_302] : memref<16384x64xf32, #tpu.memory_space<hbm>> -> memref<1x64xf32, #tpu.memory_space<hbm>>
      %dma_start3A_304 = arith.constant 0 : i32
      %dma_start3A_305 = arith.constant 0 : i32
      %dma_start3A_306 = tpu.memref_slice %arg9[%dma_start3A_304, %dma_start3A_305] : memref<32x64xf32, #tpu.memory_space<vmem>> -> memref<16x64xf32, #tpu.memory_space<vmem>>
      %dma_start3A_307 = arith.constant 15 : i32
      %dma_start3A_308 = arith.constant 0 : i32
      %dma_start3A_309 = tpu.memref_slice %dma_start3A_306[%dma_start3A_307, %dma_start3A_308] : memref<16x64xf32, #tpu.memory_space<vmem>> -> memref<1x64xf32, #tpu.memory_space<vmem>>
      %dma_start3A_310 = arith.constant 0 : i32
      %dma_start3A_311 = tpu.memref_slice %arg4[%squeeze3A_295, %dma_start3A_310] : memref<16384x64xf32, #tpu.memory_space<hbm>> -> memref<1x64xf32, #tpu.memory_space<hbm>>
      tpu.enqueue_dma source(%dma_start3A_311 : memref<1x64xf32, #tpu.memory_space<hbm>>) target(%dma_start3A_309 : memref<1x64xf32, #tpu.memory_space<vmem>>) target_semaphore(%arg10 : memref<!tpu.dma_semaphore, #tpu.memory_space<semaphore_mem>>)
      %dma_wait3A = arith.constant 0 : i32
      %dma_wait3A_312 = arith.constant 0 : i32
      %dma_wait3A_313 = tpu.memref_slice %arg9[%dma_wait3A, %dma_wait3A_312] : memref<32x64xf32, #tpu.memory_space<vmem>> -> memref<16x64xf32, #tpu.memory_space<vmem>>
      %dma_wait3A_314 = arith.constant 0 : i32
      %dma_wait3A_315 = arith.constant 0 : i32
      %dma_wait3A_316 = tpu.memref_slice %dma_wait3A_313[%dma_wait3A_314, %dma_wait3A_315] : memref<16x64xf32, #tpu.memory_space<vmem>> -> memref<1x64xf32, #tpu.memory_space<vmem>>
      %dma_wait3A_317 = arith.constant 0 : i32
      %dma_wait3A_318 = arith.constant 0 : i32
      %dma_wait3A_319 = tpu.memref_slice %arg4[%dma_wait3A_317, %dma_wait3A_318] : memref<16384x64xf32, #tpu.memory_space<hbm>> -> memref<1x64xf32, #tpu.memory_space<hbm>>
      %dma_wait3A_320 = arith.constant 0 : i32
      %dma_wait3A_321 = arith.constant 0 : i32
      %dma_wait3A_322 = tpu.memref_slice %arg9[%dma_wait3A_320, %dma_wait3A_321] : memref<32x64xf32, #tpu.memory_space<vmem>> -> memref<16x64xf32, #tpu.memory_space<vmem>>
      %dma_wait3A_323 = arith.constant 0 : i32
      %dma_wait3A_324 = arith.constant 0 : i32
      %dma_wait3A_325 = tpu.memref_slice %dma_wait3A_322[%dma_wait3A_323, %dma_wait3A_324] : memref<16x64xf32, #tpu.memory_space<vmem>> -> memref<1x64xf32, #tpu.memory_space<vmem>>
      %dma_wait3A_326 = arith.constant 0 : i32
      %dma_wait3A_327 = arith.constant 0 : i32
      %dma_wait3A_328 = tpu.memref_slice %arg4[%dma_wait3A_326, %dma_wait3A_327] : memref<16384x64xf32, #tpu.memory_space<hbm>> -> memref<1x64xf32, #tpu.memory_space<hbm>>
      tpu.wait_dma2 semaphore(%arg10 : memref<!tpu.dma_semaphore, #tpu.memory_space<semaphore_mem>>) src(%dma_wait3A_328 : memref<1x64xf32, #tpu.memory_space<hbm>>) dst(%dma_wait3A_325 : memref<1x64xf32, #tpu.memory_space<vmem>>)
      %dma_wait3A_329 = arith.constant 0 : i32
      %dma_wait3A_330 = arith.constant 0 : i32
      %dma_wait3A_331 = tpu.memref_slice %arg9[%dma_wait3A_329, %dma_wait3A_330] : memref<32x64xf32, #tpu.memory_space<vmem>> -> memref<16x64xf32, #tpu.memory_space<vmem>>
      %dma_wait3A_332 = arith.constant 1 : i32
      %dma_wait3A_333 = arith.constant 0 : i32
      %dma_wait3A_334 = tpu.memref_slice %dma_wait3A_331[%dma_wait3A_332, %dma_wait3A_333] : memref<16x64xf32, #tpu.memory_space<vmem>> -> memref<1x64xf32, #tpu.memory_space<vmem>>
      %dma_wait3A_335 = arith.constant 0 : i32
      %dma_wait3A_336 = arith.constant 0 : i32
      %dma_wait3A_337 = tpu.memref_slice %arg4[%dma_wait3A_335, %dma_wait3A_336] : memref<16384x64xf32, #tpu.memory_space<hbm>> -> memref<1x64xf32, #tpu.memory_space<hbm>>
      %dma_wait3A_338 = arith.constant 0 : i32
      %dma_wait3A_339 = arith.constant 0 : i32
      %dma_wait3A_340 = tpu.memref_slice %arg9[%dma_wait3A_338, %dma_wait3A_339] : memref<32x64xf32, #tpu.memory_space<vmem>> -> memref<16x64xf32, #tpu.memory_space<vmem>>
      %dma_wait3A_341 = arith.constant 1 : i32
      %dma_wait3A_342 = arith.constant 0 : i32
      %dma_wait3A_343 = tpu.memref_slice %dma_wait3A_340[%dma_wait3A_341, %dma_wait3A_342] : memref<16x64xf32, #tpu.memory_space<vmem>> -> memref<1x64xf32, #tpu.memory_space<vmem>>
      %dma_wait3A_344 = arith.constant 0 : i32
      %dma_wait3A_345 = arith.constant 0 : i32
      %dma_wait3A_346 = tpu.memref_slice %arg4[%dma_wait3A_344, %dma_wait3A_345] : memref<16384x64xf32, #tpu.memory_space<hbm>> -> memref<1x64xf32, #tpu.memory_space<hbm>>
      tpu.wait_dma2 semaphore(%arg10 : memref<!tpu.dma_semaphore, #tpu.memory_space<semaphore_mem>>) src(%dma_wait3A_346 : memref<1x64xf32, #tpu.memory_space<hbm>>) dst(%dma_wait3A_343 : memref<1x64xf32, #tpu.memory_space<vmem>>)
      %dma_wait3A_347 = arith.constant 0 : i32
      %dma_wait3A_348 = arith.constant 0 : i32
      %dma_wait3A_349 = tpu.memref_slice %arg9[%dma_wait3A_347, %dma_wait3A_348] : memref<32x64xf32, #tpu.memory_space<vmem>> -> memref<16x64xf32, #tpu.memory_space<vmem>>
      %dma_wait3A_350 = arith.constant 2 : i32
      %dma_wait3A_351 = arith.constant 0 : i32
      %dma_wait3A_352 = tpu.memref_slice %dma_wait3A_349[%dma_wait3A_350, %dma_wait3A_351] : memref<16x64xf32, #tpu.memory_space<vmem>> -> memref<1x64xf32, #tpu.memory_space<vmem>>
      %dma_wait3A_353 = arith.constant 0 : i32
      %dma_wait3A_354 = arith.constant 0 : i32
      %dma_wait3A_355 = tpu.memref_slice %arg4[%dma_wait3A_353, %dma_wait3A_354] : memref<16384x64xf32, #tpu.memory_space<hbm>> -> memref<1x64xf32, #tpu.memory_space<hbm>>
      %dma_wait3A_356 = arith.constant 0 : i32
      %dma_wait3A_357 = arith.constant 0 : i32
      %dma_wait3A_358 = tpu.memref_slice %arg9[%dma_wait3A_356, %dma_wait3A_357] : memref<32x64xf32, #tpu.memory_space<vmem>> -> memref<16x64xf32, #tpu.memory_space<vmem>>
      %dma_wait3A_359 = arith.constant 2 : i32
      %dma_wait3A_360 = arith.constant 0 : i32
      %dma_wait3A_361 = tpu.memref_slice %dma_wait3A_358[%dma_wait3A_359, %dma_wait3A_360] : memref<16x64xf32, #tpu.memory_space<vmem>> -> memref<1x64xf32, #tpu.memory_space<vmem>>
      %dma_wait3A_362 = arith.constant 0 : i32
      %dma_wait3A_363 = arith.constant 0 : i32
      %dma_wait3A_364 = tpu.memref_slice %arg4[%dma_wait3A_362, %dma_wait3A_363] : memref<16384x64xf32, #tpu.memory_space<hbm>> -> memref<1x64xf32, #tpu.memory_space<hbm>>
      tpu.wait_dma2 semaphore(%arg10 : memref<!tpu.dma_semaphore, #tpu.memory_space<semaphore_mem>>) src(%dma_wait3A_364 : memref<1x64xf32, #tpu.memory_space<hbm>>) dst(%dma_wait3A_361 : memref<1x64xf32, #tpu.memory_space<vmem>>)
      %dma_wait3A_365 = arith.constant 0 : i32
      %dma_wait3A_366 = arith.constant 0 : i32
      %dma_wait3A_367 = tpu.memref_slice %arg9[%dma_wait3A_365, %dma_wait3A_366] : memref<32x64xf32, #tpu.memory_space<vmem>> -> memref<16x64xf32, #tpu.memory_space<vmem>>
      %dma_wait3A_368 = arith.constant 3 : i32
      %dma_wait3A_369 = arith.constant 0 : i32
      %dma_wait3A_370 = tpu.memref_slice %dma_wait3A_367[%dma_wait3A_368, %dma_wait3A_369] : memref<16x64xf32, #tpu.memory_space<vmem>> -> memref<1x64xf32, #tpu.memory_space<vmem>>
      %dma_wait3A_371 = arith.constant 0 : i32
      %dma_wait3A_372 = arith.constant 0 : i32
      %dma_wait3A_373 = tpu.memref_slice %arg4[%dma_wait3A_371, %dma_wait3A_372] : memref<16384x64xf32, #tpu.memory_space<hbm>> -> memref<1x64xf32, #tpu.memory_space<hbm>>
      %dma_wait3A_374 = arith.constant 0 : i32
      %dma_wait3A_375 = arith.constant 0 : i32
      %dma_wait3A_376 = tpu.memref_slice %arg9[%dma_wait3A_374, %dma_wait3A_375] : memref<32x64xf32, #tpu.memory_space<vmem>> -> memref<16x64xf32, #tpu.memory_space<vmem>>
      %dma_wait3A_377 = arith.constant 3 : i32
      %dma_wait3A_378 = arith.constant 0 : i32
      %dma_wait3A_379 = tpu.memref_slice %dma_wait3A_376[%dma_wait3A_377, %dma_wait3A_378] : memref<16x64xf32, #tpu.memory_space<vmem>> -> memref<1x64xf32, #tpu.memory_space<vmem>>
      %dma_wait3A_380 = arith.constant 0 : i32
      %dma_wait3A_381 = arith.constant 0 : i32
      %dma_wait3A_382 = tpu.memref_slice %arg4[%dma_wait3A_380, %dma_wait3A_381] : memref<16384x64xf32, #tpu.memory_space<hbm>> -> memref<1x64xf32, #tpu.memory_space<hbm>>
      tpu.wait_dma2 semaphore(%arg10 : memref<!tpu.dma_semaphore, #tpu.memory_space<semaphore_mem>>) src(%dma_wait3A_382 : memref<1x64xf32, #tpu.memory_space<hbm>>) dst(%dma_wait3A_379 : memref<1x64xf32, #tpu.memory_space<vmem>>)
      %dma_wait3A_383 = arith.constant 0 : i32
      %dma_wait3A_384 = arith.constant 0 : i32
      %dma_wait3A_385 = tpu.memref_slice %arg9[%dma_wait3A_383, %dma_wait3A_384] : memref<32x64xf32, #tpu.memory_space<vmem>> -> memref<16x64xf32, #tpu.memory_space<vmem>>
      %dma_wait3A_386 = arith.constant 4 : i32
      %dma_wait3A_387 = arith.constant 0 : i32
      %dma_wait3A_388 = tpu.memref_slice %dma_wait3A_385[%dma_wait3A_386, %dma_wait3A_387] : memref<16x64xf32, #tpu.memory_space<vmem>> -> memref<1x64xf32, #tpu.memory_space<vmem>>
      %dma_wait3A_389 = arith.constant 0 : i32
      %dma_wait3A_390 = arith.constant 0 : i32
      %dma_wait3A_391 = tpu.memref_slice %arg4[%dma_wait3A_389, %dma_wait3A_390] : memref<16384x64xf32, #tpu.memory_space<hbm>> -> memref<1x64xf32, #tpu.memory_space<hbm>>
      %dma_wait3A_392 = arith.constant 0 : i32
      %dma_wait3A_393 = arith.constant 0 : i32
      %dma_wait3A_394 = tpu.memref_slice %arg9[%dma_wait3A_392, %dma_wait3A_393] : memref<32x64xf32, #tpu.memory_space<vmem>> -> memref<16x64xf32, #tpu.memory_space<vmem>>
      %dma_wait3A_395 = arith.constant 4 : i32
      %dma_wait3A_396 = arith.constant 0 : i32
      %dma_wait3A_397 = tpu.memref_slice %dma_wait3A_394[%dma_wait3A_395, %dma_wait3A_396] : memref<16x64xf32, #tpu.memory_space<vmem>> -> memref<1x64xf32, #tpu.memory_space<vmem>>
      %dma_wait3A_398 = arith.constant 0 : i32
      %dma_wait3A_399 = arith.constant 0 : i32
      %dma_wait3A_400 = tpu.memref_slice %arg4[%dma_wait3A_398, %dma_wait3A_399] : memref<16384x64xf32, #tpu.memory_space<hbm>> -> memref<1x64xf32, #tpu.memory_space<hbm>>
      tpu.wait_dma2 semaphore(%arg10 : memref<!tpu.dma_semaphore, #tpu.memory_space<semaphore_mem>>) src(%dma_wait3A_400 : memref<1x64xf32, #tpu.memory_space<hbm>>) dst(%dma_wait3A_397 : memref<1x64xf32, #tpu.memory_space<vmem>>)
      %dma_wait3A_401 = arith.constant 0 : i32
      %dma_wait3A_402 = arith.constant 0 : i32
      %dma_wait3A_403 = tpu.memref_slice %arg9[%dma_wait3A_401, %dma_wait3A_402] : memref<32x64xf32, #tpu.memory_space<vmem>> -> memref<16x64xf32, #tpu.memory_space<vmem>>
      %dma_wait3A_404 = arith.constant 5 : i32
      %dma_wait3A_405 = arith.constant 0 : i32
      %dma_wait3A_406 = tpu.memref_slice %dma_wait3A_403[%dma_wait3A_404, %dma_wait3A_405] : memref<16x64xf32, #tpu.memory_space<vmem>> -> memref<1x64xf32, #tpu.memory_space<vmem>>
      %dma_wait3A_407 = arith.constant 0 : i32
      %dma_wait3A_408 = arith.constant 0 : i32
      %dma_wait3A_409 = tpu.memref_slice %arg4[%dma_wait3A_407, %dma_wait3A_408] : memref<16384x64xf32, #tpu.memory_space<hbm>> -> memref<1x64xf32, #tpu.memory_space<hbm>>
      %dma_wait3A_410 = arith.constant 0 : i32
      %dma_wait3A_411 = arith.constant 0 : i32
      %dma_wait3A_412 = tpu.memref_slice %arg9[%dma_wait3A_410, %dma_wait3A_411] : memref<32x64xf32, #tpu.memory_space<vmem>> -> memref<16x64xf32, #tpu.memory_space<vmem>>
      %dma_wait3A_413 = arith.constant 5 : i32
      %dma_wait3A_414 = arith.constant 0 : i32
      %dma_wait3A_415 = tpu.memref_slice %dma_wait3A_412[%dma_wait3A_413, %dma_wait3A_414] : memref<16x64xf32, #tpu.memory_space<vmem>> -> memref<1x64xf32, #tpu.memory_space<vmem>>
      %dma_wait3A_416 = arith.constant 0 : i32
      %dma_wait3A_417 = arith.constant 0 : i32
      %dma_wait3A_418 = tpu.memref_slice %arg4[%dma_wait3A_416, %dma_wait3A_417] : memref<16384x64xf32, #tpu.memory_space<hbm>> -> memref<1x64xf32, #tpu.memory_space<hbm>>
      tpu.wait_dma2 semaphore(%arg10 : memref<!tpu.dma_semaphore, #tpu.memory_space<semaphore_mem>>) src(%dma_wait3A_418 : memref<1x64xf32, #tpu.memory_space<hbm>>) dst(%dma_wait3A_415 : memref<1x64xf32, #tpu.memory_space<vmem>>)
      %dma_wait3A_419 = arith.constant 0 : i32
      %dma_wait3A_420 = arith.constant 0 : i32
      %dma_wait3A_421 = tpu.memref_slice %arg9[%dma_wait3A_419, %dma_wait3A_420] : memref<32x64xf32, #tpu.memory_space<vmem>> -> memref<16x64xf32, #tpu.memory_space<vmem>>
      %dma_wait3A_422 = arith.constant 6 : i32
      %dma_wait3A_423 = arith.constant 0 : i32
      %dma_wait3A_424 = tpu.memref_slice %dma_wait3A_421[%dma_wait3A_422, %dma_wait3A_423] : memref<16x64xf32, #tpu.memory_space<vmem>> -> memref<1x64xf32, #tpu.memory_space<vmem>>
      %dma_wait3A_425 = arith.constant 0 : i32
      %dma_wait3A_426 = arith.constant 0 : i32
      %dma_wait3A_427 = tpu.memref_slice %arg4[%dma_wait3A_425, %dma_wait3A_426] : memref<16384x64xf32, #tpu.memory_space<hbm>> -> memref<1x64xf32, #tpu.memory_space<hbm>>
      %dma_wait3A_428 = arith.constant 0 : i32
      %dma_wait3A_429 = arith.constant 0 : i32
      %dma_wait3A_430 = tpu.memref_slice %arg9[%dma_wait3A_428, %dma_wait3A_429] : memref<32x64xf32, #tpu.memory_space<vmem>> -> memref<16x64xf32, #tpu.memory_space<vmem>>
      %dma_wait3A_431 = arith.constant 6 : i32
      %dma_wait3A_432 = arith.constant 0 : i32
      %dma_wait3A_433 = tpu.memref_slice %dma_wait3A_430[%dma_wait3A_431, %dma_wait3A_432] : memref<16x64xf32, #tpu.memory_space<vmem>> -> memref<1x64xf32, #tpu.memory_space<vmem>>
      %dma_wait3A_434 = arith.constant 0 : i32
      %dma_wait3A_435 = arith.constant 0 : i32
      %dma_wait3A_436 = tpu.memref_slice %arg4[%dma_wait3A_434, %dma_wait3A_435] : memref<16384x64xf32, #tpu.memory_space<hbm>> -> memref<1x64xf32, #tpu.memory_space<hbm>>
      tpu.wait_dma2 semaphore(%arg10 : memref<!tpu.dma_semaphore, #tpu.memory_space<semaphore_mem>>) src(%dma_wait3A_436 : memref<1x64xf32, #tpu.memory_space<hbm>>) dst(%dma_wait3A_433 : memref<1x64xf32, #tpu.memory_space<vmem>>)
      %dma_wait3A_437 = arith.constant 0 : i32
      %dma_wait3A_438 = arith.constant 0 : i32
      %dma_wait3A_439 = tpu.memref_slice %arg9[%dma_wait3A_437, %dma_wait3A_438] : memref<32x64xf32, #tpu.memory_space<vmem>> -> memref<16x64xf32, #tpu.memory_space<vmem>>
      %dma_wait3A_440 = arith.constant 7 : i32
      %dma_wait3A_441 = arith.constant 0 : i32
      %dma_wait3A_442 = tpu.memref_slice %dma_wait3A_439[%dma_wait3A_440, %dma_wait3A_441] : memref<16x64xf32, #tpu.memory_space<vmem>> -> memref<1x64xf32, #tpu.memory_space<vmem>>
      %dma_wait3A_443 = arith.constant 0 : i32
      %dma_wait3A_444 = arith.constant 0 : i32
      %dma_wait3A_445 = tpu.memref_slice %arg4[%dma_wait3A_443, %dma_wait3A_444] : memref<16384x64xf32, #tpu.memory_space<hbm>> -> memref<1x64xf32, #tpu.memory_space<hbm>>
      %dma_wait3A_446 = arith.constant 0 : i32
      %dma_wait3A_447 = arith.constant 0 : i32
      %dma_wait3A_448 = tpu.memref_slice %arg9[%dma_wait3A_446, %dma_wait3A_447] : memref<32x64xf32, #tpu.memory_space<vmem>> -> memref<16x64xf32, #tpu.memory_space<vmem>>
      %dma_wait3A_449 = arith.constant 7 : i32
      %dma_wait3A_450 = arith.constant 0 : i32
      %dma_wait3A_451 = tpu.memref_slice %dma_wait3A_448[%dma_wait3A_449, %dma_wait3A_450] : memref<16x64xf32, #tpu.memory_space<vmem>> -> memref<1x64xf32, #tpu.memory_space<vmem>>
      %dma_wait3A_452 = arith.constant 0 : i32
      %dma_wait3A_453 = arith.constant 0 : i32
      %dma_wait3A_454 = tpu.memref_slice %arg4[%dma_wait3A_452, %dma_wait3A_453] : memref<16384x64xf32, #tpu.memory_space<hbm>> -> memref<1x64xf32, #tpu.memory_space<hbm>>
      tpu.wait_dma2 semaphore(%arg10 : memref<!tpu.dma_semaphore, #tpu.memory_space<semaphore_mem>>) src(%dma_wait3A_454 : memref<1x64xf32, #tpu.memory_space<hbm>>) dst(%dma_wait3A_451 : memref<1x64xf32, #tpu.memory_space<vmem>>)
      %dma_wait3A_455 = arith.constant 0 : i32
      %dma_wait3A_456 = arith.constant 0 : i32
      %dma_wait3A_457 = tpu.memref_slice %arg9[%dma_wait3A_455, %dma_wait3A_456] : memref<32x64xf32, #tpu.memory_space<vmem>> -> memref<16x64xf32, #tpu.memory_space<vmem>>
      %dma_wait3A_458 = arith.constant 8 : i32
      %dma_wait3A_459 = arith.constant 0 : i32
      %dma_wait3A_460 = tpu.memref_slice %dma_wait3A_457[%dma_wait3A_458, %dma_wait3A_459] : memref<16x64xf32, #tpu.memory_space<vmem>> -> memref<1x64xf32, #tpu.memory_space<vmem>>
      %dma_wait3A_461 = arith.constant 0 : i32
      %dma_wait3A_462 = arith.constant 0 : i32
      %dma_wait3A_463 = tpu.memref_slice %arg4[%dma_wait3A_461, %dma_wait3A_462] : memref<16384x64xf32, #tpu.memory_space<hbm>> -> memref<1x64xf32, #tpu.memory_space<hbm>>
      %dma_wait3A_464 = arith.constant 0 : i32
      %dma_wait3A_465 = arith.constant 0 : i32
      %dma_wait3A_466 = tpu.memref_slice %arg9[%dma_wait3A_464, %dma_wait3A_465] : memref<32x64xf32, #tpu.memory_space<vmem>> -> memref<16x64xf32, #tpu.memory_space<vmem>>
      %dma_wait3A_467 = arith.constant 8 : i32
      %dma_wait3A_468 = arith.constant 0 : i32
      %dma_wait3A_469 = tpu.memref_slice %dma_wait3A_466[%dma_wait3A_467, %dma_wait3A_468] : memref<16x64xf32, #tpu.memory_space<vmem>> -> memref<1x64xf32, #tpu.memory_space<vmem>>
      %dma_wait3A_470 = arith.constant 0 : i32
      %dma_wait3A_471 = arith.constant 0 : i32
      %dma_wait3A_472 = tpu.memref_slice %arg4[%dma_wait3A_470, %dma_wait3A_471] : memref<16384x64xf32, #tpu.memory_space<hbm>> -> memref<1x64xf32, #tpu.memory_space<hbm>>
      tpu.wait_dma2 semaphore(%arg10 : memref<!tpu.dma_semaphore, #tpu.memory_space<semaphore_mem>>) src(%dma_wait3A_472 : memref<1x64xf32, #tpu.memory_space<hbm>>) dst(%dma_wait3A_469 : memref<1x64xf32, #tpu.memory_space<vmem>>)
      %dma_wait3A_473 = arith.constant 0 : i32
      %dma_wait3A_474 = arith.constant 0 : i32
      %dma_wait3A_475 = tpu.memref_slice %arg9[%dma_wait3A_473, %dma_wait3A_474] : memref<32x64xf32, #tpu.memory_space<vmem>> -> memref<16x64xf32, #tpu.memory_space<vmem>>
      %dma_wait3A_476 = arith.constant 9 : i32
      %dma_wait3A_477 = arith.constant 0 : i32
      %dma_wait3A_478 = tpu.memref_slice %dma_wait3A_475[%dma_wait3A_476, %dma_wait3A_477] : memref<16x64xf32, #tpu.memory_space<vmem>> -> memref<1x64xf32, #tpu.memory_space<vmem>>
      %dma_wait3A_479 = arith.constant 0 : i32
      %dma_wait3A_480 = arith.constant 0 : i32
      %dma_wait3A_481 = tpu.memref_slice %arg4[%dma_wait3A_479, %dma_wait3A_480] : memref<16384x64xf32, #tpu.memory_space<hbm>> -> memref<1x64xf32, #tpu.memory_space<hbm>>
      %dma_wait3A_482 = arith.constant 0 : i32
      %dma_wait3A_483 = arith.constant 0 : i32
      %dma_wait3A_484 = tpu.memref_slice %arg9[%dma_wait3A_482, %dma_wait3A_483] : memref<32x64xf32, #tpu.memory_space<vmem>> -> memref<16x64xf32, #tpu.memory_space<vmem>>
      %dma_wait3A_485 = arith.constant 9 : i32
      %dma_wait3A_486 = arith.constant 0 : i32
      %dma_wait3A_487 = tpu.memref_slice %dma_wait3A_484[%dma_wait3A_485, %dma_wait3A_486] : memref<16x64xf32, #tpu.memory_space<vmem>> -> memref<1x64xf32, #tpu.memory_space<vmem>>
      %dma_wait3A_488 = arith.constant 0 : i32
      %dma_wait3A_489 = arith.constant 0 : i32
      %dma_wait3A_490 = tpu.memref_slice %arg4[%dma_wait3A_488, %dma_wait3A_489] : memref<16384x64xf32, #tpu.memory_space<hbm>> -> memref<1x64xf32, #tpu.memory_space<hbm>>
      tpu.wait_dma2 semaphore(%arg10 : memref<!tpu.dma_semaphore, #tpu.memory_space<semaphore_mem>>) src(%dma_wait3A_490 : memref<1x64xf32, #tpu.memory_space<hbm>>) dst(%dma_wait3A_487 : memref<1x64xf32, #tpu.memory_space<vmem>>)
      %dma_wait3A_491 = arith.constant 0 : i32
      %dma_wait3A_492 = arith.constant 0 : i32
      %dma_wait3A_493 = tpu.memref_slice %arg9[%dma_wait3A_491, %dma_wait3A_492] : memref<32x64xf32, #tpu.memory_space<vmem>> -> memref<16x64xf32, #tpu.memory_space<vmem>>
      %dma_wait3A_494 = arith.constant 10 : i32
      %dma_wait3A_495 = arith.constant 0 : i32
      %dma_wait3A_496 = tpu.memref_slice %dma_wait3A_493[%dma_wait3A_494, %dma_wait3A_495] : memref<16x64xf32, #tpu.memory_space<vmem>> -> memref<1x64xf32, #tpu.memory_space<vmem>>
      %dma_wait3A_497 = arith.constant 0 : i32
      %dma_wait3A_498 = arith.constant 0 : i32
      %dma_wait3A_499 = tpu.memref_slice %arg4[%dma_wait3A_497, %dma_wait3A_498] : memref<16384x64xf32, #tpu.memory_space<hbm>> -> memref<1x64xf32, #tpu.memory_space<hbm>>
      %dma_wait3A_500 = arith.constant 0 : i32
      %dma_wait3A_501 = arith.constant 0 : i32
      %dma_wait3A_502 = tpu.memref_slice %arg9[%dma_wait3A_500, %dma_wait3A_501] : memref<32x64xf32, #tpu.memory_space<vmem>> -> memref<16x64xf32, #tpu.memory_space<vmem>>
      %dma_wait3A_503 = arith.constant 10 : i32
      %dma_wait3A_504 = arith.constant 0 : i32
      %dma_wait3A_505 = tpu.memref_slice %dma_wait3A_502[%dma_wait3A_503, %dma_wait3A_504] : memref<16x64xf32, #tpu.memory_space<vmem>> -> memref<1x64xf32, #tpu.memory_space<vmem>>
      %dma_wait3A_506 = arith.constant 0 : i32
      %dma_wait3A_507 = arith.constant 0 : i32
      %dma_wait3A_508 = tpu.memref_slice %arg4[%dma_wait3A_506, %dma_wait3A_507] : memref<16384x64xf32, #tpu.memory_space<hbm>> -> memref<1x64xf32, #tpu.memory_space<hbm>>
      tpu.wait_dma2 semaphore(%arg10 : memref<!tpu.dma_semaphore, #tpu.memory_space<semaphore_mem>>) src(%dma_wait3A_508 : memref<1x64xf32, #tpu.memory_space<hbm>>) dst(%dma_wait3A_505 : memref<1x64xf32, #tpu.memory_space<vmem>>)
      %dma_wait3A_509 = arith.constant 0 : i32
      %dma_wait3A_510 = arith.constant 0 : i32
      %dma_wait3A_511 = tpu.memref_slice %arg9[%dma_wait3A_509, %dma_wait3A_510] : memref<32x64xf32, #tpu.memory_space<vmem>> -> memref<16x64xf32, #tpu.memory_space<vmem>>
      %dma_wait3A_512 = arith.constant 11 : i32
      %dma_wait3A_513 = arith.constant 0 : i32
      %dma_wait3A_514 = tpu.memref_slice %dma_wait3A_511[%dma_wait3A_512, %dma_wait3A_513] : memref<16x64xf32, #tpu.memory_space<vmem>> -> memref<1x64xf32, #tpu.memory_space<vmem>>
      %dma_wait3A_515 = arith.constant 0 : i32
      %dma_wait3A_516 = arith.constant 0 : i32
      %dma_wait3A_517 = tpu.memref_slice %arg4[%dma_wait3A_515, %dma_wait3A_516] : memref<16384x64xf32, #tpu.memory_space<hbm>> -> memref<1x64xf32, #tpu.memory_space<hbm>>
      %dma_wait3A_518 = arith.constant 0 : i32
      %dma_wait3A_519 = arith.constant 0 : i32
      %dma_wait3A_520 = tpu.memref_slice %arg9[%dma_wait3A_518, %dma_wait3A_519] : memref<32x64xf32, #tpu.memory_space<vmem>> -> memref<16x64xf32, #tpu.memory_space<vmem>>
      %dma_wait3A_521 = arith.constant 11 : i32
      %dma_wait3A_522 = arith.constant 0 : i32
      %dma_wait3A_523 = tpu.memref_slice %dma_wait3A_520[%dma_wait3A_521, %dma_wait3A_522] : memref<16x64xf32, #tpu.memory_space<vmem>> -> memref<1x64xf32, #tpu.memory_space<vmem>>
      %dma_wait3A_524 = arith.constant 0 : i32
      %dma_wait3A_525 = arith.constant 0 : i32
      %dma_wait3A_526 = tpu.memref_slice %arg4[%dma_wait3A_524, %dma_wait3A_525] : memref<16384x64xf32, #tpu.memory_space<hbm>> -> memref<1x64xf32, #tpu.memory_space<hbm>>
      tpu.wait_dma2 semaphore(%arg10 : memref<!tpu.dma_semaphore, #tpu.memory_space<semaphore_mem>>) src(%dma_wait3A_526 : memref<1x64xf32, #tpu.memory_space<hbm>>) dst(%dma_wait3A_523 : memref<1x64xf32, #tpu.memory_space<vmem>>)
      %dma_wait3A_527 = arith.constant 0 : i32
      %dma_wait3A_528 = arith.constant 0 : i32
      %dma_wait3A_529 = tpu.memref_slice %arg9[%dma_wait3A_527, %dma_wait3A_528] : memref<32x64xf32, #tpu.memory_space<vmem>> -> memref<16x64xf32, #tpu.memory_space<vmem>>
      %dma_wait3A_530 = arith.constant 12 : i32
      %dma_wait3A_531 = arith.constant 0 : i32
      %dma_wait3A_532 = tpu.memref_slice %dma_wait3A_529[%dma_wait3A_530, %dma_wait3A_531] : memref<16x64xf32, #tpu.memory_space<vmem>> -> memref<1x64xf32, #tpu.memory_space<vmem>>
      %dma_wait3A_533 = arith.constant 0 : i32
      %dma_wait3A_534 = arith.constant 0 : i32
      %dma_wait3A_535 = tpu.memref_slice %arg4[%dma_wait3A_533, %dma_wait3A_534] : memref<16384x64xf32, #tpu.memory_space<hbm>> -> memref<1x64xf32, #tpu.memory_space<hbm>>
      %dma_wait3A_536 = arith.constant 0 : i32
      %dma_wait3A_537 = arith.constant 0 : i32
      %dma_wait3A_538 = tpu.memref_slice %arg9[%dma_wait3A_536, %dma_wait3A_537] : memref<32x64xf32, #tpu.memory_space<vmem>> -> memref<16x64xf32, #tpu.memory_space<vmem>>
      %dma_wait3A_539 = arith.constant 12 : i32
      %dma_wait3A_540 = arith.constant 0 : i32
      %dma_wait3A_541 = tpu.memref_slice %dma_wait3A_538[%dma_wait3A_539, %dma_wait3A_540] : memref<16x64xf32, #tpu.memory_space<vmem>> -> memref<1x64xf32, #tpu.memory_space<vmem>>
      %dma_wait3A_542 = arith.constant 0 : i32
      %dma_wait3A_543 = arith.constant 0 : i32
      %dma_wait3A_544 = tpu.memref_slice %arg4[%dma_wait3A_542, %dma_wait3A_543] : memref<16384x64xf32, #tpu.memory_space<hbm>> -> memref<1x64xf32, #tpu.memory_space<hbm>>
      tpu.wait_dma2 semaphore(%arg10 : memref<!tpu.dma_semaphore, #tpu.memory_space<semaphore_mem>>) src(%dma_wait3A_544 : memref<1x64xf32, #tpu.memory_space<hbm>>) dst(%dma_wait3A_541 : memref<1x64xf32, #tpu.memory_space<vmem>>)
      %dma_wait3A_545 = arith.constant 0 : i32
      %dma_wait3A_546 = arith.constant 0 : i32
      %dma_wait3A_547 = tpu.memref_slice %arg9[%dma_wait3A_545, %dma_wait3A_546] : memref<32x64xf32, #tpu.memory_space<vmem>> -> memref<16x64xf32, #tpu.memory_space<vmem>>
      %dma_wait3A_548 = arith.constant 13 : i32
      %dma_wait3A_549 = arith.constant 0 : i32
      %dma_wait3A_550 = tpu.memref_slice %dma_wait3A_547[%dma_wait3A_548, %dma_wait3A_549] : memref<16x64xf32, #tpu.memory_space<vmem>> -> memref<1x64xf32, #tpu.memory_space<vmem>>
      %dma_wait3A_551 = arith.constant 0 : i32
      %dma_wait3A_552 = arith.constant 0 : i32
      %dma_wait3A_553 = tpu.memref_slice %arg4[%dma_wait3A_551, %dma_wait3A_552] : memref<16384x64xf32, #tpu.memory_space<hbm>> -> memref<1x64xf32, #tpu.memory_space<hbm>>
      %dma_wait3A_554 = arith.constant 0 : i32
      %dma_wait3A_555 = arith.constant 0 : i32
      %dma_wait3A_556 = tpu.memref_slice %arg9[%dma_wait3A_554, %dma_wait3A_555] : memref<32x64xf32, #tpu.memory_space<vmem>> -> memref<16x64xf32, #tpu.memory_space<vmem>>
      %dma_wait3A_557 = arith.constant 13 : i32
      %dma_wait3A_558 = arith.constant 0 : i32
      %dma_wait3A_559 = tpu.memref_slice %dma_wait3A_556[%dma_wait3A_557, %dma_wait3A_558] : memref<16x64xf32, #tpu.memory_space<vmem>> -> memref<1x64xf32, #tpu.memory_space<vmem>>
      %dma_wait3A_560 = arith.constant 0 : i32
      %dma_wait3A_561 = arith.constant 0 : i32
      %dma_wait3A_562 = tpu.memref_slice %arg4[%dma_wait3A_560, %dma_wait3A_561] : memref<16384x64xf32, #tpu.memory_space<hbm>> -> memref<1x64xf32, #tpu.memory_space<hbm>>
      tpu.wait_dma2 semaphore(%arg10 : memref<!tpu.dma_semaphore, #tpu.memory_space<semaphore_mem>>) src(%dma_wait3A_562 : memref<1x64xf32, #tpu.memory_space<hbm>>) dst(%dma_wait3A_559 : memref<1x64xf32, #tpu.memory_space<vmem>>)
      %dma_wait3A_563 = arith.constant 0 : i32
      %dma_wait3A_564 = arith.constant 0 : i32
      %dma_wait3A_565 = tpu.memref_slice %arg9[%dma_wait3A_563, %dma_wait3A_564] : memref<32x64xf32, #tpu.memory_space<vmem>> -> memref<16x64xf32, #tpu.memory_space<vmem>>
      %dma_wait3A_566 = arith.constant 14 : i32
      %dma_wait3A_567 = arith.constant 0 : i32
      %dma_wait3A_568 = tpu.memref_slice %dma_wait3A_565[%dma_wait3A_566, %dma_wait3A_567] : memref<16x64xf32, #tpu.memory_space<vmem>> -> memref<1x64xf32, #tpu.memory_space<vmem>>
      %dma_wait3A_569 = arith.constant 0 : i32
      %dma_wait3A_570 = arith.constant 0 : i32
      %dma_wait3A_571 = tpu.memref_slice %arg4[%dma_wait3A_569, %dma_wait3A_570] : memref<16384x64xf32, #tpu.memory_space<hbm>> -> memref<1x64xf32, #tpu.memory_space<hbm>>
      %dma_wait3A_572 = arith.constant 0 : i32
      %dma_wait3A_573 = arith.constant 0 : i32
      %dma_wait3A_574 = tpu.memref_slice %arg9[%dma_wait3A_572, %dma_wait3A_573] : memref<32x64xf32, #tpu.memory_space<vmem>> -> memref<16x64xf32, #tpu.memory_space<vmem>>
      %dma_wait3A_575 = arith.constant 14 : i32
      %dma_wait3A_576 = arith.constant 0 : i32
      %dma_wait3A_577 = tpu.memref_slice %dma_wait3A_574[%dma_wait3A_575, %dma_wait3A_576] : memref<16x64xf32, #tpu.memory_space<vmem>> -> memref<1x64xf32, #tpu.memory_space<vmem>>
      %dma_wait3A_578 = arith.constant 0 : i32
      %dma_wait3A_579 = arith.constant 0 : i32
      %dma_wait3A_580 = tpu.memref_slice %arg4[%dma_wait3A_578, %dma_wait3A_579] : memref<16384x64xf32, #tpu.memory_space<hbm>> -> memref<1x64xf32, #tpu.memory_space<hbm>>
      tpu.wait_dma2 semaphore(%arg10 : memref<!tpu.dma_semaphore, #tpu.memory_space<semaphore_mem>>) src(%dma_wait3A_580 : memref<1x64xf32, #tpu.memory_space<hbm>>) dst(%dma_wait3A_577 : memref<1x64xf32, #tpu.memory_space<vmem>>)
      %dma_wait3A_581 = arith.constant 0 : i32
      %dma_wait3A_582 = arith.constant 0 : i32
      %dma_wait3A_583 = tpu.memref_slice %arg9[%dma_wait3A_581, %dma_wait3A_582] : memref<32x64xf32, #tpu.memory_space<vmem>> -> memref<16x64xf32, #tpu.memory_space<vmem>>
      %dma_wait3A_584 = arith.constant 15 : i32
      %dma_wait3A_585 = arith.constant 0 : i32
      %dma_wait3A_586 = tpu.memref_slice %dma_wait3A_583[%dma_wait3A_584, %dma_wait3A_585] : memref<16x64xf32, #tpu.memory_space<vmem>> -> memref<1x64xf32, #tpu.memory_space<vmem>>
      %dma_wait3A_587 = arith.constant 0 : i32
      %dma_wait3A_588 = arith.constant 0 : i32
      %dma_wait3A_589 = tpu.memref_slice %arg4[%dma_wait3A_587, %dma_wait3A_588] : memref<16384x64xf32, #tpu.memory_space<hbm>> -> memref<1x64xf32, #tpu.memory_space<hbm>>
      %dma_wait3A_590 = arith.constant 0 : i32
      %dma_wait3A_591 = arith.constant 0 : i32
      %dma_wait3A_592 = tpu.memref_slice %arg9[%dma_wait3A_590, %dma_wait3A_591] : memref<32x64xf32, #tpu.memory_space<vmem>> -> memref<16x64xf32, #tpu.memory_space<vmem>>
      %dma_wait3A_593 = arith.constant 15 : i32
      %dma_wait3A_594 = arith.constant 0 : i32
      %dma_wait3A_595 = tpu.memref_slice %dma_wait3A_592[%dma_wait3A_593, %dma_wait3A_594] : memref<16x64xf32, #tpu.memory_space<vmem>> -> memref<1x64xf32, #tpu.memory_space<vmem>>
      %dma_wait3A_596 = arith.constant 0 : i32
      %dma_wait3A_597 = arith.constant 0 : i32
      %dma_wait3A_598 = tpu.memref_slice %arg4[%dma_wait3A_596, %dma_wait3A_597] : memref<16384x64xf32, #tpu.memory_space<hbm>> -> memref<1x64xf32, #tpu.memory_space<hbm>>
      tpu.wait_dma2 semaphore(%arg10 : memref<!tpu.dma_semaphore, #tpu.memory_space<semaphore_mem>>) src(%dma_wait3A_598 : memref<1x64xf32, #tpu.memory_space<hbm>>) dst(%dma_wait3A_595 : memref<1x64xf32, #tpu.memory_space<vmem>>)
      %slice3A_599 = vector.extract_strided_slice %get3A_21 {offsets = [0], sizes = [1], strides = [1]} : vector<16xi32> to vector<1xi32>
      %squeeze3A_600 = vector.extract %slice3A_599[0] : i32 from vector<1xi32>
      %dma_start3A_601 = arith.constant 0 : i32
      %dma_start3A_602 = arith.constant 0 : i32
      %dma_start3A_603 = tpu.memref_slice %arg9[%dma_start3A_601, %dma_start3A_602] : memref<32x64xf32, #tpu.memory_space<vmem>> -> memref<16x64xf32, #tpu.memory_space<vmem>>
      %dma_start3A_604 = arith.constant 0 : i32
      %dma_start3A_605 = arith.constant 0 : i32
      %dma_start3A_606 = tpu.memref_slice %dma_start3A_603[%dma_start3A_604, %dma_start3A_605] : memref<16x64xf32, #tpu.memory_space<vmem>> -> memref<1x64xf32, #tpu.memory_space<vmem>>
      %dma_start3A_607 = arith.constant 0 : i32
      %dma_start3A_608 = tpu.memref_slice %arg5[%squeeze3A_600, %dma_start3A_607] : memref<1000000x64xf32, #tpu.memory_space<hbm>> -> memref<1x64xf32, #tpu.memory_space<hbm>>
      %dma_start3A_609 = arith.constant 0 : i32
      %dma_start3A_610 = tpu.memref_slice %arg5[%squeeze3A_600, %dma_start3A_609] : memref<1000000x64xf32, #tpu.memory_space<hbm>> -> memref<1x64xf32, #tpu.memory_space<hbm>>
      %dma_start3A_611 = arith.constant 0 : i32
      %dma_start3A_612 = arith.constant 0 : i32
      %dma_start3A_613 = tpu.memref_slice %arg9[%dma_start3A_611, %dma_start3A_612] : memref<32x64xf32, #tpu.memory_space<vmem>> -> memref<16x64xf32, #tpu.memory_space<vmem>>
      %dma_start3A_614 = arith.constant 0 : i32
      %dma_start3A_615 = arith.constant 0 : i32
      %dma_start3A_616 = tpu.memref_slice %dma_start3A_613[%dma_start3A_614, %dma_start3A_615] : memref<16x64xf32, #tpu.memory_space<vmem>> -> memref<1x64xf32, #tpu.memory_space<vmem>>
      tpu.enqueue_dma source(%dma_start3A_616 : memref<1x64xf32, #tpu.memory_space<vmem>>) target(%dma_start3A_610 : memref<1x64xf32, #tpu.memory_space<hbm>>) target_semaphore(%arg11 : memref<!tpu.dma_semaphore, #tpu.memory_space<semaphore_mem>>)
      %slice3A_617 = vector.extract_strided_slice %get3A_21 {offsets = [1], sizes = [1], strides = [1]} : vector<16xi32> to vector<1xi32>
      %squeeze3A_618 = vector.extract %slice3A_617[0] : i32 from vector<1xi32>
      %dma_start3A_619 = arith.constant 0 : i32
      %dma_start3A_620 = arith.constant 0 : i32
      %dma_start3A_621 = tpu.memref_slice %arg9[%dma_start3A_619, %dma_start3A_620] : memref<32x64xf32, #tpu.memory_space<vmem>> -> memref<16x64xf32, #tpu.memory_space<vmem>>
      %dma_start3A_622 = arith.constant 1 : i32
      %dma_start3A_623 = arith.constant 0 : i32
      %dma_start3A_624 = tpu.memref_slice %dma_start3A_621[%dma_start3A_622, %dma_start3A_623] : memref<16x64xf32, #tpu.memory_space<vmem>> -> memref<1x64xf32, #tpu.memory_space<vmem>>
      %dma_start3A_625 = arith.constant 0 : i32
      %dma_start3A_626 = tpu.memref_slice %arg5[%squeeze3A_618, %dma_start3A_625] : memref<1000000x64xf32, #tpu.memory_space<hbm>> -> memref<1x64xf32, #tpu.memory_space<hbm>>
      %dma_start3A_627 = arith.constant 0 : i32
      %dma_start3A_628 = tpu.memref_slice %arg5[%squeeze3A_618, %dma_start3A_627] : memref<1000000x64xf32, #tpu.memory_space<hbm>> -> memref<1x64xf32, #tpu.memory_space<hbm>>
      %dma_start3A_629 = arith.constant 0 : i32
      %dma_start3A_630 = arith.constant 0 : i32
      %dma_start3A_631 = tpu.memref_slice %arg9[%dma_start3A_629, %dma_start3A_630] : memref<32x64xf32, #tpu.memory_space<vmem>> -> memref<16x64xf32, #tpu.memory_space<vmem>>
      %dma_start3A_632 = arith.constant 1 : i32
      %dma_start3A_633 = arith.constant 0 : i32
      %dma_start3A_634 = tpu.memref_slice %dma_start3A_631[%dma_start3A_632, %dma_start3A_633] : memref<16x64xf32, #tpu.memory_space<vmem>> -> memref<1x64xf32, #tpu.memory_space<vmem>>
      tpu.enqueue_dma source(%dma_start3A_634 : memref<1x64xf32, #tpu.memory_space<vmem>>) target(%dma_start3A_628 : memref<1x64xf32, #tpu.memory_space<hbm>>) target_semaphore(%arg11 : memref<!tpu.dma_semaphore, #tpu.memory_space<semaphore_mem>>)
      %slice3A_635 = vector.extract_strided_slice %get3A_21 {offsets = [2], sizes = [1], strides = [1]} : vector<16xi32> to vector<1xi32>
      %squeeze3A_636 = vector.extract %slice3A_635[0] : i32 from vector<1xi32>
      %dma_start3A_637 = arith.constant 0 : i32
      %dma_start3A_638 = arith.constant 0 : i32
      %dma_start3A_639 = tpu.memref_slice %arg9[%dma_start3A_637, %dma_start3A_638] : memref<32x64xf32, #tpu.memory_space<vmem>> -> memref<16x64xf32, #tpu.memory_space<vmem>>
      %dma_start3A_640 = arith.constant 2 : i32
      %dma_start3A_641 = arith.constant 0 : i32
      %dma_start3A_642 = tpu.memref_slice %dma_start3A_639[%dma_start3A_640, %dma_start3A_641] : memref<16x64xf32, #tpu.memory_space<vmem>> -> memref<1x64xf32, #tpu.memory_space<vmem>>
      %dma_start3A_643 = arith.constant 0 : i32
      %dma_start3A_644 = tpu.memref_slice %arg5[%squeeze3A_636, %dma_start3A_643] : memref<1000000x64xf32, #tpu.memory_space<hbm>> -> memref<1x64xf32, #tpu.memory_space<hbm>>
      %dma_start3A_645 = arith.constant 0 : i32
      %dma_start3A_646 = tpu.memref_slice %arg5[%squeeze3A_636, %dma_start3A_645] : memref<1000000x64xf32, #tpu.memory_space<hbm>> -> memref<1x64xf32, #tpu.memory_space<hbm>>
      %dma_start3A_647 = arith.constant 0 : i32
      %dma_start3A_648 = arith.constant 0 : i32
      %dma_start3A_649 = tpu.memref_slice %arg9[%dma_start3A_647, %dma_start3A_648] : memref<32x64xf32, #tpu.memory_space<vmem>> -> memref<16x64xf32, #tpu.memory_space<vmem>>
      %dma_start3A_650 = arith.constant 2 : i32
      %dma_start3A_651 = arith.constant 0 : i32
      %dma_start3A_652 = tpu.memref_slice %dma_start3A_649[%dma_start3A_650, %dma_start3A_651] : memref<16x64xf32, #tpu.memory_space<vmem>> -> memref<1x64xf32, #tpu.memory_space<vmem>>
      tpu.enqueue_dma source(%dma_start3A_652 : memref<1x64xf32, #tpu.memory_space<vmem>>) target(%dma_start3A_646 : memref<1x64xf32, #tpu.memory_space<hbm>>) target_semaphore(%arg11 : memref<!tpu.dma_semaphore, #tpu.memory_space<semaphore_mem>>)
      %slice3A_653 = vector.extract_strided_slice %get3A_21 {offsets = [3], sizes = [1], strides = [1]} : vector<16xi32> to vector<1xi32>
      %squeeze3A_654 = vector.extract %slice3A_653[0] : i32 from vector<1xi32>
      %dma_start3A_655 = arith.constant 0 : i32
      %dma_start3A_656 = arith.constant 0 : i32
      %dma_start3A_657 = tpu.memref_slice %arg9[%dma_start3A_655, %dma_start3A_656] : memref<32x64xf32, #tpu.memory_space<vmem>> -> memref<16x64xf32, #tpu.memory_space<vmem>>
      %dma_start3A_658 = arith.constant 3 : i32
      %dma_start3A_659 = arith.constant 0 : i32
      %dma_start3A_660 = tpu.memref_slice %dma_start3A_657[%dma_start3A_658, %dma_start3A_659] : memref<16x64xf32, #tpu.memory_space<vmem>> -> memref<1x64xf32, #tpu.memory_space<vmem>>
      %dma_start3A_661 = arith.constant 0 : i32
      %dma_start3A_662 = tpu.memref_slice %arg5[%squeeze3A_654, %dma_start3A_661] : memref<1000000x64xf32, #tpu.memory_space<hbm>> -> memref<1x64xf32, #tpu.memory_space<hbm>>
      %dma_start3A_663 = arith.constant 0 : i32
      %dma_start3A_664 = tpu.memref_slice %arg5[%squeeze3A_654, %dma_start3A_663] : memref<1000000x64xf32, #tpu.memory_space<hbm>> -> memref<1x64xf32, #tpu.memory_space<hbm>>
      %dma_start3A_665 = arith.constant 0 : i32
      %dma_start3A_666 = arith.constant 0 : i32
      %dma_start3A_667 = tpu.memref_slice %arg9[%dma_start3A_665, %dma_start3A_666] : memref<32x64xf32, #tpu.memory_space<vmem>> -> memref<16x64xf32, #tpu.memory_space<vmem>>
      %dma_start3A_668 = arith.constant 3 : i32
      %dma_start3A_669 = arith.constant 0 : i32
      %dma_start3A_670 = tpu.memref_slice %dma_start3A_667[%dma_start3A_668, %dma_start3A_669] : memref<16x64xf32, #tpu.memory_space<vmem>> -> memref<1x64xf32, #tpu.memory_space<vmem>>
      tpu.enqueue_dma source(%dma_start3A_670 : memref<1x64xf32, #tpu.memory_space<vmem>>) target(%dma_start3A_664 : memref<1x64xf32, #tpu.memory_space<hbm>>) target_semaphore(%arg11 : memref<!tpu.dma_semaphore, #tpu.memory_space<semaphore_mem>>)
      %slice3A_671 = vector.extract_strided_slice %get3A_21 {offsets = [4], sizes = [1], strides = [1]} : vector<16xi32> to vector<1xi32>
      %squeeze3A_672 = vector.extract %slice3A_671[0] : i32 from vector<1xi32>
      %dma_start3A_673 = arith.constant 0 : i32
      %dma_start3A_674 = arith.constant 0 : i32
      %dma_start3A_675 = tpu.memref_slice %arg9[%dma_start3A_673, %dma_start3A_674] : memref<32x64xf32, #tpu.memory_space<vmem>> -> memref<16x64xf32, #tpu.memory_space<vmem>>
      %dma_start3A_676 = arith.constant 4 : i32
      %dma_start3A_677 = arith.constant 0 : i32
      %dma_start3A_678 = tpu.memref_slice %dma_start3A_675[%dma_start3A_676, %dma_start3A_677] : memref<16x64xf32, #tpu.memory_space<vmem>> -> memref<1x64xf32, #tpu.memory_space<vmem>>
      %dma_start3A_679 = arith.constant 0 : i32
      %dma_start3A_680 = tpu.memref_slice %arg5[%squeeze3A_672, %dma_start3A_679] : memref<1000000x64xf32, #tpu.memory_space<hbm>> -> memref<1x64xf32, #tpu.memory_space<hbm>>
      %dma_start3A_681 = arith.constant 0 : i32
      %dma_start3A_682 = tpu.memref_slice %arg5[%squeeze3A_672, %dma_start3A_681] : memref<1000000x64xf32, #tpu.memory_space<hbm>> -> memref<1x64xf32, #tpu.memory_space<hbm>>
      %dma_start3A_683 = arith.constant 0 : i32
      %dma_start3A_684 = arith.constant 0 : i32
      %dma_start3A_685 = tpu.memref_slice %arg9[%dma_start3A_683, %dma_start3A_684] : memref<32x64xf32, #tpu.memory_space<vmem>> -> memref<16x64xf32, #tpu.memory_space<vmem>>
      %dma_start3A_686 = arith.constant 4 : i32
      %dma_start3A_687 = arith.constant 0 : i32
      %dma_start3A_688 = tpu.memref_slice %dma_start3A_685[%dma_start3A_686, %dma_start3A_687] : memref<16x64xf32, #tpu.memory_space<vmem>> -> memref<1x64xf32, #tpu.memory_space<vmem>>
      tpu.enqueue_dma source(%dma_start3A_688 : memref<1x64xf32, #tpu.memory_space<vmem>>) target(%dma_start3A_682 : memref<1x64xf32, #tpu.memory_space<hbm>>) target_semaphore(%arg11 : memref<!tpu.dma_semaphore, #tpu.memory_space<semaphore_mem>>)
      %slice3A_689 = vector.extract_strided_slice %get3A_21 {offsets = [5], sizes = [1], strides = [1]} : vector<16xi32> to vector<1xi32>
      %squeeze3A_690 = vector.extract %slice3A_689[0] : i32 from vector<1xi32>
      %dma_start3A_691 = arith.constant 0 : i32
      %dma_start3A_692 = arith.constant 0 : i32
      %dma_start3A_693 = tpu.memref_slice %arg9[%dma_start3A_691, %dma_start3A_692] : memref<32x64xf32, #tpu.memory_space<vmem>> -> memref<16x64xf32, #tpu.memory_space<vmem>>
      %dma_start3A_694 = arith.constant 5 : i32
      %dma_start3A_695 = arith.constant 0 : i32
      %dma_start3A_696 = tpu.memref_slice %dma_start3A_693[%dma_start3A_694, %dma_start3A_695] : memref<16x64xf32, #tpu.memory_space<vmem>> -> memref<1x64xf32, #tpu.memory_space<vmem>>
      %dma_start3A_697 = arith.constant 0 : i32
      %dma_start3A_698 = tpu.memref_slice %arg5[%squeeze3A_690, %dma_start3A_697] : memref<1000000x64xf32, #tpu.memory_space<hbm>> -> memref<1x64xf32, #tpu.memory_space<hbm>>
      %dma_start3A_699 = arith.constant 0 : i32
      %dma_start3A_700 = tpu.memref_slice %arg5[%squeeze3A_690, %dma_start3A_699] : memref<1000000x64xf32, #tpu.memory_space<hbm>> -> memref<1x64xf32, #tpu.memory_space<hbm>>
      %dma_start3A_701 = arith.constant 0 : i32
      %dma_start3A_702 = arith.constant 0 : i32
      %dma_start3A_703 = tpu.memref_slice %arg9[%dma_start3A_701, %dma_start3A_702] : memref<32x64xf32, #tpu.memory_space<vmem>> -> memref<16x64xf32, #tpu.memory_space<vmem>>
      %dma_start3A_704 = arith.constant 5 : i32
      %dma_start3A_705 = arith.constant 0 : i32
      %dma_start3A_706 = tpu.memref_slice %dma_start3A_703[%dma_start3A_704, %dma_start3A_705] : memref<16x64xf32, #tpu.memory_space<vmem>> -> memref<1x64xf32, #tpu.memory_space<vmem>>
      tpu.enqueue_dma source(%dma_start3A_706 : memref<1x64xf32, #tpu.memory_space<vmem>>) target(%dma_start3A_700 : memref<1x64xf32, #tpu.memory_space<hbm>>) target_semaphore(%arg11 : memref<!tpu.dma_semaphore, #tpu.memory_space<semaphore_mem>>)
      %slice3A_707 = vector.extract_strided_slice %get3A_21 {offsets = [6], sizes = [1], strides = [1]} : vector<16xi32> to vector<1xi32>
      %squeeze3A_708 = vector.extract %slice3A_707[0] : i32 from vector<1xi32>
      %dma_start3A_709 = arith.constant 0 : i32
      %dma_start3A_710 = arith.constant 0 : i32
      %dma_start3A_711 = tpu.memref_slice %arg9[%dma_start3A_709, %dma_start3A_710] : memref<32x64xf32, #tpu.memory_space<vmem>> -> memref<16x64xf32, #tpu.memory_space<vmem>>
      %dma_start3A_712 = arith.constant 6 : i32
      %dma_start3A_713 = arith.constant 0 : i32
      %dma_start3A_714 = tpu.memref_slice %dma_start3A_711[%dma_start3A_712, %dma_start3A_713] : memref<16x64xf32, #tpu.memory_space<vmem>> -> memref<1x64xf32, #tpu.memory_space<vmem>>
      %dma_start3A_715 = arith.constant 0 : i32
      %dma_start3A_716 = tpu.memref_slice %arg5[%squeeze3A_708, %dma_start3A_715] : memref<1000000x64xf32, #tpu.memory_space<hbm>> -> memref<1x64xf32, #tpu.memory_space<hbm>>
      %dma_start3A_717 = arith.constant 0 : i32
      %dma_start3A_718 = tpu.memref_slice %arg5[%squeeze3A_708, %dma_start3A_717] : memref<1000000x64xf32, #tpu.memory_space<hbm>> -> memref<1x64xf32, #tpu.memory_space<hbm>>
      %dma_start3A_719 = arith.constant 0 : i32
      %dma_start3A_720 = arith.constant 0 : i32
      %dma_start3A_721 = tpu.memref_slice %arg9[%dma_start3A_719, %dma_start3A_720] : memref<32x64xf32, #tpu.memory_space<vmem>> -> memref<16x64xf32, #tpu.memory_space<vmem>>
      %dma_start3A_722 = arith.constant 6 : i32
      %dma_start3A_723 = arith.constant 0 : i32
      %dma_start3A_724 = tpu.memref_slice %dma_start3A_721[%dma_start3A_722, %dma_start3A_723] : memref<16x64xf32, #tpu.memory_space<vmem>> -> memref<1x64xf32, #tpu.memory_space<vmem>>
      tpu.enqueue_dma source(%dma_start3A_724 : memref<1x64xf32, #tpu.memory_space<vmem>>) target(%dma_start3A_718 : memref<1x64xf32, #tpu.memory_space<hbm>>) target_semaphore(%arg11 : memref<!tpu.dma_semaphore, #tpu.memory_space<semaphore_mem>>)
      %slice3A_725 = vector.extract_strided_slice %get3A_21 {offsets = [7], sizes = [1], strides = [1]} : vector<16xi32> to vector<1xi32>
      %squeeze3A_726 = vector.extract %slice3A_725[0] : i32 from vector<1xi32>
      %dma_start3A_727 = arith.constant 0 : i32
      %dma_start3A_728 = arith.constant 0 : i32
      %dma_start3A_729 = tpu.memref_slice %arg9[%dma_start3A_727, %dma_start3A_728] : memref<32x64xf32, #tpu.memory_space<vmem>> -> memref<16x64xf32, #tpu.memory_space<vmem>>
      %dma_start3A_730 = arith.constant 7 : i32
      %dma_start3A_731 = arith.constant 0 : i32
      %dma_start3A_732 = tpu.memref_slice %dma_start3A_729[%dma_start3A_730, %dma_start3A_731] : memref<16x64xf32, #tpu.memory_space<vmem>> -> memref<1x64xf32, #tpu.memory_space<vmem>>
      %dma_start3A_733 = arith.constant 0 : i32
      %dma_start3A_734 = tpu.memref_slice %arg5[%squeeze3A_726, %dma_start3A_733] : memref<1000000x64xf32, #tpu.memory_space<hbm>> -> memref<1x64xf32, #tpu.memory_space<hbm>>
      %dma_start3A_735 = arith.constant 0 : i32
      %dma_start3A_736 = tpu.memref_slice %arg5[%squeeze3A_726, %dma_start3A_735] : memref<1000000x64xf32, #tpu.memory_space<hbm>> -> memref<1x64xf32, #tpu.memory_space<hbm>>
      %dma_start3A_737 = arith.constant 0 : i32
      %dma_start3A_738 = arith.constant 0 : i32
      %dma_start3A_739 = tpu.memref_slice %arg9[%dma_start3A_737, %dma_start3A_738] : memref<32x64xf32, #tpu.memory_space<vmem>> -> memref<16x64xf32, #tpu.memory_space<vmem>>
      %dma_start3A_740 = arith.constant 7 : i32
      %dma_start3A_741 = arith.constant 0 : i32
      %dma_start3A_742 = tpu.memref_slice %dma_start3A_739[%dma_start3A_740, %dma_start3A_741] : memref<16x64xf32, #tpu.memory_space<vmem>> -> memref<1x64xf32, #tpu.memory_space<vmem>>
      tpu.enqueue_dma source(%dma_start3A_742 : memref<1x64xf32, #tpu.memory_space<vmem>>) target(%dma_start3A_736 : memref<1x64xf32, #tpu.memory_space<hbm>>) target_semaphore(%arg11 : memref<!tpu.dma_semaphore, #tpu.memory_space<semaphore_mem>>)
      %slice3A_743 = vector.extract_strided_slice %get3A_21 {offsets = [8], sizes = [1], strides = [1]} : vector<16xi32> to vector<1xi32>
      %squeeze3A_744 = vector.extract %slice3A_743[0] : i32 from vector<1xi32>
      %dma_start3A_745 = arith.constant 0 : i32
      %dma_start3A_746 = arith.constant 0 : i32
      %dma_start3A_747 = tpu.memref_slice %arg9[%dma_start3A_745, %dma_start3A_746] : memref<32x64xf32, #tpu.memory_space<vmem>> -> memref<16x64xf32, #tpu.memory_space<vmem>>
      %dma_start3A_748 = arith.constant 8 : i32
      %dma_start3A_749 = arith.constant 0 : i32
      %dma_start3A_750 = tpu.memref_slice %dma_start3A_747[%dma_start3A_748, %dma_start3A_749] : memref<16x64xf32, #tpu.memory_space<vmem>> -> memref<1x64xf32, #tpu.memory_space<vmem>>
      %dma_start3A_751 = arith.constant 0 : i32
      %dma_start3A_752 = tpu.memref_slice %arg5[%squeeze3A_744, %dma_start3A_751] : memref<1000000x64xf32, #tpu.memory_space<hbm>> -> memref<1x64xf32, #tpu.memory_space<hbm>>
      %dma_start3A_753 = arith.constant 0 : i32
      %dma_start3A_754 = tpu.memref_slice %arg5[%squeeze3A_744, %dma_start3A_753] : memref<1000000x64xf32, #tpu.memory_space<hbm>> -> memref<1x64xf32, #tpu.memory_space<hbm>>
      %dma_start3A_755 = arith.constant 0 : i32
      %dma_start3A_756 = arith.constant 0 : i32
      %dma_start3A_757 = tpu.memref_slice %arg9[%dma_start3A_755, %dma_start3A_756] : memref<32x64xf32, #tpu.memory_space<vmem>> -> memref<16x64xf32, #tpu.memory_space<vmem>>
      %dma_start3A_758 = arith.constant 8 : i32
      %dma_start3A_759 = arith.constant 0 : i32
      %dma_start3A_760 = tpu.memref_slice %dma_start3A_757[%dma_start3A_758, %dma_start3A_759] : memref<16x64xf32, #tpu.memory_space<vmem>> -> memref<1x64xf32, #tpu.memory_space<vmem>>
      tpu.enqueue_dma source(%dma_start3A_760 : memref<1x64xf32, #tpu.memory_space<vmem>>) target(%dma_start3A_754 : memref<1x64xf32, #tpu.memory_space<hbm>>) target_semaphore(%arg11 : memref<!tpu.dma_semaphore, #tpu.memory_space<semaphore_mem>>)
      %slice3A_761 = vector.extract_strided_slice %get3A_21 {offsets = [9], sizes = [1], strides = [1]} : vector<16xi32> to vector<1xi32>
      %squeeze3A_762 = vector.extract %slice3A_761[0] : i32 from vector<1xi32>
      %dma_start3A_763 = arith.constant 0 : i32
      %dma_start3A_764 = arith.constant 0 : i32
      %dma_start3A_765 = tpu.memref_slice %arg9[%dma_start3A_763, %dma_start3A_764] : memref<32x64xf32, #tpu.memory_space<vmem>> -> memref<16x64xf32, #tpu.memory_space<vmem>>
      %dma_start3A_766 = arith.constant 9 : i32
      %dma_start3A_767 = arith.constant 0 : i32
      %dma_start3A_768 = tpu.memref_slice %dma_start3A_765[%dma_start3A_766, %dma_start3A_767] : memref<16x64xf32, #tpu.memory_space<vmem>> -> memref<1x64xf32, #tpu.memory_space<vmem>>
      %dma_start3A_769 = arith.constant 0 : i32
      %dma_start3A_770 = tpu.memref_slice %arg5[%squeeze3A_762, %dma_start3A_769] : memref<1000000x64xf32, #tpu.memory_space<hbm>> -> memref<1x64xf32, #tpu.memory_space<hbm>>
      %dma_start3A_771 = arith.constant 0 : i32
      %dma_start3A_772 = tpu.memref_slice %arg5[%squeeze3A_762, %dma_start3A_771] : memref<1000000x64xf32, #tpu.memory_space<hbm>> -> memref<1x64xf32, #tpu.memory_space<hbm>>
      %dma_start3A_773 = arith.constant 0 : i32
      %dma_start3A_774 = arith.constant 0 : i32
      %dma_start3A_775 = tpu.memref_slice %arg9[%dma_start3A_773, %dma_start3A_774] : memref<32x64xf32, #tpu.memory_space<vmem>> -> memref<16x64xf32, #tpu.memory_space<vmem>>
      %dma_start3A_776 = arith.constant 9 : i32
      %dma_start3A_777 = arith.constant 0 : i32
      %dma_start3A_778 = tpu.memref_slice %dma_start3A_775[%dma_start3A_776, %dma_start3A_777] : memref<16x64xf32, #tpu.memory_space<vmem>> -> memref<1x64xf32, #tpu.memory_space<vmem>>
      tpu.enqueue_dma source(%dma_start3A_778 : memref<1x64xf32, #tpu.memory_space<vmem>>) target(%dma_start3A_772 : memref<1x64xf32, #tpu.memory_space<hbm>>) target_semaphore(%arg11 : memref<!tpu.dma_semaphore, #tpu.memory_space<semaphore_mem>>)
      %slice3A_779 = vector.extract_strided_slice %get3A_21 {offsets = [10], sizes = [1], strides = [1]} : vector<16xi32> to vector<1xi32>
      %squeeze3A_780 = vector.extract %slice3A_779[0] : i32 from vector<1xi32>
      %dma_start3A_781 = arith.constant 0 : i32
      %dma_start3A_782 = arith.constant 0 : i32
      %dma_start3A_783 = tpu.memref_slice %arg9[%dma_start3A_781, %dma_start3A_782] : memref<32x64xf32, #tpu.memory_space<vmem>> -> memref<16x64xf32, #tpu.memory_space<vmem>>
      %dma_start3A_784 = arith.constant 10 : i32
      %dma_start3A_785 = arith.constant 0 : i32
      %dma_start3A_786 = tpu.memref_slice %dma_start3A_783[%dma_start3A_784, %dma_start3A_785] : memref<16x64xf32, #tpu.memory_space<vmem>> -> memref<1x64xf32, #tpu.memory_space<vmem>>
      %dma_start3A_787 = arith.constant 0 : i32
      %dma_start3A_788 = tpu.memref_slice %arg5[%squeeze3A_780, %dma_start3A_787] : memref<1000000x64xf32, #tpu.memory_space<hbm>> -> memref<1x64xf32, #tpu.memory_space<hbm>>
      %dma_start3A_789 = arith.constant 0 : i32
      %dma_start3A_790 = tpu.memref_slice %arg5[%squeeze3A_780, %dma_start3A_789] : memref<1000000x64xf32, #tpu.memory_space<hbm>> -> memref<1x64xf32, #tpu.memory_space<hbm>>
      %dma_start3A_791 = arith.constant 0 : i32
      %dma_start3A_792 = arith.constant 0 : i32
      %dma_start3A_793 = tpu.memref_slice %arg9[%dma_start3A_791, %dma_start3A_792] : memref<32x64xf32, #tpu.memory_space<vmem>> -> memref<16x64xf32, #tpu.memory_space<vmem>>
      %dma_start3A_794 = arith.constant 10 : i32
      %dma_start3A_795 = arith.constant 0 : i32
      %dma_start3A_796 = tpu.memref_slice %dma_start3A_793[%dma_start3A_794, %dma_start3A_795] : memref<16x64xf32, #tpu.memory_space<vmem>> -> memref<1x64xf32, #tpu.memory_space<vmem>>
      tpu.enqueue_dma source(%dma_start3A_796 : memref<1x64xf32, #tpu.memory_space<vmem>>) target(%dma_start3A_790 : memref<1x64xf32, #tpu.memory_space<hbm>>) target_semaphore(%arg11 : memref<!tpu.dma_semaphore, #tpu.memory_space<semaphore_mem>>)
      %slice3A_797 = vector.extract_strided_slice %get3A_21 {offsets = [11], sizes = [1], strides = [1]} : vector<16xi32> to vector<1xi32>
      %squeeze3A_798 = vector.extract %slice3A_797[0] : i32 from vector<1xi32>
      %dma_start3A_799 = arith.constant 0 : i32
      %dma_start3A_800 = arith.constant 0 : i32
      %dma_start3A_801 = tpu.memref_slice %arg9[%dma_start3A_799, %dma_start3A_800] : memref<32x64xf32, #tpu.memory_space<vmem>> -> memref<16x64xf32, #tpu.memory_space<vmem>>
      %dma_start3A_802 = arith.constant 11 : i32
      %dma_start3A_803 = arith.constant 0 : i32
      %dma_start3A_804 = tpu.memref_slice %dma_start3A_801[%dma_start3A_802, %dma_start3A_803] : memref<16x64xf32, #tpu.memory_space<vmem>> -> memref<1x64xf32, #tpu.memory_space<vmem>>
      %dma_start3A_805 = arith.constant 0 : i32
      %dma_start3A_806 = tpu.memref_slice %arg5[%squeeze3A_798, %dma_start3A_805] : memref<1000000x64xf32, #tpu.memory_space<hbm>> -> memref<1x64xf32, #tpu.memory_space<hbm>>
      %dma_start3A_807 = arith.constant 0 : i32
      %dma_start3A_808 = tpu.memref_slice %arg5[%squeeze3A_798, %dma_start3A_807] : memref<1000000x64xf32, #tpu.memory_space<hbm>> -> memref<1x64xf32, #tpu.memory_space<hbm>>
      %dma_start3A_809 = arith.constant 0 : i32
      %dma_start3A_810 = arith.constant 0 : i32
      %dma_start3A_811 = tpu.memref_slice %arg9[%dma_start3A_809, %dma_start3A_810] : memref<32x64xf32, #tpu.memory_space<vmem>> -> memref<16x64xf32, #tpu.memory_space<vmem>>
      %dma_start3A_812 = arith.constant 11 : i32
      %dma_start3A_813 = arith.constant 0 : i32
      %dma_start3A_814 = tpu.memref_slice %dma_start3A_811[%dma_start3A_812, %dma_start3A_813] : memref<16x64xf32, #tpu.memory_space<vmem>> -> memref<1x64xf32, #tpu.memory_space<vmem>>
      tpu.enqueue_dma source(%dma_start3A_814 : memref<1x64xf32, #tpu.memory_space<vmem>>) target(%dma_start3A_808 : memref<1x64xf32, #tpu.memory_space<hbm>>) target_semaphore(%arg11 : memref<!tpu.dma_semaphore, #tpu.memory_space<semaphore_mem>>)
      %slice3A_815 = vector.extract_strided_slice %get3A_21 {offsets = [12], sizes = [1], strides = [1]} : vector<16xi32> to vector<1xi32>
      %squeeze3A_816 = vector.extract %slice3A_815[0] : i32 from vector<1xi32>
      %dma_start3A_817 = arith.constant 0 : i32
      %dma_start3A_818 = arith.constant 0 : i32
      %dma_start3A_819 = tpu.memref_slice %arg9[%dma_start3A_817, %dma_start3A_818] : memref<32x64xf32, #tpu.memory_space<vmem>> -> memref<16x64xf32, #tpu.memory_space<vmem>>
      %dma_start3A_820 = arith.constant 12 : i32
      %dma_start3A_821 = arith.constant 0 : i32
      %dma_start3A_822 = tpu.memref_slice %dma_start3A_819[%dma_start3A_820, %dma_start3A_821] : memref<16x64xf32, #tpu.memory_space<vmem>> -> memref<1x64xf32, #tpu.memory_space<vmem>>
      %dma_start3A_823 = arith.constant 0 : i32
      %dma_start3A_824 = tpu.memref_slice %arg5[%squeeze3A_816, %dma_start3A_823] : memref<1000000x64xf32, #tpu.memory_space<hbm>> -> memref<1x64xf32, #tpu.memory_space<hbm>>
      %dma_start3A_825 = arith.constant 0 : i32
      %dma_start3A_826 = tpu.memref_slice %arg5[%squeeze3A_816, %dma_start3A_825] : memref<1000000x64xf32, #tpu.memory_space<hbm>> -> memref<1x64xf32, #tpu.memory_space<hbm>>
      %dma_start3A_827 = arith.constant 0 : i32
      %dma_start3A_828 = arith.constant 0 : i32
      %dma_start3A_829 = tpu.memref_slice %arg9[%dma_start3A_827, %dma_start3A_828] : memref<32x64xf32, #tpu.memory_space<vmem>> -> memref<16x64xf32, #tpu.memory_space<vmem>>
      %dma_start3A_830 = arith.constant 12 : i32
      %dma_start3A_831 = arith.constant 0 : i32
      %dma_start3A_832 = tpu.memref_slice %dma_start3A_829[%dma_start3A_830, %dma_start3A_831] : memref<16x64xf32, #tpu.memory_space<vmem>> -> memref<1x64xf32, #tpu.memory_space<vmem>>
      tpu.enqueue_dma source(%dma_start3A_832 : memref<1x64xf32, #tpu.memory_space<vmem>>) target(%dma_start3A_826 : memref<1x64xf32, #tpu.memory_space<hbm>>) target_semaphore(%arg11 : memref<!tpu.dma_semaphore, #tpu.memory_space<semaphore_mem>>)
      %slice3A_833 = vector.extract_strided_slice %get3A_21 {offsets = [13], sizes = [1], strides = [1]} : vector<16xi32> to vector<1xi32>
      %squeeze3A_834 = vector.extract %slice3A_833[0] : i32 from vector<1xi32>
      %dma_start3A_835 = arith.constant 0 : i32
      %dma_start3A_836 = arith.constant 0 : i32
      %dma_start3A_837 = tpu.memref_slice %arg9[%dma_start3A_835, %dma_start3A_836] : memref<32x64xf32, #tpu.memory_space<vmem>> -> memref<16x64xf32, #tpu.memory_space<vmem>>
      %dma_start3A_838 = arith.constant 13 : i32
      %dma_start3A_839 = arith.constant 0 : i32
      %dma_start3A_840 = tpu.memref_slice %dma_start3A_837[%dma_start3A_838, %dma_start3A_839] : memref<16x64xf32, #tpu.memory_space<vmem>> -> memref<1x64xf32, #tpu.memory_space<vmem>>
      %dma_start3A_841 = arith.constant 0 : i32
      %dma_start3A_842 = tpu.memref_slice %arg5[%squeeze3A_834, %dma_start3A_841] : memref<1000000x64xf32, #tpu.memory_space<hbm>> -> memref<1x64xf32, #tpu.memory_space<hbm>>
      %dma_start3A_843 = arith.constant 0 : i32
      %dma_start3A_844 = tpu.memref_slice %arg5[%squeeze3A_834, %dma_start3A_843] : memref<1000000x64xf32, #tpu.memory_space<hbm>> -> memref<1x64xf32, #tpu.memory_space<hbm>>
      %dma_start3A_845 = arith.constant 0 : i32
      %dma_start3A_846 = arith.constant 0 : i32
      %dma_start3A_847 = tpu.memref_slice %arg9[%dma_start3A_845, %dma_start3A_846] : memref<32x64xf32, #tpu.memory_space<vmem>> -> memref<16x64xf32, #tpu.memory_space<vmem>>
      %dma_start3A_848 = arith.constant 13 : i32
      %dma_start3A_849 = arith.constant 0 : i32
      %dma_start3A_850 = tpu.memref_slice %dma_start3A_847[%dma_start3A_848, %dma_start3A_849] : memref<16x64xf32, #tpu.memory_space<vmem>> -> memref<1x64xf32, #tpu.memory_space<vmem>>
      tpu.enqueue_dma source(%dma_start3A_850 : memref<1x64xf32, #tpu.memory_space<vmem>>) target(%dma_start3A_844 : memref<1x64xf32, #tpu.memory_space<hbm>>) target_semaphore(%arg11 : memref<!tpu.dma_semaphore, #tpu.memory_space<semaphore_mem>>)
      %slice3A_851 = vector.extract_strided_slice %get3A_21 {offsets = [14], sizes = [1], strides = [1]} : vector<16xi32> to vector<1xi32>
      %squeeze3A_852 = vector.extract %slice3A_851[0] : i32 from vector<1xi32>
      %dma_start3A_853 = arith.constant 0 : i32
      %dma_start3A_854 = arith.constant 0 : i32
      %dma_start3A_855 = tpu.memref_slice %arg9[%dma_start3A_853, %dma_start3A_854] : memref<32x64xf32, #tpu.memory_space<vmem>> -> memref<16x64xf32, #tpu.memory_space<vmem>>
      %dma_start3A_856 = arith.constant 14 : i32
      %dma_start3A_857 = arith.constant 0 : i32
      %dma_start3A_858 = tpu.memref_slice %dma_start3A_855[%dma_start3A_856, %dma_start3A_857] : memref<16x64xf32, #tpu.memory_space<vmem>> -> memref<1x64xf32, #tpu.memory_space<vmem>>
      %dma_start3A_859 = arith.constant 0 : i32
      %dma_start3A_860 = tpu.memref_slice %arg5[%squeeze3A_852, %dma_start3A_859] : memref<1000000x64xf32, #tpu.memory_space<hbm>> -> memref<1x64xf32, #tpu.memory_space<hbm>>
      %dma_start3A_861 = arith.constant 0 : i32
      %dma_start3A_862 = tpu.memref_slice %arg5[%squeeze3A_852, %dma_start3A_861] : memref<1000000x64xf32, #tpu.memory_space<hbm>> -> memref<1x64xf32, #tpu.memory_space<hbm>>
      %dma_start3A_863 = arith.constant 0 : i32
      %dma_start3A_864 = arith.constant 0 : i32
      %dma_start3A_865 = tpu.memref_slice %arg9[%dma_start3A_863, %dma_start3A_864] : memref<32x64xf32, #tpu.memory_space<vmem>> -> memref<16x64xf32, #tpu.memory_space<vmem>>
      %dma_start3A_866 = arith.constant 14 : i32
      %dma_start3A_867 = arith.constant 0 : i32
      %dma_start3A_868 = tpu.memref_slice %dma_start3A_865[%dma_start3A_866, %dma_start3A_867] : memref<16x64xf32, #tpu.memory_space<vmem>> -> memref<1x64xf32, #tpu.memory_space<vmem>>
      tpu.enqueue_dma source(%dma_start3A_868 : memref<1x64xf32, #tpu.memory_space<vmem>>) target(%dma_start3A_862 : memref<1x64xf32, #tpu.memory_space<hbm>>) target_semaphore(%arg11 : memref<!tpu.dma_semaphore, #tpu.memory_space<semaphore_mem>>)
      %slice3A_869 = vector.extract_strided_slice %get3A_21 {offsets = [15], sizes = [1], strides = [1]} : vector<16xi32> to vector<1xi32>
      %squeeze3A_870 = vector.extract %slice3A_869[0] : i32 from vector<1xi32>
      %dma_start3A_871 = arith.constant 0 : i32
      %dma_start3A_872 = arith.constant 0 : i32
      %dma_start3A_873 = tpu.memref_slice %arg9[%dma_start3A_871, %dma_start3A_872] : memref<32x64xf32, #tpu.memory_space<vmem>> -> memref<16x64xf32, #tpu.memory_space<vmem>>
      %dma_start3A_874 = arith.constant 15 : i32
      %dma_start3A_875 = arith.constant 0 : i32
      %dma_start3A_876 = tpu.memref_slice %dma_start3A_873[%dma_start3A_874, %dma_start3A_875] : memref<16x64xf32, #tpu.memory_space<vmem>> -> memref<1x64xf32, #tpu.memory_space<vmem>>
      %dma_start3A_877 = arith.constant 0 : i32
      %dma_start3A_878 = tpu.memref_slice %arg5[%squeeze3A_870, %dma_start3A_877] : memref<1000000x64xf32, #tpu.memory_space<hbm>> -> memref<1x64xf32, #tpu.memory_space<hbm>>
      %dma_start3A_879 = arith.constant 0 : i32
      %dma_start3A_880 = tpu.memref_slice %arg5[%squeeze3A_870, %dma_start3A_879] : memref<1000000x64xf32, #tpu.memory_space<hbm>> -> memref<1x64xf32, #tpu.memory_space<hbm>>
      %dma_start3A_881 = arith.constant 0 : i32
      %dma_start3A_882 = arith.constant 0 : i32
      %dma_start3A_883 = tpu.memref_slice %arg9[%dma_start3A_881, %dma_start3A_882] : memref<32x64xf32, #tpu.memory_space<vmem>> -> memref<16x64xf32, #tpu.memory_space<vmem>>
      %dma_start3A_884 = arith.constant 15 : i32
      %dma_start3A_885 = arith.constant 0 : i32
      %dma_start3A_886 = tpu.memref_slice %dma_start3A_883[%dma_start3A_884, %dma_start3A_885] : memref<16x64xf32, #tpu.memory_space<vmem>> -> memref<1x64xf32, #tpu.memory_space<vmem>>
      tpu.enqueue_dma source(%dma_start3A_886 : memref<1x64xf32, #tpu.memory_space<vmem>>) target(%dma_start3A_880 : memref<1x64xf32, #tpu.memory_space<hbm>>) target_semaphore(%arg11 : memref<!tpu.dma_semaphore, #tpu.memory_space<semaphore_mem>>)
      %mul3A_887 = arith.constant 2 : i32
      %mul3A_888 = arith.muli %add3A_13, %mul3A_887 : i32
      %add3A_889 = arith.constant 1 : i32
      %add3A_890 = arith.addi %mul3A_888, %add3A_889 : i32
      %mul3A_891 = arith.constant 16 : i32
      %mul3A_892 = arith.muli %add3A_890, %mul3A_891 : i32
      %get3A_893 = arith.index_cast %mul3A_892 : i32 to index
      %get3A_894 = tpu.vector_load %arg7[%get3A_893] {strides = array<i32>} : memref<512xi32, #tpu.memory_space<vmem>>, vector<16xi32>,
      %get3A_895 = vector.shape_cast %get3A_894 : vector<16xi32> to vector<16xi32>
      %mul3A_896 = arith.constant 16 : i32
      %mul3A_897 = arith.muli %add3A_890, %mul3A_896 : i32
      %get3A_898 = arith.index_cast %mul3A_897 : i32 to index
      %get3A_899 = tpu.vector_load %arg8[%get3A_898] {strides = array<i32>} : memref<512xi32, #tpu.memory_space<vmem>>, vector<16xi32>,
      %get3A_900 = vector.shape_cast %get3A_899 : vector<16xi32> to vector<16xi32>
      %slice3A_901 = vector.extract_strided_slice %get3A_900 {offsets = [0], sizes = [1], strides = [1]} : vector<16xi32> to vector<1xi32>
      %squeeze3A_902 = vector.extract %slice3A_901[0] : i32 from vector<1xi32>
      %dma_start3A_903 = arith.constant 16 : i32
      %dma_start3A_904 = arith.constant 0 : i32
      %dma_start3A_905 = tpu.memref_slice %arg9[%dma_start3A_903, %dma_start3A_904] : memref<32x64xf32, #tpu.memory_space<vmem>> -> memref<16x64xf32, #tpu.memory_space<vmem>>
      %dma_start3A_906 = arith.constant 0 : i32
      %dma_start3A_907 = arith.constant 0 : i32
      %dma_start3A_908 = tpu.memref_slice %dma_start3A_905[%dma_start3A_906, %dma_start3A_907] : memref<16x64xf32, #tpu.memory_space<vmem>> -> memref<1x64xf32, #tpu.memory_space<vmem>>
      %dma_start3A_909 = arith.constant 0 : i32
      %dma_start3A_910 = tpu.memref_slice %arg4[%squeeze3A_902, %dma_start3A_909] : memref<16384x64xf32, #tpu.memory_space<hbm>> -> memref<1x64xf32, #tpu.memory_space<hbm>>
      %dma_start3A_911 = arith.constant 16 : i32
      %dma_start3A_912 = arith.constant 0 : i32
      %dma_start3A_913 = tpu.memref_slice %arg9[%dma_start3A_911, %dma_start3A_912] : memref<32x64xf32, #tpu.memory_space<vmem>> -> memref<16x64xf32, #tpu.memory_space<vmem>>
      %dma_start3A_914 = arith.constant 0 : i32
      %dma_start3A_915 = arith.constant 0 : i32
      %dma_start3A_916 = tpu.memref_slice %dma_start3A_913[%dma_start3A_914, %dma_start3A_915] : memref<16x64xf32, #tpu.memory_space<vmem>> -> memref<1x64xf32, #tpu.memory_space<vmem>>
      %dma_start3A_917 = arith.constant 0 : i32
      %dma_start3A_918 = tpu.memref_slice %arg4[%squeeze3A_902, %dma_start3A_917] : memref<16384x64xf32, #tpu.memory_space<hbm>> -> memref<1x64xf32, #tpu.memory_space<hbm>>
      tpu.enqueue_dma source(%dma_start3A_918 : memref<1x64xf32, #tpu.memory_space<hbm>>) target(%dma_start3A_916 : memref<1x64xf32, #tpu.memory_space<vmem>>) target_semaphore(%arg10 : memref<!tpu.dma_semaphore, #tpu.memory_space<semaphore_mem>>)
      %slice3A_919 = vector.extract_strided_slice %get3A_900 {offsets = [1], sizes = [1], strides = [1]} : vector<16xi32> to vector<1xi32>
      %squeeze3A_920 = vector.extract %slice3A_919[0] : i32 from vector<1xi32>
      %dma_start3A_921 = arith.constant 16 : i32
      %dma_start3A_922 = arith.constant 0 : i32
      %dma_start3A_923 = tpu.memref_slice %arg9[%dma_start3A_921, %dma_start3A_922] : memref<32x64xf32, #tpu.memory_space<vmem>> -> memref<16x64xf32, #tpu.memory_space<vmem>>
      %dma_start3A_924 = arith.constant 1 : i32
      %dma_start3A_925 = arith.constant 0 : i32
      %dma_start3A_926 = tpu.memref_slice %dma_start3A_923[%dma_start3A_924, %dma_start3A_925] : memref<16x64xf32, #tpu.memory_space<vmem>> -> memref<1x64xf32, #tpu.memory_space<vmem>>
      %dma_start3A_927 = arith.constant 0 : i32
      %dma_start3A_928 = tpu.memref_slice %arg4[%squeeze3A_920, %dma_start3A_927] : memref<16384x64xf32, #tpu.memory_space<hbm>> -> memref<1x64xf32, #tpu.memory_space<hbm>>
      %dma_start3A_929 = arith.constant 16 : i32
      %dma_start3A_930 = arith.constant 0 : i32
      %dma_start3A_931 = tpu.memref_slice %arg9[%dma_start3A_929, %dma_start3A_930] : memref<32x64xf32, #tpu.memory_space<vmem>> -> memref<16x64xf32, #tpu.memory_space<vmem>>
      %dma_start3A_932 = arith.constant 1 : i32
      %dma_start3A_933 = arith.constant 0 : i32
      %dma_start3A_934 = tpu.memref_slice %dma_start3A_931[%dma_start3A_932, %dma_start3A_933] : memref<16x64xf32, #tpu.memory_space<vmem>> -> memref<1x64xf32, #tpu.memory_space<vmem>>
      %dma_start3A_935 = arith.constant 0 : i32
      %dma_start3A_936 = tpu.memref_slice %arg4[%squeeze3A_920, %dma_start3A_935] : memref<16384x64xf32, #tpu.memory_space<hbm>> -> memref<1x64xf32, #tpu.memory_space<hbm>>
      tpu.enqueue_dma source(%dma_start3A_936 : memref<1x64xf32, #tpu.memory_space<hbm>>) target(%dma_start3A_934 : memref<1x64xf32, #tpu.memory_space<vmem>>) target_semaphore(%arg10 : memref<!tpu.dma_semaphore, #tpu.memory_space<semaphore_mem>>)
      %slice3A_937 = vector.extract_strided_slice %get3A_900 {offsets = [2], sizes = [1], strides = [1]} : vector<16xi32> to vector<1xi32>
      %squeeze3A_938 = vector.extract %slice3A_937[0] : i32 from vector<1xi32>
      %dma_start3A_939 = arith.constant 16 : i32
      %dma_start3A_940 = arith.constant 0 : i32
      %dma_start3A_941 = tpu.memref_slice %arg9[%dma_start3A_939, %dma_start3A_940] : memref<32x64xf32, #tpu.memory_space<vmem>> -> memref<16x64xf32, #tpu.memory_space<vmem>>
      %dma_start3A_942 = arith.constant 2 : i32
      %dma_start3A_943 = arith.constant 0 : i32
      %dma_start3A_944 = tpu.memref_slice %dma_start3A_941[%dma_start3A_942, %dma_start3A_943] : memref<16x64xf32, #tpu.memory_space<vmem>> -> memref<1x64xf32, #tpu.memory_space<vmem>>
      %dma_start3A_945 = arith.constant 0 : i32
      %dma_start3A_946 = tpu.memref_slice %arg4[%squeeze3A_938, %dma_start3A_945] : memref<16384x64xf32, #tpu.memory_space<hbm>> -> memref<1x64xf32, #tpu.memory_space<hbm>>
      %dma_start3A_947 = arith.constant 16 : i32
      %dma_start3A_948 = arith.constant 0 : i32
      %dma_start3A_949 = tpu.memref_slice %arg9[%dma_start3A_947, %dma_start3A_948] : memref<32x64xf32, #tpu.memory_space<vmem>> -> memref<16x64xf32, #tpu.memory_space<vmem>>
      %dma_start3A_950 = arith.constant 2 : i32
      %dma_start3A_951 = arith.constant 0 : i32
      %dma_start3A_952 = tpu.memref_slice %dma_start3A_949[%dma_start3A_950, %dma_start3A_951] : memref<16x64xf32, #tpu.memory_space<vmem>> -> memref<1x64xf32, #tpu.memory_space<vmem>>
      %dma_start3A_953 = arith.constant 0 : i32
      %dma_start3A_954 = tpu.memref_slice %arg4[%squeeze3A_938, %dma_start3A_953] : memref<16384x64xf32, #tpu.memory_space<hbm>> -> memref<1x64xf32, #tpu.memory_space<hbm>>
      tpu.enqueue_dma source(%dma_start3A_954 : memref<1x64xf32, #tpu.memory_space<hbm>>) target(%dma_start3A_952 : memref<1x64xf32, #tpu.memory_space<vmem>>) target_semaphore(%arg10 : memref<!tpu.dma_semaphore, #tpu.memory_space<semaphore_mem>>)
      %slice3A_955 = vector.extract_strided_slice %get3A_900 {offsets = [3], sizes = [1], strides = [1]} : vector<16xi32> to vector<1xi32>
      %squeeze3A_956 = vector.extract %slice3A_955[0] : i32 from vector<1xi32>
      %dma_start3A_957 = arith.constant 16 : i32
      %dma_start3A_958 = arith.constant 0 : i32
      %dma_start3A_959 = tpu.memref_slice %arg9[%dma_start3A_957, %dma_start3A_958] : memref<32x64xf32, #tpu.memory_space<vmem>> -> memref<16x64xf32, #tpu.memory_space<vmem>>
      %dma_start3A_960 = arith.constant 3 : i32
      %dma_start3A_961 = arith.constant 0 : i32
      %dma_start3A_962 = tpu.memref_slice %dma_start3A_959[%dma_start3A_960, %dma_start3A_961] : memref<16x64xf32, #tpu.memory_space<vmem>> -> memref<1x64xf32, #tpu.memory_space<vmem>>
      %dma_start3A_963 = arith.constant 0 : i32
      %dma_start3A_964 = tpu.memref_slice %arg4[%squeeze3A_956, %dma_start3A_963] : memref<16384x64xf32, #tpu.memory_space<hbm>> -> memref<1x64xf32, #tpu.memory_space<hbm>>
      %dma_start3A_965 = arith.constant 16 : i32
      %dma_start3A_966 = arith.constant 0 : i32
      %dma_start3A_967 = tpu.memref_slice %arg9[%dma_start3A_965, %dma_start3A_966] : memref<32x64xf32, #tpu.memory_space<vmem>> -> memref<16x64xf32, #tpu.memory_space<vmem>>
      %dma_start3A_968 = arith.constant 3 : i32
      %dma_start3A_969 = arith.constant 0 : i32
      %dma_start3A_970 = tpu.memref_slice %dma_start3A_967[%dma_start3A_968, %dma_start3A_969] : memref<16x64xf32, #tpu.memory_space<vmem>> -> memref<1x64xf32, #tpu.memory_space<vmem>>
      %dma_start3A_971 = arith.constant 0 : i32
      %dma_start3A_972 = tpu.memref_slice %arg4[%squeeze3A_956, %dma_start3A_971] : memref<16384x64xf32, #tpu.memory_space<hbm>> -> memref<1x64xf32, #tpu.memory_space<hbm>>
      tpu.enqueue_dma source(%dma_start3A_972 : memref<1x64xf32, #tpu.memory_space<hbm>>) target(%dma_start3A_970 : memref<1x64xf32, #tpu.memory_space<vmem>>) target_semaphore(%arg10 : memref<!tpu.dma_semaphore, #tpu.memory_space<semaphore_mem>>)
      %slice3A_973 = vector.extract_strided_slice %get3A_900 {offsets = [4], sizes = [1], strides = [1]} : vector<16xi32> to vector<1xi32>
      %squeeze3A_974 = vector.extract %slice3A_973[0] : i32 from vector<1xi32>
      %dma_start3A_975 = arith.constant 16 : i32
      %dma_start3A_976 = arith.constant 0 : i32
      %dma_start3A_977 = tpu.memref_slice %arg9[%dma_start3A_975, %dma_start3A_976] : memref<32x64xf32, #tpu.memory_space<vmem>> -> memref<16x64xf32, #tpu.memory_space<vmem>>
      %dma_start3A_978 = arith.constant 4 : i32
      %dma_start3A_979 = arith.constant 0 : i32
      %dma_start3A_980 = tpu.memref_slice %dma_start3A_977[%dma_start3A_978, %dma_start3A_979] : memref<16x64xf32, #tpu.memory_space<vmem>> -> memref<1x64xf32, #tpu.memory_space<vmem>>
      %dma_start3A_981 = arith.constant 0 : i32
      %dma_start3A_982 = tpu.memref_slice %arg4[%squeeze3A_974, %dma_start3A_981] : memref<16384x64xf32, #tpu.memory_space<hbm>> -> memref<1x64xf32, #tpu.memory_space<hbm>>
      %dma_start3A_983 = arith.constant 16 : i32
      %dma_start3A_984 = arith.constant 0 : i32
      %dma_start3A_985 = tpu.memref_slice %arg9[%dma_start3A_983, %dma_start3A_984] : memref<32x64xf32, #tpu.memory_space<vmem>> -> memref<16x64xf32, #tpu.memory_space<vmem>>
      %dma_start3A_986 = arith.constant 4 : i32
      %dma_start3A_987 = arith.constant 0 : i32
      %dma_start3A_988 = tpu.memref_slice %dma_start3A_985[%dma_start3A_986, %dma_start3A_987] : memref<16x64xf32, #tpu.memory_space<vmem>> -> memref<1x64xf32, #tpu.memory_space<vmem>>
      %dma_start3A_989 = arith.constant 0 : i32
      %dma_start3A_990 = tpu.memref_slice %arg4[%squeeze3A_974, %dma_start3A_989] : memref<16384x64xf32, #tpu.memory_space<hbm>> -> memref<1x64xf32, #tpu.memory_space<hbm>>
      tpu.enqueue_dma source(%dma_start3A_990 : memref<1x64xf32, #tpu.memory_space<hbm>>) target(%dma_start3A_988 : memref<1x64xf32, #tpu.memory_space<vmem>>) target_semaphore(%arg10 : memref<!tpu.dma_semaphore, #tpu.memory_space<semaphore_mem>>)
      %slice3A_991 = vector.extract_strided_slice %get3A_900 {offsets = [5], sizes = [1], strides = [1]} : vector<16xi32> to vector<1xi32>
      %squeeze3A_992 = vector.extract %slice3A_991[0] : i32 from vector<1xi32>
      %dma_start3A_993 = arith.constant 16 : i32
      %dma_start3A_994 = arith.constant 0 : i32
      %dma_start3A_995 = tpu.memref_slice %arg9[%dma_start3A_993, %dma_start3A_994] : memref<32x64xf32, #tpu.memory_space<vmem>> -> memref<16x64xf32, #tpu.memory_space<vmem>>
      %dma_start3A_996 = arith.constant 5 : i32
      %dma_start3A_997 = arith.constant 0 : i32
      %dma_start3A_998 = tpu.memref_slice %dma_start3A_995[%dma_start3A_996, %dma_start3A_997] : memref<16x64xf32, #tpu.memory_space<vmem>> -> memref<1x64xf32, #tpu.memory_space<vmem>>
      %dma_start3A_999 = arith.constant 0 : i32
      %dma_start3A_1000 = tpu.memref_slice %arg4[%squeeze3A_992, %dma_start3A_999] : memref<16384x64xf32, #tpu.memory_space<hbm>> -> memref<1x64xf32, #tpu.memory_space<hbm>>
      %dma_start3A_1001 = arith.constant 16 : i32
      %dma_start3A_1002 = arith.constant 0 : i32
      %dma_start3A_1003 = tpu.memref_slice %arg9[%dma_start3A_1001, %dma_start3A_1002] : memref<32x64xf32, #tpu.memory_space<vmem>> -> memref<16x64xf32, #tpu.memory_space<vmem>>
      %dma_start3A_1004 = arith.constant 5 : i32
      %dma_start3A_1005 = arith.constant 0 : i32
      %dma_start3A_1006 = tpu.memref_slice %dma_start3A_1003[%dma_start3A_1004, %dma_start3A_1005] : memref<16x64xf32, #tpu.memory_space<vmem>> -> memref<1x64xf32, #tpu.memory_space<vmem>>
      %dma_start3A_1007 = arith.constant 0 : i32
      %dma_start3A_1008 = tpu.memref_slice %arg4[%squeeze3A_992, %dma_start3A_1007] : memref<16384x64xf32, #tpu.memory_space<hbm>> -> memref<1x64xf32, #tpu.memory_space<hbm>>
      tpu.enqueue_dma source(%dma_start3A_1008 : memref<1x64xf32, #tpu.memory_space<hbm>>) target(%dma_start3A_1006 : memref<1x64xf32, #tpu.memory_space<vmem>>) target_semaphore(%arg10 : memref<!tpu.dma_semaphore, #tpu.memory_space<semaphore_mem>>)
      %slice3A_1009 = vector.extract_strided_slice %get3A_900 {offsets = [6], sizes = [1], strides = [1]} : vector<16xi32> to vector<1xi32>
      %squeeze3A_1010 = vector.extract %slice3A_1009[0] : i32 from vector<1xi32>
      %dma_start3A_1011 = arith.constant 16 : i32
      %dma_start3A_1012 = arith.constant 0 : i32
      %dma_start3A_1013 = tpu.memref_slice %arg9[%dma_start3A_1011, %dma_start3A_1012] : memref<32x64xf32, #tpu.memory_space<vmem>> -> memref<16x64xf32, #tpu.memory_space<vmem>>
      %dma_start3A_1014 = arith.constant 6 : i32
      %dma_start3A_1015 = arith.constant 0 : i32
      %dma_start3A_1016 = tpu.memref_slice %dma_start3A_1013[%dma_start3A_1014, %dma_start3A_1015] : memref<16x64xf32, #tpu.memory_space<vmem>> -> memref<1x64xf32, #tpu.memory_space<vmem>>
      %dma_start3A_1017 = arith.constant 0 : i32
      %dma_start3A_1018 = tpu.memref_slice %arg4[%squeeze3A_1010, %dma_start3A_1017] : memref<16384x64xf32, #tpu.memory_space<hbm>> -> memref<1x64xf32, #tpu.memory_space<hbm>>
      %dma_start3A_1019 = arith.constant 16 : i32
      %dma_start3A_1020 = arith.constant 0 : i32
      %dma_start3A_1021 = tpu.memref_slice %arg9[%dma_start3A_1019, %dma_start3A_1020] : memref<32x64xf32, #tpu.memory_space<vmem>> -> memref<16x64xf32, #tpu.memory_space<vmem>>
      %dma_start3A_1022 = arith.constant 6 : i32
      %dma_start3A_1023 = arith.constant 0 : i32
      %dma_start3A_1024 = tpu.memref_slice %dma_start3A_1021[%dma_start3A_1022, %dma_start3A_1023] : memref<16x64xf32, #tpu.memory_space<vmem>> -> memref<1x64xf32, #tpu.memory_space<vmem>>
      %dma_start3A_1025 = arith.constant 0 : i32
      %dma_start3A_1026 = tpu.memref_slice %arg4[%squeeze3A_1010, %dma_start3A_1025] : memref<16384x64xf32, #tpu.memory_space<hbm>> -> memref<1x64xf32, #tpu.memory_space<hbm>>
      tpu.enqueue_dma source(%dma_start3A_1026 : memref<1x64xf32, #tpu.memory_space<hbm>>) target(%dma_start3A_1024 : memref<1x64xf32, #tpu.memory_space<vmem>>) target_semaphore(%arg10 : memref<!tpu.dma_semaphore, #tpu.memory_space<semaphore_mem>>)
      %slice3A_1027 = vector.extract_strided_slice %get3A_900 {offsets = [7], sizes = [1], strides = [1]} : vector<16xi32> to vector<1xi32>
      %squeeze3A_1028 = vector.extract %slice3A_1027[0] : i32 from vector<1xi32>
      %dma_start3A_1029 = arith.constant 16 : i32
      %dma_start3A_1030 = arith.constant 0 : i32
      %dma_start3A_1031 = tpu.memref_slice %arg9[%dma_start3A_1029, %dma_start3A_1030] : memref<32x64xf32, #tpu.memory_space<vmem>> -> memref<16x64xf32, #tpu.memory_space<vmem>>
      %dma_start3A_1032 = arith.constant 7 : i32
      %dma_start3A_1033 = arith.constant 0 : i32
      %dma_start3A_1034 = tpu.memref_slice %dma_start3A_1031[%dma_start3A_1032, %dma_start3A_1033] : memref<16x64xf32, #tpu.memory_space<vmem>> -> memref<1x64xf32, #tpu.memory_space<vmem>>
      %dma_start3A_1035 = arith.constant 0 : i32
      %dma_start3A_1036 = tpu.memref_slice %arg4[%squeeze3A_1028, %dma_start3A_1035] : memref<16384x64xf32, #tpu.memory_space<hbm>> -> memref<1x64xf32, #tpu.memory_space<hbm>>
      %dma_start3A_1037 = arith.constant 16 : i32
      %dma_start3A_1038 = arith.constant 0 : i32
      %dma_start3A_1039 = tpu.memref_slice %arg9[%dma_start3A_1037, %dma_start3A_1038] : memref<32x64xf32, #tpu.memory_space<vmem>> -> memref<16x64xf32, #tpu.memory_space<vmem>>
      %dma_start3A_1040 = arith.constant 7 : i32
      %dma_start3A_1041 = arith.constant 0 : i32
      %dma_start3A_1042 = tpu.memref_slice %dma_start3A_1039[%dma_start3A_1040, %dma_start3A_1041] : memref<16x64xf32, #tpu.memory_space<vmem>> -> memref<1x64xf32, #tpu.memory_space<vmem>>
      %dma_start3A_1043 = arith.constant 0 : i32
      %dma_start3A_1044 = tpu.memref_slice %arg4[%squeeze3A_1028, %dma_start3A_1043] : memref<16384x64xf32, #tpu.memory_space<hbm>> -> memref<1x64xf32, #tpu.memory_space<hbm>>
      tpu.enqueue_dma source(%dma_start3A_1044 : memref<1x64xf32, #tpu.memory_space<hbm>>) target(%dma_start3A_1042 : memref<1x64xf32, #tpu.memory_space<vmem>>) target_semaphore(%arg10 : memref<!tpu.dma_semaphore, #tpu.memory_space<semaphore_mem>>)
      %slice3A_1045 = vector.extract_strided_slice %get3A_900 {offsets = [8], sizes = [1], strides = [1]} : vector<16xi32> to vector<1xi32>
      %squeeze3A_1046 = vector.extract %slice3A_1045[0] : i32 from vector<1xi32>
      %dma_start3A_1047 = arith.constant 16 : i32
      %dma_start3A_1048 = arith.constant 0 : i32
      %dma_start3A_1049 = tpu.memref_slice %arg9[%dma_start3A_1047, %dma_start3A_1048] : memref<32x64xf32, #tpu.memory_space<vmem>> -> memref<16x64xf32, #tpu.memory_space<vmem>>
      %dma_start3A_1050 = arith.constant 8 : i32
      %dma_start3A_1051 = arith.constant 0 : i32
      %dma_start3A_1052 = tpu.memref_slice %dma_start3A_1049[%dma_start3A_1050, %dma_start3A_1051] : memref<16x64xf32, #tpu.memory_space<vmem>> -> memref<1x64xf32, #tpu.memory_space<vmem>>
      %dma_start3A_1053 = arith.constant 0 : i32
      %dma_start3A_1054 = tpu.memref_slice %arg4[%squeeze3A_1046, %dma_start3A_1053] : memref<16384x64xf32, #tpu.memory_space<hbm>> -> memref<1x64xf32, #tpu.memory_space<hbm>>
      %dma_start3A_1055 = arith.constant 16 : i32
      %dma_start3A_1056 = arith.constant 0 : i32
      %dma_start3A_1057 = tpu.memref_slice %arg9[%dma_start3A_1055, %dma_start3A_1056] : memref<32x64xf32, #tpu.memory_space<vmem>> -> memref<16x64xf32, #tpu.memory_space<vmem>>
      %dma_start3A_1058 = arith.constant 8 : i32
      %dma_start3A_1059 = arith.constant 0 : i32
      %dma_start3A_1060 = tpu.memref_slice %dma_start3A_1057[%dma_start3A_1058, %dma_start3A_1059] : memref<16x64xf32, #tpu.memory_space<vmem>> -> memref<1x64xf32, #tpu.memory_space<vmem>>
      %dma_start3A_1061 = arith.constant 0 : i32
      %dma_start3A_1062 = tpu.memref_slice %arg4[%squeeze3A_1046, %dma_start3A_1061] : memref<16384x64xf32, #tpu.memory_space<hbm>> -> memref<1x64xf32, #tpu.memory_space<hbm>>
      tpu.enqueue_dma source(%dma_start3A_1062 : memref<1x64xf32, #tpu.memory_space<hbm>>) target(%dma_start3A_1060 : memref<1x64xf32, #tpu.memory_space<vmem>>) target_semaphore(%arg10 : memref<!tpu.dma_semaphore, #tpu.memory_space<semaphore_mem>>)
      %slice3A_1063 = vector.extract_strided_slice %get3A_900 {offsets = [9], sizes = [1], strides = [1]} : vector<16xi32> to vector<1xi32>
      %squeeze3A_1064 = vector.extract %slice3A_1063[0] : i32 from vector<1xi32>
      %dma_start3A_1065 = arith.constant 16 : i32
      %dma_start3A_1066 = arith.constant 0 : i32
      %dma_start3A_1067 = tpu.memref_slice %arg9[%dma_start3A_1065, %dma_start3A_1066] : memref<32x64xf32, #tpu.memory_space<vmem>> -> memref<16x64xf32, #tpu.memory_space<vmem>>
      %dma_start3A_1068 = arith.constant 9 : i32
      %dma_start3A_1069 = arith.constant 0 : i32
      %dma_start3A_1070 = tpu.memref_slice %dma_start3A_1067[%dma_start3A_1068, %dma_start3A_1069] : memref<16x64xf32, #tpu.memory_space<vmem>> -> memref<1x64xf32, #tpu.memory_space<vmem>>
      %dma_start3A_1071 = arith.constant 0 : i32
      %dma_start3A_1072 = tpu.memref_slice %arg4[%squeeze3A_1064, %dma_start3A_1071] : memref<16384x64xf32, #tpu.memory_space<hbm>> -> memref<1x64xf32, #tpu.memory_space<hbm>>
      %dma_start3A_1073 = arith.constant 16 : i32
      %dma_start3A_1074 = arith.constant 0 : i32
      %dma_start3A_1075 = tpu.memref_slice %arg9[%dma_start3A_1073, %dma_start3A_1074] : memref<32x64xf32, #tpu.memory_space<vmem>> -> memref<16x64xf32, #tpu.memory_space<vmem>>
      %dma_start3A_1076 = arith.constant 9 : i32
      %dma_start3A_1077 = arith.constant 0 : i32
      %dma_start3A_1078 = tpu.memref_slice %dma_start3A_1075[%dma_start3A_1076, %dma_start3A_1077] : memref<16x64xf32, #tpu.memory_space<vmem>> -> memref<1x64xf32, #tpu.memory_space<vmem>>
      %dma_start3A_1079 = arith.constant 0 : i32
      %dma_start3A_1080 = tpu.memref_slice %arg4[%squeeze3A_1064, %dma_start3A_1079] : memref<16384x64xf32, #tpu.memory_space<hbm>> -> memref<1x64xf32, #tpu.memory_space<hbm>>
      tpu.enqueue_dma source(%dma_start3A_1080 : memref<1x64xf32, #tpu.memory_space<hbm>>) target(%dma_start3A_1078 : memref<1x64xf32, #tpu.memory_space<vmem>>) target_semaphore(%arg10 : memref<!tpu.dma_semaphore, #tpu.memory_space<semaphore_mem>>)
      %slice3A_1081 = vector.extract_strided_slice %get3A_900 {offsets = [10], sizes = [1], strides = [1]} : vector<16xi32> to vector<1xi32>
      %squeeze3A_1082 = vector.extract %slice3A_1081[0] : i32 from vector<1xi32>
      %dma_start3A_1083 = arith.constant 16 : i32
      %dma_start3A_1084 = arith.constant 0 : i32
      %dma_start3A_1085 = tpu.memref_slice %arg9[%dma_start3A_1083, %dma_start3A_1084] : memref<32x64xf32, #tpu.memory_space<vmem>> -> memref<16x64xf32, #tpu.memory_space<vmem>>
      %dma_start3A_1086 = arith.constant 10 : i32
      %dma_start3A_1087 = arith.constant 0 : i32
      %dma_start3A_1088 = tpu.memref_slice %dma_start3A_1085[%dma_start3A_1086, %dma_start3A_1087] : memref<16x64xf32, #tpu.memory_space<vmem>> -> memref<1x64xf32, #tpu.memory_space<vmem>>
      %dma_start3A_1089 = arith.constant 0 : i32
      %dma_start3A_1090 = tpu.memref_slice %arg4[%squeeze3A_1082, %dma_start3A_1089] : memref<16384x64xf32, #tpu.memory_space<hbm>> -> memref<1x64xf32, #tpu.memory_space<hbm>>
      %dma_start3A_1091 = arith.constant 16 : i32
      %dma_start3A_1092 = arith.constant 0 : i32
      %dma_start3A_1093 = tpu.memref_slice %arg9[%dma_start3A_1091, %dma_start3A_1092] : memref<32x64xf32, #tpu.memory_space<vmem>> -> memref<16x64xf32, #tpu.memory_space<vmem>>
      %dma_start3A_1094 = arith.constant 10 : i32
      %dma_start3A_1095 = arith.constant 0 : i32
      %dma_start3A_1096 = tpu.memref_slice %dma_start3A_1093[%dma_start3A_1094, %dma_start3A_1095] : memref<16x64xf32, #tpu.memory_space<vmem>> -> memref<1x64xf32, #tpu.memory_space<vmem>>
      %dma_start3A_1097 = arith.constant 0 : i32
      %dma_start3A_1098 = tpu.memref_slice %arg4[%squeeze3A_1082, %dma_start3A_1097] : memref<16384x64xf32, #tpu.memory_space<hbm>> -> memref<1x64xf32, #tpu.memory_space<hbm>>
      tpu.enqueue_dma source(%dma_start3A_1098 : memref<1x64xf32, #tpu.memory_space<hbm>>) target(%dma_start3A_1096 : memref<1x64xf32, #tpu.memory_space<vmem>>) target_semaphore(%arg10 : memref<!tpu.dma_semaphore, #tpu.memory_space<semaphore_mem>>)
      %slice3A_1099 = vector.extract_strided_slice %get3A_900 {offsets = [11], sizes = [1], strides = [1]} : vector<16xi32> to vector<1xi32>
      %squeeze3A_1100 = vector.extract %slice3A_1099[0] : i32 from vector<1xi32>
      %dma_start3A_1101 = arith.constant 16 : i32
      %dma_start3A_1102 = arith.constant 0 : i32
      %dma_start3A_1103 = tpu.memref_slice %arg9[%dma_start3A_1101, %dma_start3A_1102] : memref<32x64xf32, #tpu.memory_space<vmem>> -> memref<16x64xf32, #tpu.memory_space<vmem>>
      %dma_start3A_1104 = arith.constant 11 : i32
      %dma_start3A_1105 = arith.constant 0 : i32
      %dma_start3A_1106 = tpu.memref_slice %dma_start3A_1103[%dma_start3A_1104, %dma_start3A_1105] : memref<16x64xf32, #tpu.memory_space<vmem>> -> memref<1x64xf32, #tpu.memory_space<vmem>>
      %dma_start3A_1107 = arith.constant 0 : i32
      %dma_start3A_1108 = tpu.memref_slice %arg4[%squeeze3A_1100, %dma_start3A_1107] : memref<16384x64xf32, #tpu.memory_space<hbm>> -> memref<1x64xf32, #tpu.memory_space<hbm>>
      %dma_start3A_1109 = arith.constant 16 : i32
      %dma_start3A_1110 = arith.constant 0 : i32
      %dma_start3A_1111 = tpu.memref_slice %arg9[%dma_start3A_1109, %dma_start3A_1110] : memref<32x64xf32, #tpu.memory_space<vmem>> -> memref<16x64xf32, #tpu.memory_space<vmem>>
      %dma_start3A_1112 = arith.constant 11 : i32
      %dma_start3A_1113 = arith.constant 0 : i32
      %dma_start3A_1114 = tpu.memref_slice %dma_start3A_1111[%dma_start3A_1112, %dma_start3A_1113] : memref<16x64xf32, #tpu.memory_space<vmem>> -> memref<1x64xf32, #tpu.memory_space<vmem>>
      %dma_start3A_1115 = arith.constant 0 : i32
      %dma_start3A_1116 = tpu.memref_slice %arg4[%squeeze3A_1100, %dma_start3A_1115] : memref<16384x64xf32, #tpu.memory_space<hbm>> -> memref<1x64xf32, #tpu.memory_space<hbm>>
      tpu.enqueue_dma source(%dma_start3A_1116 : memref<1x64xf32, #tpu.memory_space<hbm>>) target(%dma_start3A_1114 : memref<1x64xf32, #tpu.memory_space<vmem>>) target_semaphore(%arg10 : memref<!tpu.dma_semaphore, #tpu.memory_space<semaphore_mem>>)
      %slice3A_1117 = vector.extract_strided_slice %get3A_900 {offsets = [12], sizes = [1], strides = [1]} : vector<16xi32> to vector<1xi32>
      %squeeze3A_1118 = vector.extract %slice3A_1117[0] : i32 from vector<1xi32>
      %dma_start3A_1119 = arith.constant 16 : i32
      %dma_start3A_1120 = arith.constant 0 : i32
      %dma_start3A_1121 = tpu.memref_slice %arg9[%dma_start3A_1119, %dma_start3A_1120] : memref<32x64xf32, #tpu.memory_space<vmem>> -> memref<16x64xf32, #tpu.memory_space<vmem>>
      %dma_start3A_1122 = arith.constant 12 : i32
      %dma_start3A_1123 = arith.constant 0 : i32
      %dma_start3A_1124 = tpu.memref_slice %dma_start3A_1121[%dma_start3A_1122, %dma_start3A_1123] : memref<16x64xf32, #tpu.memory_space<vmem>> -> memref<1x64xf32, #tpu.memory_space<vmem>>
      %dma_start3A_1125 = arith.constant 0 : i32
      %dma_start3A_1126 = tpu.memref_slice %arg4[%squeeze3A_1118, %dma_start3A_1125] : memref<16384x64xf32, #tpu.memory_space<hbm>> -> memref<1x64xf32, #tpu.memory_space<hbm>>
      %dma_start3A_1127 = arith.constant 16 : i32
      %dma_start3A_1128 = arith.constant 0 : i32
      %dma_start3A_1129 = tpu.memref_slice %arg9[%dma_start3A_1127, %dma_start3A_1128] : memref<32x64xf32, #tpu.memory_space<vmem>> -> memref<16x64xf32, #tpu.memory_space<vmem>>
      %dma_start3A_1130 = arith.constant 12 : i32
      %dma_start3A_1131 = arith.constant 0 : i32
      %dma_start3A_1132 = tpu.memref_slice %dma_start3A_1129[%dma_start3A_1130, %dma_start3A_1131] : memref<16x64xf32, #tpu.memory_space<vmem>> -> memref<1x64xf32, #tpu.memory_space<vmem>>
      %dma_start3A_1133 = arith.constant 0 : i32
      %dma_start3A_1134 = tpu.memref_slice %arg4[%squeeze3A_1118, %dma_start3A_1133] : memref<16384x64xf32, #tpu.memory_space<hbm>> -> memref<1x64xf32, #tpu.memory_space<hbm>>
      tpu.enqueue_dma source(%dma_start3A_1134 : memref<1x64xf32, #tpu.memory_space<hbm>>) target(%dma_start3A_1132 : memref<1x64xf32, #tpu.memory_space<vmem>>) target_semaphore(%arg10 : memref<!tpu.dma_semaphore, #tpu.memory_space<semaphore_mem>>)
      %slice3A_1135 = vector.extract_strided_slice %get3A_900 {offsets = [13], sizes = [1], strides = [1]} : vector<16xi32> to vector<1xi32>
      %squeeze3A_1136 = vector.extract %slice3A_1135[0] : i32 from vector<1xi32>
      %dma_start3A_1137 = arith.constant 16 : i32
      %dma_start3A_1138 = arith.constant 0 : i32
      %dma_start3A_1139 = tpu.memref_slice %arg9[%dma_start3A_1137, %dma_start3A_1138] : memref<32x64xf32, #tpu.memory_space<vmem>> -> memref<16x64xf32, #tpu.memory_space<vmem>>
      %dma_start3A_1140 = arith.constant 13 : i32
      %dma_start3A_1141 = arith.constant 0 : i32
      %dma_start3A_1142 = tpu.memref_slice %dma_start3A_1139[%dma_start3A_1140, %dma_start3A_1141] : memref<16x64xf32, #tpu.memory_space<vmem>> -> memref<1x64xf32, #tpu.memory_space<vmem>>
      %dma_start3A_1143 = arith.constant 0 : i32
      %dma_start3A_1144 = tpu.memref_slice %arg4[%squeeze3A_1136, %dma_start3A_1143] : memref<16384x64xf32, #tpu.memory_space<hbm>> -> memref<1x64xf32, #tpu.memory_space<hbm>>
      %dma_start3A_1145 = arith.constant 16 : i32
      %dma_start3A_1146 = arith.constant 0 : i32
      %dma_start3A_1147 = tpu.memref_slice %arg9[%dma_start3A_1145, %dma_start3A_1146] : memref<32x64xf32, #tpu.memory_space<vmem>> -> memref<16x64xf32, #tpu.memory_space<vmem>>
      %dma_start3A_1148 = arith.constant 13 : i32
      %dma_start3A_1149 = arith.constant 0 : i32
      %dma_start3A_1150 = tpu.memref_slice %dma_start3A_1147[%dma_start3A_1148, %dma_start3A_1149] : memref<16x64xf32, #tpu.memory_space<vmem>> -> memref<1x64xf32, #tpu.memory_space<vmem>>
      %dma_start3A_1151 = arith.constant 0 : i32
      %dma_start3A_1152 = tpu.memref_slice %arg4[%squeeze3A_1136, %dma_start3A_1151] : memref<16384x64xf32, #tpu.memory_space<hbm>> -> memref<1x64xf32, #tpu.memory_space<hbm>>
      tpu.enqueue_dma source(%dma_start3A_1152 : memref<1x64xf32, #tpu.memory_space<hbm>>) target(%dma_start3A_1150 : memref<1x64xf32, #tpu.memory_space<vmem>>) target_semaphore(%arg10 : memref<!tpu.dma_semaphore, #tpu.memory_space<semaphore_mem>>)
      %slice3A_1153 = vector.extract_strided_slice %get3A_900 {offsets = [14], sizes = [1], strides = [1]} : vector<16xi32> to vector<1xi32>
      %squeeze3A_1154 = vector.extract %slice3A_1153[0] : i32 from vector<1xi32>
      %dma_start3A_1155 = arith.constant 16 : i32
      %dma_start3A_1156 = arith.constant 0 : i32
      %dma_start3A_1157 = tpu.memref_slice %arg9[%dma_start3A_1155, %dma_start3A_1156] : memref<32x64xf32, #tpu.memory_space<vmem>> -> memref<16x64xf32, #tpu.memory_space<vmem>>
      %dma_start3A_1158 = arith.constant 14 : i32
      %dma_start3A_1159 = arith.constant 0 : i32
      %dma_start3A_1160 = tpu.memref_slice %dma_start3A_1157[%dma_start3A_1158, %dma_start3A_1159] : memref<16x64xf32, #tpu.memory_space<vmem>> -> memref<1x64xf32, #tpu.memory_space<vmem>>
      %dma_start3A_1161 = arith.constant 0 : i32
      %dma_start3A_1162 = tpu.memref_slice %arg4[%squeeze3A_1154, %dma_start3A_1161] : memref<16384x64xf32, #tpu.memory_space<hbm>> -> memref<1x64xf32, #tpu.memory_space<hbm>>
      %dma_start3A_1163 = arith.constant 16 : i32
      %dma_start3A_1164 = arith.constant 0 : i32
      %dma_start3A_1165 = tpu.memref_slice %arg9[%dma_start3A_1163, %dma_start3A_1164] : memref<32x64xf32, #tpu.memory_space<vmem>> -> memref<16x64xf32, #tpu.memory_space<vmem>>
      %dma_start3A_1166 = arith.constant 14 : i32
      %dma_start3A_1167 = arith.constant 0 : i32
      %dma_start3A_1168 = tpu.memref_slice %dma_start3A_1165[%dma_start3A_1166, %dma_start3A_1167] : memref<16x64xf32, #tpu.memory_space<vmem>> -> memref<1x64xf32, #tpu.memory_space<vmem>>
      %dma_start3A_1169 = arith.constant 0 : i32
      %dma_start3A_1170 = tpu.memref_slice %arg4[%squeeze3A_1154, %dma_start3A_1169] : memref<16384x64xf32, #tpu.memory_space<hbm>> -> memref<1x64xf32, #tpu.memory_space<hbm>>
      tpu.enqueue_dma source(%dma_start3A_1170 : memref<1x64xf32, #tpu.memory_space<hbm>>) target(%dma_start3A_1168 : memref<1x64xf32, #tpu.memory_space<vmem>>) target_semaphore(%arg10 : memref<!tpu.dma_semaphore, #tpu.memory_space<semaphore_mem>>)
      %slice3A_1171 = vector.extract_strided_slice %get3A_900 {offsets = [15], sizes = [1], strides = [1]} : vector<16xi32> to vector<1xi32>
      %squeeze3A_1172 = vector.extract %slice3A_1171[0] : i32 from vector<1xi32>
      %dma_start3A_1173 = arith.constant 16 : i32
      %dma_start3A_1174 = arith.constant 0 : i32
      %dma_start3A_1175 = tpu.memref_slice %arg9[%dma_start3A_1173, %dma_start3A_1174] : memref<32x64xf32, #tpu.memory_space<vmem>> -> memref<16x64xf32, #tpu.memory_space<vmem>>
      %dma_start3A_1176 = arith.constant 15 : i32
      %dma_start3A_1177 = arith.constant 0 : i32
      %dma_start3A_1178 = tpu.memref_slice %dma_start3A_1175[%dma_start3A_1176, %dma_start3A_1177] : memref<16x64xf32, #tpu.memory_space<vmem>> -> memref<1x64xf32, #tpu.memory_space<vmem>>
      %dma_start3A_1179 = arith.constant 0 : i32
      %dma_start3A_1180 = tpu.memref_slice %arg4[%squeeze3A_1172, %dma_start3A_1179] : memref<16384x64xf32, #tpu.memory_space<hbm>> -> memref<1x64xf32, #tpu.memory_space<hbm>>
      %dma_start3A_1181 = arith.constant 16 : i32
      %dma_start3A_1182 = arith.constant 0 : i32
      %dma_start3A_1183 = tpu.memref_slice %arg9[%dma_start3A_1181, %dma_start3A_1182] : memref<32x64xf32, #tpu.memory_space<vmem>> -> memref<16x64xf32, #tpu.memory_space<vmem>>
      %dma_start3A_1184 = arith.constant 15 : i32
      %dma_start3A_1185 = arith.constant 0 : i32
      %dma_start3A_1186 = tpu.memref_slice %dma_start3A_1183[%dma_start3A_1184, %dma_start3A_1185] : memref<16x64xf32, #tpu.memory_space<vmem>> -> memref<1x64xf32, #tpu.memory_space<vmem>>
      %dma_start3A_1187 = arith.constant 0 : i32
      %dma_start3A_1188 = tpu.memref_slice %arg4[%squeeze3A_1172, %dma_start3A_1187] : memref<16384x64xf32, #tpu.memory_space<hbm>> -> memref<1x64xf32, #tpu.memory_space<hbm>>
      tpu.enqueue_dma source(%dma_start3A_1188 : memref<1x64xf32, #tpu.memory_space<hbm>>) target(%dma_start3A_1186 : memref<1x64xf32, #tpu.memory_space<vmem>>) target_semaphore(%arg10 : memref<!tpu.dma_semaphore, #tpu.memory_space<semaphore_mem>>)
      %dma_wait3A_1189 = arith.constant 16 : i32
      %dma_wait3A_1190 = arith.constant 0 : i32
      %dma_wait3A_1191 = tpu.memref_slice %arg9[%dma_wait3A_1189, %dma_wait3A_1190] : memref<32x64xf32, #tpu.memory_space<vmem>> -> memref<16x64xf32, #tpu.memory_space<vmem>>
      %dma_wait3A_1192 = arith.constant 0 : i32
      %dma_wait3A_1193 = arith.constant 0 : i32
      %dma_wait3A_1194 = tpu.memref_slice %dma_wait3A_1191[%dma_wait3A_1192, %dma_wait3A_1193] : memref<16x64xf32, #tpu.memory_space<vmem>> -> memref<1x64xf32, #tpu.memory_space<vmem>>
      %dma_wait3A_1195 = arith.constant 0 : i32
      %dma_wait3A_1196 = arith.constant 0 : i32
      %dma_wait3A_1197 = tpu.memref_slice %arg4[%dma_wait3A_1195, %dma_wait3A_1196] : memref<16384x64xf32, #tpu.memory_space<hbm>> -> memref<1x64xf32, #tpu.memory_space<hbm>>
      %dma_wait3A_1198 = arith.constant 16 : i32
      %dma_wait3A_1199 = arith.constant 0 : i32
      %dma_wait3A_1200 = tpu.memref_slice %arg9[%dma_wait3A_1198, %dma_wait3A_1199] : memref<32x64xf32, #tpu.memory_space<vmem>> -> memref<16x64xf32, #tpu.memory_space<vmem>>
      %dma_wait3A_1201 = arith.constant 0 : i32
      %dma_wait3A_1202 = arith.constant 0 : i32
      %dma_wait3A_1203 = tpu.memref_slice %dma_wait3A_1200[%dma_wait3A_1201, %dma_wait3A_1202] : memref<16x64xf32, #tpu.memory_space<vmem>> -> memref<1x64xf32, #tpu.memory_space<vmem>>
      %dma_wait3A_1204 = arith.constant 0 : i32
      %dma_wait3A_1205 = arith.constant 0 : i32
      %dma_wait3A_1206 = tpu.memref_slice %arg4[%dma_wait3A_1204, %dma_wait3A_1205] : memref<16384x64xf32, #tpu.memory_space<hbm>> -> memref<1x64xf32, #tpu.memory_space<hbm>>
      tpu.wait_dma2 semaphore(%arg10 : memref<!tpu.dma_semaphore, #tpu.memory_space<semaphore_mem>>) src(%dma_wait3A_1206 : memref<1x64xf32, #tpu.memory_space<hbm>>) dst(%dma_wait3A_1203 : memref<1x64xf32, #tpu.memory_space<vmem>>)
      %dma_wait3A_1207 = arith.constant 16 : i32
      %dma_wait3A_1208 = arith.constant 0 : i32
      %dma_wait3A_1209 = tpu.memref_slice %arg9[%dma_wait3A_1207, %dma_wait3A_1208] : memref<32x64xf32, #tpu.memory_space<vmem>> -> memref<16x64xf32, #tpu.memory_space<vmem>>
      %dma_wait3A_1210 = arith.constant 1 : i32
      %dma_wait3A_1211 = arith.constant 0 : i32
      %dma_wait3A_1212 = tpu.memref_slice %dma_wait3A_1209[%dma_wait3A_1210, %dma_wait3A_1211] : memref<16x64xf32, #tpu.memory_space<vmem>> -> memref<1x64xf32, #tpu.memory_space<vmem>>
      %dma_wait3A_1213 = arith.constant 0 : i32
      %dma_wait3A_1214 = arith.constant 0 : i32
      %dma_wait3A_1215 = tpu.memref_slice %arg4[%dma_wait3A_1213, %dma_wait3A_1214] : memref<16384x64xf32, #tpu.memory_space<hbm>> -> memref<1x64xf32, #tpu.memory_space<hbm>>
      %dma_wait3A_1216 = arith.constant 16 : i32
      %dma_wait3A_1217 = arith.constant 0 : i32
      %dma_wait3A_1218 = tpu.memref_slice %arg9[%dma_wait3A_1216, %dma_wait3A_1217] : memref<32x64xf32, #tpu.memory_space<vmem>> -> memref<16x64xf32, #tpu.memory_space<vmem>>
      %dma_wait3A_1219 = arith.constant 1 : i32
      %dma_wait3A_1220 = arith.constant 0 : i32
      %dma_wait3A_1221 = tpu.memref_slice %dma_wait3A_1218[%dma_wait3A_1219, %dma_wait3A_1220] : memref<16x64xf32, #tpu.memory_space<vmem>> -> memref<1x64xf32, #tpu.memory_space<vmem>>
      %dma_wait3A_1222 = arith.constant 0 : i32
      %dma_wait3A_1223 = arith.constant 0 : i32
      %dma_wait3A_1224 = tpu.memref_slice %arg4[%dma_wait3A_1222, %dma_wait3A_1223] : memref<16384x64xf32, #tpu.memory_space<hbm>> -> memref<1x64xf32, #tpu.memory_space<hbm>>
      tpu.wait_dma2 semaphore(%arg10 : memref<!tpu.dma_semaphore, #tpu.memory_space<semaphore_mem>>) src(%dma_wait3A_1224 : memref<1x64xf32, #tpu.memory_space<hbm>>) dst(%dma_wait3A_1221 : memref<1x64xf32, #tpu.memory_space<vmem>>)
      %dma_wait3A_1225 = arith.constant 16 : i32
      %dma_wait3A_1226 = arith.constant 0 : i32
      %dma_wait3A_1227 = tpu.memref_slice %arg9[%dma_wait3A_1225, %dma_wait3A_1226] : memref<32x64xf32, #tpu.memory_space<vmem>> -> memref<16x64xf32, #tpu.memory_space<vmem>>
      %dma_wait3A_1228 = arith.constant 2 : i32
      %dma_wait3A_1229 = arith.constant 0 : i32
      %dma_wait3A_1230 = tpu.memref_slice %dma_wait3A_1227[%dma_wait3A_1228, %dma_wait3A_1229] : memref<16x64xf32, #tpu.memory_space<vmem>> -> memref<1x64xf32, #tpu.memory_space<vmem>>
      %dma_wait3A_1231 = arith.constant 0 : i32
      %dma_wait3A_1232 = arith.constant 0 : i32
      %dma_wait3A_1233 = tpu.memref_slice %arg4[%dma_wait3A_1231, %dma_wait3A_1232] : memref<16384x64xf32, #tpu.memory_space<hbm>> -> memref<1x64xf32, #tpu.memory_space<hbm>>
      %dma_wait3A_1234 = arith.constant 16 : i32
      %dma_wait3A_1235 = arith.constant 0 : i32
      %dma_wait3A_1236 = tpu.memref_slice %arg9[%dma_wait3A_1234, %dma_wait3A_1235] : memref<32x64xf32, #tpu.memory_space<vmem>> -> memref<16x64xf32, #tpu.memory_space<vmem>>
      %dma_wait3A_1237 = arith.constant 2 : i32
      %dma_wait3A_1238 = arith.constant 0 : i32
      %dma_wait3A_1239 = tpu.memref_slice %dma_wait3A_1236[%dma_wait3A_1237, %dma_wait3A_1238] : memref<16x64xf32, #tpu.memory_space<vmem>> -> memref<1x64xf32, #tpu.memory_space<vmem>>
      %dma_wait3A_1240 = arith.constant 0 : i32
      %dma_wait3A_1241 = arith.constant 0 : i32
      %dma_wait3A_1242 = tpu.memref_slice %arg4[%dma_wait3A_1240, %dma_wait3A_1241] : memref<16384x64xf32, #tpu.memory_space<hbm>> -> memref<1x64xf32, #tpu.memory_space<hbm>>
      tpu.wait_dma2 semaphore(%arg10 : memref<!tpu.dma_semaphore, #tpu.memory_space<semaphore_mem>>) src(%dma_wait3A_1242 : memref<1x64xf32, #tpu.memory_space<hbm>>) dst(%dma_wait3A_1239 : memref<1x64xf32, #tpu.memory_space<vmem>>)
      %dma_wait3A_1243 = arith.constant 16 : i32
      %dma_wait3A_1244 = arith.constant 0 : i32
      %dma_wait3A_1245 = tpu.memref_slice %arg9[%dma_wait3A_1243, %dma_wait3A_1244] : memref<32x64xf32, #tpu.memory_space<vmem>> -> memref<16x64xf32, #tpu.memory_space<vmem>>
      %dma_wait3A_1246 = arith.constant 3 : i32
      %dma_wait3A_1247 = arith.constant 0 : i32
      %dma_wait3A_1248 = tpu.memref_slice %dma_wait3A_1245[%dma_wait3A_1246, %dma_wait3A_1247] : memref<16x64xf32, #tpu.memory_space<vmem>> -> memref<1x64xf32, #tpu.memory_space<vmem>>
      %dma_wait3A_1249 = arith.constant 0 : i32
      %dma_wait3A_1250 = arith.constant 0 : i32
      %dma_wait3A_1251 = tpu.memref_slice %arg4[%dma_wait3A_1249, %dma_wait3A_1250] : memref<16384x64xf32, #tpu.memory_space<hbm>> -> memref<1x64xf32, #tpu.memory_space<hbm>>
      %dma_wait3A_1252 = arith.constant 16 : i32
      %dma_wait3A_1253 = arith.constant 0 : i32
      %dma_wait3A_1254 = tpu.memref_slice %arg9[%dma_wait3A_1252, %dma_wait3A_1253] : memref<32x64xf32, #tpu.memory_space<vmem>> -> memref<16x64xf32, #tpu.memory_space<vmem>>
      %dma_wait3A_1255 = arith.constant 3 : i32
      %dma_wait3A_1256 = arith.constant 0 : i32
      %dma_wait3A_1257 = tpu.memref_slice %dma_wait3A_1254[%dma_wait3A_1255, %dma_wait3A_1256] : memref<16x64xf32, #tpu.memory_space<vmem>> -> memref<1x64xf32, #tpu.memory_space<vmem>>
      %dma_wait3A_1258 = arith.constant 0 : i32
      %dma_wait3A_1259 = arith.constant 0 : i32
      %dma_wait3A_1260 = tpu.memref_slice %arg4[%dma_wait3A_1258, %dma_wait3A_1259] : memref<16384x64xf32, #tpu.memory_space<hbm>> -> memref<1x64xf32, #tpu.memory_space<hbm>>
      tpu.wait_dma2 semaphore(%arg10 : memref<!tpu.dma_semaphore, #tpu.memory_space<semaphore_mem>>) src(%dma_wait3A_1260 : memref<1x64xf32, #tpu.memory_space<hbm>>) dst(%dma_wait3A_1257 : memref<1x64xf32, #tpu.memory_space<vmem>>)
      %dma_wait3A_1261 = arith.constant 16 : i32
      %dma_wait3A_1262 = arith.constant 0 : i32
      %dma_wait3A_1263 = tpu.memref_slice %arg9[%dma_wait3A_1261, %dma_wait3A_1262] : memref<32x64xf32, #tpu.memory_space<vmem>> -> memref<16x64xf32, #tpu.memory_space<vmem>>
      %dma_wait3A_1264 = arith.constant 4 : i32
      %dma_wait3A_1265 = arith.constant 0 : i32
      %dma_wait3A_1266 = tpu.memref_slice %dma_wait3A_1263[%dma_wait3A_1264, %dma_wait3A_1265] : memref<16x64xf32, #tpu.memory_space<vmem>> -> memref<1x64xf32, #tpu.memory_space<vmem>>
      %dma_wait3A_1267 = arith.constant 0 : i32
      %dma_wait3A_1268 = arith.constant 0 : i32
      %dma_wait3A_1269 = tpu.memref_slice %arg4[%dma_wait3A_1267, %dma_wait3A_1268] : memref<16384x64xf32, #tpu.memory_space<hbm>> -> memref<1x64xf32, #tpu.memory_space<hbm>>
      %dma_wait3A_1270 = arith.constant 16 : i32
      %dma_wait3A_1271 = arith.constant 0 : i32
      %dma_wait3A_1272 = tpu.memref_slice %arg9[%dma_wait3A_1270, %dma_wait3A_1271] : memref<32x64xf32, #tpu.memory_space<vmem>> -> memref<16x64xf32, #tpu.memory_space<vmem>>
      %dma_wait3A_1273 = arith.constant 4 : i32
      %dma_wait3A_1274 = arith.constant 0 : i32
      %dma_wait3A_1275 = tpu.memref_slice %dma_wait3A_1272[%dma_wait3A_1273, %dma_wait3A_1274] : memref<16x64xf32, #tpu.memory_space<vmem>> -> memref<1x64xf32, #tpu.memory_space<vmem>>
      %dma_wait3A_1276 = arith.constant 0 : i32
      %dma_wait3A_1277 = arith.constant 0 : i32
      %dma_wait3A_1278 = tpu.memref_slice %arg4[%dma_wait3A_1276, %dma_wait3A_1277] : memref<16384x64xf32, #tpu.memory_space<hbm>> -> memref<1x64xf32, #tpu.memory_space<hbm>>
      tpu.wait_dma2 semaphore(%arg10 : memref<!tpu.dma_semaphore, #tpu.memory_space<semaphore_mem>>) src(%dma_wait3A_1278 : memref<1x64xf32, #tpu.memory_space<hbm>>) dst(%dma_wait3A_1275 : memref<1x64xf32, #tpu.memory_space<vmem>>)
      %dma_wait3A_1279 = arith.constant 16 : i32
      %dma_wait3A_1280 = arith.constant 0 : i32
      %dma_wait3A_1281 = tpu.memref_slice %arg9[%dma_wait3A_1279, %dma_wait3A_1280] : memref<32x64xf32, #tpu.memory_space<vmem>> -> memref<16x64xf32, #tpu.memory_space<vmem>>
      %dma_wait3A_1282 = arith.constant 5 : i32
      %dma_wait3A_1283 = arith.constant 0 : i32
      %dma_wait3A_1284 = tpu.memref_slice %dma_wait3A_1281[%dma_wait3A_1282, %dma_wait3A_1283] : memref<16x64xf32, #tpu.memory_space<vmem>> -> memref<1x64xf32, #tpu.memory_space<vmem>>
      %dma_wait3A_1285 = arith.constant 0 : i32
      %dma_wait3A_1286 = arith.constant 0 : i32
      %dma_wait3A_1287 = tpu.memref_slice %arg4[%dma_wait3A_1285, %dma_wait3A_1286] : memref<16384x64xf32, #tpu.memory_space<hbm>> -> memref<1x64xf32, #tpu.memory_space<hbm>>
      %dma_wait3A_1288 = arith.constant 16 : i32
      %dma_wait3A_1289 = arith.constant 0 : i32
      %dma_wait3A_1290 = tpu.memref_slice %arg9[%dma_wait3A_1288, %dma_wait3A_1289] : memref<32x64xf32, #tpu.memory_space<vmem>> -> memref<16x64xf32, #tpu.memory_space<vmem>>
      %dma_wait3A_1291 = arith.constant 5 : i32
      %dma_wait3A_1292 = arith.constant 0 : i32
      %dma_wait3A_1293 = tpu.memref_slice %dma_wait3A_1290[%dma_wait3A_1291, %dma_wait3A_1292] : memref<16x64xf32, #tpu.memory_space<vmem>> -> memref<1x64xf32, #tpu.memory_space<vmem>>
      %dma_wait3A_1294 = arith.constant 0 : i32
      %dma_wait3A_1295 = arith.constant 0 : i32
      %dma_wait3A_1296 = tpu.memref_slice %arg4[%dma_wait3A_1294, %dma_wait3A_1295] : memref<16384x64xf32, #tpu.memory_space<hbm>> -> memref<1x64xf32, #tpu.memory_space<hbm>>
      tpu.wait_dma2 semaphore(%arg10 : memref<!tpu.dma_semaphore, #tpu.memory_space<semaphore_mem>>) src(%dma_wait3A_1296 : memref<1x64xf32, #tpu.memory_space<hbm>>) dst(%dma_wait3A_1293 : memref<1x64xf32, #tpu.memory_space<vmem>>)
      %dma_wait3A_1297 = arith.constant 16 : i32
      %dma_wait3A_1298 = arith.constant 0 : i32
      %dma_wait3A_1299 = tpu.memref_slice %arg9[%dma_wait3A_1297, %dma_wait3A_1298] : memref<32x64xf32, #tpu.memory_space<vmem>> -> memref<16x64xf32, #tpu.memory_space<vmem>>
      %dma_wait3A_1300 = arith.constant 6 : i32
      %dma_wait3A_1301 = arith.constant 0 : i32
      %dma_wait3A_1302 = tpu.memref_slice %dma_wait3A_1299[%dma_wait3A_1300, %dma_wait3A_1301] : memref<16x64xf32, #tpu.memory_space<vmem>> -> memref<1x64xf32, #tpu.memory_space<vmem>>
      %dma_wait3A_1303 = arith.constant 0 : i32
      %dma_wait3A_1304 = arith.constant 0 : i32
      %dma_wait3A_1305 = tpu.memref_slice %arg4[%dma_wait3A_1303, %dma_wait3A_1304] : memref<16384x64xf32, #tpu.memory_space<hbm>> -> memref<1x64xf32, #tpu.memory_space<hbm>>
      %dma_wait3A_1306 = arith.constant 16 : i32
      %dma_wait3A_1307 = arith.constant 0 : i32
      %dma_wait3A_1308 = tpu.memref_slice %arg9[%dma_wait3A_1306, %dma_wait3A_1307] : memref<32x64xf32, #tpu.memory_space<vmem>> -> memref<16x64xf32, #tpu.memory_space<vmem>>
      %dma_wait3A_1309 = arith.constant 6 : i32
      %dma_wait3A_1310 = arith.constant 0 : i32
      %dma_wait3A_1311 = tpu.memref_slice %dma_wait3A_1308[%dma_wait3A_1309, %dma_wait3A_1310] : memref<16x64xf32, #tpu.memory_space<vmem>> -> memref<1x64xf32, #tpu.memory_space<vmem>>
      %dma_wait3A_1312 = arith.constant 0 : i32
      %dma_wait3A_1313 = arith.constant 0 : i32
      %dma_wait3A_1314 = tpu.memref_slice %arg4[%dma_wait3A_1312, %dma_wait3A_1313] : memref<16384x64xf32, #tpu.memory_space<hbm>> -> memref<1x64xf32, #tpu.memory_space<hbm>>
      tpu.wait_dma2 semaphore(%arg10 : memref<!tpu.dma_semaphore, #tpu.memory_space<semaphore_mem>>) src(%dma_wait3A_1314 : memref<1x64xf32, #tpu.memory_space<hbm>>) dst(%dma_wait3A_1311 : memref<1x64xf32, #tpu.memory_space<vmem>>)
      %dma_wait3A_1315 = arith.constant 16 : i32
      %dma_wait3A_1316 = arith.constant 0 : i32
      %dma_wait3A_1317 = tpu.memref_slice %arg9[%dma_wait3A_1315, %dma_wait3A_1316] : memref<32x64xf32, #tpu.memory_space<vmem>> -> memref<16x64xf32, #tpu.memory_space<vmem>>
      %dma_wait3A_1318 = arith.constant 7 : i32
      %dma_wait3A_1319 = arith.constant 0 : i32
      %dma_wait3A_1320 = tpu.memref_slice %dma_wait3A_1317[%dma_wait3A_1318, %dma_wait3A_1319] : memref<16x64xf32, #tpu.memory_space<vmem>> -> memref<1x64xf32, #tpu.memory_space<vmem>>
      %dma_wait3A_1321 = arith.constant 0 : i32
      %dma_wait3A_1322 = arith.constant 0 : i32
      %dma_wait3A_1323 = tpu.memref_slice %arg4[%dma_wait3A_1321, %dma_wait3A_1322] : memref<16384x64xf32, #tpu.memory_space<hbm>> -> memref<1x64xf32, #tpu.memory_space<hbm>>
      %dma_wait3A_1324 = arith.constant 16 : i32
      %dma_wait3A_1325 = arith.constant 0 : i32
      %dma_wait3A_1326 = tpu.memref_slice %arg9[%dma_wait3A_1324, %dma_wait3A_1325] : memref<32x64xf32, #tpu.memory_space<vmem>> -> memref<16x64xf32, #tpu.memory_space<vmem>>
      %dma_wait3A_1327 = arith.constant 7 : i32
      %dma_wait3A_1328 = arith.constant 0 : i32
      %dma_wait3A_1329 = tpu.memref_slice %dma_wait3A_1326[%dma_wait3A_1327, %dma_wait3A_1328] : memref<16x64xf32, #tpu.memory_space<vmem>> -> memref<1x64xf32, #tpu.memory_space<vmem>>
      %dma_wait3A_1330 = arith.constant 0 : i32
      %dma_wait3A_1331 = arith.constant 0 : i32
      %dma_wait3A_1332 = tpu.memref_slice %arg4[%dma_wait3A_1330, %dma_wait3A_1331] : memref<16384x64xf32, #tpu.memory_space<hbm>> -> memref<1x64xf32, #tpu.memory_space<hbm>>
      tpu.wait_dma2 semaphore(%arg10 : memref<!tpu.dma_semaphore, #tpu.memory_space<semaphore_mem>>) src(%dma_wait3A_1332 : memref<1x64xf32, #tpu.memory_space<hbm>>) dst(%dma_wait3A_1329 : memref<1x64xf32, #tpu.memory_space<vmem>>)
      %dma_wait3A_1333 = arith.constant 16 : i32
      %dma_wait3A_1334 = arith.constant 0 : i32
      %dma_wait3A_1335 = tpu.memref_slice %arg9[%dma_wait3A_1333, %dma_wait3A_1334] : memref<32x64xf32, #tpu.memory_space<vmem>> -> memref<16x64xf32, #tpu.memory_space<vmem>>
      %dma_wait3A_1336 = arith.constant 8 : i32
      %dma_wait3A_1337 = arith.constant 0 : i32
      %dma_wait3A_1338 = tpu.memref_slice %dma_wait3A_1335[%dma_wait3A_1336, %dma_wait3A_1337] : memref<16x64xf32, #tpu.memory_space<vmem>> -> memref<1x64xf32, #tpu.memory_space<vmem>>
      %dma_wait3A_1339 = arith.constant 0 : i32
      %dma_wait3A_1340 = arith.constant 0 : i32
      %dma_wait3A_1341 = tpu.memref_slice %arg4[%dma_wait3A_1339, %dma_wait3A_1340] : memref<16384x64xf32, #tpu.memory_space<hbm>> -> memref<1x64xf32, #tpu.memory_space<hbm>>
      %dma_wait3A_1342 = arith.constant 16 : i32
      %dma_wait3A_1343 = arith.constant 0 : i32
      %dma_wait3A_1344 = tpu.memref_slice %arg9[%dma_wait3A_1342, %dma_wait3A_1343] : memref<32x64xf32, #tpu.memory_space<vmem>> -> memref<16x64xf32, #tpu.memory_space<vmem>>
      %dma_wait3A_1345 = arith.constant 8 : i32
      %dma_wait3A_1346 = arith.constant 0 : i32
      %dma_wait3A_1347 = tpu.memref_slice %dma_wait3A_1344[%dma_wait3A_1345, %dma_wait3A_1346] : memref<16x64xf32, #tpu.memory_space<vmem>> -> memref<1x64xf32, #tpu.memory_space<vmem>>
      %dma_wait3A_1348 = arith.constant 0 : i32
      %dma_wait3A_1349 = arith.constant 0 : i32
      %dma_wait3A_1350 = tpu.memref_slice %arg4[%dma_wait3A_1348, %dma_wait3A_1349] : memref<16384x64xf32, #tpu.memory_space<hbm>> -> memref<1x64xf32, #tpu.memory_space<hbm>>
      tpu.wait_dma2 semaphore(%arg10 : memref<!tpu.dma_semaphore, #tpu.memory_space<semaphore_mem>>) src(%dma_wait3A_1350 : memref<1x64xf32, #tpu.memory_space<hbm>>) dst(%dma_wait3A_1347 : memref<1x64xf32, #tpu.memory_space<vmem>>)
      %dma_wait3A_1351 = arith.constant 16 : i32
      %dma_wait3A_1352 = arith.constant 0 : i32
      %dma_wait3A_1353 = tpu.memref_slice %arg9[%dma_wait3A_1351, %dma_wait3A_1352] : memref<32x64xf32, #tpu.memory_space<vmem>> -> memref<16x64xf32, #tpu.memory_space<vmem>>
      %dma_wait3A_1354 = arith.constant 9 : i32
      %dma_wait3A_1355 = arith.constant 0 : i32
      %dma_wait3A_1356 = tpu.memref_slice %dma_wait3A_1353[%dma_wait3A_1354, %dma_wait3A_1355] : memref<16x64xf32, #tpu.memory_space<vmem>> -> memref<1x64xf32, #tpu.memory_space<vmem>>
      %dma_wait3A_1357 = arith.constant 0 : i32
      %dma_wait3A_1358 = arith.constant 0 : i32
      %dma_wait3A_1359 = tpu.memref_slice %arg4[%dma_wait3A_1357, %dma_wait3A_1358] : memref<16384x64xf32, #tpu.memory_space<hbm>> -> memref<1x64xf32, #tpu.memory_space<hbm>>
      %dma_wait3A_1360 = arith.constant 16 : i32
      %dma_wait3A_1361 = arith.constant 0 : i32
      %dma_wait3A_1362 = tpu.memref_slice %arg9[%dma_wait3A_1360, %dma_wait3A_1361] : memref<32x64xf32, #tpu.memory_space<vmem>> -> memref<16x64xf32, #tpu.memory_space<vmem>>
      %dma_wait3A_1363 = arith.constant 9 : i32
      %dma_wait3A_1364 = arith.constant 0 : i32
      %dma_wait3A_1365 = tpu.memref_slice %dma_wait3A_1362[%dma_wait3A_1363, %dma_wait3A_1364] : memref<16x64xf32, #tpu.memory_space<vmem>> -> memref<1x64xf32, #tpu.memory_space<vmem>>
      %dma_wait3A_1366 = arith.constant 0 : i32
      %dma_wait3A_1367 = arith.constant 0 : i32
      %dma_wait3A_1368 = tpu.memref_slice %arg4[%dma_wait3A_1366, %dma_wait3A_1367] : memref<16384x64xf32, #tpu.memory_space<hbm>> -> memref<1x64xf32, #tpu.memory_space<hbm>>
      tpu.wait_dma2 semaphore(%arg10 : memref<!tpu.dma_semaphore, #tpu.memory_space<semaphore_mem>>) src(%dma_wait3A_1368 : memref<1x64xf32, #tpu.memory_space<hbm>>) dst(%dma_wait3A_1365 : memref<1x64xf32, #tpu.memory_space<vmem>>)
      %dma_wait3A_1369 = arith.constant 16 : i32
      %dma_wait3A_1370 = arith.constant 0 : i32
      %dma_wait3A_1371 = tpu.memref_slice %arg9[%dma_wait3A_1369, %dma_wait3A_1370] : memref<32x64xf32, #tpu.memory_space<vmem>> -> memref<16x64xf32, #tpu.memory_space<vmem>>
      %dma_wait3A_1372 = arith.constant 10 : i32
      %dma_wait3A_1373 = arith.constant 0 : i32
      %dma_wait3A_1374 = tpu.memref_slice %dma_wait3A_1371[%dma_wait3A_1372, %dma_wait3A_1373] : memref<16x64xf32, #tpu.memory_space<vmem>> -> memref<1x64xf32, #tpu.memory_space<vmem>>
      %dma_wait3A_1375 = arith.constant 0 : i32
      %dma_wait3A_1376 = arith.constant 0 : i32
      %dma_wait3A_1377 = tpu.memref_slice %arg4[%dma_wait3A_1375, %dma_wait3A_1376] : memref<16384x64xf32, #tpu.memory_space<hbm>> -> memref<1x64xf32, #tpu.memory_space<hbm>>
      %dma_wait3A_1378 = arith.constant 16 : i32
      %dma_wait3A_1379 = arith.constant 0 : i32
      %dma_wait3A_1380 = tpu.memref_slice %arg9[%dma_wait3A_1378, %dma_wait3A_1379] : memref<32x64xf32, #tpu.memory_space<vmem>> -> memref<16x64xf32, #tpu.memory_space<vmem>>
      %dma_wait3A_1381 = arith.constant 10 : i32
      %dma_wait3A_1382 = arith.constant 0 : i32
      %dma_wait3A_1383 = tpu.memref_slice %dma_wait3A_1380[%dma_wait3A_1381, %dma_wait3A_1382] : memref<16x64xf32, #tpu.memory_space<vmem>> -> memref<1x64xf32, #tpu.memory_space<vmem>>
      %dma_wait3A_1384 = arith.constant 0 : i32
      %dma_wait3A_1385 = arith.constant 0 : i32
      %dma_wait3A_1386 = tpu.memref_slice %arg4[%dma_wait3A_1384, %dma_wait3A_1385] : memref<16384x64xf32, #tpu.memory_space<hbm>> -> memref<1x64xf32, #tpu.memory_space<hbm>>
      tpu.wait_dma2 semaphore(%arg10 : memref<!tpu.dma_semaphore, #tpu.memory_space<semaphore_mem>>) src(%dma_wait3A_1386 : memref<1x64xf32, #tpu.memory_space<hbm>>) dst(%dma_wait3A_1383 : memref<1x64xf32, #tpu.memory_space<vmem>>)
      %dma_wait3A_1387 = arith.constant 16 : i32
      %dma_wait3A_1388 = arith.constant 0 : i32
      %dma_wait3A_1389 = tpu.memref_slice %arg9[%dma_wait3A_1387, %dma_wait3A_1388] : memref<32x64xf32, #tpu.memory_space<vmem>> -> memref<16x64xf32, #tpu.memory_space<vmem>>
      %dma_wait3A_1390 = arith.constant 11 : i32
      %dma_wait3A_1391 = arith.constant 0 : i32
      %dma_wait3A_1392 = tpu.memref_slice %dma_wait3A_1389[%dma_wait3A_1390, %dma_wait3A_1391] : memref<16x64xf32, #tpu.memory_space<vmem>> -> memref<1x64xf32, #tpu.memory_space<vmem>>
      %dma_wait3A_1393 = arith.constant 0 : i32
      %dma_wait3A_1394 = arith.constant 0 : i32
      %dma_wait3A_1395 = tpu.memref_slice %arg4[%dma_wait3A_1393, %dma_wait3A_1394] : memref<16384x64xf32, #tpu.memory_space<hbm>> -> memref<1x64xf32, #tpu.memory_space<hbm>>
      %dma_wait3A_1396 = arith.constant 16 : i32
      %dma_wait3A_1397 = arith.constant 0 : i32
      %dma_wait3A_1398 = tpu.memref_slice %arg9[%dma_wait3A_1396, %dma_wait3A_1397] : memref<32x64xf32, #tpu.memory_space<vmem>> -> memref<16x64xf32, #tpu.memory_space<vmem>>
      %dma_wait3A_1399 = arith.constant 11 : i32
      %dma_wait3A_1400 = arith.constant 0 : i32
      %dma_wait3A_1401 = tpu.memref_slice %dma_wait3A_1398[%dma_wait3A_1399, %dma_wait3A_1400] : memref<16x64xf32, #tpu.memory_space<vmem>> -> memref<1x64xf32, #tpu.memory_space<vmem>>
      %dma_wait3A_1402 = arith.constant 0 : i32
      %dma_wait3A_1403 = arith.constant 0 : i32
      %dma_wait3A_1404 = tpu.memref_slice %arg4[%dma_wait3A_1402, %dma_wait3A_1403] : memref<16384x64xf32, #tpu.memory_space<hbm>> -> memref<1x64xf32, #tpu.memory_space<hbm>>
      tpu.wait_dma2 semaphore(%arg10 : memref<!tpu.dma_semaphore, #tpu.memory_space<semaphore_mem>>) src(%dma_wait3A_1404 : memref<1x64xf32, #tpu.memory_space<hbm>>) dst(%dma_wait3A_1401 : memref<1x64xf32, #tpu.memory_space<vmem>>)
      %dma_wait3A_1405 = arith.constant 16 : i32
      %dma_wait3A_1406 = arith.constant 0 : i32
      %dma_wait3A_1407 = tpu.memref_slice %arg9[%dma_wait3A_1405, %dma_wait3A_1406] : memref<32x64xf32, #tpu.memory_space<vmem>> -> memref<16x64xf32, #tpu.memory_space<vmem>>
      %dma_wait3A_1408 = arith.constant 12 : i32
      %dma_wait3A_1409 = arith.constant 0 : i32
      %dma_wait3A_1410 = tpu.memref_slice %dma_wait3A_1407[%dma_wait3A_1408, %dma_wait3A_1409] : memref<16x64xf32, #tpu.memory_space<vmem>> -> memref<1x64xf32, #tpu.memory_space<vmem>>
      %dma_wait3A_1411 = arith.constant 0 : i32
      %dma_wait3A_1412 = arith.constant 0 : i32
      %dma_wait3A_1413 = tpu.memref_slice %arg4[%dma_wait3A_1411, %dma_wait3A_1412] : memref<16384x64xf32, #tpu.memory_space<hbm>> -> memref<1x64xf32, #tpu.memory_space<hbm>>
      %dma_wait3A_1414 = arith.constant 16 : i32
      %dma_wait3A_1415 = arith.constant 0 : i32
      %dma_wait3A_1416 = tpu.memref_slice %arg9[%dma_wait3A_1414, %dma_wait3A_1415] : memref<32x64xf32, #tpu.memory_space<vmem>> -> memref<16x64xf32, #tpu.memory_space<vmem>>
      %dma_wait3A_1417 = arith.constant 12 : i32
      %dma_wait3A_1418 = arith.constant 0 : i32
      %dma_wait3A_1419 = tpu.memref_slice %dma_wait3A_1416[%dma_wait3A_1417, %dma_wait3A_1418] : memref<16x64xf32, #tpu.memory_space<vmem>> -> memref<1x64xf32, #tpu.memory_space<vmem>>
      %dma_wait3A_1420 = arith.constant 0 : i32
      %dma_wait3A_1421 = arith.constant 0 : i32
      %dma_wait3A_1422 = tpu.memref_slice %arg4[%dma_wait3A_1420, %dma_wait3A_1421] : memref<16384x64xf32, #tpu.memory_space<hbm>> -> memref<1x64xf32, #tpu.memory_space<hbm>>
      tpu.wait_dma2 semaphore(%arg10 : memref<!tpu.dma_semaphore, #tpu.memory_space<semaphore_mem>>) src(%dma_wait3A_1422 : memref<1x64xf32, #tpu.memory_space<hbm>>) dst(%dma_wait3A_1419 : memref<1x64xf32, #tpu.memory_space<vmem>>)
      %dma_wait3A_1423 = arith.constant 16 : i32
      %dma_wait3A_1424 = arith.constant 0 : i32
      %dma_wait3A_1425 = tpu.memref_slice %arg9[%dma_wait3A_1423, %dma_wait3A_1424] : memref<32x64xf32, #tpu.memory_space<vmem>> -> memref<16x64xf32, #tpu.memory_space<vmem>>
      %dma_wait3A_1426 = arith.constant 13 : i32
      %dma_wait3A_1427 = arith.constant 0 : i32
      %dma_wait3A_1428 = tpu.memref_slice %dma_wait3A_1425[%dma_wait3A_1426, %dma_wait3A_1427] : memref<16x64xf32, #tpu.memory_space<vmem>> -> memref<1x64xf32, #tpu.memory_space<vmem>>
      %dma_wait3A_1429 = arith.constant 0 : i32
      %dma_wait3A_1430 = arith.constant 0 : i32
      %dma_wait3A_1431 = tpu.memref_slice %arg4[%dma_wait3A_1429, %dma_wait3A_1430] : memref<16384x64xf32, #tpu.memory_space<hbm>> -> memref<1x64xf32, #tpu.memory_space<hbm>>
      %dma_wait3A_1432 = arith.constant 16 : i32
      %dma_wait3A_1433 = arith.constant 0 : i32
      %dma_wait3A_1434 = tpu.memref_slice %arg9[%dma_wait3A_1432, %dma_wait3A_1433] : memref<32x64xf32, #tpu.memory_space<vmem>> -> memref<16x64xf32, #tpu.memory_space<vmem>>
      %dma_wait3A_1435 = arith.constant 13 : i32
      %dma_wait3A_1436 = arith.constant 0 : i32
      %dma_wait3A_1437 = tpu.memref_slice %dma_wait3A_1434[%dma_wait3A_1435, %dma_wait3A_1436] : memref<16x64xf32, #tpu.memory_space<vmem>> -> memref<1x64xf32, #tpu.memory_space<vmem>>
      %dma_wait3A_1438 = arith.constant 0 : i32
      %dma_wait3A_1439 = arith.constant 0 : i32
      %dma_wait3A_1440 = tpu.memref_slice %arg4[%dma_wait3A_1438, %dma_wait3A_1439] : memref<16384x64xf32, #tpu.memory_space<hbm>> -> memref<1x64xf32, #tpu.memory_space<hbm>>
      tpu.wait_dma2 semaphore(%arg10 : memref<!tpu.dma_semaphore, #tpu.memory_space<semaphore_mem>>) src(%dma_wait3A_1440 : memref<1x64xf32, #tpu.memory_space<hbm>>) dst(%dma_wait3A_1437 : memref<1x64xf32, #tpu.memory_space<vmem>>)
      %dma_wait3A_1441 = arith.constant 16 : i32
      %dma_wait3A_1442 = arith.constant 0 : i32
      %dma_wait3A_1443 = tpu.memref_slice %arg9[%dma_wait3A_1441, %dma_wait3A_1442] : memref<32x64xf32, #tpu.memory_space<vmem>> -> memref<16x64xf32, #tpu.memory_space<vmem>>
      %dma_wait3A_1444 = arith.constant 14 : i32
      %dma_wait3A_1445 = arith.constant 0 : i32
      %dma_wait3A_1446 = tpu.memref_slice %dma_wait3A_1443[%dma_wait3A_1444, %dma_wait3A_1445] : memref<16x64xf32, #tpu.memory_space<vmem>> -> memref<1x64xf32, #tpu.memory_space<vmem>>
      %dma_wait3A_1447 = arith.constant 0 : i32
      %dma_wait3A_1448 = arith.constant 0 : i32
      %dma_wait3A_1449 = tpu.memref_slice %arg4[%dma_wait3A_1447, %dma_wait3A_1448] : memref<16384x64xf32, #tpu.memory_space<hbm>> -> memref<1x64xf32, #tpu.memory_space<hbm>>
      %dma_wait3A_1450 = arith.constant 16 : i32
      %dma_wait3A_1451 = arith.constant 0 : i32
      %dma_wait3A_1452 = tpu.memref_slice %arg9[%dma_wait3A_1450, %dma_wait3A_1451] : memref<32x64xf32, #tpu.memory_space<vmem>> -> memref<16x64xf32, #tpu.memory_space<vmem>>
      %dma_wait3A_1453 = arith.constant 14 : i32
      %dma_wait3A_1454 = arith.constant 0 : i32
      %dma_wait3A_1455 = tpu.memref_slice %dma_wait3A_1452[%dma_wait3A_1453, %dma_wait3A_1454] : memref<16x64xf32, #tpu.memory_space<vmem>> -> memref<1x64xf32, #tpu.memory_space<vmem>>
      %dma_wait3A_1456 = arith.constant 0 : i32
      %dma_wait3A_1457 = arith.constant 0 : i32
      %dma_wait3A_1458 = tpu.memref_slice %arg4[%dma_wait3A_1456, %dma_wait3A_1457] : memref<16384x64xf32, #tpu.memory_space<hbm>> -> memref<1x64xf32, #tpu.memory_space<hbm>>
      tpu.wait_dma2 semaphore(%arg10 : memref<!tpu.dma_semaphore, #tpu.memory_space<semaphore_mem>>) src(%dma_wait3A_1458 : memref<1x64xf32, #tpu.memory_space<hbm>>) dst(%dma_wait3A_1455 : memref<1x64xf32, #tpu.memory_space<vmem>>)
      %dma_wait3A_1459 = arith.constant 16 : i32
      %dma_wait3A_1460 = arith.constant 0 : i32
      %dma_wait3A_1461 = tpu.memref_slice %arg9[%dma_wait3A_1459, %dma_wait3A_1460] : memref<32x64xf32, #tpu.memory_space<vmem>> -> memref<16x64xf32, #tpu.memory_space<vmem>>
      %dma_wait3A_1462 = arith.constant 15 : i32
      %dma_wait3A_1463 = arith.constant 0 : i32
      %dma_wait3A_1464 = tpu.memref_slice %dma_wait3A_1461[%dma_wait3A_1462, %dma_wait3A_1463] : memref<16x64xf32, #tpu.memory_space<vmem>> -> memref<1x64xf32, #tpu.memory_space<vmem>>
      %dma_wait3A_1465 = arith.constant 0 : i32
      %dma_wait3A_1466 = arith.constant 0 : i32
      %dma_wait3A_1467 = tpu.memref_slice %arg4[%dma_wait3A_1465, %dma_wait3A_1466] : memref<16384x64xf32, #tpu.memory_space<hbm>> -> memref<1x64xf32, #tpu.memory_space<hbm>>
      %dma_wait3A_1468 = arith.constant 16 : i32
      %dma_wait3A_1469 = arith.constant 0 : i32
      %dma_wait3A_1470 = tpu.memref_slice %arg9[%dma_wait3A_1468, %dma_wait3A_1469] : memref<32x64xf32, #tpu.memory_space<vmem>> -> memref<16x64xf32, #tpu.memory_space<vmem>>
      %dma_wait3A_1471 = arith.constant 15 : i32
      %dma_wait3A_1472 = arith.constant 0 : i32
      %dma_wait3A_1473 = tpu.memref_slice %dma_wait3A_1470[%dma_wait3A_1471, %dma_wait3A_1472] : memref<16x64xf32, #tpu.memory_space<vmem>> -> memref<1x64xf32, #tpu.memory_space<vmem>>
      %dma_wait3A_1474 = arith.constant 0 : i32
      %dma_wait3A_1475 = arith.constant 0 : i32
      %dma_wait3A_1476 = tpu.memref_slice %arg4[%dma_wait3A_1474, %dma_wait3A_1475] : memref<16384x64xf32, #tpu.memory_space<hbm>> -> memref<1x64xf32, #tpu.memory_space<hbm>>
      tpu.wait_dma2 semaphore(%arg10 : memref<!tpu.dma_semaphore, #tpu.memory_space<semaphore_mem>>) src(%dma_wait3A_1476 : memref<1x64xf32, #tpu.memory_space<hbm>>) dst(%dma_wait3A_1473 : memref<1x64xf32, #tpu.memory_space<vmem>>)
      %slice3A_1477 = vector.extract_strided_slice %get3A_895 {offsets = [0], sizes = [1], strides = [1]} : vector<16xi32> to vector<1xi32>
      %squeeze3A_1478 = vector.extract %slice3A_1477[0] : i32 from vector<1xi32>
      %dma_start3A_1479 = arith.constant 16 : i32
      %dma_start3A_1480 = arith.constant 0 : i32
      %dma_start3A_1481 = tpu.memref_slice %arg9[%dma_start3A_1479, %dma_start3A_1480] : memref<32x64xf32, #tpu.memory_space<vmem>> -> memref<16x64xf32, #tpu.memory_space<vmem>>
      %dma_start3A_1482 = arith.constant 0 : i32
      %dma_start3A_1483 = arith.constant 0 : i32
      %dma_start3A_1484 = tpu.memref_slice %dma_start3A_1481[%dma_start3A_1482, %dma_start3A_1483] : memref<16x64xf32, #tpu.memory_space<vmem>> -> memref<1x64xf32, #tpu.memory_space<vmem>>
      %dma_start3A_1485 = arith.constant 0 : i32
      %dma_start3A_1486 = tpu.memref_slice %arg5[%squeeze3A_1478, %dma_start3A_1485] : memref<1000000x64xf32, #tpu.memory_space<hbm>> -> memref<1x64xf32, #tpu.memory_space<hbm>>
      %dma_start3A_1487 = arith.constant 0 : i32
      %dma_start3A_1488 = tpu.memref_slice %arg5[%squeeze3A_1478, %dma_start3A_1487] : memref<1000000x64xf32, #tpu.memory_space<hbm>> -> memref<1x64xf32, #tpu.memory_space<hbm>>
      %dma_start3A_1489 = arith.constant 16 : i32
      %dma_start3A_1490 = arith.constant 0 : i32
      %dma_start3A_1491 = tpu.memref_slice %arg9[%dma_start3A_1489, %dma_start3A_1490] : memref<32x64xf32, #tpu.memory_space<vmem>> -> memref<16x64xf32, #tpu.memory_space<vmem>>
      %dma_start3A_1492 = arith.constant 0 : i32
      %dma_start3A_1493 = arith.constant 0 : i32
      %dma_start3A_1494 = tpu.memref_slice %dma_start3A_1491[%dma_start3A_1492, %dma_start3A_1493] : memref<16x64xf32, #tpu.memory_space<vmem>> -> memref<1x64xf32, #tpu.memory_space<vmem>>
      tpu.enqueue_dma source(%dma_start3A_1494 : memref<1x64xf32, #tpu.memory_space<vmem>>) target(%dma_start3A_1488 : memref<1x64xf32, #tpu.memory_space<hbm>>) target_semaphore(%arg12 : memref<!tpu.dma_semaphore, #tpu.memory_space<semaphore_mem>>)
      %slice3A_1495 = vector.extract_strided_slice %get3A_895 {offsets = [1], sizes = [1], strides = [1]} : vector<16xi32> to vector<1xi32>
      %squeeze3A_1496 = vector.extract %slice3A_1495[0] : i32 from vector<1xi32>
      %dma_start3A_1497 = arith.constant 16 : i32
      %dma_start3A_1498 = arith.constant 0 : i32
      %dma_start3A_1499 = tpu.memref_slice %arg9[%dma_start3A_1497, %dma_start3A_1498] : memref<32x64xf32, #tpu.memory_space<vmem>> -> memref<16x64xf32, #tpu.memory_space<vmem>>
      %dma_start3A_1500 = arith.constant 1 : i32
      %dma_start3A_1501 = arith.constant 0 : i32
      %dma_start3A_1502 = tpu.memref_slice %dma_start3A_1499[%dma_start3A_1500, %dma_start3A_1501] : memref<16x64xf32, #tpu.memory_space<vmem>> -> memref<1x64xf32, #tpu.memory_space<vmem>>
      %dma_start3A_1503 = arith.constant 0 : i32
      %dma_start3A_1504 = tpu.memref_slice %arg5[%squeeze3A_1496, %dma_start3A_1503] : memref<1000000x64xf32, #tpu.memory_space<hbm>> -> memref<1x64xf32, #tpu.memory_space<hbm>>
      %dma_start3A_1505 = arith.constant 0 : i32
      %dma_start3A_1506 = tpu.memref_slice %arg5[%squeeze3A_1496, %dma_start3A_1505] : memref<1000000x64xf32, #tpu.memory_space<hbm>> -> memref<1x64xf32, #tpu.memory_space<hbm>>
      %dma_start3A_1507 = arith.constant 16 : i32
      %dma_start3A_1508 = arith.constant 0 : i32
      %dma_start3A_1509 = tpu.memref_slice %arg9[%dma_start3A_1507, %dma_start3A_1508] : memref<32x64xf32, #tpu.memory_space<vmem>> -> memref<16x64xf32, #tpu.memory_space<vmem>>
      %dma_start3A_1510 = arith.constant 1 : i32
      %dma_start3A_1511 = arith.constant 0 : i32
      %dma_start3A_1512 = tpu.memref_slice %dma_start3A_1509[%dma_start3A_1510, %dma_start3A_1511] : memref<16x64xf32, #tpu.memory_space<vmem>> -> memref<1x64xf32, #tpu.memory_space<vmem>>
      tpu.enqueue_dma source(%dma_start3A_1512 : memref<1x64xf32, #tpu.memory_space<vmem>>) target(%dma_start3A_1506 : memref<1x64xf32, #tpu.memory_space<hbm>>) target_semaphore(%arg12 : memref<!tpu.dma_semaphore, #tpu.memory_space<semaphore_mem>>)
      %slice3A_1513 = vector.extract_strided_slice %get3A_895 {offsets = [2], sizes = [1], strides = [1]} : vector<16xi32> to vector<1xi32>
      %squeeze3A_1514 = vector.extract %slice3A_1513[0] : i32 from vector<1xi32>
      %dma_start3A_1515 = arith.constant 16 : i32
      %dma_start3A_1516 = arith.constant 0 : i32
      %dma_start3A_1517 = tpu.memref_slice %arg9[%dma_start3A_1515, %dma_start3A_1516] : memref<32x64xf32, #tpu.memory_space<vmem>> -> memref<16x64xf32, #tpu.memory_space<vmem>>
      %dma_start3A_1518 = arith.constant 2 : i32
      %dma_start3A_1519 = arith.constant 0 : i32
      %dma_start3A_1520 = tpu.memref_slice %dma_start3A_1517[%dma_start3A_1518, %dma_start3A_1519] : memref<16x64xf32, #tpu.memory_space<vmem>> -> memref<1x64xf32, #tpu.memory_space<vmem>>
      %dma_start3A_1521 = arith.constant 0 : i32
      %dma_start3A_1522 = tpu.memref_slice %arg5[%squeeze3A_1514, %dma_start3A_1521] : memref<1000000x64xf32, #tpu.memory_space<hbm>> -> memref<1x64xf32, #tpu.memory_space<hbm>>
      %dma_start3A_1523 = arith.constant 0 : i32
      %dma_start3A_1524 = tpu.memref_slice %arg5[%squeeze3A_1514, %dma_start3A_1523] : memref<1000000x64xf32, #tpu.memory_space<hbm>> -> memref<1x64xf32, #tpu.memory_space<hbm>>
      %dma_start3A_1525 = arith.constant 16 : i32
      %dma_start3A_1526 = arith.constant 0 : i32
      %dma_start3A_1527 = tpu.memref_slice %arg9[%dma_start3A_1525, %dma_start3A_1526] : memref<32x64xf32, #tpu.memory_space<vmem>> -> memref<16x64xf32, #tpu.memory_space<vmem>>
      %dma_start3A_1528 = arith.constant 2 : i32
      %dma_start3A_1529 = arith.constant 0 : i32
      %dma_start3A_1530 = tpu.memref_slice %dma_start3A_1527[%dma_start3A_1528, %dma_start3A_1529] : memref<16x64xf32, #tpu.memory_space<vmem>> -> memref<1x64xf32, #tpu.memory_space<vmem>>
      tpu.enqueue_dma source(%dma_start3A_1530 : memref<1x64xf32, #tpu.memory_space<vmem>>) target(%dma_start3A_1524 : memref<1x64xf32, #tpu.memory_space<hbm>>) target_semaphore(%arg12 : memref<!tpu.dma_semaphore, #tpu.memory_space<semaphore_mem>>)
      %slice3A_1531 = vector.extract_strided_slice %get3A_895 {offsets = [3], sizes = [1], strides = [1]} : vector<16xi32> to vector<1xi32>
      %squeeze3A_1532 = vector.extract %slice3A_1531[0] : i32 from vector<1xi32>
      %dma_start3A_1533 = arith.constant 16 : i32
      %dma_start3A_1534 = arith.constant 0 : i32
      %dma_start3A_1535 = tpu.memref_slice %arg9[%dma_start3A_1533, %dma_start3A_1534] : memref<32x64xf32, #tpu.memory_space<vmem>> -> memref<16x64xf32, #tpu.memory_space<vmem>>
      %dma_start3A_1536 = arith.constant 3 : i32
      %dma_start3A_1537 = arith.constant 0 : i32
      %dma_start3A_1538 = tpu.memref_slice %dma_start3A_1535[%dma_start3A_1536, %dma_start3A_1537] : memref<16x64xf32, #tpu.memory_space<vmem>> -> memref<1x64xf32, #tpu.memory_space<vmem>>
      %dma_start3A_1539 = arith.constant 0 : i32
      %dma_start3A_1540 = tpu.memref_slice %arg5[%squeeze3A_1532, %dma_start3A_1539] : memref<1000000x64xf32, #tpu.memory_space<hbm>> -> memref<1x64xf32, #tpu.memory_space<hbm>>
      %dma_start3A_1541 = arith.constant 0 : i32
      %dma_start3A_1542 = tpu.memref_slice %arg5[%squeeze3A_1532, %dma_start3A_1541] : memref<1000000x64xf32, #tpu.memory_space<hbm>> -> memref<1x64xf32, #tpu.memory_space<hbm>>
      %dma_start3A_1543 = arith.constant 16 : i32
      %dma_start3A_1544 = arith.constant 0 : i32
      %dma_start3A_1545 = tpu.memref_slice %arg9[%dma_start3A_1543, %dma_start3A_1544] : memref<32x64xf32, #tpu.memory_space<vmem>> -> memref<16x64xf32, #tpu.memory_space<vmem>>
      %dma_start3A_1546 = arith.constant 3 : i32
      %dma_start3A_1547 = arith.constant 0 : i32
      %dma_start3A_1548 = tpu.memref_slice %dma_start3A_1545[%dma_start3A_1546, %dma_start3A_1547] : memref<16x64xf32, #tpu.memory_space<vmem>> -> memref<1x64xf32, #tpu.memory_space<vmem>>
      tpu.enqueue_dma source(%dma_start3A_1548 : memref<1x64xf32, #tpu.memory_space<vmem>>) target(%dma_start3A_1542 : memref<1x64xf32, #tpu.memory_space<hbm>>) target_semaphore(%arg12 : memref<!tpu.dma_semaphore, #tpu.memory_space<semaphore_mem>>)
      %slice3A_1549 = vector.extract_strided_slice %get3A_895 {offsets = [4], sizes = [1], strides = [1]} : vector<16xi32> to vector<1xi32>
      %squeeze3A_1550 = vector.extract %slice3A_1549[0] : i32 from vector<1xi32>
      %dma_start3A_1551 = arith.constant 16 : i32
      %dma_start3A_1552 = arith.constant 0 : i32
      %dma_start3A_1553 = tpu.memref_slice %arg9[%dma_start3A_1551, %dma_start3A_1552] : memref<32x64xf32, #tpu.memory_space<vmem>> -> memref<16x64xf32, #tpu.memory_space<vmem>>
      %dma_start3A_1554 = arith.constant 4 : i32
      %dma_start3A_1555 = arith.constant 0 : i32
      %dma_start3A_1556 = tpu.memref_slice %dma_start3A_1553[%dma_start3A_1554, %dma_start3A_1555] : memref<16x64xf32, #tpu.memory_space<vmem>> -> memref<1x64xf32, #tpu.memory_space<vmem>>
      %dma_start3A_1557 = arith.constant 0 : i32
      %dma_start3A_1558 = tpu.memref_slice %arg5[%squeeze3A_1550, %dma_start3A_1557] : memref<1000000x64xf32, #tpu.memory_space<hbm>> -> memref<1x64xf32, #tpu.memory_space<hbm>>
      %dma_start3A_1559 = arith.constant 0 : i32
      %dma_start3A_1560 = tpu.memref_slice %arg5[%squeeze3A_1550, %dma_start3A_1559] : memref<1000000x64xf32, #tpu.memory_space<hbm>> -> memref<1x64xf32, #tpu.memory_space<hbm>>
      %dma_start3A_1561 = arith.constant 16 : i32
      %dma_start3A_1562 = arith.constant 0 : i32
      %dma_start3A_1563 = tpu.memref_slice %arg9[%dma_start3A_1561, %dma_start3A_1562] : memref<32x64xf32, #tpu.memory_space<vmem>> -> memref<16x64xf32, #tpu.memory_space<vmem>>
      %dma_start3A_1564 = arith.constant 4 : i32
      %dma_start3A_1565 = arith.constant 0 : i32
      %dma_start3A_1566 = tpu.memref_slice %dma_start3A_1563[%dma_start3A_1564, %dma_start3A_1565] : memref<16x64xf32, #tpu.memory_space<vmem>> -> memref<1x64xf32, #tpu.memory_space<vmem>>
      tpu.enqueue_dma source(%dma_start3A_1566 : memref<1x64xf32, #tpu.memory_space<vmem>>) target(%dma_start3A_1560 : memref<1x64xf32, #tpu.memory_space<hbm>>) target_semaphore(%arg12 : memref<!tpu.dma_semaphore, #tpu.memory_space<semaphore_mem>>)
      %slice3A_1567 = vector.extract_strided_slice %get3A_895 {offsets = [5], sizes = [1], strides = [1]} : vector<16xi32> to vector<1xi32>
      %squeeze3A_1568 = vector.extract %slice3A_1567[0] : i32 from vector<1xi32>
      %dma_start3A_1569 = arith.constant 16 : i32
      %dma_start3A_1570 = arith.constant 0 : i32
      %dma_start3A_1571 = tpu.memref_slice %arg9[%dma_start3A_1569, %dma_start3A_1570] : memref<32x64xf32, #tpu.memory_space<vmem>> -> memref<16x64xf32, #tpu.memory_space<vmem>>
      %dma_start3A_1572 = arith.constant 5 : i32
      %dma_start3A_1573 = arith.constant 0 : i32
      %dma_start3A_1574 = tpu.memref_slice %dma_start3A_1571[%dma_start3A_1572, %dma_start3A_1573] : memref<16x64xf32, #tpu.memory_space<vmem>> -> memref<1x64xf32, #tpu.memory_space<vmem>>
      %dma_start3A_1575 = arith.constant 0 : i32
      %dma_start3A_1576 = tpu.memref_slice %arg5[%squeeze3A_1568, %dma_start3A_1575] : memref<1000000x64xf32, #tpu.memory_space<hbm>> -> memref<1x64xf32, #tpu.memory_space<hbm>>
      %dma_start3A_1577 = arith.constant 0 : i32
      %dma_start3A_1578 = tpu.memref_slice %arg5[%squeeze3A_1568, %dma_start3A_1577] : memref<1000000x64xf32, #tpu.memory_space<hbm>> -> memref<1x64xf32, #tpu.memory_space<hbm>>
      %dma_start3A_1579 = arith.constant 16 : i32
      %dma_start3A_1580 = arith.constant 0 : i32
      %dma_start3A_1581 = tpu.memref_slice %arg9[%dma_start3A_1579, %dma_start3A_1580] : memref<32x64xf32, #tpu.memory_space<vmem>> -> memref<16x64xf32, #tpu.memory_space<vmem>>
      %dma_start3A_1582 = arith.constant 5 : i32
      %dma_start3A_1583 = arith.constant 0 : i32
      %dma_start3A_1584 = tpu.memref_slice %dma_start3A_1581[%dma_start3A_1582, %dma_start3A_1583] : memref<16x64xf32, #tpu.memory_space<vmem>> -> memref<1x64xf32, #tpu.memory_space<vmem>>
      tpu.enqueue_dma source(%dma_start3A_1584 : memref<1x64xf32, #tpu.memory_space<vmem>>) target(%dma_start3A_1578 : memref<1x64xf32, #tpu.memory_space<hbm>>) target_semaphore(%arg12 : memref<!tpu.dma_semaphore, #tpu.memory_space<semaphore_mem>>)
      %slice3A_1585 = vector.extract_strided_slice %get3A_895 {offsets = [6], sizes = [1], strides = [1]} : vector<16xi32> to vector<1xi32>
      %squeeze3A_1586 = vector.extract %slice3A_1585[0] : i32 from vector<1xi32>
      %dma_start3A_1587 = arith.constant 16 : i32
      %dma_start3A_1588 = arith.constant 0 : i32
      %dma_start3A_1589 = tpu.memref_slice %arg9[%dma_start3A_1587, %dma_start3A_1588] : memref<32x64xf32, #tpu.memory_space<vmem>> -> memref<16x64xf32, #tpu.memory_space<vmem>>
      %dma_start3A_1590 = arith.constant 6 : i32
      %dma_start3A_1591 = arith.constant 0 : i32
      %dma_start3A_1592 = tpu.memref_slice %dma_start3A_1589[%dma_start3A_1590, %dma_start3A_1591] : memref<16x64xf32, #tpu.memory_space<vmem>> -> memref<1x64xf32, #tpu.memory_space<vmem>>
      %dma_start3A_1593 = arith.constant 0 : i32
      %dma_start3A_1594 = tpu.memref_slice %arg5[%squeeze3A_1586, %dma_start3A_1593] : memref<1000000x64xf32, #tpu.memory_space<hbm>> -> memref<1x64xf32, #tpu.memory_space<hbm>>
      %dma_start3A_1595 = arith.constant 0 : i32
      %dma_start3A_1596 = tpu.memref_slice %arg5[%squeeze3A_1586, %dma_start3A_1595] : memref<1000000x64xf32, #tpu.memory_space<hbm>> -> memref<1x64xf32, #tpu.memory_space<hbm>>
      %dma_start3A_1597 = arith.constant 16 : i32
      %dma_start3A_1598 = arith.constant 0 : i32
      %dma_start3A_1599 = tpu.memref_slice %arg9[%dma_start3A_1597, %dma_start3A_1598] : memref<32x64xf32, #tpu.memory_space<vmem>> -> memref<16x64xf32, #tpu.memory_space<vmem>>
      %dma_start3A_1600 = arith.constant 6 : i32
      %dma_start3A_1601 = arith.constant 0 : i32
      %dma_start3A_1602 = tpu.memref_slice %dma_start3A_1599[%dma_start3A_1600, %dma_start3A_1601] : memref<16x64xf32, #tpu.memory_space<vmem>> -> memref<1x64xf32, #tpu.memory_space<vmem>>
      tpu.enqueue_dma source(%dma_start3A_1602 : memref<1x64xf32, #tpu.memory_space<vmem>>) target(%dma_start3A_1596 : memref<1x64xf32, #tpu.memory_space<hbm>>) target_semaphore(%arg12 : memref<!tpu.dma_semaphore, #tpu.memory_space<semaphore_mem>>)
      %slice3A_1603 = vector.extract_strided_slice %get3A_895 {offsets = [7], sizes = [1], strides = [1]} : vector<16xi32> to vector<1xi32>
      %squeeze3A_1604 = vector.extract %slice3A_1603[0] : i32 from vector<1xi32>
      %dma_start3A_1605 = arith.constant 16 : i32
      %dma_start3A_1606 = arith.constant 0 : i32
      %dma_start3A_1607 = tpu.memref_slice %arg9[%dma_start3A_1605, %dma_start3A_1606] : memref<32x64xf32, #tpu.memory_space<vmem>> -> memref<16x64xf32, #tpu.memory_space<vmem>>
      %dma_start3A_1608 = arith.constant 7 : i32
      %dma_start3A_1609 = arith.constant 0 : i32
      %dma_start3A_1610 = tpu.memref_slice %dma_start3A_1607[%dma_start3A_1608, %dma_start3A_1609] : memref<16x64xf32, #tpu.memory_space<vmem>> -> memref<1x64xf32, #tpu.memory_space<vmem>>
      %dma_start3A_1611 = arith.constant 0 : i32
      %dma_start3A_1612 = tpu.memref_slice %arg5[%squeeze3A_1604, %dma_start3A_1611] : memref<1000000x64xf32, #tpu.memory_space<hbm>> -> memref<1x64xf32, #tpu.memory_space<hbm>>
      %dma_start3A_1613 = arith.constant 0 : i32
      %dma_start3A_1614 = tpu.memref_slice %arg5[%squeeze3A_1604, %dma_start3A_1613] : memref<1000000x64xf32, #tpu.memory_space<hbm>> -> memref<1x64xf32, #tpu.memory_space<hbm>>
      %dma_start3A_1615 = arith.constant 16 : i32
      %dma_start3A_1616 = arith.constant 0 : i32
      %dma_start3A_1617 = tpu.memref_slice %arg9[%dma_start3A_1615, %dma_start3A_1616] : memref<32x64xf32, #tpu.memory_space<vmem>> -> memref<16x64xf32, #tpu.memory_space<vmem>>
      %dma_start3A_1618 = arith.constant 7 : i32
      %dma_start3A_1619 = arith.constant 0 : i32
      %dma_start3A_1620 = tpu.memref_slice %dma_start3A_1617[%dma_start3A_1618, %dma_start3A_1619] : memref<16x64xf32, #tpu.memory_space<vmem>> -> memref<1x64xf32, #tpu.memory_space<vmem>>
      tpu.enqueue_dma source(%dma_start3A_1620 : memref<1x64xf32, #tpu.memory_space<vmem>>) target(%dma_start3A_1614 : memref<1x64xf32, #tpu.memory_space<hbm>>) target_semaphore(%arg12 : memref<!tpu.dma_semaphore, #tpu.memory_space<semaphore_mem>>)
      %slice3A_1621 = vector.extract_strided_slice %get3A_895 {offsets = [8], sizes = [1], strides = [1]} : vector<16xi32> to vector<1xi32>
      %squeeze3A_1622 = vector.extract %slice3A_1621[0] : i32 from vector<1xi32>
      %dma_start3A_1623 = arith.constant 16 : i32
      %dma_start3A_1624 = arith.constant 0 : i32
      %dma_start3A_1625 = tpu.memref_slice %arg9[%dma_start3A_1623, %dma_start3A_1624] : memref<32x64xf32, #tpu.memory_space<vmem>> -> memref<16x64xf32, #tpu.memory_space<vmem>>
      %dma_start3A_1626 = arith.constant 8 : i32
      %dma_start3A_1627 = arith.constant 0 : i32
      %dma_start3A_1628 = tpu.memref_slice %dma_start3A_1625[%dma_start3A_1626, %dma_start3A_1627] : memref<16x64xf32, #tpu.memory_space<vmem>> -> memref<1x64xf32, #tpu.memory_space<vmem>>
      %dma_start3A_1629 = arith.constant 0 : i32
      %dma_start3A_1630 = tpu.memref_slice %arg5[%squeeze3A_1622, %dma_start3A_1629] : memref<1000000x64xf32, #tpu.memory_space<hbm>> -> memref<1x64xf32, #tpu.memory_space<hbm>>
      %dma_start3A_1631 = arith.constant 0 : i32
      %dma_start3A_1632 = tpu.memref_slice %arg5[%squeeze3A_1622, %dma_start3A_1631] : memref<1000000x64xf32, #tpu.memory_space<hbm>> -> memref<1x64xf32, #tpu.memory_space<hbm>>
      %dma_start3A_1633 = arith.constant 16 : i32
      %dma_start3A_1634 = arith.constant 0 : i32
      %dma_start3A_1635 = tpu.memref_slice %arg9[%dma_start3A_1633, %dma_start3A_1634] : memref<32x64xf32, #tpu.memory_space<vmem>> -> memref<16x64xf32, #tpu.memory_space<vmem>>
      %dma_start3A_1636 = arith.constant 8 : i32
      %dma_start3A_1637 = arith.constant 0 : i32
      %dma_start3A_1638 = tpu.memref_slice %dma_start3A_1635[%dma_start3A_1636, %dma_start3A_1637] : memref<16x64xf32, #tpu.memory_space<vmem>> -> memref<1x64xf32, #tpu.memory_space<vmem>>
      tpu.enqueue_dma source(%dma_start3A_1638 : memref<1x64xf32, #tpu.memory_space<vmem>>) target(%dma_start3A_1632 : memref<1x64xf32, #tpu.memory_space<hbm>>) target_semaphore(%arg12 : memref<!tpu.dma_semaphore, #tpu.memory_space<semaphore_mem>>)
      %slice3A_1639 = vector.extract_strided_slice %get3A_895 {offsets = [9], sizes = [1], strides = [1]} : vector<16xi32> to vector<1xi32>
      %squeeze3A_1640 = vector.extract %slice3A_1639[0] : i32 from vector<1xi32>
      %dma_start3A_1641 = arith.constant 16 : i32
      %dma_start3A_1642 = arith.constant 0 : i32
      %dma_start3A_1643 = tpu.memref_slice %arg9[%dma_start3A_1641, %dma_start3A_1642] : memref<32x64xf32, #tpu.memory_space<vmem>> -> memref<16x64xf32, #tpu.memory_space<vmem>>
      %dma_start3A_1644 = arith.constant 9 : i32
      %dma_start3A_1645 = arith.constant 0 : i32
      %dma_start3A_1646 = tpu.memref_slice %dma_start3A_1643[%dma_start3A_1644, %dma_start3A_1645] : memref<16x64xf32, #tpu.memory_space<vmem>> -> memref<1x64xf32, #tpu.memory_space<vmem>>
      %dma_start3A_1647 = arith.constant 0 : i32
      %dma_start3A_1648 = tpu.memref_slice %arg5[%squeeze3A_1640, %dma_start3A_1647] : memref<1000000x64xf32, #tpu.memory_space<hbm>> -> memref<1x64xf32, #tpu.memory_space<hbm>>
      %dma_start3A_1649 = arith.constant 0 : i32
      %dma_start3A_1650 = tpu.memref_slice %arg5[%squeeze3A_1640, %dma_start3A_1649] : memref<1000000x64xf32, #tpu.memory_space<hbm>> -> memref<1x64xf32, #tpu.memory_space<hbm>>
      %dma_start3A_1651 = arith.constant 16 : i32
      %dma_start3A_1652 = arith.constant 0 : i32
      %dma_start3A_1653 = tpu.memref_slice %arg9[%dma_start3A_1651, %dma_start3A_1652] : memref<32x64xf32, #tpu.memory_space<vmem>> -> memref<16x64xf32, #tpu.memory_space<vmem>>
      %dma_start3A_1654 = arith.constant 9 : i32
      %dma_start3A_1655 = arith.constant 0 : i32
      %dma_start3A_1656 = tpu.memref_slice %dma_start3A_1653[%dma_start3A_1654, %dma_start3A_1655] : memref<16x64xf32, #tpu.memory_space<vmem>> -> memref<1x64xf32, #tpu.memory_space<vmem>>
      tpu.enqueue_dma source(%dma_start3A_1656 : memref<1x64xf32, #tpu.memory_space<vmem>>) target(%dma_start3A_1650 : memref<1x64xf32, #tpu.memory_space<hbm>>) target_semaphore(%arg12 : memref<!tpu.dma_semaphore, #tpu.memory_space<semaphore_mem>>)
      %slice3A_1657 = vector.extract_strided_slice %get3A_895 {offsets = [10], sizes = [1], strides = [1]} : vector<16xi32> to vector<1xi32>
      %squeeze3A_1658 = vector.extract %slice3A_1657[0] : i32 from vector<1xi32>
      %dma_start3A_1659 = arith.constant 16 : i32
      %dma_start3A_1660 = arith.constant 0 : i32
      %dma_start3A_1661 = tpu.memref_slice %arg9[%dma_start3A_1659, %dma_start3A_1660] : memref<32x64xf32, #tpu.memory_space<vmem>> -> memref<16x64xf32, #tpu.memory_space<vmem>>
      %dma_start3A_1662 = arith.constant 10 : i32
      %dma_start3A_1663 = arith.constant 0 : i32
      %dma_start3A_1664 = tpu.memref_slice %dma_start3A_1661[%dma_start3A_1662, %dma_start3A_1663] : memref<16x64xf32, #tpu.memory_space<vmem>> -> memref<1x64xf32, #tpu.memory_space<vmem>>
      %dma_start3A_1665 = arith.constant 0 : i32
      %dma_start3A_1666 = tpu.memref_slice %arg5[%squeeze3A_1658, %dma_start3A_1665] : memref<1000000x64xf32, #tpu.memory_space<hbm>> -> memref<1x64xf32, #tpu.memory_space<hbm>>
      %dma_start3A_1667 = arith.constant 0 : i32
      %dma_start3A_1668 = tpu.memref_slice %arg5[%squeeze3A_1658, %dma_start3A_1667] : memref<1000000x64xf32, #tpu.memory_space<hbm>> -> memref<1x64xf32, #tpu.memory_space<hbm>>
      %dma_start3A_1669 = arith.constant 16 : i32
      %dma_start3A_1670 = arith.constant 0 : i32
      %dma_start3A_1671 = tpu.memref_slice %arg9[%dma_start3A_1669, %dma_start3A_1670] : memref<32x64xf32, #tpu.memory_space<vmem>> -> memref<16x64xf32, #tpu.memory_space<vmem>>
      %dma_start3A_1672 = arith.constant 10 : i32
      %dma_start3A_1673 = arith.constant 0 : i32
      %dma_start3A_1674 = tpu.memref_slice %dma_start3A_1671[%dma_start3A_1672, %dma_start3A_1673] : memref<16x64xf32, #tpu.memory_space<vmem>> -> memref<1x64xf32, #tpu.memory_space<vmem>>
      tpu.enqueue_dma source(%dma_start3A_1674 : memref<1x64xf32, #tpu.memory_space<vmem>>) target(%dma_start3A_1668 : memref<1x64xf32, #tpu.memory_space<hbm>>) target_semaphore(%arg12 : memref<!tpu.dma_semaphore, #tpu.memory_space<semaphore_mem>>)
      %slice3A_1675 = vector.extract_strided_slice %get3A_895 {offsets = [11], sizes = [1], strides = [1]} : vector<16xi32> to vector<1xi32>
      %squeeze3A_1676 = vector.extract %slice3A_1675[0] : i32 from vector<1xi32>
      %dma_start3A_1677 = arith.constant 16 : i32
      %dma_start3A_1678 = arith.constant 0 : i32
      %dma_start3A_1679 = tpu.memref_slice %arg9[%dma_start3A_1677, %dma_start3A_1678] : memref<32x64xf32, #tpu.memory_space<vmem>> -> memref<16x64xf32, #tpu.memory_space<vmem>>
      %dma_start3A_1680 = arith.constant 11 : i32
      %dma_start3A_1681 = arith.constant 0 : i32
      %dma_start3A_1682 = tpu.memref_slice %dma_start3A_1679[%dma_start3A_1680, %dma_start3A_1681] : memref<16x64xf32, #tpu.memory_space<vmem>> -> memref<1x64xf32, #tpu.memory_space<vmem>>
      %dma_start3A_1683 = arith.constant 0 : i32
      %dma_start3A_1684 = tpu.memref_slice %arg5[%squeeze3A_1676, %dma_start3A_1683] : memref<1000000x64xf32, #tpu.memory_space<hbm>> -> memref<1x64xf32, #tpu.memory_space<hbm>>
      %dma_start3A_1685 = arith.constant 0 : i32
      %dma_start3A_1686 = tpu.memref_slice %arg5[%squeeze3A_1676, %dma_start3A_1685] : memref<1000000x64xf32, #tpu.memory_space<hbm>> -> memref<1x64xf32, #tpu.memory_space<hbm>>
      %dma_start3A_1687 = arith.constant 16 : i32
      %dma_start3A_1688 = arith.constant 0 : i32
      %dma_start3A_1689 = tpu.memref_slice %arg9[%dma_start3A_1687, %dma_start3A_1688] : memref<32x64xf32, #tpu.memory_space<vmem>> -> memref<16x64xf32, #tpu.memory_space<vmem>>
      %dma_start3A_1690 = arith.constant 11 : i32
      %dma_start3A_1691 = arith.constant 0 : i32
      %dma_start3A_1692 = tpu.memref_slice %dma_start3A_1689[%dma_start3A_1690, %dma_start3A_1691] : memref<16x64xf32, #tpu.memory_space<vmem>> -> memref<1x64xf32, #tpu.memory_space<vmem>>
      tpu.enqueue_dma source(%dma_start3A_1692 : memref<1x64xf32, #tpu.memory_space<vmem>>) target(%dma_start3A_1686 : memref<1x64xf32, #tpu.memory_space<hbm>>) target_semaphore(%arg12 : memref<!tpu.dma_semaphore, #tpu.memory_space<semaphore_mem>>)
      %slice3A_1693 = vector.extract_strided_slice %get3A_895 {offsets = [12], sizes = [1], strides = [1]} : vector<16xi32> to vector<1xi32>
      %squeeze3A_1694 = vector.extract %slice3A_1693[0] : i32 from vector<1xi32>
      %dma_start3A_1695 = arith.constant 16 : i32
      %dma_start3A_1696 = arith.constant 0 : i32
      %dma_start3A_1697 = tpu.memref_slice %arg9[%dma_start3A_1695, %dma_start3A_1696] : memref<32x64xf32, #tpu.memory_space<vmem>> -> memref<16x64xf32, #tpu.memory_space<vmem>>
      %dma_start3A_1698 = arith.constant 12 : i32
      %dma_start3A_1699 = arith.constant 0 : i32
      %dma_start3A_1700 = tpu.memref_slice %dma_start3A_1697[%dma_start3A_1698, %dma_start3A_1699] : memref<16x64xf32, #tpu.memory_space<vmem>> -> memref<1x64xf32, #tpu.memory_space<vmem>>
      %dma_start3A_1701 = arith.constant 0 : i32
      %dma_start3A_1702 = tpu.memref_slice %arg5[%squeeze3A_1694, %dma_start3A_1701] : memref<1000000x64xf32, #tpu.memory_space<hbm>> -> memref<1x64xf32, #tpu.memory_space<hbm>>
      %dma_start3A_1703 = arith.constant 0 : i32
      %dma_start3A_1704 = tpu.memref_slice %arg5[%squeeze3A_1694, %dma_start3A_1703] : memref<1000000x64xf32, #tpu.memory_space<hbm>> -> memref<1x64xf32, #tpu.memory_space<hbm>>
      %dma_start3A_1705 = arith.constant 16 : i32
      %dma_start3A_1706 = arith.constant 0 : i32
      %dma_start3A_1707 = tpu.memref_slice %arg9[%dma_start3A_1705, %dma_start3A_1706] : memref<32x64xf32, #tpu.memory_space<vmem>> -> memref<16x64xf32, #tpu.memory_space<vmem>>
      %dma_start3A_1708 = arith.constant 12 : i32
      %dma_start3A_1709 = arith.constant 0 : i32
      %dma_start3A_1710 = tpu.memref_slice %dma_start3A_1707[%dma_start3A_1708, %dma_start3A_1709] : memref<16x64xf32, #tpu.memory_space<vmem>> -> memref<1x64xf32, #tpu.memory_space<vmem>>
      tpu.enqueue_dma source(%dma_start3A_1710 : memref<1x64xf32, #tpu.memory_space<vmem>>) target(%dma_start3A_1704 : memref<1x64xf32, #tpu.memory_space<hbm>>) target_semaphore(%arg12 : memref<!tpu.dma_semaphore, #tpu.memory_space<semaphore_mem>>)
      %slice3A_1711 = vector.extract_strided_slice %get3A_895 {offsets = [13], sizes = [1], strides = [1]} : vector<16xi32> to vector<1xi32>
      %squeeze3A_1712 = vector.extract %slice3A_1711[0] : i32 from vector<1xi32>
      %dma_start3A_1713 = arith.constant 16 : i32
      %dma_start3A_1714 = arith.constant 0 : i32
      %dma_start3A_1715 = tpu.memref_slice %arg9[%dma_start3A_1713, %dma_start3A_1714] : memref<32x64xf32, #tpu.memory_space<vmem>> -> memref<16x64xf32, #tpu.memory_space<vmem>>
      %dma_start3A_1716 = arith.constant 13 : i32
      %dma_start3A_1717 = arith.constant 0 : i32
      %dma_start3A_1718 = tpu.memref_slice %dma_start3A_1715[%dma_start3A_1716, %dma_start3A_1717] : memref<16x64xf32, #tpu.memory_space<vmem>> -> memref<1x64xf32, #tpu.memory_space<vmem>>
      %dma_start3A_1719 = arith.constant 0 : i32
      %dma_start3A_1720 = tpu.memref_slice %arg5[%squeeze3A_1712, %dma_start3A_1719] : memref<1000000x64xf32, #tpu.memory_space<hbm>> -> memref<1x64xf32, #tpu.memory_space<hbm>>
      %dma_start3A_1721 = arith.constant 0 : i32
      %dma_start3A_1722 = tpu.memref_slice %arg5[%squeeze3A_1712, %dma_start3A_1721] : memref<1000000x64xf32, #tpu.memory_space<hbm>> -> memref<1x64xf32, #tpu.memory_space<hbm>>
      %dma_start3A_1723 = arith.constant 16 : i32
      %dma_start3A_1724 = arith.constant 0 : i32
      %dma_start3A_1725 = tpu.memref_slice %arg9[%dma_start3A_1723, %dma_start3A_1724] : memref<32x64xf32, #tpu.memory_space<vmem>> -> memref<16x64xf32, #tpu.memory_space<vmem>>
      %dma_start3A_1726 = arith.constant 13 : i32
      %dma_start3A_1727 = arith.constant 0 : i32
      %dma_start3A_1728 = tpu.memref_slice %dma_start3A_1725[%dma_start3A_1726, %dma_start3A_1727] : memref<16x64xf32, #tpu.memory_space<vmem>> -> memref<1x64xf32, #tpu.memory_space<vmem>>
      tpu.enqueue_dma source(%dma_start3A_1728 : memref<1x64xf32, #tpu.memory_space<vmem>>) target(%dma_start3A_1722 : memref<1x64xf32, #tpu.memory_space<hbm>>) target_semaphore(%arg12 : memref<!tpu.dma_semaphore, #tpu.memory_space<semaphore_mem>>)
      %slice3A_1729 = vector.extract_strided_slice %get3A_895 {offsets = [14], sizes = [1], strides = [1]} : vector<16xi32> to vector<1xi32>
      %squeeze3A_1730 = vector.extract %slice3A_1729[0] : i32 from vector<1xi32>
      %dma_start3A_1731 = arith.constant 16 : i32
      %dma_start3A_1732 = arith.constant 0 : i32
      %dma_start3A_1733 = tpu.memref_slice %arg9[%dma_start3A_1731, %dma_start3A_1732] : memref<32x64xf32, #tpu.memory_space<vmem>> -> memref<16x64xf32, #tpu.memory_space<vmem>>
      %dma_start3A_1734 = arith.constant 14 : i32
      %dma_start3A_1735 = arith.constant 0 : i32
      %dma_start3A_1736 = tpu.memref_slice %dma_start3A_1733[%dma_start3A_1734, %dma_start3A_1735] : memref<16x64xf32, #tpu.memory_space<vmem>> -> memref<1x64xf32, #tpu.memory_space<vmem>>
      %dma_start3A_1737 = arith.constant 0 : i32
      %dma_start3A_1738 = tpu.memref_slice %arg5[%squeeze3A_1730, %dma_start3A_1737] : memref<1000000x64xf32, #tpu.memory_space<hbm>> -> memref<1x64xf32, #tpu.memory_space<hbm>>
      %dma_start3A_1739 = arith.constant 0 : i32
      %dma_start3A_1740 = tpu.memref_slice %arg5[%squeeze3A_1730, %dma_start3A_1739] : memref<1000000x64xf32, #tpu.memory_space<hbm>> -> memref<1x64xf32, #tpu.memory_space<hbm>>
      %dma_start3A_1741 = arith.constant 16 : i32
      %dma_start3A_1742 = arith.constant 0 : i32
      %dma_start3A_1743 = tpu.memref_slice %arg9[%dma_start3A_1741, %dma_start3A_1742] : memref<32x64xf32, #tpu.memory_space<vmem>> -> memref<16x64xf32, #tpu.memory_space<vmem>>
      %dma_start3A_1744 = arith.constant 14 : i32
      %dma_start3A_1745 = arith.constant 0 : i32
      %dma_start3A_1746 = tpu.memref_slice %dma_start3A_1743[%dma_start3A_1744, %dma_start3A_1745] : memref<16x64xf32, #tpu.memory_space<vmem>> -> memref<1x64xf32, #tpu.memory_space<vmem>>
      tpu.enqueue_dma source(%dma_start3A_1746 : memref<1x64xf32, #tpu.memory_space<vmem>>) target(%dma_start3A_1740 : memref<1x64xf32, #tpu.memory_space<hbm>>) target_semaphore(%arg12 : memref<!tpu.dma_semaphore, #tpu.memory_space<semaphore_mem>>)
      %slice3A_1747 = vector.extract_strided_slice %get3A_895 {offsets = [15], sizes = [1], strides = [1]} : vector<16xi32> to vector<1xi32>
      %squeeze3A_1748 = vector.extract %slice3A_1747[0] : i32 from vector<1xi32>
      %dma_start3A_1749 = arith.constant 16 : i32
      %dma_start3A_1750 = arith.constant 0 : i32
      %dma_start3A_1751 = tpu.memref_slice %arg9[%dma_start3A_1749, %dma_start3A_1750] : memref<32x64xf32, #tpu.memory_space<vmem>> -> memref<16x64xf32, #tpu.memory_space<vmem>>
      %dma_start3A_1752 = arith.constant 15 : i32
      %dma_start3A_1753 = arith.constant 0 : i32
      %dma_start3A_1754 = tpu.memref_slice %dma_start3A_1751[%dma_start3A_1752, %dma_start3A_1753] : memref<16x64xf32, #tpu.memory_space<vmem>> -> memref<1x64xf32, #tpu.memory_space<vmem>>
      %dma_start3A_1755 = arith.constant 0 : i32
      %dma_start3A_1756 = tpu.memref_slice %arg5[%squeeze3A_1748, %dma_start3A_1755] : memref<1000000x64xf32, #tpu.memory_space<hbm>> -> memref<1x64xf32, #tpu.memory_space<hbm>>
      %dma_start3A_1757 = arith.constant 0 : i32
      %dma_start3A_1758 = tpu.memref_slice %arg5[%squeeze3A_1748, %dma_start3A_1757] : memref<1000000x64xf32, #tpu.memory_space<hbm>> -> memref<1x64xf32, #tpu.memory_space<hbm>>
      %dma_start3A_1759 = arith.constant 16 : i32
      %dma_start3A_1760 = arith.constant 0 : i32
      %dma_start3A_1761 = tpu.memref_slice %arg9[%dma_start3A_1759, %dma_start3A_1760] : memref<32x64xf32, #tpu.memory_space<vmem>> -> memref<16x64xf32, #tpu.memory_space<vmem>>
      %dma_start3A_1762 = arith.constant 15 : i32
      %dma_start3A_1763 = arith.constant 0 : i32
      %dma_start3A_1764 = tpu.memref_slice %dma_start3A_1761[%dma_start3A_1762, %dma_start3A_1763] : memref<16x64xf32, #tpu.memory_space<vmem>> -> memref<1x64xf32, #tpu.memory_space<vmem>>
      tpu.enqueue_dma source(%dma_start3A_1764 : memref<1x64xf32, #tpu.memory_space<vmem>>) target(%dma_start3A_1758 : memref<1x64xf32, #tpu.memory_space<hbm>>) target_semaphore(%arg12 : memref<!tpu.dma_semaphore, #tpu.memory_space<semaphore_mem>>)
      %dma_wait3A_1765 = arith.constant 0 : i32
      %dma_wait3A_1766 = arith.constant 0 : i32
      %dma_wait3A_1767 = tpu.memref_slice %arg9[%dma_wait3A_1765, %dma_wait3A_1766] : memref<32x64xf32, #tpu.memory_space<vmem>> -> memref<1x64xf32, #tpu.memory_space<vmem>>
      %dma_wait3A_1768 = arith.constant 0 : i32
      %dma_wait3A_1769 = arith.constant 0 : i32
      %dma_wait3A_1770 = tpu.memref_slice %arg5[%dma_wait3A_1768, %dma_wait3A_1769] : memref<1000000x64xf32, #tpu.memory_space<hbm>> -> memref<1x64xf32, #tpu.memory_space<hbm>>
      %dma_wait3A_1771 = arith.constant 0 : i32
      %dma_wait3A_1772 = arith.constant 0 : i32
      %dma_wait3A_1773 = tpu.memref_slice %arg5[%dma_wait3A_1771, %dma_wait3A_1772] : memref<1000000x64xf32, #tpu.memory_space<hbm>> -> memref<1x64xf32, #tpu.memory_space<hbm>>
      %dma_wait3A_1774 = arith.constant 0 : i32
      %dma_wait3A_1775 = arith.constant 0 : i32
      %dma_wait3A_1776 = tpu.memref_slice %arg9[%dma_wait3A_1774, %dma_wait3A_1775] : memref<32x64xf32, #tpu.memory_space<vmem>> -> memref<1x64xf32, #tpu.memory_space<vmem>>
      tpu.wait_dma2 semaphore(%arg11 : memref<!tpu.dma_semaphore, #tpu.memory_space<semaphore_mem>>) src(%dma_wait3A_1776 : memref<1x64xf32, #tpu.memory_space<vmem>>) dst(%dma_wait3A_1773 : memref<1x64xf32, #tpu.memory_space<hbm>>)
      %dma_wait3A_1777 = arith.constant 1 : i32
      %dma_wait3A_1778 = arith.constant 0 : i32
      %dma_wait3A_1779 = tpu.memref_slice %arg9[%dma_wait3A_1777, %dma_wait3A_1778] : memref<32x64xf32, #tpu.memory_space<vmem>> -> memref<1x64xf32, #tpu.memory_space<vmem>>
      %dma_wait3A_1780 = arith.constant 0 : i32
      %dma_wait3A_1781 = arith.constant 0 : i32
      %dma_wait3A_1782 = tpu.memref_slice %arg5[%dma_wait3A_1780, %dma_wait3A_1781] : memref<1000000x64xf32, #tpu.memory_space<hbm>> -> memref<1x64xf32, #tpu.memory_space<hbm>>
      %dma_wait3A_1783 = arith.constant 0 : i32
      %dma_wait3A_1784 = arith.constant 0 : i32
      %dma_wait3A_1785 = tpu.memref_slice %arg5[%dma_wait3A_1783, %dma_wait3A_1784] : memref<1000000x64xf32, #tpu.memory_space<hbm>> -> memref<1x64xf32, #tpu.memory_space<hbm>>
      %dma_wait3A_1786 = arith.constant 1 : i32
      %dma_wait3A_1787 = arith.constant 0 : i32
      %dma_wait3A_1788 = tpu.memref_slice %arg9[%dma_wait3A_1786, %dma_wait3A_1787] : memref<32x64xf32, #tpu.memory_space<vmem>> -> memref<1x64xf32, #tpu.memory_space<vmem>>
      tpu.wait_dma2 semaphore(%arg11 : memref<!tpu.dma_semaphore, #tpu.memory_space<semaphore_mem>>) src(%dma_wait3A_1788 : memref<1x64xf32, #tpu.memory_space<vmem>>) dst(%dma_wait3A_1785 : memref<1x64xf32, #tpu.memory_space<hbm>>)
      %dma_wait3A_1789 = arith.constant 2 : i32
      %dma_wait3A_1790 = arith.constant 0 : i32
      %dma_wait3A_1791 = tpu.memref_slice %arg9[%dma_wait3A_1789, %dma_wait3A_1790] : memref<32x64xf32, #tpu.memory_space<vmem>> -> memref<1x64xf32, #tpu.memory_space<vmem>>
      %dma_wait3A_1792 = arith.constant 0 : i32
      %dma_wait3A_1793 = arith.constant 0 : i32
      %dma_wait3A_1794 = tpu.memref_slice %arg5[%dma_wait3A_1792, %dma_wait3A_1793] : memref<1000000x64xf32, #tpu.memory_space<hbm>> -> memref<1x64xf32, #tpu.memory_space<hbm>>
      %dma_wait3A_1795 = arith.constant 0 : i32
      %dma_wait3A_1796 = arith.constant 0 : i32
      %dma_wait3A_1797 = tpu.memref_slice %arg5[%dma_wait3A_1795, %dma_wait3A_1796] : memref<1000000x64xf32, #tpu.memory_space<hbm>> -> memref<1x64xf32, #tpu.memory_space<hbm>>
      %dma_wait3A_1798 = arith.constant 2 : i32
      %dma_wait3A_1799 = arith.constant 0 : i32
      %dma_wait3A_1800 = tpu.memref_slice %arg9[%dma_wait3A_1798, %dma_wait3A_1799] : memref<32x64xf32, #tpu.memory_space<vmem>> -> memref<1x64xf32, #tpu.memory_space<vmem>>
      tpu.wait_dma2 semaphore(%arg11 : memref<!tpu.dma_semaphore, #tpu.memory_space<semaphore_mem>>) src(%dma_wait3A_1800 : memref<1x64xf32, #tpu.memory_space<vmem>>) dst(%dma_wait3A_1797 : memref<1x64xf32, #tpu.memory_space<hbm>>)
      %dma_wait3A_1801 = arith.constant 3 : i32
      %dma_wait3A_1802 = arith.constant 0 : i32
      %dma_wait3A_1803 = tpu.memref_slice %arg9[%dma_wait3A_1801, %dma_wait3A_1802] : memref<32x64xf32, #tpu.memory_space<vmem>> -> memref<1x64xf32, #tpu.memory_space<vmem>>
      %dma_wait3A_1804 = arith.constant 0 : i32
      %dma_wait3A_1805 = arith.constant 0 : i32
      %dma_wait3A_1806 = tpu.memref_slice %arg5[%dma_wait3A_1804, %dma_wait3A_1805] : memref<1000000x64xf32, #tpu.memory_space<hbm>> -> memref<1x64xf32, #tpu.memory_space<hbm>>
      %dma_wait3A_1807 = arith.constant 0 : i32
      %dma_wait3A_1808 = arith.constant 0 : i32
      %dma_wait3A_1809 = tpu.memref_slice %arg5[%dma_wait3A_1807, %dma_wait3A_1808] : memref<1000000x64xf32, #tpu.memory_space<hbm>> -> memref<1x64xf32, #tpu.memory_space<hbm>>
      %dma_wait3A_1810 = arith.constant 3 : i32
      %dma_wait3A_1811 = arith.constant 0 : i32
      %dma_wait3A_1812 = tpu.memref_slice %arg9[%dma_wait3A_1810, %dma_wait3A_1811] : memref<32x64xf32, #tpu.memory_space<vmem>> -> memref<1x64xf32, #tpu.memory_space<vmem>>
      tpu.wait_dma2 semaphore(%arg11 : memref<!tpu.dma_semaphore, #tpu.memory_space<semaphore_mem>>) src(%dma_wait3A_1812 : memref<1x64xf32, #tpu.memory_space<vmem>>) dst(%dma_wait3A_1809 : memref<1x64xf32, #tpu.memory_space<hbm>>)
      %dma_wait3A_1813 = arith.constant 4 : i32
      %dma_wait3A_1814 = arith.constant 0 : i32
      %dma_wait3A_1815 = tpu.memref_slice %arg9[%dma_wait3A_1813, %dma_wait3A_1814] : memref<32x64xf32, #tpu.memory_space<vmem>> -> memref<1x64xf32, #tpu.memory_space<vmem>>
      %dma_wait3A_1816 = arith.constant 0 : i32
      %dma_wait3A_1817 = arith.constant 0 : i32
      %dma_wait3A_1818 = tpu.memref_slice %arg5[%dma_wait3A_1816, %dma_wait3A_1817] : memref<1000000x64xf32, #tpu.memory_space<hbm>> -> memref<1x64xf32, #tpu.memory_space<hbm>>
      %dma_wait3A_1819 = arith.constant 0 : i32
      %dma_wait3A_1820 = arith.constant 0 : i32
      %dma_wait3A_1821 = tpu.memref_slice %arg5[%dma_wait3A_1819, %dma_wait3A_1820] : memref<1000000x64xf32, #tpu.memory_space<hbm>> -> memref<1x64xf32, #tpu.memory_space<hbm>>
      %dma_wait3A_1822 = arith.constant 4 : i32
      %dma_wait3A_1823 = arith.constant 0 : i32
      %dma_wait3A_1824 = tpu.memref_slice %arg9[%dma_wait3A_1822, %dma_wait3A_1823] : memref<32x64xf32, #tpu.memory_space<vmem>> -> memref<1x64xf32, #tpu.memory_space<vmem>>
      tpu.wait_dma2 semaphore(%arg11 : memref<!tpu.dma_semaphore, #tpu.memory_space<semaphore_mem>>) src(%dma_wait3A_1824 : memref<1x64xf32, #tpu.memory_space<vmem>>) dst(%dma_wait3A_1821 : memref<1x64xf32, #tpu.memory_space<hbm>>)
      %dma_wait3A_1825 = arith.constant 5 : i32
      %dma_wait3A_1826 = arith.constant 0 : i32
      %dma_wait3A_1827 = tpu.memref_slice %arg9[%dma_wait3A_1825, %dma_wait3A_1826] : memref<32x64xf32, #tpu.memory_space<vmem>> -> memref<1x64xf32, #tpu.memory_space<vmem>>
      %dma_wait3A_1828 = arith.constant 0 : i32
      %dma_wait3A_1829 = arith.constant 0 : i32
      %dma_wait3A_1830 = tpu.memref_slice %arg5[%dma_wait3A_1828, %dma_wait3A_1829] : memref<1000000x64xf32, #tpu.memory_space<hbm>> -> memref<1x64xf32, #tpu.memory_space<hbm>>
      %dma_wait3A_1831 = arith.constant 0 : i32
      %dma_wait3A_1832 = arith.constant 0 : i32
      %dma_wait3A_1833 = tpu.memref_slice %arg5[%dma_wait3A_1831, %dma_wait3A_1832] : memref<1000000x64xf32, #tpu.memory_space<hbm>> -> memref<1x64xf32, #tpu.memory_space<hbm>>
      %dma_wait3A_1834 = arith.constant 5 : i32
      %dma_wait3A_1835 = arith.constant 0 : i32
      %dma_wait3A_1836 = tpu.memref_slice %arg9[%dma_wait3A_1834, %dma_wait3A_1835] : memref<32x64xf32, #tpu.memory_space<vmem>> -> memref<1x64xf32, #tpu.memory_space<vmem>>
      tpu.wait_dma2 semaphore(%arg11 : memref<!tpu.dma_semaphore, #tpu.memory_space<semaphore_mem>>) src(%dma_wait3A_1836 : memref<1x64xf32, #tpu.memory_space<vmem>>) dst(%dma_wait3A_1833 : memref<1x64xf32, #tpu.memory_space<hbm>>)
      %dma_wait3A_1837 = arith.constant 6 : i32
      %dma_wait3A_1838 = arith.constant 0 : i32
      %dma_wait3A_1839 = tpu.memref_slice %arg9[%dma_wait3A_1837, %dma_wait3A_1838] : memref<32x64xf32, #tpu.memory_space<vmem>> -> memref<1x64xf32, #tpu.memory_space<vmem>>
      %dma_wait3A_1840 = arith.constant 0 : i32
      %dma_wait3A_1841 = arith.constant 0 : i32
      %dma_wait3A_1842 = tpu.memref_slice %arg5[%dma_wait3A_1840, %dma_wait3A_1841] : memref<1000000x64xf32, #tpu.memory_space<hbm>> -> memref<1x64xf32, #tpu.memory_space<hbm>>
      %dma_wait3A_1843 = arith.constant 0 : i32
      %dma_wait3A_1844 = arith.constant 0 : i32
      %dma_wait3A_1845 = tpu.memref_slice %arg5[%dma_wait3A_1843, %dma_wait3A_1844] : memref<1000000x64xf32, #tpu.memory_space<hbm>> -> memref<1x64xf32, #tpu.memory_space<hbm>>
      %dma_wait3A_1846 = arith.constant 6 : i32
      %dma_wait3A_1847 = arith.constant 0 : i32
      %dma_wait3A_1848 = tpu.memref_slice %arg9[%dma_wait3A_1846, %dma_wait3A_1847] : memref<32x64xf32, #tpu.memory_space<vmem>> -> memref<1x64xf32, #tpu.memory_space<vmem>>
      tpu.wait_dma2 semaphore(%arg11 : memref<!tpu.dma_semaphore, #tpu.memory_space<semaphore_mem>>) src(%dma_wait3A_1848 : memref<1x64xf32, #tpu.memory_space<vmem>>) dst(%dma_wait3A_1845 : memref<1x64xf32, #tpu.memory_space<hbm>>)
      %dma_wait3A_1849 = arith.constant 7 : i32
      %dma_wait3A_1850 = arith.constant 0 : i32
      %dma_wait3A_1851 = tpu.memref_slice %arg9[%dma_wait3A_1849, %dma_wait3A_1850] : memref<32x64xf32, #tpu.memory_space<vmem>> -> memref<1x64xf32, #tpu.memory_space<vmem>>
      %dma_wait3A_1852 = arith.constant 0 : i32
      %dma_wait3A_1853 = arith.constant 0 : i32
      %dma_wait3A_1854 = tpu.memref_slice %arg5[%dma_wait3A_1852, %dma_wait3A_1853] : memref<1000000x64xf32, #tpu.memory_space<hbm>> -> memref<1x64xf32, #tpu.memory_space<hbm>>
      %dma_wait3A_1855 = arith.constant 0 : i32
      %dma_wait3A_1856 = arith.constant 0 : i32
      %dma_wait3A_1857 = tpu.memref_slice %arg5[%dma_wait3A_1855, %dma_wait3A_1856] : memref<1000000x64xf32, #tpu.memory_space<hbm>> -> memref<1x64xf32, #tpu.memory_space<hbm>>
      %dma_wait3A_1858 = arith.constant 7 : i32
      %dma_wait3A_1859 = arith.constant 0 : i32
      %dma_wait3A_1860 = tpu.memref_slice %arg9[%dma_wait3A_1858, %dma_wait3A_1859] : memref<32x64xf32, #tpu.memory_space<vmem>> -> memref<1x64xf32, #tpu.memory_space<vmem>>
      tpu.wait_dma2 semaphore(%arg11 : memref<!tpu.dma_semaphore, #tpu.memory_space<semaphore_mem>>) src(%dma_wait3A_1860 : memref<1x64xf32, #tpu.memory_space<vmem>>) dst(%dma_wait3A_1857 : memref<1x64xf32, #tpu.memory_space<hbm>>)
      %dma_wait3A_1861 = arith.constant 8 : i32
      %dma_wait3A_1862 = arith.constant 0 : i32
      %dma_wait3A_1863 = tpu.memref_slice %arg9[%dma_wait3A_1861, %dma_wait3A_1862] : memref<32x64xf32, #tpu.memory_space<vmem>> -> memref<1x64xf32, #tpu.memory_space<vmem>>
      %dma_wait3A_1864 = arith.constant 0 : i32
      %dma_wait3A_1865 = arith.constant 0 : i32
      %dma_wait3A_1866 = tpu.memref_slice %arg5[%dma_wait3A_1864, %dma_wait3A_1865] : memref<1000000x64xf32, #tpu.memory_space<hbm>> -> memref<1x64xf32, #tpu.memory_space<hbm>>
      %dma_wait3A_1867 = arith.constant 0 : i32
      %dma_wait3A_1868 = arith.constant 0 : i32
      %dma_wait3A_1869 = tpu.memref_slice %arg5[%dma_wait3A_1867, %dma_wait3A_1868] : memref<1000000x64xf32, #tpu.memory_space<hbm>> -> memref<1x64xf32, #tpu.memory_space<hbm>>
      %dma_wait3A_1870 = arith.constant 8 : i32
      %dma_wait3A_1871 = arith.constant 0 : i32
      %dma_wait3A_1872 = tpu.memref_slice %arg9[%dma_wait3A_1870, %dma_wait3A_1871] : memref<32x64xf32, #tpu.memory_space<vmem>> -> memref<1x64xf32, #tpu.memory_space<vmem>>
      tpu.wait_dma2 semaphore(%arg11 : memref<!tpu.dma_semaphore, #tpu.memory_space<semaphore_mem>>) src(%dma_wait3A_1872 : memref<1x64xf32, #tpu.memory_space<vmem>>) dst(%dma_wait3A_1869 : memref<1x64xf32, #tpu.memory_space<hbm>>)
      %dma_wait3A_1873 = arith.constant 9 : i32
      %dma_wait3A_1874 = arith.constant 0 : i32
      %dma_wait3A_1875 = tpu.memref_slice %arg9[%dma_wait3A_1873, %dma_wait3A_1874] : memref<32x64xf32, #tpu.memory_space<vmem>> -> memref<1x64xf32, #tpu.memory_space<vmem>>
      %dma_wait3A_1876 = arith.constant 0 : i32
      %dma_wait3A_1877 = arith.constant 0 : i32
      %dma_wait3A_1878 = tpu.memref_slice %arg5[%dma_wait3A_1876, %dma_wait3A_1877] : memref<1000000x64xf32, #tpu.memory_space<hbm>> -> memref<1x64xf32, #tpu.memory_space<hbm>>
      %dma_wait3A_1879 = arith.constant 0 : i32
      %dma_wait3A_1880 = arith.constant 0 : i32
      %dma_wait3A_1881 = tpu.memref_slice %arg5[%dma_wait3A_1879, %dma_wait3A_1880] : memref<1000000x64xf32, #tpu.memory_space<hbm>> -> memref<1x64xf32, #tpu.memory_space<hbm>>
      %dma_wait3A_1882 = arith.constant 9 : i32
      %dma_wait3A_1883 = arith.constant 0 : i32
      %dma_wait3A_1884 = tpu.memref_slice %arg9[%dma_wait3A_1882, %dma_wait3A_1883] : memref<32x64xf32, #tpu.memory_space<vmem>> -> memref<1x64xf32, #tpu.memory_space<vmem>>
      tpu.wait_dma2 semaphore(%arg11 : memref<!tpu.dma_semaphore, #tpu.memory_space<semaphore_mem>>) src(%dma_wait3A_1884 : memref<1x64xf32, #tpu.memory_space<vmem>>) dst(%dma_wait3A_1881 : memref<1x64xf32, #tpu.memory_space<hbm>>)
      %dma_wait3A_1885 = arith.constant 10 : i32
      %dma_wait3A_1886 = arith.constant 0 : i32
      %dma_wait3A_1887 = tpu.memref_slice %arg9[%dma_wait3A_1885, %dma_wait3A_1886] : memref<32x64xf32, #tpu.memory_space<vmem>> -> memref<1x64xf32, #tpu.memory_space<vmem>>
      %dma_wait3A_1888 = arith.constant 0 : i32
      %dma_wait3A_1889 = arith.constant 0 : i32
      %dma_wait3A_1890 = tpu.memref_slice %arg5[%dma_wait3A_1888, %dma_wait3A_1889] : memref<1000000x64xf32, #tpu.memory_space<hbm>> -> memref<1x64xf32, #tpu.memory_space<hbm>>
      %dma_wait3A_1891 = arith.constant 0 : i32
      %dma_wait3A_1892 = arith.constant 0 : i32
      %dma_wait3A_1893 = tpu.memref_slice %arg5[%dma_wait3A_1891, %dma_wait3A_1892] : memref<1000000x64xf32, #tpu.memory_space<hbm>> -> memref<1x64xf32, #tpu.memory_space<hbm>>
      %dma_wait3A_1894 = arith.constant 10 : i32
      %dma_wait3A_1895 = arith.constant 0 : i32
      %dma_wait3A_1896 = tpu.memref_slice %arg9[%dma_wait3A_1894, %dma_wait3A_1895] : memref<32x64xf32, #tpu.memory_space<vmem>> -> memref<1x64xf32, #tpu.memory_space<vmem>>
      tpu.wait_dma2 semaphore(%arg11 : memref<!tpu.dma_semaphore, #tpu.memory_space<semaphore_mem>>) src(%dma_wait3A_1896 : memref<1x64xf32, #tpu.memory_space<vmem>>) dst(%dma_wait3A_1893 : memref<1x64xf32, #tpu.memory_space<hbm>>)
      %dma_wait3A_1897 = arith.constant 11 : i32
      %dma_wait3A_1898 = arith.constant 0 : i32
      %dma_wait3A_1899 = tpu.memref_slice %arg9[%dma_wait3A_1897, %dma_wait3A_1898] : memref<32x64xf32, #tpu.memory_space<vmem>> -> memref<1x64xf32, #tpu.memory_space<vmem>>
      %dma_wait3A_1900 = arith.constant 0 : i32
      %dma_wait3A_1901 = arith.constant 0 : i32
      %dma_wait3A_1902 = tpu.memref_slice %arg5[%dma_wait3A_1900, %dma_wait3A_1901] : memref<1000000x64xf32, #tpu.memory_space<hbm>> -> memref<1x64xf32, #tpu.memory_space<hbm>>
      %dma_wait3A_1903 = arith.constant 0 : i32
      %dma_wait3A_1904 = arith.constant 0 : i32
      %dma_wait3A_1905 = tpu.memref_slice %arg5[%dma_wait3A_1903, %dma_wait3A_1904] : memref<1000000x64xf32, #tpu.memory_space<hbm>> -> memref<1x64xf32, #tpu.memory_space<hbm>>
      %dma_wait3A_1906 = arith.constant 11 : i32
      %dma_wait3A_1907 = arith.constant 0 : i32
      %dma_wait3A_1908 = tpu.memref_slice %arg9[%dma_wait3A_1906, %dma_wait3A_1907] : memref<32x64xf32, #tpu.memory_space<vmem>> -> memref<1x64xf32, #tpu.memory_space<vmem>>
      tpu.wait_dma2 semaphore(%arg11 : memref<!tpu.dma_semaphore, #tpu.memory_space<semaphore_mem>>) src(%dma_wait3A_1908 : memref<1x64xf32, #tpu.memory_space<vmem>>) dst(%dma_wait3A_1905 : memref<1x64xf32, #tpu.memory_space<hbm>>)
      %dma_wait3A_1909 = arith.constant 12 : i32
      %dma_wait3A_1910 = arith.constant 0 : i32
      %dma_wait3A_1911 = tpu.memref_slice %arg9[%dma_wait3A_1909, %dma_wait3A_1910] : memref<32x64xf32, #tpu.memory_space<vmem>> -> memref<1x64xf32, #tpu.memory_space<vmem>>
      %dma_wait3A_1912 = arith.constant 0 : i32
      %dma_wait3A_1913 = arith.constant 0 : i32
      %dma_wait3A_1914 = tpu.memref_slice %arg5[%dma_wait3A_1912, %dma_wait3A_1913] : memref<1000000x64xf32, #tpu.memory_space<hbm>> -> memref<1x64xf32, #tpu.memory_space<hbm>>
      %dma_wait3A_1915 = arith.constant 0 : i32
      %dma_wait3A_1916 = arith.constant 0 : i32
      %dma_wait3A_1917 = tpu.memref_slice %arg5[%dma_wait3A_1915, %dma_wait3A_1916] : memref<1000000x64xf32, #tpu.memory_space<hbm>> -> memref<1x64xf32, #tpu.memory_space<hbm>>
      %dma_wait3A_1918 = arith.constant 12 : i32
      %dma_wait3A_1919 = arith.constant 0 : i32
      %dma_wait3A_1920 = tpu.memref_slice %arg9[%dma_wait3A_1918, %dma_wait3A_1919] : memref<32x64xf32, #tpu.memory_space<vmem>> -> memref<1x64xf32, #tpu.memory_space<vmem>>
      tpu.wait_dma2 semaphore(%arg11 : memref<!tpu.dma_semaphore, #tpu.memory_space<semaphore_mem>>) src(%dma_wait3A_1920 : memref<1x64xf32, #tpu.memory_space<vmem>>) dst(%dma_wait3A_1917 : memref<1x64xf32, #tpu.memory_space<hbm>>)
      %dma_wait3A_1921 = arith.constant 13 : i32
      %dma_wait3A_1922 = arith.constant 0 : i32
      %dma_wait3A_1923 = tpu.memref_slice %arg9[%dma_wait3A_1921, %dma_wait3A_1922] : memref<32x64xf32, #tpu.memory_space<vmem>> -> memref<1x64xf32, #tpu.memory_space<vmem>>
      %dma_wait3A_1924 = arith.constant 0 : i32
      %dma_wait3A_1925 = arith.constant 0 : i32
      %dma_wait3A_1926 = tpu.memref_slice %arg5[%dma_wait3A_1924, %dma_wait3A_1925] : memref<1000000x64xf32, #tpu.memory_space<hbm>> -> memref<1x64xf32, #tpu.memory_space<hbm>>
      %dma_wait3A_1927 = arith.constant 0 : i32
      %dma_wait3A_1928 = arith.constant 0 : i32
      %dma_wait3A_1929 = tpu.memref_slice %arg5[%dma_wait3A_1927, %dma_wait3A_1928] : memref<1000000x64xf32, #tpu.memory_space<hbm>> -> memref<1x64xf32, #tpu.memory_space<hbm>>
      %dma_wait3A_1930 = arith.constant 13 : i32
      %dma_wait3A_1931 = arith.constant 0 : i32
      %dma_wait3A_1932 = tpu.memref_slice %arg9[%dma_wait3A_1930, %dma_wait3A_1931] : memref<32x64xf32, #tpu.memory_space<vmem>> -> memref<1x64xf32, #tpu.memory_space<vmem>>
      tpu.wait_dma2 semaphore(%arg11 : memref<!tpu.dma_semaphore, #tpu.memory_space<semaphore_mem>>) src(%dma_wait3A_1932 : memref<1x64xf32, #tpu.memory_space<vmem>>) dst(%dma_wait3A_1929 : memref<1x64xf32, #tpu.memory_space<hbm>>)
      %dma_wait3A_1933 = arith.constant 14 : i32
      %dma_wait3A_1934 = arith.constant 0 : i32
      %dma_wait3A_1935 = tpu.memref_slice %arg9[%dma_wait3A_1933, %dma_wait3A_1934] : memref<32x64xf32, #tpu.memory_space<vmem>> -> memref<1x64xf32, #tpu.memory_space<vmem>>
      %dma_wait3A_1936 = arith.constant 0 : i32
      %dma_wait3A_1937 = arith.constant 0 : i32
      %dma_wait3A_1938 = tpu.memref_slice %arg5[%dma_wait3A_1936, %dma_wait3A_1937] : memref<1000000x64xf32, #tpu.memory_space<hbm>> -> memref<1x64xf32, #tpu.memory_space<hbm>>
      %dma_wait3A_1939 = arith.constant 0 : i32
      %dma_wait3A_1940 = arith.constant 0 : i32
      %dma_wait3A_1941 = tpu.memref_slice %arg5[%dma_wait3A_1939, %dma_wait3A_1940] : memref<1000000x64xf32, #tpu.memory_space<hbm>> -> memref<1x64xf32, #tpu.memory_space<hbm>>
      %dma_wait3A_1942 = arith.constant 14 : i32
      %dma_wait3A_1943 = arith.constant 0 : i32
      %dma_wait3A_1944 = tpu.memref_slice %arg9[%dma_wait3A_1942, %dma_wait3A_1943] : memref<32x64xf32, #tpu.memory_space<vmem>> -> memref<1x64xf32, #tpu.memory_space<vmem>>
      tpu.wait_dma2 semaphore(%arg11 : memref<!tpu.dma_semaphore, #tpu.memory_space<semaphore_mem>>) src(%dma_wait3A_1944 : memref<1x64xf32, #tpu.memory_space<vmem>>) dst(%dma_wait3A_1941 : memref<1x64xf32, #tpu.memory_space<hbm>>)
      %dma_wait3A_1945 = arith.constant 15 : i32
      %dma_wait3A_1946 = arith.constant 0 : i32
      %dma_wait3A_1947 = tpu.memref_slice %arg9[%dma_wait3A_1945, %dma_wait3A_1946] : memref<32x64xf32, #tpu.memory_space<vmem>> -> memref<1x64xf32, #tpu.memory_space<vmem>>
      %dma_wait3A_1948 = arith.constant 0 : i32
      %dma_wait3A_1949 = arith.constant 0 : i32
      %dma_wait3A_1950 = tpu.memref_slice %arg5[%dma_wait3A_1948, %dma_wait3A_1949] : memref<1000000x64xf32, #tpu.memory_space<hbm>> -> memref<1x64xf32, #tpu.memory_space<hbm>>
      %dma_wait3A_1951 = arith.constant 0 : i32
      %dma_wait3A_1952 = arith.constant 0 : i32
      %dma_wait3A_1953 = tpu.memref_slice %arg5[%dma_wait3A_1951, %dma_wait3A_1952] : memref<1000000x64xf32, #tpu.memory_space<hbm>> -> memref<1x64xf32, #tpu.memory_space<hbm>>
      %dma_wait3A_1954 = arith.constant 15 : i32
      %dma_wait3A_1955 = arith.constant 0 : i32
      %dma_wait3A_1956 = tpu.memref_slice %arg9[%dma_wait3A_1954, %dma_wait3A_1955] : memref<32x64xf32, #tpu.memory_space<vmem>> -> memref<1x64xf32, #tpu.memory_space<vmem>>
      tpu.wait_dma2 semaphore(%arg11 : memref<!tpu.dma_semaphore, #tpu.memory_space<semaphore_mem>>) src(%dma_wait3A_1956 : memref<1x64xf32, #tpu.memory_space<vmem>>) dst(%dma_wait3A_1953 : memref<1x64xf32, #tpu.memory_space<hbm>>)
      %dma_wait3A_1957 = arith.constant 16 : i32
      %dma_wait3A_1958 = arith.constant 0 : i32
      %dma_wait3A_1959 = tpu.memref_slice %arg9[%dma_wait3A_1957, %dma_wait3A_1958] : memref<32x64xf32, #tpu.memory_space<vmem>> -> memref<1x64xf32, #tpu.memory_space<vmem>>
      %dma_wait3A_1960 = arith.constant 0 : i32
      %dma_wait3A_1961 = arith.constant 0 : i32
      %dma_wait3A_1962 = tpu.memref_slice %arg5[%dma_wait3A_1960, %dma_wait3A_1961] : memref<1000000x64xf32, #tpu.memory_space<hbm>> -> memref<1x64xf32, #tpu.memory_space<hbm>>
      %dma_wait3A_1963 = arith.constant 0 : i32
      %dma_wait3A_1964 = arith.constant 0 : i32
      %dma_wait3A_1965 = tpu.memref_slice %arg5[%dma_wait3A_1963, %dma_wait3A_1964] : memref<1000000x64xf32, #tpu.memory_space<hbm>> -> memref<1x64xf32, #tpu.memory_space<hbm>>
      %dma_wait3A_1966 = arith.constant 16 : i32
      %dma_wait3A_1967 = arith.constant 0 : i32
      %dma_wait3A_1968 = tpu.memref_slice %arg9[%dma_wait3A_1966, %dma_wait3A_1967] : memref<32x64xf32, #tpu.memory_space<vmem>> -> memref<1x64xf32, #tpu.memory_space<vmem>>
      tpu.wait_dma2 semaphore(%arg12 : memref<!tpu.dma_semaphore, #tpu.memory_space<semaphore_mem>>) src(%dma_wait3A_1968 : memref<1x64xf32, #tpu.memory_space<vmem>>) dst(%dma_wait3A_1965 : memref<1x64xf32, #tpu.memory_space<hbm>>)
      %dma_wait3A_1969 = arith.constant 17 : i32
      %dma_wait3A_1970 = arith.constant 0 : i32
      %dma_wait3A_1971 = tpu.memref_slice %arg9[%dma_wait3A_1969, %dma_wait3A_1970] : memref<32x64xf32, #tpu.memory_space<vmem>> -> memref<1x64xf32, #tpu.memory_space<vmem>>
      %dma_wait3A_1972 = arith.constant 0 : i32
      %dma_wait3A_1973 = arith.constant 0 : i32
      %dma_wait3A_1974 = tpu.memref_slice %arg5[%dma_wait3A_1972, %dma_wait3A_1973] : memref<1000000x64xf32, #tpu.memory_space<hbm>> -> memref<1x64xf32, #tpu.memory_space<hbm>>
      %dma_wait3A_1975 = arith.constant 0 : i32
      %dma_wait3A_1976 = arith.constant 0 : i32
      %dma_wait3A_1977 = tpu.memref_slice %arg5[%dma_wait3A_1975, %dma_wait3A_1976] : memref<1000000x64xf32, #tpu.memory_space<hbm>> -> memref<1x64xf32, #tpu.memory_space<hbm>>
      %dma_wait3A_1978 = arith.constant 17 : i32
      %dma_wait3A_1979 = arith.constant 0 : i32
      %dma_wait3A_1980 = tpu.memref_slice %arg9[%dma_wait3A_1978, %dma_wait3A_1979] : memref<32x64xf32, #tpu.memory_space<vmem>> -> memref<1x64xf32, #tpu.memory_space<vmem>>
      tpu.wait_dma2 semaphore(%arg12 : memref<!tpu.dma_semaphore, #tpu.memory_space<semaphore_mem>>) src(%dma_wait3A_1980 : memref<1x64xf32, #tpu.memory_space<vmem>>) dst(%dma_wait3A_1977 : memref<1x64xf32, #tpu.memory_space<hbm>>)
      %dma_wait3A_1981 = arith.constant 18 : i32
      %dma_wait3A_1982 = arith.constant 0 : i32
      %dma_wait3A_1983 = tpu.memref_slice %arg9[%dma_wait3A_1981, %dma_wait3A_1982] : memref<32x64xf32, #tpu.memory_space<vmem>> -> memref<1x64xf32, #tpu.memory_space<vmem>>
      %dma_wait3A_1984 = arith.constant 0 : i32
      %dma_wait3A_1985 = arith.constant 0 : i32
      %dma_wait3A_1986 = tpu.memref_slice %arg5[%dma_wait3A_1984, %dma_wait3A_1985] : memref<1000000x64xf32, #tpu.memory_space<hbm>> -> memref<1x64xf32, #tpu.memory_space<hbm>>
      %dma_wait3A_1987 = arith.constant 0 : i32
      %dma_wait3A_1988 = arith.constant 0 : i32
      %dma_wait3A_1989 = tpu.memref_slice %arg5[%dma_wait3A_1987, %dma_wait3A_1988] : memref<1000000x64xf32, #tpu.memory_space<hbm>> -> memref<1x64xf32, #tpu.memory_space<hbm>>
      %dma_wait3A_1990 = arith.constant 18 : i32
      %dma_wait3A_1991 = arith.constant 0 : i32
      %dma_wait3A_1992 = tpu.memref_slice %arg9[%dma_wait3A_1990, %dma_wait3A_1991] : memref<32x64xf32, #tpu.memory_space<vmem>> -> memref<1x64xf32, #tpu.memory_space<vmem>>
      tpu.wait_dma2 semaphore(%arg12 : memref<!tpu.dma_semaphore, #tpu.memory_space<semaphore_mem>>) src(%dma_wait3A_1992 : memref<1x64xf32, #tpu.memory_space<vmem>>) dst(%dma_wait3A_1989 : memref<1x64xf32, #tpu.memory_space<hbm>>)
      %dma_wait3A_1993 = arith.constant 19 : i32
      %dma_wait3A_1994 = arith.constant 0 : i32
      %dma_wait3A_1995 = tpu.memref_slice %arg9[%dma_wait3A_1993, %dma_wait3A_1994] : memref<32x64xf32, #tpu.memory_space<vmem>> -> memref<1x64xf32, #tpu.memory_space<vmem>>
      %dma_wait3A_1996 = arith.constant 0 : i32
      %dma_wait3A_1997 = arith.constant 0 : i32
      %dma_wait3A_1998 = tpu.memref_slice %arg5[%dma_wait3A_1996, %dma_wait3A_1997] : memref<1000000x64xf32, #tpu.memory_space<hbm>> -> memref<1x64xf32, #tpu.memory_space<hbm>>
      %dma_wait3A_1999 = arith.constant 0 : i32
      %dma_wait3A_2000 = arith.constant 0 : i32
      %dma_wait3A_2001 = tpu.memref_slice %arg5[%dma_wait3A_1999, %dma_wait3A_2000] : memref<1000000x64xf32, #tpu.memory_space<hbm>> -> memref<1x64xf32, #tpu.memory_space<hbm>>
      %dma_wait3A_2002 = arith.constant 19 : i32
      %dma_wait3A_2003 = arith.constant 0 : i32
      %dma_wait3A_2004 = tpu.memref_slice %arg9[%dma_wait3A_2002, %dma_wait3A_2003] : memref<32x64xf32, #tpu.memory_space<vmem>> -> memref<1x64xf32, #tpu.memory_space<vmem>>
      tpu.wait_dma2 semaphore(%arg12 : memref<!tpu.dma_semaphore, #tpu.memory_space<semaphore_mem>>) src(%dma_wait3A_2004 : memref<1x64xf32, #tpu.memory_space<vmem>>) dst(%dma_wait3A_2001 : memref<1x64xf32, #tpu.memory_space<hbm>>)
      %dma_wait3A_2005 = arith.constant 20 : i32
      %dma_wait3A_2006 = arith.constant 0 : i32
      %dma_wait3A_2007 = tpu.memref_slice %arg9[%dma_wait3A_2005, %dma_wait3A_2006] : memref<32x64xf32, #tpu.memory_space<vmem>> -> memref<1x64xf32, #tpu.memory_space<vmem>>
      %dma_wait3A_2008 = arith.constant 0 : i32
      %dma_wait3A_2009 = arith.constant 0 : i32
      %dma_wait3A_2010 = tpu.memref_slice %arg5[%dma_wait3A_2008, %dma_wait3A_2009] : memref<1000000x64xf32, #tpu.memory_space<hbm>> -> memref<1x64xf32, #tpu.memory_space<hbm>>
      %dma_wait3A_2011 = arith.constant 0 : i32
      %dma_wait3A_2012 = arith.constant 0 : i32
      %dma_wait3A_2013 = tpu.memref_slice %arg5[%dma_wait3A_2011, %dma_wait3A_2012] : memref<1000000x64xf32, #tpu.memory_space<hbm>> -> memref<1x64xf32, #tpu.memory_space<hbm>>
      %dma_wait3A_2014 = arith.constant 20 : i32
      %dma_wait3A_2015 = arith.constant 0 : i32
      %dma_wait3A_2016 = tpu.memref_slice %arg9[%dma_wait3A_2014, %dma_wait3A_2015] : memref<32x64xf32, #tpu.memory_space<vmem>> -> memref<1x64xf32, #tpu.memory_space<vmem>>
      tpu.wait_dma2 semaphore(%arg12 : memref<!tpu.dma_semaphore, #tpu.memory_space<semaphore_mem>>) src(%dma_wait3A_2016 : memref<1x64xf32, #tpu.memory_space<vmem>>) dst(%dma_wait3A_2013 : memref<1x64xf32, #tpu.memory_space<hbm>>)
      %dma_wait3A_2017 = arith.constant 21 : i32
      %dma_wait3A_2018 = arith.constant 0 : i32
      %dma_wait3A_2019 = tpu.memref_slice %arg9[%dma_wait3A_2017, %dma_wait3A_2018] : memref<32x64xf32, #tpu.memory_space<vmem>> -> memref<1x64xf32, #tpu.memory_space<vmem>>
      %dma_wait3A_2020 = arith.constant 0 : i32
      %dma_wait3A_2021 = arith.constant 0 : i32
      %dma_wait3A_2022 = tpu.memref_slice %arg5[%dma_wait3A_2020, %dma_wait3A_2021] : memref<1000000x64xf32, #tpu.memory_space<hbm>> -> memref<1x64xf32, #tpu.memory_space<hbm>>
      %dma_wait3A_2023 = arith.constant 0 : i32
      %dma_wait3A_2024 = arith.constant 0 : i32
      %dma_wait3A_2025 = tpu.memref_slice %arg5[%dma_wait3A_2023, %dma_wait3A_2024] : memref<1000000x64xf32, #tpu.memory_space<hbm>> -> memref<1x64xf32, #tpu.memory_space<hbm>>
      %dma_wait3A_2026 = arith.constant 21 : i32
      %dma_wait3A_2027 = arith.constant 0 : i32
      %dma_wait3A_2028 = tpu.memref_slice %arg9[%dma_wait3A_2026, %dma_wait3A_2027] : memref<32x64xf32, #tpu.memory_space<vmem>> -> memref<1x64xf32, #tpu.memory_space<vmem>>
      tpu.wait_dma2 semaphore(%arg12 : memref<!tpu.dma_semaphore, #tpu.memory_space<semaphore_mem>>) src(%dma_wait3A_2028 : memref<1x64xf32, #tpu.memory_space<vmem>>) dst(%dma_wait3A_2025 : memref<1x64xf32, #tpu.memory_space<hbm>>)
      %dma_wait3A_2029 = arith.constant 22 : i32
      %dma_wait3A_2030 = arith.constant 0 : i32
      %dma_wait3A_2031 = tpu.memref_slice %arg9[%dma_wait3A_2029, %dma_wait3A_2030] : memref<32x64xf32, #tpu.memory_space<vmem>> -> memref<1x64xf32, #tpu.memory_space<vmem>>
      %dma_wait3A_2032 = arith.constant 0 : i32
      %dma_wait3A_2033 = arith.constant 0 : i32
      %dma_wait3A_2034 = tpu.memref_slice %arg5[%dma_wait3A_2032, %dma_wait3A_2033] : memref<1000000x64xf32, #tpu.memory_space<hbm>> -> memref<1x64xf32, #tpu.memory_space<hbm>>
      %dma_wait3A_2035 = arith.constant 0 : i32
      %dma_wait3A_2036 = arith.constant 0 : i32
      %dma_wait3A_2037 = tpu.memref_slice %arg5[%dma_wait3A_2035, %dma_wait3A_2036] : memref<1000000x64xf32, #tpu.memory_space<hbm>> -> memref<1x64xf32, #tpu.memory_space<hbm>>
      %dma_wait3A_2038 = arith.constant 22 : i32
      %dma_wait3A_2039 = arith.constant 0 : i32
      %dma_wait3A_2040 = tpu.memref_slice %arg9[%dma_wait3A_2038, %dma_wait3A_2039] : memref<32x64xf32, #tpu.memory_space<vmem>> -> memref<1x64xf32, #tpu.memory_space<vmem>>
      tpu.wait_dma2 semaphore(%arg12 : memref<!tpu.dma_semaphore, #tpu.memory_space<semaphore_mem>>) src(%dma_wait3A_2040 : memref<1x64xf32, #tpu.memory_space<vmem>>) dst(%dma_wait3A_2037 : memref<1x64xf32, #tpu.memory_space<hbm>>)
      %dma_wait3A_2041 = arith.constant 23 : i32
      %dma_wait3A_2042 = arith.constant 0 : i32
      %dma_wait3A_2043 = tpu.memref_slice %arg9[%dma_wait3A_2041, %dma_wait3A_2042] : memref<32x64xf32, #tpu.memory_space<vmem>> -> memref<1x64xf32, #tpu.memory_space<vmem>>
      %dma_wait3A_2044 = arith.constant 0 : i32
      %dma_wait3A_2045 = arith.constant 0 : i32
      %dma_wait3A_2046 = tpu.memref_slice %arg5[%dma_wait3A_2044, %dma_wait3A_2045] : memref<1000000x64xf32, #tpu.memory_space<hbm>> -> memref<1x64xf32, #tpu.memory_space<hbm>>
      %dma_wait3A_2047 = arith.constant 0 : i32
      %dma_wait3A_2048 = arith.constant 0 : i32
      %dma_wait3A_2049 = tpu.memref_slice %arg5[%dma_wait3A_2047, %dma_wait3A_2048] : memref<1000000x64xf32, #tpu.memory_space<hbm>> -> memref<1x64xf32, #tpu.memory_space<hbm>>
      %dma_wait3A_2050 = arith.constant 23 : i32
      %dma_wait3A_2051 = arith.constant 0 : i32
      %dma_wait3A_2052 = tpu.memref_slice %arg9[%dma_wait3A_2050, %dma_wait3A_2051] : memref<32x64xf32, #tpu.memory_space<vmem>> -> memref<1x64xf32, #tpu.memory_space<vmem>>
      tpu.wait_dma2 semaphore(%arg12 : memref<!tpu.dma_semaphore, #tpu.memory_space<semaphore_mem>>) src(%dma_wait3A_2052 : memref<1x64xf32, #tpu.memory_space<vmem>>) dst(%dma_wait3A_2049 : memref<1x64xf32, #tpu.memory_space<hbm>>)
      %dma_wait3A_2053 = arith.constant 24 : i32
      %dma_wait3A_2054 = arith.constant 0 : i32
      %dma_wait3A_2055 = tpu.memref_slice %arg9[%dma_wait3A_2053, %dma_wait3A_2054] : memref<32x64xf32, #tpu.memory_space<vmem>> -> memref<1x64xf32, #tpu.memory_space<vmem>>
      %dma_wait3A_2056 = arith.constant 0 : i32
      %dma_wait3A_2057 = arith.constant 0 : i32
      %dma_wait3A_2058 = tpu.memref_slice %arg5[%dma_wait3A_2056, %dma_wait3A_2057] : memref<1000000x64xf32, #tpu.memory_space<hbm>> -> memref<1x64xf32, #tpu.memory_space<hbm>>
      %dma_wait3A_2059 = arith.constant 0 : i32
      %dma_wait3A_2060 = arith.constant 0 : i32
      %dma_wait3A_2061 = tpu.memref_slice %arg5[%dma_wait3A_2059, %dma_wait3A_2060] : memref<1000000x64xf32, #tpu.memory_space<hbm>> -> memref<1x64xf32, #tpu.memory_space<hbm>>
      %dma_wait3A_2062 = arith.constant 24 : i32
      %dma_wait3A_2063 = arith.constant 0 : i32
      %dma_wait3A_2064 = tpu.memref_slice %arg9[%dma_wait3A_2062, %dma_wait3A_2063] : memref<32x64xf32, #tpu.memory_space<vmem>> -> memref<1x64xf32, #tpu.memory_space<vmem>>
      tpu.wait_dma2 semaphore(%arg12 : memref<!tpu.dma_semaphore, #tpu.memory_space<semaphore_mem>>) src(%dma_wait3A_2064 : memref<1x64xf32, #tpu.memory_space<vmem>>) dst(%dma_wait3A_2061 : memref<1x64xf32, #tpu.memory_space<hbm>>)
      %dma_wait3A_2065 = arith.constant 25 : i32
      %dma_wait3A_2066 = arith.constant 0 : i32
      %dma_wait3A_2067 = tpu.memref_slice %arg9[%dma_wait3A_2065, %dma_wait3A_2066] : memref<32x64xf32, #tpu.memory_space<vmem>> -> memref<1x64xf32, #tpu.memory_space<vmem>>
      %dma_wait3A_2068 = arith.constant 0 : i32
      %dma_wait3A_2069 = arith.constant 0 : i32
      %dma_wait3A_2070 = tpu.memref_slice %arg5[%dma_wait3A_2068, %dma_wait3A_2069] : memref<1000000x64xf32, #tpu.memory_space<hbm>> -> memref<1x64xf32, #tpu.memory_space<hbm>>
      %dma_wait3A_2071 = arith.constant 0 : i32
      %dma_wait3A_2072 = arith.constant 0 : i32
      %dma_wait3A_2073 = tpu.memref_slice %arg5[%dma_wait3A_2071, %dma_wait3A_2072] : memref<1000000x64xf32, #tpu.memory_space<hbm>> -> memref<1x64xf32, #tpu.memory_space<hbm>>
      %dma_wait3A_2074 = arith.constant 25 : i32
      %dma_wait3A_2075 = arith.constant 0 : i32
      %dma_wait3A_2076 = tpu.memref_slice %arg9[%dma_wait3A_2074, %dma_wait3A_2075] : memref<32x64xf32, #tpu.memory_space<vmem>> -> memref<1x64xf32, #tpu.memory_space<vmem>>
      tpu.wait_dma2 semaphore(%arg12 : memref<!tpu.dma_semaphore, #tpu.memory_space<semaphore_mem>>) src(%dma_wait3A_2076 : memref<1x64xf32, #tpu.memory_space<vmem>>) dst(%dma_wait3A_2073 : memref<1x64xf32, #tpu.memory_space<hbm>>)
      %dma_wait3A_2077 = arith.constant 26 : i32
      %dma_wait3A_2078 = arith.constant 0 : i32
      %dma_wait3A_2079 = tpu.memref_slice %arg9[%dma_wait3A_2077, %dma_wait3A_2078] : memref<32x64xf32, #tpu.memory_space<vmem>> -> memref<1x64xf32, #tpu.memory_space<vmem>>
      %dma_wait3A_2080 = arith.constant 0 : i32
      %dma_wait3A_2081 = arith.constant 0 : i32
      %dma_wait3A_2082 = tpu.memref_slice %arg5[%dma_wait3A_2080, %dma_wait3A_2081] : memref<1000000x64xf32, #tpu.memory_space<hbm>> -> memref<1x64xf32, #tpu.memory_space<hbm>>
      %dma_wait3A_2083 = arith.constant 0 : i32
      %dma_wait3A_2084 = arith.constant 0 : i32
      %dma_wait3A_2085 = tpu.memref_slice %arg5[%dma_wait3A_2083, %dma_wait3A_2084] : memref<1000000x64xf32, #tpu.memory_space<hbm>> -> memref<1x64xf32, #tpu.memory_space<hbm>>
      %dma_wait3A_2086 = arith.constant 26 : i32
      %dma_wait3A_2087 = arith.constant 0 : i32
      %dma_wait3A_2088 = tpu.memref_slice %arg9[%dma_wait3A_2086, %dma_wait3A_2087] : memref<32x64xf32, #tpu.memory_space<vmem>> -> memref<1x64xf32, #tpu.memory_space<vmem>>
      tpu.wait_dma2 semaphore(%arg12 : memref<!tpu.dma_semaphore, #tpu.memory_space<semaphore_mem>>) src(%dma_wait3A_2088 : memref<1x64xf32, #tpu.memory_space<vmem>>) dst(%dma_wait3A_2085 : memref<1x64xf32, #tpu.memory_space<hbm>>)
      %dma_wait3A_2089 = arith.constant 27 : i32
      %dma_wait3A_2090 = arith.constant 0 : i32
      %dma_wait3A_2091 = tpu.memref_slice %arg9[%dma_wait3A_2089, %dma_wait3A_2090] : memref<32x64xf32, #tpu.memory_space<vmem>> -> memref<1x64xf32, #tpu.memory_space<vmem>>
      %dma_wait3A_2092 = arith.constant 0 : i32
      %dma_wait3A_2093 = arith.constant 0 : i32
      %dma_wait3A_2094 = tpu.memref_slice %arg5[%dma_wait3A_2092, %dma_wait3A_2093] : memref<1000000x64xf32, #tpu.memory_space<hbm>> -> memref<1x64xf32, #tpu.memory_space<hbm>>
      %dma_wait3A_2095 = arith.constant 0 : i32
      %dma_wait3A_2096 = arith.constant 0 : i32
      %dma_wait3A_2097 = tpu.memref_slice %arg5[%dma_wait3A_2095, %dma_wait3A_2096] : memref<1000000x64xf32, #tpu.memory_space<hbm>> -> memref<1x64xf32, #tpu.memory_space<hbm>>
      %dma_wait3A_2098 = arith.constant 27 : i32
      %dma_wait3A_2099 = arith.constant 0 : i32
      %dma_wait3A_2100 = tpu.memref_slice %arg9[%dma_wait3A_2098, %dma_wait3A_2099] : memref<32x64xf32, #tpu.memory_space<vmem>> -> memref<1x64xf32, #tpu.memory_space<vmem>>
      tpu.wait_dma2 semaphore(%arg12 : memref<!tpu.dma_semaphore, #tpu.memory_space<semaphore_mem>>) src(%dma_wait3A_2100 : memref<1x64xf32, #tpu.memory_space<vmem>>) dst(%dma_wait3A_2097 : memref<1x64xf32, #tpu.memory_space<hbm>>)
      %dma_wait3A_2101 = arith.constant 28 : i32
      %dma_wait3A_2102 = arith.constant 0 : i32
      %dma_wait3A_2103 = tpu.memref_slice %arg9[%dma_wait3A_2101, %dma_wait3A_2102] : memref<32x64xf32, #tpu.memory_space<vmem>> -> memref<1x64xf32, #tpu.memory_space<vmem>>
      %dma_wait3A_2104 = arith.constant 0 : i32
      %dma_wait3A_2105 = arith.constant 0 : i32
      %dma_wait3A_2106 = tpu.memref_slice %arg5[%dma_wait3A_2104, %dma_wait3A_2105] : memref<1000000x64xf32, #tpu.memory_space<hbm>> -> memref<1x64xf32, #tpu.memory_space<hbm>>
      %dma_wait3A_2107 = arith.constant 0 : i32
      %dma_wait3A_2108 = arith.constant 0 : i32
      %dma_wait3A_2109 = tpu.memref_slice %arg5[%dma_wait3A_2107, %dma_wait3A_2108] : memref<1000000x64xf32, #tpu.memory_space<hbm>> -> memref<1x64xf32, #tpu.memory_space<hbm>>
      %dma_wait3A_2110 = arith.constant 28 : i32
      %dma_wait3A_2111 = arith.constant 0 : i32
      %dma_wait3A_2112 = tpu.memref_slice %arg9[%dma_wait3A_2110, %dma_wait3A_2111] : memref<32x64xf32, #tpu.memory_space<vmem>> -> memref<1x64xf32, #tpu.memory_space<vmem>>
      tpu.wait_dma2 semaphore(%arg12 : memref<!tpu.dma_semaphore, #tpu.memory_space<semaphore_mem>>) src(%dma_wait3A_2112 : memref<1x64xf32, #tpu.memory_space<vmem>>) dst(%dma_wait3A_2109 : memref<1x64xf32, #tpu.memory_space<hbm>>)
      %dma_wait3A_2113 = arith.constant 29 : i32
      %dma_wait3A_2114 = arith.constant 0 : i32
      %dma_wait3A_2115 = tpu.memref_slice %arg9[%dma_wait3A_2113, %dma_wait3A_2114] : memref<32x64xf32, #tpu.memory_space<vmem>> -> memref<1x64xf32, #tpu.memory_space<vmem>>
      %dma_wait3A_2116 = arith.constant 0 : i32
      %dma_wait3A_2117 = arith.constant 0 : i32
      %dma_wait3A_2118 = tpu.memref_slice %arg5[%dma_wait3A_2116, %dma_wait3A_2117] : memref<1000000x64xf32, #tpu.memory_space<hbm>> -> memref<1x64xf32, #tpu.memory_space<hbm>>
      %dma_wait3A_2119 = arith.constant 0 : i32
      %dma_wait3A_2120 = arith.constant 0 : i32
      %dma_wait3A_2121 = tpu.memref_slice %arg5[%dma_wait3A_2119, %dma_wait3A_2120] : memref<1000000x64xf32, #tpu.memory_space<hbm>> -> memref<1x64xf32, #tpu.memory_space<hbm>>
      %dma_wait3A_2122 = arith.constant 29 : i32
      %dma_wait3A_2123 = arith.constant 0 : i32
      %dma_wait3A_2124 = tpu.memref_slice %arg9[%dma_wait3A_2122, %dma_wait3A_2123] : memref<32x64xf32, #tpu.memory_space<vmem>> -> memref<1x64xf32, #tpu.memory_space<vmem>>
      tpu.wait_dma2 semaphore(%arg12 : memref<!tpu.dma_semaphore, #tpu.memory_space<semaphore_mem>>) src(%dma_wait3A_2124 : memref<1x64xf32, #tpu.memory_space<vmem>>) dst(%dma_wait3A_2121 : memref<1x64xf32, #tpu.memory_space<hbm>>)
      %dma_wait3A_2125 = arith.constant 30 : i32
      %dma_wait3A_2126 = arith.constant 0 : i32
      %dma_wait3A_2127 = tpu.memref_slice %arg9[%dma_wait3A_2125, %dma_wait3A_2126] : memref<32x64xf32, #tpu.memory_space<vmem>> -> memref<1x64xf32, #tpu.memory_space<vmem>>
      %dma_wait3A_2128 = arith.constant 0 : i32
      %dma_wait3A_2129 = arith.constant 0 : i32
      %dma_wait3A_2130 = tpu.memref_slice %arg5[%dma_wait3A_2128, %dma_wait3A_2129] : memref<1000000x64xf32, #tpu.memory_space<hbm>> -> memref<1x64xf32, #tpu.memory_space<hbm>>
      %dma_wait3A_2131 = arith.constant 0 : i32
      %dma_wait3A_2132 = arith.constant 0 : i32
      %dma_wait3A_2133 = tpu.memref_slice %arg5[%dma_wait3A_2131, %dma_wait3A_2132] : memref<1000000x64xf32, #tpu.memory_space<hbm>> -> memref<1x64xf32, #tpu.memory_space<hbm>>
      %dma_wait3A_2134 = arith.constant 30 : i32
      %dma_wait3A_2135 = arith.constant 0 : i32
      %dma_wait3A_2136 = tpu.memref_slice %arg9[%dma_wait3A_2134, %dma_wait3A_2135] : memref<32x64xf32, #tpu.memory_space<vmem>> -> memref<1x64xf32, #tpu.memory_space<vmem>>
      tpu.wait_dma2 semaphore(%arg12 : memref<!tpu.dma_semaphore, #tpu.memory_space<semaphore_mem>>) src(%dma_wait3A_2136 : memref<1x64xf32, #tpu.memory_space<vmem>>) dst(%dma_wait3A_2133 : memref<1x64xf32, #tpu.memory_space<hbm>>)
      %dma_wait3A_2137 = arith.constant 31 : i32
      %dma_wait3A_2138 = arith.constant 0 : i32
      %dma_wait3A_2139 = tpu.memref_slice %arg9[%dma_wait3A_2137, %dma_wait3A_2138] : memref<32x64xf32, #tpu.memory_space<vmem>> -> memref<1x64xf32, #tpu.memory_space<vmem>>
      %dma_wait3A_2140 = arith.constant 0 : i32
      %dma_wait3A_2141 = arith.constant 0 : i32
      %dma_wait3A_2142 = tpu.memref_slice %arg5[%dma_wait3A_2140, %dma_wait3A_2141] : memref<1000000x64xf32, #tpu.memory_space<hbm>> -> memref<1x64xf32, #tpu.memory_space<hbm>>
      %dma_wait3A_2143 = arith.constant 0 : i32
      %dma_wait3A_2144 = arith.constant 0 : i32
      %dma_wait3A_2145 = tpu.memref_slice %arg5[%dma_wait3A_2143, %dma_wait3A_2144] : memref<1000000x64xf32, #tpu.memory_space<hbm>> -> memref<1x64xf32, #tpu.memory_space<hbm>>
      %dma_wait3A_2146 = arith.constant 31 : i32
      %dma_wait3A_2147 = arith.constant 0 : i32
      %dma_wait3A_2148 = tpu.memref_slice %arg9[%dma_wait3A_2146, %dma_wait3A_2147] : memref<32x64xf32, #tpu.memory_space<vmem>> -> memref<1x64xf32, #tpu.memory_space<vmem>>
      tpu.wait_dma2 semaphore(%arg12 : memref<!tpu.dma_semaphore, #tpu.memory_space<semaphore_mem>>) src(%dma_wait3A_2148 : memref<1x64xf32, #tpu.memory_space<vmem>>) dst(%dma_wait3A_2145 : memref<1x64xf32, #tpu.memory_space<hbm>>)
    }
    %scan3A_8 = arith.constant 16 : i32
    return
  }
}

</mosaic_0001>

<sc_bundles>
// kernel: gather_offload_async_start
scs
__scs_entry_jumppad:
0x0: {  	(pc) =	sbr.rel $0x88, $3  }
0x1: {  	(tag) =	ssettag $0x0;
	lr =	simm.s32 $0x1  }
0x2: {  	[smem:$0x3F9E] =	sst lr;
	_ =	strace $0xD0000000  }
0x3: {  	_ = 	snop  }
0x4: {  	_ = 	snop  }
0x5: {  	_ = 	snop  }
0x6: {  	_ = 	snop  }
0x7: {  	_ = 	snop  }
__scs_overlays_trampoline_lowered:
0x8: {  	[smem:$0x3FAD] =	sst s0  }
0x9: {  	[smem:$0x3FAE] =	sst s1  }
0xa: {  	[smem:$0x3FAF] =	sst s2  }
0xb: {  	[smem:$0x3FB0] =	sst s3  }
0xc: {  	[smem:$0x3FB1] =	sst s4  }
0xd: {  	[smem:$0x3FB2] =	sst s5  }
0xe: {  	[smem:$0x3FB3] =	sst s6  }
0xf: {  	[smem:$0x3FB4] =	sst s7  }
0x10: {  	[smem:$0x3FB5] =	sst s8  }
0x11: {  	[smem:$0x3FB6] =	sst s9;
	s0 =	simm.s32 @!p0 $0x0  }
0x12: {  	s1 =	sld [smem:$0x3F9C];
	s0 =	simm.s32 @p0 $0x1  }
0x13: {  	[smem:$0x3FB7] =	sst s0;
	s0 =	simm.s32 @!p1 $0x0  }
0x14: {  	s2 =	sld [smem:$0x3F9B];
	s0 =	simm.s32 @p1 $0x1  }
0x15: {  	[smem:$0x3FB8] =	sst s0;
	s0 =	simm.s32 @!p2 $0x0  }
0x16: {  	s3 =	sld [smem:$0x3FDB];
	s0 =	simm.s32 @p2 $0x1  }
0x17: {  	s4 =	simm.s32 $0x1BF5;
	[smem:$0x3FBA] =	sst s0  }
0x18: {  	s0 =	sld [smem:$0x3F9D];
	_ =	swait.ge [sflag:s4], $0x0  }
0x19: {  	s7 =	sld [smem:$0x3F9E]  }
0x1a: {  	s8 =	sadd.s32 $0xFFFFE003, lr  }
0x1b: {  	s9 =	sadd.s32 $0xFFFFFEF7, lr;
	s5 =	simm.s32 $0xFFFFFFFF;
	p2 =	slt.u32 s8, $0xFFFFF086  }
0x1c: {  	p1 =	slt.u32 s9, $0xF7A;
	s5 =	simm.s32 @!p2 $0x0  }
0x1d: {  	s5 =	simm.s32 @p1 $0x1;
	p0 =	seq.s32 s7, s2  }
0x1e: {  	s7 =	smul.u32 @!p0 $0xF7A, s2;
	p2 =	seq.s32 @!p0 s5, $0x0  }
0x1f: {  	s9 =	smul.u32 $0xF7A, s1;
	s8 =	simm.s32 @!p0 $0x1BF5;
	p2 =	por !p2, p0  }
0x20: {  	[sflag:s8] =	ssyncset.s32 @!p0 $0xFFFFF086;
	s6 =	sadd.s32 @!p0 s3, s7;
	s7 =	simm.s32 @!p0 $0x108  }
0x21: {  	s3 =	sadd.s32 s3, s9;
	s6 =	sadd.s32 @!p0 $0x88, s6;
	s7 =	simm.s32 @p2 $0x1082  }
0x22: {  	[simem:s7], [sflag:s8] =	dma.local @!p0 [hbm:s6], $0xF7A  }
0x23: {  	s9 =	sor.u32 $0xD0000000, s2;
	s6 =	simm.s32 $0x108;
	_ =	swait.ge @!p0 [sflag:s8], $0x0  }
0x24: {  	s3 =	sadd.s32 $0x88, s3;
	s6 =	simm.s32 @!p1 $0x1082;
	[sflag:s4] =	ssyncset.s32 $0xFFFFF086  }
0x25: {  	[simem:s6], [sflag:s4] =	dma.local [hbm:s3], $0xF7A  }
0x26: {  	[smem:$0x3F9E] =	sst s1;
	(tag) =	ssettag s2;
	_ =	strace s9  }
0x27: {  	s1 =	sld [smem:$0x3FAE]  }
0x28: {  	s2 =	sld [smem:$0x3FAF]  }
0x29: {  	s4 =	sld [smem:$0x3FB1]  }
0x2a: {  	p0 =	seq.s32 s5, $0x0;
	s5 =	sld [smem:$0x3FB2]  }
0x2b: {  	s6 =	sld [smem:$0x3FB3]  }
0x2c: {  	s7 =	sld [smem:$0x3FB4]  }
0x2d: {  	s3 =	simm.s32 $0x108;
	s8 =	sld [smem:$0x3FB5]  }
0x2e: {  	s3 =	simm.s32 @!p0 $0x1082;
	s9 =	sld [smem:$0x3FB6]  }
0x2f: {  	lr =	sadd.s32 s0, s3;
	s0 =	sld [smem:$0x3FAD]  }
0x30: {  	s3 =	sld [smem:$0x3FB0]  }
0x31: {  	[smem:$0x3FB9] =	sst s10  }
0x32: {  	s10 =	sld [smem:$0x3FB7];
	_ =	sdelay $0x3  }
0x33: {  	p0 =	seq.s32 s10, $0x1;
	s10 =	sld [smem:$0x3FB9];
	_ =	sdelay $0x3  }
0x34: {  	[smem:$0x3FB9] =	sst s10  }
0x35: {  	s10 =	sld [smem:$0x3FB8];
	_ =	sdelay $0x3  }
0x36: {  	p1 =	seq.s32 s10, $0x1;
	s10 =	sld [smem:$0x3FB9];
	_ =	sdelay $0x3  }
0x37: {  	[smem:$0x3FB9] =	sst s10  }
0x38: {  	s10 =	sld [smem:$0x3FBA]  }
0x39: {  	_ = 	snop;
	(pc) =	sbr.ind lr, $3  }
0x3a: {  	_ = 	snop  }
0x3b: {  	_ = 	snop  }
0x3c: {  	p2 =	seq.s32 s10, $0x1;
	s10 =	sld [smem:$0x3FB9]  }
0x3d: {  	_ =	shalt  }
0x3e: {  	_ =	shalt  }
0x3f: {  	_ =	shalt  }
0x40: {  	_ =	shalt  }
0x41: {  	_ =	shalt  }
0x42: {  	_ =	shalt  }
0x43: {  	_ =	shalt  }
0x44: {  	_ =	shalt  }
0x45: {  	_ =	shalt  }
0x46: {  	_ =	shalt  }
0x47: {  	_ =	shalt  }
0x48: {  	_ =	shalt  }
0x49: {  	_ =	shalt  }
0x4a: {  	_ =	shalt  }
0x4b: {  	_ =	shalt  }
0x4c: {  	_ =	shalt  }
0x4d: {  	_ =	shalt  }
0x4e: {  	_ =	shalt  }
0x4f: {  	_ =	shalt  }
0x50: {  	_ =	shalt  }
0x51: {  	_ =	shalt  }
0x52: {  	_ =	shalt  }
0x53: {  	_ =	shalt  }
0x54: {  	_ =	shalt  }
0x55: {  	_ =	shalt  }
0x56: {  	_ =	shalt  }
0x57: {  	_ =	shalt  }
0x58: {  	_ =	shalt  }
0x59: {  	_ =	shalt  }
0x5a: {  	_ =	shalt  }
0x5b: {  	_ =	shalt  }
0x5c: {  	_ =	shalt  }
0x5d: {  	_ =	shalt  }
0x5e: {  	_ =	shalt  }
0x5f: {  	_ =	shalt  }
0x60: {  	_ =	shalt  }
0x61: {  	_ =	shalt  }
0x62: {  	_ =	shalt  }
0x63: {  	_ =	shalt  }
0x64: {  	_ =	shalt  }
0x65: {  	_ =	shalt  }
0x66: {  	_ =	shalt  }
0x67: {  	_ =	shalt  }
0x68: {  	_ =	shalt  }
0x69: {  	_ =	shalt  }
0x6a: {  	_ =	shalt  }
0x6b: {  	_ =	shalt  }
0x6c: {  	_ =	shalt  }
0x6d: {  	_ =	shalt  }
0x6e: {  	_ =	shalt  }
0x6f: {  	_ =	shalt  }
0x70: {  	_ =	shalt  }
0x71: {  	_ =	shalt  }
0x72: {  	_ =	shalt  }
0x73: {  	_ =	shalt  }
0x74: {  	_ =	shalt  }
0x75: {  	_ =	shalt  }
0x76: {  	_ =	shalt  }
0x77: {  	_ =	shalt  }
0x78: {  	_ =	shalt  }
0x79: {  	_ =	shalt  }
0x7a: {  	_ =	shalt  }
0x7b: {  	_ =	shalt  }
0x7c: {  	_ =	shalt  }
0x7d: {  	_ =	shalt  }
0x7e: {  	_ =	shalt  }
0x7f: {  	_ =	shalt  }
0x80: {  	_ =	shalt  }
0x81: {  	_ =	shalt  }
0x82: {  	_ =	shalt  }
0x83: {  	_ =	shalt  }
0x84: {  	_ =	shalt  }
0x85: {  	_ =	shalt  }
0x86: {  	_ =	shalt  }
0x87: {  	_ =	shalt  }
.Lfunc_end0:
.L_simem_size_0:
called_computation.1_lowered:
.L_overlay_start_0:
0x88: {  	s2 =	sld [smem:$0x3FD9]  }
0x89: {  	s3 =	sld [smem:$0x3FFE];
	_ =	sdelay $0x1  }
0x8a: {  	s1 =	srdreg.scid  }
0x8b: {  	s0 =	sand.u32 $0x1, s1  }
0x8c: {  	s16 =	sshll.u32 s0, $0xA;
	s2 =	sadd.s32 s3, s2  }
0x8d: {  	s2 =	sadd.s32 s2, s16  }
0x8e: {  	[smem:$0x3FC5] =	sst s2  }
0x8f: {  	_ = 	snop  }
0x90: {  	(tm) =	ssettm $0x1  }
0x91: {  	s17 =	sld [smem:$0x3FFB];
	_ =	sdelay $0x3  }
0x92: {  	_ =	strace s17  }
0x93: {  	s2 =	sld [smem:$0x3FFC];
	_ =	sdelay $0x3  }
0x94: {  	_ =	strace s2  }
0x95: {  	s2 =	sld [smem:$0x3FFD];
	_ =	sdelay $0x3  }
0x96: {  	_ =	strace s2  }
0x97: {  	_ =	strace $0x8FFFFFFF  }
0x98: {  	s18 =	sld [smem:$0x3FDB];
	_ =	sdelay $0x1  }
0x99: {  	s19 =	simm.s32 $_scs_section_size  }
0x9a: {  	s4 =	simm.s32 $_size__tile_overlayer_lowered;
	s5 =	simm.s32 $_tile_overlayer_lowered  }
0x9b: {  	s22 =	simm.s32 $0x1BFF;
	s21 =	sshll.u32 s5, $0x1;
	s2 =	sadd.s32 s19, s18  }
0x9c: {  	s6 =	simm.s32 $0x0;
	s20 =	sshll.u32 s4, $0x1;
	s4 =	sadd.s32 s21, s2  }
0x9d: {  	[timem:s6], [sflag:s22] =	dma.local [hbm:s4], s20  }
0x9e: {  	_ =	swait.ge [sflag:s22], s20  }
0x9f: {  	s3 =	ssub.s32 $0x0, s20;
	[sflag:s22] =	ssyncset.done $0x0  }
0xa0: {  	[sflag:s22] =	ssyncadd.s32 s3;
	_ =	sdelay $0x1  }
0xa1: {  	s23 =	simm.s32 $0x1B8B  }
0xa2: {  	_ =	swait.ge [sflag:s23], $0x1  }
0xa3: {  	[sflag:s23] =	ssyncset.done $0x0  }
0xa4: {  	s25 =	simm.s32 $0x1B8E;
	s24 =	sld [smem:$0x3FFE];
	[sflag:s23] =	ssyncadd.s32 $0xFFFFFFFF  }
0xa5: {  	s26 =	simm.s32 $execute0_lowered;
	[smem:$0x3FD2] =	sst s25  }
0xa6: {  	s4 =	sshll.u32 s26, $0x1;
	_ =	strace $0x80000049;
	[dreg:$0x1] =	wrdreg $0xFFFFFFFF  }
0xa7: {  	s28 =	simm.s32 $_size_execute0_lowered;
	s2 =	sadd.s32 s2, s4;
	[dreg:$0x0] =	wrdreg $0x0  }
0xa8: {  	s4 =	sshll.u32 s28, $0x1;
	[dreg:$0x2] =	wrdreg s2  }
0xa9: {  	[dreg:$0x3] =	wrdreg s4  }
0xaa: {  	[dreg:$0x4] =	wrdreg $0xC0  }
0xab: {  	_ =	task [dreg:s6], $0x5FFFF  }
0xac: {  	[dreg:$0x1] =	wrdreg $0xFFFFFFFF  }
0xad: {  	[dreg:$0x0] =	wrdreg $0x60  }
0xae: {  	[dreg:$0x2] =	wrdreg s24  }
0xaf: {  	[dreg:$0x3] =	wrdreg $0x9  }
0xb0: {  	_ =	task.clear_ibuf [dreg:s6], $0x4FFFF;
	_ =	strace $0x90000049  }
0xb1: {  	s29 =	simm.s32 $0x9;
	_ =	strace $0x8000004B  }
0xb2: {  	_ =	swait.ge [sflag:s29], $0x1  }
0xb3: {  	[sflag:s29] =	ssyncadd.s32 $0xFFFFFFFF  }
0xb4: {  	_ =	strace $0x9000004B  }
0xb5: {  	_ =	sfence  }
0xb6: {  	s30 =	sld [smem:$0x0];
	_ =	sdelay $0x2  }
0xb7: {  	s31 =	sshll.u32 s1, $0xD;
	s1 =	sshrl.u32 s1, $0x2  }
0xb8: {  	s3 =	sand.u32 $0x4000, s31;
	s1 =	sadd.s32 s1, s30  }
0xb9: {  	s0 =	sor.u32 s3, s0;
	s1 =	sshll.u32 s1, $0x11  }
0xba: {  	s0 =	sor.u32 s1, s0  }
0xbb: {  	s0 =	sadd.s32 $0x8F2B, s0  }
0xbc: {  	[sflag:s0] =	ssyncadd.remote.s32 $0x1  }
0xbd: {  	_ =	sfence.sel $0xFFFF  }
0xbe: {  	[dreg:$0x0] =	wrdreg $0xFFFFFFFF;
	(pc) =	sbr.abs _section_cstart, $3  }
0xbf: {  	[dreg:$0x1] =	wrdreg $0xFFFFFFFF  }
0xc0: {  	_ =	task.clear_ibuf [dreg:s6], $0x2FFFF;
	_ =	strace $0x9FFFFFFF  }
0xc1: {  	(tm) =	ssettm $0x7FFFFFFF  }
tec
execute0_lowered:
.L_overlay_start_1:
0x0: {  	(tag) =	ssettag $0x1  }
0x1: {  	s0 =	srdreg.scid;
	s5 =	rddreg [dreg:$0x0]  }
0x2: {  	s1 =	stileid.u32;
	s6 =	simm.s32 $0x1;
	s9 =	simm.s32 $0x1  }
0x3: {  	s10 =	simm.s32 $0x3;
	s13 =	simm.s32 $0x0;
	s2 =	sshll.u32 s0, $0x8  }
0x4: {  	s12 =	simm.s32 $0x0;
	s3 =	sshll.u32 s1, $0x9;
	s2 =	sand.u32 $0x100, s2  }
0x5: {  	s0 =	rddreg [dreg:$0x1];
	_ =	strace $0x8000004A;
	s2 =	sor.u32 s3, s2  }
0x6: {  	s4 =	sadd.s32 $0x400, s5;
	[sflag:s6] =	ssyncpa.u1 $0x0;
	s8 =	ssub.s32 $0x4000, s2  }
.Ltmp0:
0x7: {  	s3 =	sadd.s32 $0x1C00, s5;
	s7 =	sand.u32 $0x1F00, s8;
	(pc) =	sbr.rel .LBB2_1-.Ltmp0, $4  }
0x8: {  	s5 =	sadd.s32 $0xC00, s5;
	s11 =	smov.u32 s2;
	p0 =	sne.s32 s7, $0x0  }
0x9: {  	s8 =	sshrl.u32 s8, $0xD;
	s7 =	simm.s32 $0x2;
	s9 =	simm.s32 @!p0 $0x0  }
0xa: {  	[sflag:s7] =	ssyncpa.u1 $0x0;
	p0 =	por $0x0, $0x0;
	s8 =	sadd.s32 s9, s8  }
0xb: {  	vm0 =	vmmov $0xffff;
	[sflag:s10] =	ssyncpa.u1 $0x0;
	s10 =	simm.s32 $0x0;
	s9 =	sadd.s32 $0x1, s8  }
.LBB2_4:
0xc: {  	v2 =	vnsel vm1, $0x0, v2  }
0xd: {  	vm1 =	vgt.s32 v0, $0x0;
	v2 =	vmin.u32 v2, $0xF423F  }
0xe: {  	v0 =	vnsel vm1, $0x0, v0  }
0xf: {  	v0 =	vmin.u32 v0, $0xF423F  }
0x10: {  	[tilespmem:s15], [sflag:$0x1] =	stream.indirect_vreg.gather [hbm4b:s3+s10], $0x1, v1, vm0, $0x4038;
	[tilespmem:$0x400] =	vst v63  }
0x11: {  	(ifvalue) =	ssetifvalue $0x7FFFFFFF  }
0x12: {  	[tilespmem:s16], [sflag:$0x1] =	stream.indirect_vreg.gather [hbm4b:s3+s10], $0x1, v2, vm0, $0x4038;
	[tilespmem:$0x400] =	vst v63  }
0x13: {  	s29 =	sadd.s32 $0x10, s16;
	(ifvalue) =	ssetifvalue $0x7FFFFFFF  }
0x14: {  	[tilespmem:s29], [sflag:$0x1] =	stream.indirect_vreg.gather [hbm4b:s3+s10], $0x1, v0, vm0, $0x4038;
	[tilespmem:$0x400] =	vst v63  }
0x15: {  	_ =	swait.ge [sflag:s6], $0x100  }
0x16: {  	s30 =	sshrl.u32 s13, $0x3;
	[sflag:s6] =	ssyncset.done $0x0  }
0x17: {  	s31 =	sand.u32 $0x7, s13;
	s15 =	sadd.s32 s5, s30;
	[sflag:s6] =	ssyncadd.s32 $0xFFFFFF00  }
0x18: {  	[hbm4b:s15+s31] =	stream.linear.scatter [tilespmem:s14], [sflag:$0x3], $0x100, $0x38;
	[tilespmem:$0x400] =	vst v63  }
.LBB2_5:
0x19: {  	s15 =	sadd.s32 $0x2000, s11  }
0x1a: {  	p2 =	sgt.s32 s15, $0x3FFF  }
0x1b: {  	s15 =	smov.u32 @p2 s2;
	p2 =	sne.s32 s12, s9  }
.Ltmp1:
0x1c: {  	p1 =	slt.u32 s12, $0x2;
	(pc) =	sbr.rel @!p2 .LBB2_6-.Ltmp1, $4  }
0x1d: {  	s14 =	simm.s32 @!p1 $0x3  }
0x1e: {  	s16 =	sadd.s32 $0x1, s12;
	_ =	swait.ge @!p1 [sflag:s14], $0x100  }
0x1f: {  	s13 =	smov.u32 s11;
	p0 =	por !p0, !p0;
	[sflag:s14] =	ssyncset.done @!p1 $0x0  }
0x20: {  	s12 =	smov.u32 s16;
	s11 =	smov.u32 s15;
	[sflag:s14] =	ssyncadd.s32 @!p1 $0xFFFFFF00  }
.LBB2_1:
0x21: {  	p1 =	sge.u32 s12, s8  }
0x22: {  	s14 =	sxor.u32 @!p1 $0xFFFFFFFF, s12  }
0x23: {  	s31 =	sadd.s32 $0xFFFFFFFF, s12;
	s15 =	sshrl.u32 @!p1 s11, $0x3;
	s14 =	sshll.u32 @!p1 s14, $0x8  }
0x24: {  	s16 =	sand.u32 @!p1 $0x7, s11;
	s15 =	sadd.s32 @!p1 s4, s15;
	s14 =	sand.u32 @!p1 $0x100, s14  }
0x25: {  	[tilespmem:s14], [sflag:$0x2] =	stream.linear.gather @!p1 [hbm4b:s15+s16], $0x100, $0x38;
	[tilespmem:$0x400] =	vst v63  }
0x26: {  	p1 =	sge.u32 s31, s8  }
.Ltmp2:
0x27: {  	_ = 	snop;
	(pc) =	sbr.rel @p1 .LBB2_5-.Ltmp2, $1  }
0x28: {  	_ =	sdelay $0x3  }
0x29: {  	s14 =	simm.s32 $0x1  }
0x2a: {  	_ =	swait.ge [sflag:s7], $0x100;
	s14 =	simm.s32 @!p0 $0x0  }
0x2b: {  	[sflag:s7] =	ssyncset.done $0x0;
	s14 =	sshll.u32 s14, $0x8  }
0x2c: {  	[sflag:s7] =	ssyncadd.s32 $0xFFFFFF00;
	(ifvalue) =	ssetifvalue $0x7FFFFFFF;
	v0 =	vld.msk [tilespmem:s14+$0x0 ss:$0x1], $0xffff;
	_ =	sdelay $0x4  }
0x2d: {  	s15 =	sadd.s32 $0x10, s14;
	vm1 =	vgt.s32 v0, $0x0  }
0x2e: {  	v2 =	vld.msk [tilespmem:s15+$0x0 ss:$0x1], $0xffff;
	v1 =	vnsel vm1, $0x0, v0  }
0x2f: {  	v1 =	vmin.u32 v1, $0xF423F;
	_ =	sdelay $0x1  }
0x30: {  	s16 =	sshll.u32 s12, $0x8;
	s18 =	simm.s32 $0x20  }
0x31: {  	s16 =	sand.u32 $0x100, s16;
	s17 =	sadd.s32 $0x10, s15;
	s15 =	sor.u32 $0x200, s14  }
0x32: {  	s14 =	sor.u32 $0x200, s16;
	s16 =	sadd.s32 $0x10, s15;
	v0 =	vld.msk [tilespmem:s17+$0x0 ss:$0x1], $0xffff;
	vm1 =	vgt.s32 v2, $0x0;
	(ifvalue) =	ssetifvalue $0x7FFFFFFF  }
.LBB2_3:
0x33: {  	[tilespmem:s15], [sflag:$0x1] =	stream.indirect_vreg.gather [hbm4b:s3+s10], $0x1, v1, vm0, $0x4038;
	[tilespmem:$0x400] =	vst v63  }
0x34: {  	s18 =	sadd.s32 $0x10, s18  }
0x35: {  	v2 =	vnsel vm1, $0x0, v2;
	p1 =	slt.u32 s18, $0xF0  }
.Ltmp3:
0x36: {  	s15 =	smov.u32 s16;
	v1 =	vmin.u32 v2, $0xF423F;
	(pc) =	sbr.rel @p1 .LBB2_3-.Ltmp3, $3  }
0x37: {  	_ =	sdelay $0x1  }
0x38: {  	s17 =	sadd.s32 $0x10, s17  }
0x39: {  	vm1 =	vgt.s32 v0, $0x0;
	s16 =	sadd.s32 $0x10, s16;
	v2 =	vmov v0;
	(ifvalue) =	ssetifvalue $0x7FFFFFFF;
	v0 =	vld.msk [tilespmem:s17+$0x0 ss:$0x1], $0xffff  }
.Ltmp4:
0x3a: {  	_ = 	snop;
	(pc) =	sbr.rel .LBB2_4-.Ltmp4, $1  }
0x3b: {  	_ =	sdelay $0x3  }
.LBB2_6:
0x3c: {  	_ =	sfence.sel $0x180000  }
0x3d: {  	s2 =	simm.s32 $0x2;
	[bflag:$0x0] =	sbarrier.arrive $0xFFFF  }
0x3e: {  	s30 =	simm.s32 $0x3;
	[sflag:s2] =	ssyncpa.u1 $0x1  }
0x3f: {  	s31 =	simm.s32 $0x1;
	[sflag:s30] =	ssyncpa.u1 $0x1  }
0x40: {  	[sflag:s31] =	ssyncpa.u1 $0x1  }
0x41: {  	p0 =	sne.s32 s1, $0x0;
	_ =	strace $0x9000004A  }
0x42: {  	s0 =	sadd.s32 @!p0 $0x100000, s0;
	[bflag:$0x2] =	sbarrier.arrive $0xFFFF  }
0x43: {  	[sflag:s0] =	ssyncadd.tile.s32 @!p0 $0x1;
	_ =	shalt  }
.Lfunc_end2:
_tile_overlayer_lowered:
.L_overlay_start_2:
0x44: {  	(tag) =	ssettag $0x2  }
0x45: {  	s0 =	rddreg [dreg:$0x0];
	s2 =	stileid.u32  }
0x46: {  	s1 =	rddreg [dreg:$0x1];
	p0 =	sne.s32 s2, $0x0  }
0x47: {  	s3 =	rddreg [dreg:$0x2];
	[bflag:$0x3] =	sbarrier.arrive $0xFFFF;
	s2 =	simm.s32 @!p0 $0x1C01  }
0x48: {  	[timem:s3], [sflag:s2] =	dma.local @!p0 [hbm:s0], s1  }
0x49: {  	s0 =	simm.s32 @!p0 $0x1  }
0x4a: {  	_ =	swait.ge @!p0 [sflag:s0], s1  }
0x4b: {  	s1 =	ssub.s32 @!p0 $0x0, s1;
	[sflag:s0] =	ssyncset.done @!p0 $0x0  }
0x4c: {  	[sflag:s0] =	ssyncadd.s32 @!p0 s1  }
0x4d: {  	[bflag:$0x3] =	sbarrier.arrive $0xFFFF  }
0x4e: {  	_ =	shalt  }

// kernel: kernel.3.cloned.1.call-start
scs
__scs_entry_jumppad:
0x0: {  	(pc) =	sbr.rel $0x88, $3  }
0x1: {  	(tag) =	ssettag $0x0;
	lr =	simm.s32 $0x1  }
0x2: {  	[smem:$0x3F9E] =	sst lr;
	_ =	strace $0xD0000000  }
0x3: {  	_ = 	snop  }
0x4: {  	_ = 	snop  }
0x5: {  	_ = 	snop  }
0x6: {  	_ = 	snop  }
0x7: {  	_ = 	snop  }
__scs_overlays_trampoline_lowered:
0x8: {  	[smem:$0x3FAD] =	sst s0  }
0x9: {  	[smem:$0x3FAE] =	sst s1  }
0xa: {  	[smem:$0x3FAF] =	sst s2  }
0xb: {  	[smem:$0x3FB0] =	sst s3  }
0xc: {  	[smem:$0x3FB1] =	sst s4  }
0xd: {  	[smem:$0x3FB2] =	sst s5  }
0xe: {  	[smem:$0x3FB3] =	sst s6  }
0xf: {  	[smem:$0x3FB4] =	sst s7  }
0x10: {  	[smem:$0x3FB5] =	sst s8  }
0x11: {  	[smem:$0x3FB6] =	sst s9;
	s0 =	simm.s32 @!p0 $0x0  }
0x12: {  	s1 =	sld [smem:$0x3F9C];
	s0 =	simm.s32 @p0 $0x1  }
0x13: {  	[smem:$0x3FB7] =	sst s0;
	s0 =	simm.s32 @!p1 $0x0  }
0x14: {  	s2 =	sld [smem:$0x3F9B];
	s0 =	simm.s32 @p1 $0x1  }
0x15: {  	[smem:$0x3FB8] =	sst s0;
	s0 =	simm.s32 @!p2 $0x0  }
0x16: {  	s3 =	sld [smem:$0x3FDB];
	s0 =	simm.s32 @p2 $0x1  }
0x17: {  	s4 =	simm.s32 $0x1BF5;
	[smem:$0x3FBA] =	sst s0  }
0x18: {  	s0 =	sld [smem:$0x3F9D];
	_ =	swait.ge [sflag:s4], $0x0  }
0x19: {  	s7 =	sld [smem:$0x3F9E]  }
0x1a: {  	s8 =	sadd.s32 $0xFFFFE003, lr  }
0x1b: {  	s9 =	sadd.s32 $0xFFFFFEF7, lr;
	s5 =	simm.s32 $0xFFFFFFFF;
	p2 =	slt.u32 s8, $0xFFFFF086  }
0x1c: {  	p1 =	slt.u32 s9, $0xF7A;
	s5 =	simm.s32 @!p2 $0x0  }
0x1d: {  	s5 =	simm.s32 @p1 $0x1;
	p0 =	seq.s32 s7, s2  }
0x1e: {  	s7 =	smul.u32 @!p0 $0xF7A, s2;
	p2 =	seq.s32 @!p0 s5, $0x0  }
0x1f: {  	s9 =	smul.u32 $0xF7A, s1;
	s8 =	simm.s32 @!p0 $0x1BF5;
	p2 =	por !p2, p0  }
0x20: {  	[sflag:s8] =	ssyncset.s32 @!p0 $0xFFFFF086;
	s6 =	sadd.s32 @!p0 s3, s7;
	s7 =	simm.s32 @!p0 $0x108  }
0x21: {  	s3 =	sadd.s32 s3, s9;
	s6 =	sadd.s32 @!p0 $0x88, s6;
	s7 =	simm.s32 @p2 $0x1082  }
0x22: {  	[simem:s7], [sflag:s8] =	dma.local @!p0 [hbm:s6], $0xF7A  }
0x23: {  	s9 =	sor.u32 $0xD0000000, s2;
	s6 =	simm.s32 $0x108;
	_ =	swait.ge @!p0 [sflag:s8], $0x0  }
0x24: {  	s3 =	sadd.s32 $0x88, s3;
	s6 =	simm.s32 @!p1 $0x1082;
	[sflag:s4] =	ssyncset.s32 $0xFFFFF086  }
0x25: {  	[simem:s6], [sflag:s4] =	dma.local [hbm:s3], $0xF7A  }
0x26: {  	[smem:$0x3F9E] =	sst s1;
	(tag) =	ssettag s2;
	_ =	strace s9  }
0x27: {  	s1 =	sld [smem:$0x3FAE]  }
0x28: {  	s2 =	sld [smem:$0x3FAF]  }
0x29: {  	s4 =	sld [smem:$0x3FB1]  }
0x2a: {  	p0 =	seq.s32 s5, $0x0;
	s5 =	sld [smem:$0x3FB2]  }
0x2b: {  	s6 =	sld [smem:$0x3FB3]  }
0x2c: {  	s7 =	sld [smem:$0x3FB4]  }
0x2d: {  	s3 =	simm.s32 $0x108;
	s8 =	sld [smem:$0x3FB5]  }
0x2e: {  	s3 =	simm.s32 @!p0 $0x1082;
	s9 =	sld [smem:$0x3FB6]  }
0x2f: {  	lr =	sadd.s32 s0, s3;
	s0 =	sld [smem:$0x3FAD]  }
0x30: {  	s3 =	sld [smem:$0x3FB0]  }
0x31: {  	[smem:$0x3FB9] =	sst s10  }
0x32: {  	s10 =	sld [smem:$0x3FB7];
	_ =	sdelay $0x3  }
0x33: {  	p0 =	seq.s32 s10, $0x1;
	s10 =	sld [smem:$0x3FB9];
	_ =	sdelay $0x3  }
0x34: {  	[smem:$0x3FB9] =	sst s10  }
0x35: {  	s10 =	sld [smem:$0x3FB8];
	_ =	sdelay $0x3  }
0x36: {  	p1 =	seq.s32 s10, $0x1;
	s10 =	sld [smem:$0x3FB9];
	_ =	sdelay $0x3  }
0x37: {  	[smem:$0x3FB9] =	sst s10  }
0x38: {  	s10 =	sld [smem:$0x3FBA]  }
0x39: {  	_ = 	snop;
	(pc) =	sbr.ind lr, $3  }
0x3a: {  	_ = 	snop  }
0x3b: {  	_ = 	snop  }
0x3c: {  	p2 =	seq.s32 s10, $0x1;
	s10 =	sld [smem:$0x3FB9]  }
0x3d: {  	_ =	shalt  }
0x3e: {  	_ =	shalt  }
0x3f: {  	_ =	shalt  }
0x40: {  	_ =	shalt  }
0x41: {  	_ =	shalt  }
0x42: {  	_ =	shalt  }
0x43: {  	_ =	shalt  }
0x44: {  	_ =	shalt  }
0x45: {  	_ =	shalt  }
0x46: {  	_ =	shalt  }
0x47: {  	_ =	shalt  }
0x48: {  	_ =	shalt  }
0x49: {  	_ =	shalt  }
0x4a: {  	_ =	shalt  }
0x4b: {  	_ =	shalt  }
0x4c: {  	_ =	shalt  }
0x4d: {  	_ =	shalt  }
0x4e: {  	_ =	shalt  }
0x4f: {  	_ =	shalt  }
0x50: {  	_ =	shalt  }
0x51: {  	_ =	shalt  }
0x52: {  	_ =	shalt  }
0x53: {  	_ =	shalt  }
0x54: {  	_ =	shalt  }
0x55: {  	_ =	shalt  }
0x56: {  	_ =	shalt  }
0x57: {  	_ =	shalt  }
0x58: {  	_ =	shalt  }
0x59: {  	_ =	shalt  }
0x5a: {  	_ =	shalt  }
0x5b: {  	_ =	shalt  }
0x5c: {  	_ =	shalt  }
0x5d: {  	_ =	shalt  }
0x5e: {  	_ =	shalt  }
0x5f: {  	_ =	shalt  }
0x60: {  	_ =	shalt  }
0x61: {  	_ =	shalt  }
0x62: {  	_ =	shalt  }
0x63: {  	_ =	shalt  }
0x64: {  	_ =	shalt  }
0x65: {  	_ =	shalt  }
0x66: {  	_ =	shalt  }
0x67: {  	_ =	shalt  }
0x68: {  	_ =	shalt  }
0x69: {  	_ =	shalt  }
0x6a: {  	_ =	shalt  }
0x6b: {  	_ =	shalt  }
0x6c: {  	_ =	shalt  }
0x6d: {  	_ =	shalt  }
0x6e: {  	_ =	shalt  }
0x6f: {  	_ =	shalt  }
0x70: {  	_ =	shalt  }
0x71: {  	_ =	shalt  }
0x72: {  	_ =	shalt  }
0x73: {  	_ =	shalt  }
0x74: {  	_ =	shalt  }
0x75: {  	_ =	shalt  }
0x76: {  	_ =	shalt  }
0x77: {  	_ =	shalt  }
0x78: {  	_ =	shalt  }
0x79: {  	_ =	shalt  }
0x7a: {  	_ =	shalt  }
0x7b: {  	_ =	shalt  }
0x7c: {  	_ =	shalt  }
0x7d: {  	_ =	shalt  }
0x7e: {  	_ =	shalt  }
0x7f: {  	_ =	shalt  }
0x80: {  	_ =	shalt  }
0x81: {  	_ =	shalt  }
0x82: {  	_ =	shalt  }
0x83: {  	_ =	shalt  }
0x84: {  	_ =	shalt  }
0x85: {  	_ =	shalt  }
0x86: {  	_ =	shalt  }
0x87: {  	_ =	shalt  }
.Lfunc_end0:
.L_simem_size_0:
called_computation.2_lowered:
.L_overlay_start_0:
0x88: {  	s2 =	sld [smem:$0x3FD9]  }
0x89: {  	s3 =	sld [smem:$0x3FFE];
	_ =	sdelay $0x1  }
0x8a: {  	s1 =	srdreg.scid  }
0x8b: {  	s0 =	sand.u32 $0x1, s1  }
0x8c: {  	s17 =	sshll.u32 s0, $0xA;
	s2 =	sadd.s32 s3, s2  }
0x8d: {  	s2 =	sadd.s32 s2, s17  }
0x8e: {  	[smem:$0x3FC5] =	sst s2  }
0x8f: {  	_ = 	snop  }
0x90: {  	s2 =	sld [smem:$0x3FC8]  }
0x91: {  	s18 =	sld [smem:$0x3FD0];
	(tm) =	ssettm $0x1  }
0x92: {  	s4 =	sld [smem:$0x3FFB];
	_ =	sdelay $0x3  }
0x93: {  	_ =	strace s4  }
0x94: {  	s4 =	sld [smem:$0x3FFC];
	_ =	sdelay $0x3  }
0x95: {  	_ =	strace s4  }
0x96: {  	s4 =	sld [smem:$0x3FFD];
	_ =	sdelay $0x3  }
0x97: {  	_ =	strace s4  }
0x98: {  	_ =	strace $0x8FFFFFFF  }
0x99: {  	s19 =	sld [smem:$0x3FDB];
	_ =	sdelay $0x1  }
0x9a: {  	s5 =	simm.s32 $_scs_section_size  }
0x9b: {  	s6 =	simm.s32 $_size__tile_overlayer_lowered;
	s7 =	simm.s32 $_tile_overlayer_lowered  }
0x9c: {  	s22 =	simm.s32 $0x1BFF;
	s21 =	sshll.u32 s7, $0x1;
	s4 =	sadd.s32 s5, s19  }
0x9d: {  	s8 =	simm.s32 $0x0;
	s20 =	sshll.u32 s6, $0x1;
	s6 =	sadd.s32 s21, s4  }
0x9e: {  	[timem:s8], [sflag:s22] =	dma.local [hbm:s6], s20  }
0x9f: {  	_ =	swait.ge [sflag:s22], s20  }
0xa0: {  	s5 =	ssub.s32 $0x0, s20;
	[sflag:s22] =	ssyncset.done $0x0  }
0xa1: {  	[sflag:s22] =	ssyncadd.s32 s5;
	_ =	sdelay $0x1  }
0xa2: {  	s23 =	simm.s32 $0x1B8B  }
0xa3: {  	_ =	swait.ge [sflag:s23], $0x1  }
0xa4: {  	[sflag:s23] =	ssyncset.done $0x0  }
0xa5: {  	s25 =	simm.s32 $0x1B8E;
	s24 =	sld [smem:$0x3FFE];
	[sflag:s23] =	ssyncadd.s32 $0xFFFFFFFF  }
0xa6: {  	s26 =	simm.s32 $execute0_lowered;
	[smem:$0x3FD2] =	sst s25  }
0xa7: {  	s6 =	sshll.u32 s26, $0x1;
	_ =	strace $0x8000004C;
	[dreg:$0x1] =	wrdreg $0xFFFFFFFF  }
0xa8: {  	s28 =	simm.s32 $_size_execute0_lowered;
	s4 =	sadd.s32 s4, s6;
	[dreg:$0x0] =	wrdreg $0x0  }
0xa9: {  	s6 =	sshll.u32 s28, $0x1;
	[dreg:$0x2] =	wrdreg s4  }
0xaa: {  	[dreg:$0x3] =	wrdreg s6  }
0xab: {  	[dreg:$0x4] =	wrdreg $0xC0  }
0xac: {  	_ =	task [dreg:s8], $0x5FFFF  }
0xad: {  	[dreg:$0x1] =	wrdreg $0xFFFFFFFF  }
0xae: {  	[dreg:$0x0] =	wrdreg $0x60  }
0xaf: {  	[dreg:$0x2] =	wrdreg s2  }
0xb0: {  	[dreg:$0x3] =	wrdreg s24  }
0xb1: {  	[dreg:$0x4] =	wrdreg s18  }
0xb2: {  	[dreg:$0x5] =	wrdreg $0x9  }
0xb3: {  	_ =	task.clear_ibuf [dreg:s8], $0x6FFFF;
	_ =	strace $0x9000004C  }
0xb4: {  	s29 =	simm.s32 $0x9;
	_ =	strace $0x8000004E  }
0xb5: {  	_ =	swait.ge [sflag:s29], $0x1  }
0xb6: {  	[sflag:s29] =	ssyncadd.s32 $0xFFFFFFFF  }
0xb7: {  	_ =	strace $0x9000004E  }
0xb8: {  	_ =	sfence  }
0xb9: {  	s30 =	sld [smem:$0x0];
	_ =	sdelay $0x2  }
0xba: {  	s31 =	sshll.u32 s1, $0xD;
	s1 =	sshrl.u32 s1, $0x2  }
0xbb: {  	s3 =	sand.u32 $0x4000, s31;
	s1 =	sadd.s32 s1, s30  }
0xbc: {  	s0 =	sor.u32 s3, s0;
	s1 =	sshll.u32 s1, $0x11  }
0xbd: {  	s0 =	sor.u32 s1, s0  }
0xbe: {  	s0 =	sadd.s32 $0x8F2B, s0  }
0xbf: {  	[sflag:s0] =	ssyncadd.remote.s32 $0x1  }
0xc0: {  	_ =	sfence.sel $0xFFFF  }
0xc1: {  	[dreg:$0x0] =	wrdreg $0xFFFFFFFF;
	(pc) =	sbr.abs _section_cstart, $3  }
0xc2: {  	[dreg:$0x1] =	wrdreg $0xFFFFFFFF  }
0xc3: {  	_ =	task.clear_ibuf [dreg:s8], $0x2FFFF;
	_ =	strace $0x9FFFFFFF  }
0xc4: {  	(tm) =	ssettm $0x7FFFFFFF  }
0xc5: {  	_ =	shalt  }
tec
execute0_lowered:
.L_overlay_start_1:
0x0: {  	(tag) =	ssettag $0x1  }
0x1: {  	s0 =	rddreg [dreg:$0x0]  }
0x2: {  	s1 =	rddreg [dreg:$0x1]  }
0x3: {  	s2 =	rddreg [dreg:$0x2]  }
0x4: {  	s4 =	srdreg.scid;
	s3 =	simm.s32 $0x0;
	s5 =	stileid.u32  }
0x5: {  	s26 =	simm.s32 $0x1;
	s4 =	sand.u32 $0x1, s4;
	[smem:$0x7FF] =	sst s3  }
0x6: {  	s5 =	sshll.u32 s5, $0x7;
	s6 =	sshll.u32 s4, $0x6;
	_ =	strace $0x8000004D  }
0x7: {  	s28 =	ssub.s32 $0x2, s4;
	s4 =	sadd.s32 $0x20600, s1;
	s5 =	sor.u32 s6, s5  }
0x8: {  	s29 =	sshrl.u32 s28, $0x1;
	s7 =	sadd.s32 s5, s1;
	s0 =	sadd.s32 s0, s5  }
0x9: {  	s1 =	ssub.s32 s28, s29;
	[dreg:$0x6] =	wrdreg s0;
	s30 =	sadd.s32 $0x400, s7  }
0xa: {  	s15 =	simm.s32 $0x2;
	s31 =	smax.u32 s1, $0x1;
	[dreg:$0x7] =	wrdreg s30  }
0xb: {  	s16 =	simm.s32 $0x3;
	s1 =	simm.s32 $0x0;
	[dreg:$0x8] =	wrdreg s31  }
.LBB2_1:
0xc: {  	[dreg:$0x9] =	wrdreg s1  }
0xd: {  	s0 =	rddreg [dreg:$0x6];
	s10 =	simm.s32 $0x4  }
0xe: {  	[tilespmem:s3], [sflag:$0x4] =	stream.linear.gather [hbm4b:s0+s3], $0x200, $0x38;
	[tilespmem:$0x1400] =	vst v63  }
0xf: {  	_ =	swait.ge [sflag:s10], $0x200  }
0x10: {  	[sflag:s10] =	ssyncset.done $0x0  }
0x11: {  	s5 =	simm.s32 $0x200;
	s11 =	rddreg [dreg:$0x7];
	[sflag:s10] =	ssyncadd.s32 $0xFFFFFE00  }
0x12: {  	[tilespmem:s5], [sflag:$0x4] =	stream.linear.gather [hbm4b:s11+s3], $0x200, $0x38;
	[tilespmem:$0x1400] =	vst v63  }
0x13: {  	_ =	swait.ge [sflag:s10], $0x200  }
0x14: {  	[sflag:s10] =	ssyncset.done $0x0  }
0x15: {  	s17 =	simm.s32 $0x0;
	[sflag:s10] =	ssyncadd.s32 $0xFFFFFE00  }
0x16: {  	v0 =	vld [tilespmem:s17+$0x200];
	_ =	sdelay $0x4  }
0x17: {  	v0 =	vshll.u32 v0, $0x4  }
0x18: {  	(v2sf) =	vpush v0, $0x0  }
0x19: {  	(v2sf) =	vpush v0, $0x1;
	_ =	sdelay $0x2  }
0x1a: {  	(v2sf) =	vpush v0, $0x2  }
0x1b: {  	(v2sf) =	vpush v0, $0x3  }
0x1c: {  	(v2sf) =	vpush v0, $0x4;
	_ =	sdelay $0x1  }
0x1d: {  	(v2sf) =	vpush v0, $0x5;
	_ =	sdelay $0x1  }
0x1e: {  	(v2sf) =	vpush v0, $0x6;
	_ =	sdelay $0x3  }
0x1f: {  	(v2sf) =	vpush v0, $0x7  }
0x20: {  	s6 =	simm.s32 $0x400;
	s21 =	simm.s32 $0x480;
	s12 =	spop (v2sf)  }
0x21: {  	s25 =	simm.s32 $0x500;
	(v2sf) =	vpush v0, $0x8;
	s0 =	sand.u32 $0x1FFFFFF0, s12;
	s13 =	spop (v2sf)  }
0x22: {  	s31 =	simm.s32 $0x580;
	s0 =	sadd.s32 s2, s0;
	s1 =	sand.u32 $0x1FFFFFF0, s13  }
0x23: {  	v1 =	vld [tilespmem:s17+$0x0];
	(v2sf) =	vpush v0, $0x9;
	[tilespmem:s6], [sflag:$0x1] =	stream.linear.gather [hbm4b:s0+s3], $0x80, $0x38  }
0x24: {  	s10 =	simm.s32 $0x600;
	s14 =	spop (v2sf);
	s18 =	sadd.s32 s2, s1  }
0x25: {  	s19 =	sand.u32 $0x1FFFFFF0, s14;
	s20 =	spop (v2sf);
	s14 =	simm.s32 $0x680  }
0x26: {  	(v2sf) =	vpush v0, $0xA;
	s22 =	sadd.s32 s2, s19;
	s23 =	sand.u32 $0x1FFFFFF0, s20;
	s24 =	spop (v2sf)  }
0x27: {  	(v2sf) =	vpush v0, $0xB;
	[tilespmem:s21], [sflag:$0x1] =	stream.linear.gather [hbm4b:s18+s3], $0x80, $0x38;
	[tilespmem:$0x1400] =	vst v63  }
0x28: {  	s28 =	sadd.s32 s2, s23;
	s29 =	sand.u32 $0x1FFFFFF0, s24;
	s30 =	spop (v2sf)  }
0x29: {  	(v2sf) =	vpush v0, $0xC;
	[tilespmem:s25], [sflag:$0x1] =	stream.linear.gather [hbm4b:s22+s3], $0x80, $0x38;
	[tilespmem:$0x1400] =	vst v63  }
0x2a: {  	s21 =	simm.s32 $0x700;
	s8 =	sand.u32 $0x1FFFFFF0, s30;
	s9 =	spop (v2sf)  }
0x2b: {  	(v2sf) =	vpush v0, $0xD;
	[tilespmem:s31], [sflag:$0x1] =	stream.linear.gather [hbm4b:s28+s3], $0x80, $0x38;
	[tilespmem:$0x1400] =	vst v63  }
0x2c: {  	s7 =	sadd.s32 s2, s29;
	s11 =	sadd.s32 s2, s8;
	s12 =	sand.u32 $0x1FFFFFF0, s9  }
0x2d: {  	[tilespmem:s10], [sflag:$0x1] =	stream.linear.gather [hbm4b:s7+s3], $0x80, $0x38;
	[tilespmem:$0x1400] =	vst v63  }
0x2e: {  	s13 =	spop (v2sf);
	s25 =	simm.s32 $0x780;
	s18 =	sadd.s32 s2, s12  }
0x2f: {  	(v2sf) =	vpush v0, $0xE;
	[tilespmem:s14], [sflag:$0x1] =	stream.linear.gather [hbm4b:s11+s3], $0x80, $0x38;
	[tilespmem:$0x1400] =	vst v63  }
0x30: {  	s19 =	sand.u32 $0x1FFFFFF0, s13;
	s20 =	spop (v2sf);
	s13 =	simm.s32 $0x980  }
0x31: {  	(v2sf) =	vpush v0, $0xF;
	[tilespmem:s21], [sflag:$0x1] =	stream.linear.gather [hbm4b:s18+s3], $0x80, $0x38;
	[tilespmem:$0x1400] =	vst v63  }
0x32: {  	v60 =	vshll.u32 v1, $0x4;
	s22 =	sadd.s32 s2, s19;
	s23 =	sand.u32 $0x1FFFFFF0, s20;
	s24 =	spop (v2sf)  }
0x33: {  	(v2sf) =	vpush v60, $0x0;
	[tilespmem:s25], [sflag:$0x1] =	stream.linear.gather [hbm4b:s22+s3], $0x80, $0x38;
	[tilespmem:$0x1400] =	vst v63  }
0x34: {  	s31 =	simm.s32 $0x800;
	s28 =	sadd.s32 s2, s23;
	s29 =	sand.u32 $0x1FFFFFF0, s24  }
0x35: {  	(v2sf) =	vpush v60, $0x1;
	s14 =	simm.s32 $0x900;
	s30 =	spop (v2sf);
	s1 =	sadd.s32 s2, s29  }
0x36: {  	s6 =	sand.u32 $0x1FFFFFF0, s30;
	s7 =	spop (v2sf);
	s30 =	simm.s32 $0x880  }
0x37: {  	[tilespmem:s31], [sflag:$0x1] =	stream.linear.gather [hbm4b:s28+s3], $0x80, $0x38;
	[tilespmem:$0x1400] =	vst v63  }
0x38: {  	(v2sf) =	vpush v60, $0x2;
	s8 =	sadd.s32 s2, s6;
	s9 =	sand.u32 $0x1FFFFFF0, s7;
	s10 =	spop (v2sf)  }
0x39: {  	(v2sf) =	vpush v60, $0x3;
	[tilespmem:s30], [sflag:$0x1] =	stream.linear.gather [hbm4b:s1+s3], $0x80, $0x38;
	[tilespmem:$0x1400] =	vst v63  }
0x3a: {  	(v2sf) =	vpush v60, $0x4;
	s11 =	sadd.s32 s2, s9;
	s12 =	sand.u32 $0x1FFFFFF0, s10;
	s18 =	spop (v2sf)  }
0x3b: {  	(v2sf) =	vpush v60, $0x5;
	[tilespmem:s14], [sflag:$0x1] =	stream.linear.gather [hbm4b:s8+s3], $0x80, $0x38;
	[tilespmem:$0x1400] =	vst v63  }
0x3c: {  	(v2sf) =	vpush v60, $0x6;
	s10 =	simm.s32 $0xB00;
	s19 =	sadd.s32 s2, s12;
	s20 =	sand.u32 $0x1FFFFFF0, s18  }
0x3d: {  	(v2sf) =	vpush v60, $0x7;
	[tilespmem:s13], [sflag:$0x1] =	stream.linear.gather [hbm4b:s11+s3], $0x80, $0x38;
	[tilespmem:$0x1400] =	vst v63  }
0x3e: {  	s21 =	spop (v2sf);
	s12 =	simm.s32 $0xA00;
	(v2sf) =	vpush v60, $0x8;
	s22 =	sadd.s32 s2, s20  }
0x3f: {  	(v2sf) =	vpush v60, $0x9;
	[tilespmem:s12], [sflag:$0x1] =	stream.linear.gather [hbm4b:s19+s3], $0x80, $0x38;
	[tilespmem:$0x1400] =	vst v63  }
0x40: {  	s23 =	sand.u32 $0x1FFFFFF0, s21;
	s24 =	spop (v2sf);
	(v2sf) =	vpush v60, $0xA;
	s11 =	simm.s32 $0xA80  }
0x41: {  	(v2sf) =	vpush v60, $0xB;
	[tilespmem:s11], [sflag:$0x1] =	stream.linear.gather [hbm4b:s22+s3], $0x80, $0x38;
	[tilespmem:$0x1400] =	vst v63  }
0x42: {  	s25 =	sadd.s32 s2, s23;
	s28 =	sand.u32 $0x1FFFFFF0, s24;
	(v2sf) =	vpush v60, $0xC;
	s22 =	spop (v2sf)  }
0x43: {  	(v2sf) =	vpush v60, $0xD;
	[tilespmem:s10], [sflag:$0x1] =	stream.linear.gather [hbm4b:s25+s3], $0x80, $0x38;
	[tilespmem:$0x1400] =	vst v63  }
0x44: {  	s8 =	simm.s32 $0xB80;
	s29 =	sadd.s32 s2, s28;
	(v2sf) =	vpush v60, $0xE;
	s23 =	spop (v2sf)  }
0x45: {  	(v2sf) =	vpush v60, $0xF;
	[tilespmem:s8], [sflag:$0x1] =	stream.linear.gather [hbm4b:s29+s3], $0x80, $0x38;
	[tilespmem:$0x1400] =	vst v63  }
0x46: {  	_ =	swait.ge [sflag:s26], $0x80  }
0x47: {  	s29 =	spop (v2sf)  }
0x48: {  	[sflag:s26] =	ssyncset.done $0x0;
	s28 =	spop (v2sf)  }
0x49: {  	[sflag:s26] =	ssyncadd.s32 $0xFFFFFF80;
	s25 =	spop (v2sf)  }
0x4a: {  	_ =	swait.ge [sflag:s26], $0x80  }
0x4b: {  	s24 =	spop (v2sf)  }
0x4c: {  	[sflag:s26] =	ssyncset.done $0x0;
	s21 =	spop (v2sf)  }
0x4d: {  	[sflag:s26] =	ssyncadd.s32 $0xFFFFFF80;
	s20 =	spop (v2sf)  }
0x4e: {  	_ =	swait.ge [sflag:s26], $0x80  }
0x4f: {  	s19 =	spop (v2sf)  }
0x50: {  	[sflag:s26] =	ssyncset.done $0x0;
	s18 =	spop (v2sf)  }
0x51: {  	[sflag:s26] =	ssyncadd.s32 $0xFFFFFF80;
	s9 =	spop (v2sf)  }
0x52: {  	_ =	swait.ge [sflag:s26], $0x80  }
0x53: {  	s7 =	spop (v2sf)  }
0x54: {  	[sflag:s26] =	ssyncset.done $0x0;
	s6 =	spop (v2sf)  }
0x55: {  	[sflag:s26] =	ssyncadd.s32 $0xFFFFFF80;
	s5 =	spop (v2sf)  }
0x56: {  	_ =	swait.ge [sflag:s26], $0x80  }
0x57: {  	s1 =	spop (v2sf);
	[sflag:s26] =	ssyncset.done $0x0  }
0x58: {  	s0 =	spop (v2sf);
	[sflag:s26] =	ssyncadd.s32 $0xFFFFFF80  }
0x59: {  	_ =	swait.ge [sflag:s26], $0x80  }
0x5a: {  	[sflag:s26] =	ssyncset.done $0x0  }
0x5b: {  	[sflag:s26] =	ssyncadd.s32 $0xFFFFFF80  }
0x5c: {  	_ =	swait.ge [sflag:s26], $0x80  }
0x5d: {  	[sflag:s26] =	ssyncset.done $0x0  }
0x5e: {  	[sflag:s26] =	ssyncadd.s32 $0xFFFFFF80  }
0x5f: {  	_ =	swait.ge [sflag:s26], $0x80  }
0x60: {  	[sflag:s26] =	ssyncset.done $0x0  }
0x61: {  	[sflag:s26] =	ssyncadd.s32 $0xFFFFFF80  }
0x62: {  	_ =	swait.ge [sflag:s26], $0x80  }
0x63: {  	[sflag:s26] =	ssyncset.done $0x0  }
0x64: {  	[sflag:s26] =	ssyncadd.s32 $0xFFFFFF80  }
0x65: {  	_ =	swait.ge [sflag:s26], $0x80  }
0x66: {  	[sflag:s26] =	ssyncset.done $0x0  }
0x67: {  	[sflag:s26] =	ssyncadd.s32 $0xFFFFFF80  }
0x68: {  	_ =	swait.ge [sflag:s26], $0x80  }
0x69: {  	[sflag:s26] =	ssyncset.done $0x0  }
0x6a: {  	[sflag:s26] =	ssyncadd.s32 $0xFFFFFF80  }
0x6b: {  	_ =	swait.ge [sflag:s26], $0x80  }
0x6c: {  	[sflag:s26] =	ssyncset.done $0x0  }
0x6d: {  	[sflag:s26] =	ssyncadd.s32 $0xFFFFFF80  }
0x6e: {  	_ =	swait.ge [sflag:s26], $0x80  }
0x6f: {  	[sflag:s26] =	ssyncset.done $0x0  }
0x70: {  	[sflag:s26] =	ssyncadd.s32 $0xFFFFFF80  }
0x71: {  	_ =	swait.ge [sflag:s26], $0x80  }
0x72: {  	[sflag:s26] =	ssyncset.done $0x0  }
0x73: {  	[sflag:s26] =	ssyncadd.s32 $0xFFFFFF80  }
0x74: {  	_ =	swait.ge [sflag:s26], $0x80  }
0x75: {  	[sflag:s26] =	ssyncset.done $0x0  }
0x76: {  	[sflag:s26] =	ssyncadd.s32 $0xFFFFFF80  }
0x77: {  	_ =	swait.ge [sflag:s26], $0x80  }
0x78: {  	s22 =	sand.u32 $0x1FFFFFF0, s22;
	[sflag:s26] =	ssyncset.done $0x0  }
0x79: {  	s31 =	simm.s32 $0x400;
	s22 =	sadd.s32 s4, s22;
	[sflag:s26] =	ssyncadd.s32 $0xFFFFFF80  }
0x7a: {  	[hbm4b:s22+s3] =	stream.linear.scatter [tilespmem:s31], [sflag:$0x2], $0x80, $0x38;
	[tilespmem:$0x1400] =	vst v63  }
0x7b: {  	s31 =	sand.u32 $0x1FFFFFF0, s23  }
0x7c: {  	s23 =	sand.u32 $0x1FFFFFF0, s29;
	s22 =	sadd.s32 s4, s31;
	s31 =	simm.s32 $0x480  }
0x7d: {  	[hbm4b:s22+s3] =	stream.linear.scatter [tilespmem:s31], [sflag:$0x2], $0x80, $0x38;
	[tilespmem:$0x1400] =	vst v63  }
0x7e: {  	s29 =	simm.s32 $0x500;
	s23 =	sadd.s32 s4, s23;
	s22 =	sand.u32 $0x1FFFFFF0, s28  }
0x7f: {  	[hbm4b:s23+s3] =	stream.linear.scatter [tilespmem:s29], [sflag:$0x2], $0x80, $0x38;
	[tilespmem:$0x1400] =	vst v63  }
0x80: {  	s31 =	sand.u32 $0x1FFFFFF0, s25;
	s28 =	simm.s32 $0x580;
	s22 =	sadd.s32 s4, s22  }
0x81: {  	[hbm4b:s22+s3] =	stream.linear.scatter [tilespmem:s28], [sflag:$0x2], $0x80, $0x38;
	[tilespmem:$0x1400] =	vst v63  }
0x82: {  	s29 =	sand.u32 $0x1FFFFFF0, s24;
	s23 =	sadd.s32 s4, s31;
	s31 =	simm.s32 $0x600  }
0x83: {  	[hbm4b:s23+s3] =	stream.linear.scatter [tilespmem:s31], [sflag:$0x2], $0x80, $0x38;
	[tilespmem:$0x1400] =	vst v63  }
0x84: {  	s21 =	sand.u32 $0x1FFFFFF0, s21;
	s25 =	simm.s32 $0x680;
	s22 =	sadd.s32 s4, s29  }
0x85: {  	[hbm4b:s22+s3] =	stream.linear.scatter [tilespmem:s25], [sflag:$0x2], $0x80, $0x38;
	[tilespmem:$0x1400] =	vst v63  }
0x86: {  	s20 =	sand.u32 $0x1FFFFFF0, s20;
	s21 =	sadd.s32 s4, s21;
	s28 =	simm.s32 $0x700  }
0x87: {  	[hbm4b:s21+s3] =	stream.linear.scatter [tilespmem:s28], [sflag:$0x2], $0x80, $0x38;
	[tilespmem:$0x1400] =	vst v63  }
0x88: {  	s20 =	sadd.s32 s4, s20;
	s19 =	sand.u32 $0x1FFFFFF0, s19;
	s29 =	simm.s32 $0x780  }
0x89: {  	[hbm4b:s20+s3] =	stream.linear.scatter [tilespmem:s29], [sflag:$0x2], $0x80, $0x38;
	[tilespmem:$0x1400] =	vst v63  }
0x8a: {  	s18 =	sand.u32 $0x1FFFFFF0, s18;
	s19 =	sadd.s32 s4, s19;
	s31 =	simm.s32 $0x800  }
0x8b: {  	[hbm4b:s19+s3] =	stream.linear.scatter [tilespmem:s31], [sflag:$0x2], $0x80, $0x38;
	[tilespmem:$0x1400] =	vst v63  }
0x8c: {  	s9 =	sand.u32 $0x1FFFFFF0, s9;
	s18 =	sadd.s32 s4, s18  }
0x8d: {  	[hbm4b:s18+s3] =	stream.linear.scatter [tilespmem:s30], [sflag:$0x2], $0x80, $0x38;
	[tilespmem:$0x1400] =	vst v63  }
0x8e: {  	s9 =	sadd.s32 s4, s9;
	s7 =	sand.u32 $0x1FFFFFF0, s7  }
0x8f: {  	[hbm4b:s9+s3] =	stream.linear.scatter [tilespmem:s14], [sflag:$0x2], $0x80, $0x38;
	[tilespmem:$0x1400] =	vst v63  }
0x90: {  	s6 =	sand.u32 $0x1FFFFFF0, s6;
	s7 =	sadd.s32 s4, s7  }
0x91: {  	[hbm4b:s7+s3] =	stream.linear.scatter [tilespmem:s13], [sflag:$0x2], $0x80, $0x38;
	[tilespmem:$0x1400] =	vst v63  }
0x92: {  	s5 =	sand.u32 $0x1FFFFFF0, s5;
	s6 =	sadd.s32 s4, s6  }
0x93: {  	[hbm4b:s6+s3] =	stream.linear.scatter [tilespmem:s12], [sflag:$0x2], $0x80, $0x38;
	[tilespmem:$0x1400] =	vst v63  }
0x94: {  	s5 =	sadd.s32 s4, s5;
	s1 =	sand.u32 $0x1FFFFFF0, s1  }
0x95: {  	[hbm4b:s5+s3] =	stream.linear.scatter [tilespmem:s11], [sflag:$0x2], $0x80, $0x38;
	[tilespmem:$0x1400] =	vst v63  }
0x96: {  	s0 =	sand.u32 $0x1FFFFFF0, s0;
	s1 =	sadd.s32 s4, s1  }
0x97: {  	[hbm4b:s1+s3] =	stream.linear.scatter [tilespmem:s10], [sflag:$0x2], $0x80, $0x38;
	[tilespmem:$0x1400] =	vst v63  }
0x98: {  	s0 =	sadd.s32 s4, s0  }
0x99: {  	[hbm4b:s0+s3] =	stream.linear.scatter [tilespmem:s8], [sflag:$0x2], $0x80, $0x38;
	[tilespmem:$0x1400] =	vst v63  }
0x9a: {  	v61 =	vld [tilespmem:s17+$0x210];
	_ =	sdelay $0x4  }
0x9b: {  	v0 =	vshll.u32 v61, $0x4  }
0x9c: {  	(v2sf) =	vpush v0, $0x0  }
0x9d: {  	(v2sf) =	vpush v0, $0x1;
	_ =	sdelay $0x2  }
0x9e: {  	(v2sf) =	vpush v0, $0x2  }
0x9f: {  	(v2sf) =	vpush v0, $0x3  }
0xa0: {  	(v2sf) =	vpush v0, $0x4;
	_ =	sdelay $0x2  }
0xa1: {  	(v2sf) =	vpush v0, $0x5  }
0xa2: {  	(v2sf) =	vpush v0, $0x6;
	_ =	sdelay $0x1  }
0xa3: {  	(v2sf) =	vpush v0, $0x7;
	_ =	sdelay $0x1  }
0xa4: {  	(v2sf) =	vpush v0, $0x8  }
0xa5: {  	s22 =	simm.s32 $0xC80;
	s28 =	simm.s32 $0xD00;
	s13 =	spop (v2sf)  }
0xa6: {  	s18 =	simm.s32 $0xC00;
	(v2sf) =	vpush v0, $0x9;
	s0 =	sand.u32 $0x1FFFFFF0, s13;
	s14 =	spop (v2sf)  }
0xa7: {  	s7 =	simm.s32 $0xD80;
	s0 =	sadd.s32 s2, s0;
	s1 =	sand.u32 $0x1FFFFFF0, s14  }
0xa8: {  	v62 =	vld [tilespmem:s17+$0x10];
	[tilespmem:s18], [sflag:$0x1] =	stream.linear.gather [hbm4b:s0+s3], $0x80, $0x38  }
0xa9: {  	s11 =	simm.s32 $0xE00;
	s17 =	spop (v2sf);
	s19 =	sadd.s32 s2, s1  }
0xaa: {  	(v2sf) =	vpush v0, $0xA;
	s20 =	sand.u32 $0x1FFFFFF0, s17;
	s21 =	spop (v2sf);
	s17 =	simm.s32 $0xE80  }
0xab: {  	s23 =	sadd.s32 s2, s20;
	s24 =	sand.u32 $0x1FFFFFF0, s21;
	s25 =	spop (v2sf)  }
0xac: {  	(v2sf) =	vpush v0, $0xB;
	[tilespmem:s22], [sflag:$0x1] =	stream.linear.gather [hbm4b:s19+s3], $0x80, $0x38;
	[tilespmem:$0x1400] =	vst v63  }
0xad: {  	s21 =	simm.s32 $0xF00;
	s29 =	sadd.s32 s2, s24;
	s30 =	sand.u32 $0x1FFFFFF0, s25  }
0xae: {  	(v2sf) =	vpush v0, $0xC;
	s31 =	spop (v2sf);
	s25 =	simm.s32 $0xF80;
	s8 =	sadd.s32 s2, s30  }
0xaf: {  	s9 =	sand.u32 $0x1FFFFFF0, s31;
	s10 =	spop (v2sf);
	s31 =	simm.s32 $0x1000  }
0xb0: {  	[tilespmem:s28], [sflag:$0x1] =	stream.linear.gather [hbm4b:s23+s3], $0x80, $0x38;
	[tilespmem:$0x1400] =	vst v63  }
0xb1: {  	s12 =	sadd.s32 s2, s9;
	s13 =	sand.u32 $0x1FFFFFF0, s10;
	s14 =	spop (v2sf)  }
0xb2: {  	(v2sf) =	vpush v0, $0xD;
	[tilespmem:s7], [sflag:$0x1] =	stream.linear.gather [hbm4b:s29+s3], $0x80, $0x38;
	[tilespmem:$0x1400] =	vst v63  }
0xb3: {  	s18 =	sadd.s32 s2, s13;
	s19 =	sand.u32 $0x1FFFFFF0, s14;
	s20 =	spop (v2sf)  }
0xb4: {  	(v2sf) =	vpush v0, $0xE;
	[tilespmem:s11], [sflag:$0x1] =	stream.linear.gather [hbm4b:s8+s3], $0x80, $0x38;
	[tilespmem:$0x1400] =	vst v63  }
0xb5: {  	s14 =	simm.s32 $0x1100;
	s13 =	simm.s32 $0x1180;
	s24 =	spop (v2sf)  }
0xb6: {  	(v2sf) =	vpush v0, $0xF;
	[tilespmem:s17], [sflag:$0x1] =	stream.linear.gather [hbm4b:s12+s3], $0x80, $0x38;
	[tilespmem:$0x1400] =	vst v63  }
0xb7: {  	v63 =	vshll.u32 v62, $0x4;
	s22 =	sadd.s32 s2, s19;
	s23 =	sand.u32 $0x1FFFFFF0, s20;
	s29 =	sand.u32 $0x1FFFFFF0, s24  }
0xb8: {  	(v2sf) =	vpush v63, $0x0;
	[tilespmem:s21], [sflag:$0x1] =	stream.linear.gather [hbm4b:s18+s3], $0x80, $0x38;
	[tilespmem:$0x1400] =	vst v63  }
0xb9: {  	s28 =	sadd.s32 s2, s23;
	s30 =	spop (v2sf);
	s6 =	sadd.s32 s2, s29  }
0xba: {  	(v2sf) =	vpush v63, $0x1;
	[tilespmem:s25], [sflag:$0x1] =	stream.linear.gather [hbm4b:s22+s3], $0x80, $0x38;
	[tilespmem:$0x1400] =	vst v63  }
0xbb: {  	s7 =	sand.u32 $0x1FFFFFF0, s30;
	s8 =	spop (v2sf);
	s29 =	simm.s32 $0x1080  }
0xbc: {  	[tilespmem:s31], [sflag:$0x1] =	stream.linear.gather [hbm4b:s28+s3], $0x80, $0x38;
	[tilespmem:$0x1400] =	vst v63  }
0xbd: {  	(v2sf) =	vpush v63, $0x2;
	s9 =	sadd.s32 s2, s7;
	s10 =	sand.u32 $0x1FFFFFF0, s8;
	s11 =	spop (v2sf)  }
0xbe: {  	(v2sf) =	vpush v63, $0x3;
	[tilespmem:s29], [sflag:$0x1] =	stream.linear.gather [hbm4b:s6+s3], $0x80, $0x38;
	[tilespmem:$0x1400] =	vst v63  }
0xbf: {  	(v2sf) =	vpush v63, $0x4;
	s12 =	sadd.s32 s2, s10;
	s10 =	simm.s32 $0x1300;
	s17 =	sand.u32 $0x1FFFFFF0, s11  }
0xc0: {  	(v2sf) =	vpush v63, $0x5;
	[tilespmem:s14], [sflag:$0x1] =	stream.linear.gather [hbm4b:s9+s3], $0x80, $0x38;
	[tilespmem:$0x1400] =	vst v63  }
0xc1: {  	(v2sf) =	vpush v63, $0x6;
	s18 =	spop (v2sf);
	s11 =	simm.s32 $0x1280;
	s19 =	sadd.s32 s2, s17  }
0xc2: {  	(v2sf) =	vpush v63, $0x7;
	[tilespmem:s13], [sflag:$0x1] =	stream.linear.gather [hbm4b:s12+s3], $0x80, $0x38;
	[tilespmem:$0x1400] =	vst v63  }
0xc3: {  	(v2sf) =	vpush v63, $0x8;
	s20 =	sand.u32 $0x1FFFFFF0, s18;
	s21 =	spop (v2sf);
	s12 =	simm.s32 $0x1200  }
0xc4: {  	(v2sf) =	vpush v63, $0x9;
	[tilespmem:s12], [sflag:$0x1] =	stream.linear.gather [hbm4b:s19+s3], $0x80, $0x38;
	[tilespmem:$0x1400] =	vst v63  }
0xc5: {  	s22 =	sadd.s32 s2, s20;
	s23 =	sand.u32 $0x1FFFFFF0, s21;
	s24 =	spop (v2sf);
	(v2sf) =	vpush v63, $0xA  }
0xc6: {  	(v2sf) =	vpush v63, $0xB;
	[tilespmem:s11], [sflag:$0x1] =	stream.linear.gather [hbm4b:s22+s3], $0x80, $0x38;
	[tilespmem:$0x1400] =	vst v63  }
0xc7: {  	s25 =	sadd.s32 s2, s23;
	s28 =	sand.u32 $0x1FFFFFF0, s24;
	s30 =	spop (v2sf);
	(v2sf) =	vpush v63, $0xC  }
0xc8: {  	(v2sf) =	vpush v63, $0xD;
	[tilespmem:s10], [sflag:$0x1] =	stream.linear.gather [hbm4b:s25+s3], $0x80, $0x38;
	[tilespmem:$0x1400] =	vst v63  }
0xc9: {  	s8 =	simm.s32 $0x1380;
	s24 =	spop (v2sf);
	(v2sf) =	vpush v63, $0xE;
	s22 =	sadd.s32 s2, s28  }
0xca: {  	(v2sf) =	vpush v63, $0xF;
	[tilespmem:s8], [sflag:$0x1] =	stream.linear.gather [hbm4b:s22+s3], $0x80, $0x38;
	[tilespmem:$0x1400] =	vst v63  }
0xcb: {  	_ =	swait.ge [sflag:s26], $0x80  }
0xcc: {  	s28 =	spop (v2sf)  }
0xcd: {  	[sflag:s26] =	ssyncset.done $0x0;
	s25 =	spop (v2sf)  }
0xce: {  	[sflag:s26] =	ssyncadd.s32 $0xFFFFFF80;
	s22 =	spop (v2sf)  }
0xcf: {  	_ =	swait.ge [sflag:s26], $0x80  }
0xd0: {  	s21 =	spop (v2sf)  }
0xd1: {  	[sflag:s26] =	ssyncset.done $0x0;
	s20 =	spop (v2sf)  }
0xd2: {  	[sflag:s26] =	ssyncadd.s32 $0xFFFFFF80;
	s19 =	spop (v2sf)  }
0xd3: {  	_ =	swait.ge [sflag:s26], $0x80  }
0xd4: {  	s18 =	spop (v2sf)  }
0xd5: {  	[sflag:s26] =	ssyncset.done $0x0;
	s17 =	spop (v2sf)  }
0xd6: {  	[sflag:s26] =	ssyncadd.s32 $0xFFFFFF80;
	s9 =	spop (v2sf)  }
0xd7: {  	_ =	swait.ge [sflag:s26], $0x80  }
0xd8: {  	s7 =	spop (v2sf)  }
0xd9: {  	[sflag:s26] =	ssyncset.done $0x0;
	s6 =	spop (v2sf)  }
0xda: {  	[sflag:s26] =	ssyncadd.s32 $0xFFFFFF80;
	s1 =	spop (v2sf)  }
0xdb: {  	_ =	swait.ge [sflag:s26], $0x80  }
0xdc: {  	s0 =	spop (v2sf);
	[sflag:s26] =	ssyncset.done $0x0  }
0xdd: {  	s5 =	spop (v2sf);
	[sflag:s26] =	ssyncadd.s32 $0xFFFFFF80  }
0xde: {  	_ =	swait.ge [sflag:s26], $0x80  }
0xdf: {  	[sflag:s26] =	ssyncset.done $0x0  }
0xe0: {  	[sflag:s26] =	ssyncadd.s32 $0xFFFFFF80  }
0xe1: {  	_ =	swait.ge [sflag:s26], $0x80  }
0xe2: {  	[sflag:s26] =	ssyncset.done $0x0  }
0xe3: {  	[sflag:s26] =	ssyncadd.s32 $0xFFFFFF80  }
0xe4: {  	_ =	swait.ge [sflag:s26], $0x80  }
0xe5: {  	[sflag:s26] =	ssyncset.done $0x0  }
0xe6: {  	[sflag:s26] =	ssyncadd.s32 $0xFFFFFF80  }
0xe7: {  	_ =	swait.ge [sflag:s26], $0x80  }
0xe8: {  	[sflag:s26] =	ssyncset.done $0x0  }
0xe9: {  	[sflag:s26] =	ssyncadd.s32 $0xFFFFFF80  }
0xea: {  	_ =	swait.ge [sflag:s26], $0x80  }
0xeb: {  	[sflag:s26] =	ssyncset.done $0x0  }
0xec: {  	[sflag:s26] =	ssyncadd.s32 $0xFFFFFF80  }
0xed: {  	_ =	swait.ge [sflag:s26], $0x80  }
0xee: {  	[sflag:s26] =	ssyncset.done $0x0  }
0xef: {  	[sflag:s26] =	ssyncadd.s32 $0xFFFFFF80  }
0xf0: {  	_ =	swait.ge [sflag:s26], $0x80  }
0xf1: {  	[sflag:s26] =	ssyncset.done $0x0  }
0xf2: {  	[sflag:s26] =	ssyncadd.s32 $0xFFFFFF80  }
0xf3: {  	_ =	swait.ge [sflag:s26], $0x80  }
0xf4: {  	[sflag:s26] =	ssyncset.done $0x0  }
0xf5: {  	[sflag:s26] =	ssyncadd.s32 $0xFFFFFF80  }
0xf6: {  	_ =	swait.ge [sflag:s26], $0x80  }
0xf7: {  	[sflag:s26] =	ssyncset.done $0x0  }
0xf8: {  	[sflag:s26] =	ssyncadd.s32 $0xFFFFFF80  }
0xf9: {  	_ =	swait.ge [sflag:s26], $0x80  }
0xfa: {  	[sflag:s26] =	ssyncset.done $0x0  }
0xfb: {  	[sflag:s26] =	ssyncadd.s32 $0xFFFFFF80  }
0xfc: {  	_ =	swait.ge [sflag:s26], $0x80  }
0xfd: {  	s23 =	sand.u32 $0x1FFFFFF0, s30;
	s30 =	simm.s32 $0xC00;
	[sflag:s26] =	ssyncset.done $0x0  }
0xfe: {  	s23 =	sadd.s32 s4, s23;
	s24 =	sand.u32 $0x1FFFFFF0, s24;
	[sflag:s26] =	ssyncadd.s32 $0xFFFFFF80  }
0xff: {  	[hbm4b:s23+s3] =	stream.linear.scatter [tilespmem:s30], [sflag:$0x3], $0x80, $0x38;
	[tilespmem:$0x1400] =	vst v63  }
0x100: {  	s28 =	sand.u32 $0x1FFFFFF0, s28;
	s23 =	sadd.s32 s4, s24;
	s30 =	simm.s32 $0xC80  }
0x101: {  	[hbm4b:s23+s3] =	stream.linear.scatter [tilespmem:s30], [sflag:$0x3], $0x80, $0x38;
	[tilespmem:$0x1400] =	vst v63  }
0x102: {  	s25 =	sand.u32 $0x1FFFFFF0, s25;
	s23 =	sadd.s32 s4, s28;
	s30 =	simm.s32 $0xD00  }
0x103: {  	[hbm4b:s23+s3] =	stream.linear.scatter [tilespmem:s30], [sflag:$0x3], $0x80, $0x38;
	[tilespmem:$0x1400] =	vst v63  }
0x104: {  	s22 =	sand.u32 $0x1FFFFFF0, s22;
	s28 =	simm.s32 $0xD80;
	s23 =	sadd.s32 s4, s25  }
0x105: {  	[hbm4b:s23+s3] =	stream.linear.scatter [tilespmem:s28], [sflag:$0x3], $0x80, $0x38;
	[tilespmem:$0x1400] =	vst v63  }
0x106: {  	s22 =	sadd.s32 s4, s22;
	s21 =	sand.u32 $0x1FFFFFF0, s21;
	s30 =	simm.s32 $0xE00  }
0x107: {  	[hbm4b:s22+s3] =	stream.linear.scatter [tilespmem:s30], [sflag:$0x3], $0x80, $0x38;
	[tilespmem:$0x1400] =	vst v63  }
0x108: {  	s21 =	sadd.s32 s4, s21;
	s20 =	sand.u32 $0x1FFFFFF0, s20;
	s24 =	simm.s32 $0xE80  }
0x109: {  	[hbm4b:s21+s3] =	stream.linear.scatter [tilespmem:s24], [sflag:$0x3], $0x80, $0x38;
	[tilespmem:$0x1400] =	vst v63  }
0x10a: {  	s20 =	sadd.s32 s4, s20;
	s19 =	sand.u32 $0x1FFFFFF0, s19;
	s25 =	simm.s32 $0xF00  }
0x10b: {  	[hbm4b:s20+s3] =	stream.linear.scatter [tilespmem:s25], [sflag:$0x3], $0x80, $0x38;
	[tilespmem:$0x1400] =	vst v63  }
0x10c: {  	s19 =	sadd.s32 s4, s19;
	s18 =	sand.u32 $0x1FFFFFF0, s18;
	s28 =	simm.s32 $0xF80  }
0x10d: {  	[hbm4b:s19+s3] =	stream.linear.scatter [tilespmem:s28], [sflag:$0x3], $0x80, $0x38;
	[tilespmem:$0x1400] =	vst v63  }
0x10e: {  	s18 =	sadd.s32 s4, s18;
	s17 =	sand.u32 $0x1FFFFFF0, s17  }
0x10f: {  	[hbm4b:s18+s3] =	stream.linear.scatter [tilespmem:s31], [sflag:$0x3], $0x80, $0x38;
	[tilespmem:$0x1400] =	vst v63  }
0x110: {  	s17 =	sadd.s32 s4, s17;
	s9 =	sand.u32 $0x1FFFFFF0, s9  }
0x111: {  	[hbm4b:s17+s3] =	stream.linear.scatter [tilespmem:s29], [sflag:$0x3], $0x80, $0x38;
	[tilespmem:$0x1400] =	vst v63  }
0x112: {  	s9 =	sadd.s32 s4, s9;
	s7 =	sand.u32 $0x1FFFFFF0, s7  }
0x113: {  	[hbm4b:s9+s3] =	stream.linear.scatter [tilespmem:s14], [sflag:$0x3], $0x80, $0x38;
	[tilespmem:$0x1400] =	vst v63  }
0x114: {  	s7 =	sadd.s32 s4, s7;
	s6 =	sand.u32 $0x1FFFFFF0, s6  }
0x115: {  	[hbm4b:s7+s3] =	stream.linear.scatter [tilespmem:s13], [sflag:$0x3], $0x80, $0x38;
	[tilespmem:$0x1400] =	vst v63  }
0x116: {  	s6 =	sadd.s32 s4, s6;
	s1 =	sand.u32 $0x1FFFFFF0, s1  }
0x117: {  	[hbm4b:s6+s3] =	stream.linear.scatter [tilespmem:s12], [sflag:$0x3], $0x80, $0x38;
	[tilespmem:$0x1400] =	vst v63  }
0x118: {  	s1 =	sadd.s32 s4, s1;
	s0 =	sand.u32 $0x1FFFFFF0, s0  }
0x119: {  	[hbm4b:s1+s3] =	stream.linear.scatter [tilespmem:s11], [sflag:$0x3], $0x80, $0x38;
	[tilespmem:$0x1400] =	vst v63  }
0x11a: {  	s0 =	sadd.s32 s4, s0;
	s30 =	sand.u32 $0x1FFFFFF0, s5  }
0x11b: {  	[hbm4b:s0+s3] =	stream.linear.scatter [tilespmem:s10], [sflag:$0x3], $0x80, $0x38;
	[tilespmem:$0x1400] =	vst v63  }
0x11c: {  	s31 =	sadd.s32 s4, s30  }
0x11d: {  	[hbm4b:s31+s3] =	stream.linear.scatter [tilespmem:s8], [sflag:$0x3], $0x80, $0x38;
	[tilespmem:$0x1400] =	vst v63  }
0x11e: {  	_ =	swait.ge [sflag:s15], $0x80  }
0x11f: {  	[sflag:s15] =	ssyncset.done $0x0  }
0x120: {  	[sflag:s15] =	ssyncadd.s32 $0xFFFFFF80  }
0x121: {  	_ =	swait.ge [sflag:s15], $0x80  }
0x122: {  	[sflag:s15] =	ssyncset.done $0x0  }
0x123: {  	[sflag:s15] =	ssyncadd.s32 $0xFFFFFF80  }
0x124: {  	_ =	swait.ge [sflag:s15], $0x80  }
0x125: {  	[sflag:s15] =	ssyncset.done $0x0  }
0x126: {  	[sflag:s15] =	ssyncadd.s32 $0xFFFFFF80  }
0x127: {  	_ =	swait.ge [sflag:s15], $0x80  }
0x128: {  	[sflag:s15] =	ssyncset.done $0x0  }
0x129: {  	[sflag:s15] =	ssyncadd.s32 $0xFFFFFF80  }
0x12a: {  	_ =	swait.ge [sflag:s15], $0x80  }
0x12b: {  	[sflag:s15] =	ssyncset.done $0x0  }
0x12c: {  	[sflag:s15] =	ssyncadd.s32 $0xFFFFFF80  }
0x12d: {  	_ =	swait.ge [sflag:s15], $0x80  }
0x12e: {  	[sflag:s15] =	ssyncset.done $0x0  }
0x12f: {  	[sflag:s15] =	ssyncadd.s32 $0xFFFFFF80  }
0x130: {  	_ =	swait.ge [sflag:s15], $0x80  }
0x131: {  	[sflag:s15] =	ssyncset.done $0x0  }
0x132: {  	[sflag:s15] =	ssyncadd.s32 $0xFFFFFF80  }
0x133: {  	_ =	swait.ge [sflag:s15], $0x80  }
0x134: {  	[sflag:s15] =	ssyncset.done $0x0  }
0x135: {  	[sflag:s15] =	ssyncadd.s32 $0xFFFFFF80  }
0x136: {  	_ =	swait.ge [sflag:s15], $0x80  }
0x137: {  	[sflag:s15] =	ssyncset.done $0x0  }
0x138: {  	[sflag:s15] =	ssyncadd.s32 $0xFFFFFF80  }
0x139: {  	_ =	swait.ge [sflag:s15], $0x80  }
0x13a: {  	[sflag:s15] =	ssyncset.done $0x0  }
0x13b: {  	[sflag:s15] =	ssyncadd.s32 $0xFFFFFF80  }
0x13c: {  	_ =	swait.ge [sflag:s15], $0x80  }
0x13d: {  	[sflag:s15] =	ssyncset.done $0x0  }
0x13e: {  	[sflag:s15] =	ssyncadd.s32 $0xFFFFFF80  }
0x13f: {  	_ =	swait.ge [sflag:s15], $0x80  }
0x140: {  	[sflag:s15] =	ssyncset.done $0x0  }
0x141: {  	[sflag:s15] =	ssyncadd.s32 $0xFFFFFF80  }
0x142: {  	_ =	swait.ge [sflag:s15], $0x80  }
0x143: {  	[sflag:s15] =	ssyncset.done $0x0  }
0x144: {  	[sflag:s15] =	ssyncadd.s32 $0xFFFFFF80  }
0x145: {  	_ =	swait.ge [sflag:s15], $0x80  }
0x146: {  	[sflag:s15] =	ssyncset.done $0x0  }
0x147: {  	[sflag:s15] =	ssyncadd.s32 $0xFFFFFF80  }
0x148: {  	_ =	swait.ge [sflag:s15], $0x80  }
0x149: {  	[sflag:s15] =	ssyncset.done $0x0  }
0x14a: {  	[sflag:s15] =	ssyncadd.s32 $0xFFFFFF80  }
0x14b: {  	_ =	swait.ge [sflag:s15], $0x80  }
0x14c: {  	[sflag:s15] =	ssyncset.done $0x0  }
0x14d: {  	[sflag:s15] =	ssyncadd.s32 $0xFFFFFF80  }
0x14e: {  	_ =	swait.ge [sflag:s16], $0x80  }
0x14f: {  	[sflag:s16] =	ssyncset.done $0x0  }
0x150: {  	[sflag:s16] =	ssyncadd.s32 $0xFFFFFF80  }
0x151: {  	_ =	swait.ge [sflag:s16], $0x80  }
0x152: {  	[sflag:s16] =	ssyncset.done $0x0  }
0x153: {  	[sflag:s16] =	ssyncadd.s32 $0xFFFFFF80  }
0x154: {  	_ =	swait.ge [sflag:s16], $0x80  }
0x155: {  	[sflag:s16] =	ssyncset.done $0x0  }
0x156: {  	[sflag:s16] =	ssyncadd.s32 $0xFFFFFF80  }
0x157: {  	_ =	swait.ge [sflag:s16], $0x80  }
0x158: {  	[sflag:s16] =	ssyncset.done $0x0  }
0x159: {  	[sflag:s16] =	ssyncadd.s32 $0xFFFFFF80  }
0x15a: {  	_ =	swait.ge [sflag:s16], $0x80  }
0x15b: {  	[sflag:s16] =	ssyncset.done $0x0  }
0x15c: {  	[sflag:s16] =	ssyncadd.s32 $0xFFFFFF80  }
0x15d: {  	_ =	swait.ge [sflag:s16], $0x80  }
0x15e: {  	[sflag:s16] =	ssyncset.done $0x0  }
0x15f: {  	[sflag:s16] =	ssyncadd.s32 $0xFFFFFF80  }
0x160: {  	_ =	swait.ge [sflag:s16], $0x80  }
0x161: {  	[sflag:s16] =	ssyncset.done $0x0  }
0x162: {  	[sflag:s16] =	ssyncadd.s32 $0xFFFFFF80  }
0x163: {  	_ =	swait.ge [sflag:s16], $0x80  }
0x164: {  	[sflag:s16] =	ssyncset.done $0x0  }
0x165: {  	[sflag:s16] =	ssyncadd.s32 $0xFFFFFF80  }
0x166: {  	_ =	swait.ge [sflag:s16], $0x80  }
0x167: {  	[sflag:s16] =	ssyncset.done $0x0  }
0x168: {  	[sflag:s16] =	ssyncadd.s32 $0xFFFFFF80  }
0x169: {  	_ =	swait.ge [sflag:s16], $0x80  }
0x16a: {  	[sflag:s16] =	ssyncset.done $0x0  }
0x16b: {  	[sflag:s16] =	ssyncadd.s32 $0xFFFFFF80  }
0x16c: {  	_ =	swait.ge [sflag:s16], $0x80  }
0x16d: {  	[sflag:s16] =	ssyncset.done $0x0  }
0x16e: {  	[sflag:s16] =	ssyncadd.s32 $0xFFFFFF80  }
0x16f: {  	_ =	swait.ge [sflag:s16], $0x80  }
0x170: {  	[sflag:s16] =	ssyncset.done $0x0  }
0x171: {  	[sflag:s16] =	ssyncadd.s32 $0xFFFFFF80  }
0x172: {  	_ =	swait.ge [sflag:s16], $0x80  }
0x173: {  	[sflag:s16] =	ssyncset.done $0x0  }
0x174: {  	[sflag:s16] =	ssyncadd.s32 $0xFFFFFF80  }
0x175: {  	_ =	swait.ge [sflag:s16], $0x80  }
0x176: {  	[sflag:s16] =	ssyncset.done $0x0  }
0x177: {  	[sflag:s16] =	ssyncadd.s32 $0xFFFFFF80  }
0x178: {  	_ =	swait.ge [sflag:s16], $0x80  }
0x179: {  	s1 =	simm.s32 $0x80;
	s0 =	simm.s32 $0x100;
	[sflag:s16] =	ssyncset.done $0x0  }
.LBB2_2:
0x17a: {  	s22 =	smov.u32 s0  }
0x17b: {  	s23 =	sadd.s32 $0x80, s0;
	[dreg:$0x5] =	wrdreg s22  }
0x17c: {  	[sflag:s16] =	ssyncadd.s32 $0xFFFFFF80;
	[dreg:$0x4] =	wrdreg s23  }
0x17d: {  	_ =	swait.ge [sflag:s16], $0x80  }
0x17e: {  	[sflag:s16] =	ssyncset.done $0x0  }
0x17f: {  	s19 =	sshra.s32 s1, $0x2;
	[sflag:s16] =	ssyncadd.s32 $0xFFFFFF80  }
0x180: {  	v0 =	vld [tilespmem:s19+$0x200];
	_ =	sdelay $0x4  }
0x181: {  	v0 =	vshll.u32 v0, $0x4  }
0x182: {  	(v2sf) =	vpush v0, $0x0;
	_ =	sdelay $0x1  }
0x183: {  	(v2sf) =	vpush v0, $0x1  }
0x184: {  	(v2sf) =	vpush v0, $0x2;
	_ =	sdelay $0x1  }
0x185: {  	(v2sf) =	vpush v0, $0x3  }
0x186: {  	(v2sf) =	vpush v0, $0x4;
	_ =	sdelay $0x1  }
0x187: {  	(v2sf) =	vpush v0, $0x5;
	_ =	sdelay $0x3  }
0x188: {  	(v2sf) =	vpush v0, $0x6;
	_ =	sdelay $0x1  }
0x189: {  	p0 =	sne.s32 s0, $0x780;
	(v2sf) =	vpush v0, $0x7  }
0x18a: {  	s6 =	simm.s32 $0x400;
	s31 =	simm.s32 $0x480;
	s24 =	spop (v2sf)  }
0x18b: {  	s10 =	simm.s32 $0x500;
	s14 =	simm.s32 $0x580;
	(v2sf) =	vpush v0, $0x8;
	s0 =	sand.u32 $0x1FFFFFF0, s24  }
0x18c: {  	s21 =	simm.s32 $0x600;
	s25 =	spop (v2sf);
	s0 =	sadd.s32 s2, s0  }
0x18d: {  	(v2sf) =	vpush v0, $0x9;
	s1 =	sand.u32 $0x1FFFFFF0, s25;
	s5 =	spop (v2sf);
	s25 =	simm.s32 $0x680  }
0x18e: {  	v1 =	vld [tilespmem:s19+$0x0];
	[tilespmem:s6], [sflag:$0x1] =	stream.linear.gather [hbm4b:s0+s3], $0x80, $0x38  }
0x18f: {  	(v2sf) =	vpush v0, $0xA;
	s28 =	sadd.s32 s2, s1;
	s29 =	sand.u32 $0x1FFFFFF0, s5;
	s30 =	spop (v2sf)  }
0x190: {  	s7 =	sadd.s32 s2, s29;
	s8 =	sand.u32 $0x1FFFFFF0, s30;
	s9 =	spop (v2sf)  }
0x191: {  	(v2sf) =	vpush v0, $0xB;
	[tilespmem:s31], [sflag:$0x1] =	stream.linear.gather [hbm4b:s28+s3], $0x80, $0x38;
	[tilespmem:$0x1400] =	vst v63  }
0x192: {  	s11 =	sadd.s32 s2, s8;
	s12 =	sand.u32 $0x1FFFFFF0, s9;
	s13 =	spop (v2sf)  }
0x193: {  	(v2sf) =	vpush v0, $0xC;
	[tilespmem:s10], [sflag:$0x1] =	stream.linear.gather [hbm4b:s7+s3], $0x80, $0x38;
	[tilespmem:$0x1400] =	vst v63  }
0x194: {  	s31 =	simm.s32 $0x700;
	s9 =	simm.s32 $0x780;
	s17 =	sadd.s32 s2, s12  }
0x195: {  	[tilespmem:s14], [sflag:$0x1] =	stream.linear.gather [hbm4b:s11+s3], $0x80, $0x38;
	[tilespmem:$0x1400] =	vst v63  }
0x196: {  	s18 =	sand.u32 $0x1FFFFFF0, s13;
	s20 =	spop (v2sf);
	s13 =	simm.s32 $0x800  }
0x197: {  	(v2sf) =	vpush v0, $0xD;
	[tilespmem:s21], [sflag:$0x1] =	stream.linear.gather [hbm4b:s17+s3], $0x80, $0x38;
	[tilespmem:$0x1400] =	vst v63  }
0x198: {  	s22 =	sadd.s32 s2, s18;
	s23 =	sand.u32 $0x1FFFFFF0, s20;
	s24 =	spop (v2sf)  }
0x199: {  	(v2sf) =	vpush v0, $0xE;
	[tilespmem:s25], [sflag:$0x1] =	stream.linear.gather [hbm4b:s22+s3], $0x80, $0x38;
	[tilespmem:$0x1400] =	vst v63  }
0x19a: {  	s28 =	sadd.s32 s2, s23;
	s29 =	sand.u32 $0x1FFFFFF0, s24;
	s30 =	spop (v2sf)  }
0x19b: {  	(v2sf) =	vpush v0, $0xF;
	[tilespmem:s31], [sflag:$0x1] =	stream.linear.gather [hbm4b:s28+s3], $0x80, $0x38;
	[tilespmem:$0x1400] =	vst v63  }
0x19c: {  	v1 =	vshll.u32 v1, $0x4;
	s6 =	sadd.s32 s2, s29;
	s7 =	sand.u32 $0x1FFFFFF0, s30;
	s8 =	spop (v2sf)  }
0x19d: {  	(v2sf) =	vpush v1, $0x0;
	[tilespmem:s9], [sflag:$0x1] =	stream.linear.gather [hbm4b:s6+s3], $0x80, $0x38;
	[tilespmem:$0x1400] =	vst v63  }
0x19e: {  	s10 =	sadd.s32 s2, s7;
	s11 =	sand.u32 $0x1FFFFFF0, s8;
	s12 =	spop (v2sf)  }
0x19f: {  	s17 =	simm.s32 $0x880;
	(v2sf) =	vpush v1, $0x1;
	s14 =	sadd.s32 s2, s11;
	s18 =	sand.u32 $0x1FFFFFF0, s12  }
0x1a0: {  	s20 =	spop (v2sf);
	s12 =	simm.s32 $0xA00;
	s11 =	simm.s32 $0xA80  }
0x1a1: {  	[tilespmem:s13], [sflag:$0x1] =	stream.linear.gather [hbm4b:s10+s3], $0x80, $0x38;
	[tilespmem:$0x1400] =	vst v63  }
0x1a2: {  	(v2sf) =	vpush v1, $0x2;
	s21 =	sadd.s32 s2, s18;
	s22 =	sand.u32 $0x1FFFFFF0, s20;
	s23 =	spop (v2sf)  }
0x1a3: {  	(v2sf) =	vpush v1, $0x3;
	[tilespmem:s17], [sflag:$0x1] =	stream.linear.gather [hbm4b:s14+s3], $0x80, $0x38;
	[tilespmem:$0x1400] =	vst v63  }
0x1a4: {  	(v2sf) =	vpush v1, $0x4;
	s13 =	simm.s32 $0x980;
	s10 =	simm.s32 $0xB00;
	s14 =	simm.s32 $0x900  }
0x1a5: {  	(v2sf) =	vpush v1, $0x5;
	[tilespmem:s14], [sflag:$0x1] =	stream.linear.gather [hbm4b:s21+s3], $0x80, $0x38;
	[tilespmem:$0x1400] =	vst v63  }
0x1a6: {  	s24 =	sadd.s32 s2, s22;
	s25 =	sand.u32 $0x1FFFFFF0, s23;
	s28 =	spop (v2sf);
	(v2sf) =	vpush v1, $0x6  }
0x1a7: {  	(v2sf) =	vpush v1, $0x7;
	[tilespmem:s13], [sflag:$0x1] =	stream.linear.gather [hbm4b:s24+s3], $0x80, $0x38;
	[tilespmem:$0x1400] =	vst v63  }
0x1a8: {  	s29 =	sadd.s32 s2, s25;
	s30 =	sand.u32 $0x1FFFFFF0, s28;
	s31 =	spop (v2sf);
	(v2sf) =	vpush v1, $0x8  }
0x1a9: {  	(v2sf) =	vpush v1, $0x9;
	[tilespmem:s12], [sflag:$0x1] =	stream.linear.gather [hbm4b:s29+s3], $0x80, $0x38;
	[tilespmem:$0x1400] =	vst v63  }
0x1aa: {  	s1 =	sadd.s32 s2, s30;
	s5 =	sand.u32 $0x1FFFFFF0, s31;
	s6 =	spop (v2sf);
	(v2sf) =	vpush v1, $0xA  }
0x1ab: {  	(v2sf) =	vpush v1, $0xB;
	[tilespmem:s11], [sflag:$0x1] =	stream.linear.gather [hbm4b:s1+s3], $0x80, $0x38;
	[tilespmem:$0x1400] =	vst v63  }
0x1ac: {  	s7 =	sadd.s32 s2, s5;
	s8 =	sand.u32 $0x1FFFFFF0, s6;
	s9 =	spop (v2sf);
	(v2sf) =	vpush v1, $0xC  }
0x1ad: {  	(v2sf) =	vpush v1, $0xD;
	[tilespmem:s10], [sflag:$0x1] =	stream.linear.gather [hbm4b:s7+s3], $0x80, $0x38;
	[tilespmem:$0x1400] =	vst v63  }
0x1ae: {  	s18 =	sadd.s32 s2, s8;
	s8 =	simm.s32 $0xB80;
	(v2sf) =	vpush v1, $0xE;
	s21 =	spop (v2sf)  }
0x1af: {  	(v2sf) =	vpush v1, $0xF;
	[tilespmem:s8], [sflag:$0x1] =	stream.linear.gather [hbm4b:s18+s3], $0x80, $0x38;
	[tilespmem:$0x1400] =	vst v63  }
0x1b0: {  	_ =	swait.ge [sflag:s26], $0x80  }
0x1b1: {  	s22 =	spop (v2sf)  }
0x1b2: {  	[sflag:s26] =	ssyncset.done $0x0;
	s23 =	spop (v2sf)  }
0x1b3: {  	[sflag:s26] =	ssyncadd.s32 $0xFFFFFF80;
	s24 =	spop (v2sf)  }
0x1b4: {  	_ =	swait.ge [sflag:s26], $0x80  }
0x1b5: {  	s25 =	spop (v2sf)  }
0x1b6: {  	[sflag:s26] =	ssyncset.done $0x0;
	s28 =	spop (v2sf)  }
0x1b7: {  	[sflag:s26] =	ssyncadd.s32 $0xFFFFFF80;
	s29 =	spop (v2sf)  }
0x1b8: {  	_ =	swait.ge [sflag:s26], $0x80  }
0x1b9: {  	s30 =	spop (v2sf)  }
0x1ba: {  	[sflag:s26] =	ssyncset.done $0x0;
	s31 =	spop (v2sf)  }
0x1bb: {  	[sflag:s26] =	ssyncadd.s32 $0xFFFFFF80;
	s1 =	spop (v2sf)  }
0x1bc: {  	_ =	swait.ge [sflag:s26], $0x80  }
0x1bd: {  	s5 =	spop (v2sf)  }
0x1be: {  	[sflag:s26] =	ssyncset.done $0x0;
	s6 =	spop (v2sf)  }
0x1bf: {  	[sflag:s26] =	ssyncadd.s32 $0xFFFFFF80;
	s7 =	spop (v2sf)  }
0x1c0: {  	s0 =	sand.u32 $0x1FFFFFF0, s1;
	_ =	swait.ge [sflag:s26], $0x80  }
0x1c1: {  	s1 =	sand.u32 $0x1FFFFFF0, s5;
	s18 =	spop (v2sf);
	[sflag:s26] =	ssyncset.done $0x0  }
0x1c2: {  	s5 =	sand.u32 $0x1FFFFFF0, s7;
	s7 =	spop (v2sf);
	[sflag:s26] =	ssyncadd.s32 $0xFFFFFF80  }
0x1c3: {  	_ =	swait.ge [sflag:s26], $0x80  }
0x1c4: {  	[sflag:s26] =	ssyncset.done $0x0  }
0x1c5: {  	[sflag:s26] =	ssyncadd.s32 $0xFFFFFF80  }
0x1c6: {  	_ =	swait.ge [sflag:s26], $0x80  }
0x1c7: {  	[sflag:s26] =	ssyncset.done $0x0  }
0x1c8: {  	[sflag:s26] =	ssyncadd.s32 $0xFFFFFF80  }
0x1c9: {  	_ =	swait.ge [sflag:s26], $0x80  }
0x1ca: {  	[sflag:s26] =	ssyncset.done $0x0  }
0x1cb: {  	[sflag:s26] =	ssyncadd.s32 $0xFFFFFF80  }
0x1cc: {  	_ =	swait.ge [sflag:s26], $0x80  }
0x1cd: {  	[sflag:s26] =	ssyncset.done $0x0  }
0x1ce: {  	[sflag:s26] =	ssyncadd.s32 $0xFFFFFF80  }
0x1cf: {  	_ =	swait.ge [sflag:s26], $0x80  }
0x1d0: {  	[sflag:s26] =	ssyncset.done $0x0  }
0x1d1: {  	[sflag:s26] =	ssyncadd.s32 $0xFFFFFF80  }
0x1d2: {  	_ =	swait.ge [sflag:s26], $0x80  }
0x1d3: {  	[sflag:s26] =	ssyncset.done $0x0  }
0x1d4: {  	[sflag:s26] =	ssyncadd.s32 $0xFFFFFF80  }
0x1d5: {  	_ =	swait.ge [sflag:s26], $0x80  }
0x1d6: {  	[sflag:s26] =	ssyncset.done $0x0  }
0x1d7: {  	[sflag:s26] =	ssyncadd.s32 $0xFFFFFF80  }
0x1d8: {  	_ =	swait.ge [sflag:s26], $0x80  }
0x1d9: {  	[sflag:s26] =	ssyncset.done $0x0  }
0x1da: {  	[sflag:s26] =	ssyncadd.s32 $0xFFFFFF80  }
0x1db: {  	_ =	swait.ge [sflag:s26], $0x80  }
0x1dc: {  	[sflag:s26] =	ssyncset.done $0x0  }
0x1dd: {  	[sflag:s26] =	ssyncadd.s32 $0xFFFFFF80  }
0x1de: {  	_ =	swait.ge [sflag:s26], $0x80  }
0x1df: {  	[sflag:s26] =	ssyncset.done $0x0  }
0x1e0: {  	s20 =	sand.u32 $0x1FFFFFF0, s9;
	s21 =	sand.u32 $0x1FFFFFF0, s21;
	[sflag:s26] =	ssyncadd.s32 $0xFFFFFF80  }
0x1e1: {  	s20 =	sadd.s32 s4, s20;
	s21 =	sadd.s32 s4, s21;
	_ =	swait.ge [sflag:s26], $0x80  }
0x1e2: {  	s22 =	sand.u32 $0x1FFFFFF0, s22;
	s9 =	sand.u32 $0x1FFFFFF0, s6;
	[sflag:s26] =	ssyncset.done $0x0  }
0x1e3: {  	s6 =	sand.u32 $0x1FFFFFF0, s18;
	s18 =	simm.s32 $0x400;
	[sflag:s26] =	ssyncadd.s32 $0xFFFFFF80  }
0x1e4: {  	[hbm4b:s20+s3] =	stream.linear.scatter [tilespmem:s18], [sflag:$0x2], $0x80, $0x38;
	[tilespmem:$0x1400] =	vst v63  }
0x1e5: {  	s23 =	sand.u32 $0x1FFFFFF0, s23;
	s20 =	sadd.s32 s4, s22;
	s22 =	simm.s32 $0x480  }
0x1e6: {  	[hbm4b:s21+s3] =	stream.linear.scatter [tilespmem:s22], [sflag:$0x2], $0x80, $0x38;
	[tilespmem:$0x1400] =	vst v63  }
0x1e7: {  	s21 =	sadd.s32 s4, s23;
	s23 =	simm.s32 $0x500  }
0x1e8: {  	[hbm4b:s20+s3] =	stream.linear.scatter [tilespmem:s23], [sflag:$0x2], $0x80, $0x38;
	[tilespmem:$0x1400] =	vst v63  }
0x1e9: {  	s24 =	sand.u32 $0x1FFFFFF0, s24;
	s25 =	sand.u32 $0x1FFFFFF0, s25;
	s23 =	simm.s32 $0x580  }
0x1ea: {  	[hbm4b:s21+s3] =	stream.linear.scatter [tilespmem:s23], [sflag:$0x2], $0x80, $0x38;
	[tilespmem:$0x1400] =	vst v63  }
0x1eb: {  	s22 =	sadd.s32 s4, s24;
	s24 =	sadd.s32 s4, s25;
	s25 =	simm.s32 $0x600  }
0x1ec: {  	[hbm4b:s22+s3] =	stream.linear.scatter [tilespmem:s25], [sflag:$0x2], $0x80, $0x38;
	[tilespmem:$0x1400] =	vst v63  }
0x1ed: {  	s28 =	sand.u32 $0x1FFFFFF0, s28;
	s22 =	simm.s32 $0x680  }
0x1ee: {  	[hbm4b:s24+s3] =	stream.linear.scatter [tilespmem:s22], [sflag:$0x2], $0x80, $0x38;
	[tilespmem:$0x1400] =	vst v63  }
0x1ef: {  	s29 =	sand.u32 $0x1FFFFFF0, s29;
	s28 =	sadd.s32 s4, s28;
	s24 =	simm.s32 $0x700  }
0x1f0: {  	[hbm4b:s28+s3] =	stream.linear.scatter [tilespmem:s24], [sflag:$0x2], $0x80, $0x38;
	[tilespmem:$0x1400] =	vst v63  }
0x1f1: {  	s30 =	sand.u32 $0x1FFFFFF0, s30;
	s23 =	sadd.s32 s4, s29;
	s28 =	simm.s32 $0x780  }
0x1f2: {  	[hbm4b:s23+s3] =	stream.linear.scatter [tilespmem:s28], [sflag:$0x2], $0x80, $0x38;
	[tilespmem:$0x1400] =	vst v63  }
0x1f3: {  	s31 =	sand.u32 $0x1FFFFFF0, s31;
	s25 =	sadd.s32 s4, s30;
	s30 =	simm.s32 $0x800  }
0x1f4: {  	[hbm4b:s25+s3] =	stream.linear.scatter [tilespmem:s30], [sflag:$0x2], $0x80, $0x38;
	[tilespmem:$0x1400] =	vst v63  }
0x1f5: {  	s29 =	sadd.s32 s4, s31  }
0x1f6: {  	[hbm4b:s29+s3] =	stream.linear.scatter [tilespmem:s17], [sflag:$0x2], $0x80, $0x38;
	[tilespmem:$0x1400] =	vst v63  }
0x1f7: {  	s0 =	sadd.s32 s4, s0  }
0x1f8: {  	[hbm4b:s0+s3] =	stream.linear.scatter [tilespmem:s14], [sflag:$0x2], $0x80, $0x38;
	[tilespmem:$0x1400] =	vst v63  }
0x1f9: {  	s1 =	sadd.s32 s4, s1  }
0x1fa: {  	[hbm4b:s1+s3] =	stream.linear.scatter [tilespmem:s13], [sflag:$0x2], $0x80, $0x38;
	[tilespmem:$0x1400] =	vst v63  }
0x1fb: {  	s31 =	sadd.s32 s4, s9  }
0x1fc: {  	[hbm4b:s31+s3] =	stream.linear.scatter [tilespmem:s12], [sflag:$0x2], $0x80, $0x38;
	[tilespmem:$0x1400] =	vst v63  }
0x1fd: {  	s5 =	sadd.s32 s4, s5  }
0x1fe: {  	[hbm4b:s5+s3] =	stream.linear.scatter [tilespmem:s11], [sflag:$0x2], $0x80, $0x38;
	[tilespmem:$0x1400] =	vst v63  }
0x1ff: {  	s7 =	sand.u32 $0x1FFFFFF0, s7;
	s9 =	sadd.s32 s4, s6  }
0x200: {  	[hbm4b:s9+s3] =	stream.linear.scatter [tilespmem:s10], [sflag:$0x2], $0x80, $0x38;
	[tilespmem:$0x1400] =	vst v63  }
0x201: {  	s12 =	sadd.s32 s4, s7  }
0x202: {  	[hbm4b:s12+s3] =	stream.linear.scatter [tilespmem:s8], [sflag:$0x2], $0x80, $0x38;
	[tilespmem:$0x1400] =	vst v63  }
0x203: {  	v61 =	vld [tilespmem:s19+$0x210];
	_ =	sdelay $0x4  }
0x204: {  	v2 =	vshll.u32 v61, $0x4  }
0x205: {  	(v2sf) =	vpush v2, $0x0  }
0x206: {  	(v2sf) =	vpush v2, $0x1;
	_ =	sdelay $0x2  }
0x207: {  	(v2sf) =	vpush v2, $0x2  }
0x208: {  	(v2sf) =	vpush v2, $0x3  }
0x209: {  	(v2sf) =	vpush v2, $0x4;
	_ =	sdelay $0x2  }
0x20a: {  	(v2sf) =	vpush v2, $0x5;
	_ =	sdelay $0x1  }
0x20b: {  	(v2sf) =	vpush v2, $0x6;
	_ =	sdelay $0x1  }
0x20c: {  	(v2sf) =	vpush v2, $0x7;
	_ =	sdelay $0x1  }
0x20d: {  	s18 =	simm.s32 $0xC00;
	s22 =	simm.s32 $0xC80;
	(v2sf) =	vpush v2, $0x8;
	s13 =	spop (v2sf)  }
0x20e: {  	s28 =	simm.s32 $0xD00;
	s0 =	sand.u32 $0x1FFFFFF0, s13;
	s14 =	spop (v2sf)  }
0x20f: {  	s7 =	simm.s32 $0xD80;
	s0 =	sadd.s32 s2, s0;
	s1 =	sand.u32 $0x1FFFFFF0, s14  }
0x210: {  	v62 =	vld [tilespmem:s19+$0x10];
	[tilespmem:s18], [sflag:$0x1] =	stream.linear.gather [hbm4b:s0+s3], $0x80, $0x38  }
0x211: {  	s11 =	simm.s32 $0xE00;
	(v2sf) =	vpush v2, $0x9;
	s17 =	spop (v2sf);
	s19 =	sadd.s32 s2, s1  }
0x212: {  	s20 =	sand.u32 $0x1FFFFFF0, s17;
	s21 =	spop (v2sf);
	s17 =	simm.s32 $0xE80  }
0x213: {  	(v2sf) =	vpush v2, $0xA;
	s23 =	sadd.s32 s2, s20;
	s24 =	sand.u32 $0x1FFFFFF0, s21;
	s25 =	spop (v2sf)  }
0x214: {  	(v2sf) =	vpush v2, $0xB;
	[tilespmem:s22], [sflag:$0x1] =	stream.linear.gather [hbm4b:s19+s3], $0x80, $0x38;
	[tilespmem:$0x1400] =	vst v63  }
0x215: {  	s21 =	simm.s32 $0xF00;
	s29 =	sadd.s32 s2, s24;
	s30 =	sand.u32 $0x1FFFFFF0, s25  }
0x216: {  	(v2sf) =	vpush v2, $0xC;
	s31 =	spop (v2sf);
	s25 =	simm.s32 $0xF80;
	s8 =	sadd.s32 s2, s30  }
0x217: {  	[tilespmem:s28], [sflag:$0x1] =	stream.linear.gather [hbm4b:s23+s3], $0x80, $0x38;
	[tilespmem:$0x1400] =	vst v63  }
0x218: {  	(v2sf) =	vpush v2, $0xD;
	s9 =	sand.u32 $0x1FFFFFF0, s31;
	s10 =	spop (v2sf);
	s31 =	simm.s32 $0x1000  }
0x219: {  	[tilespmem:s7], [sflag:$0x1] =	stream.linear.gather [hbm4b:s29+s3], $0x80, $0x38;
	[tilespmem:$0x1400] =	vst v63  }
0x21a: {  	s12 =	sadd.s32 s2, s9;
	s13 =	sand.u32 $0x1FFFFFF0, s10;
	s14 =	spop (v2sf)  }
0x21b: {  	[tilespmem:s11], [sflag:$0x1] =	stream.linear.gather [hbm4b:s8+s3], $0x80, $0x38;
	[tilespmem:$0x1400] =	vst v63  }
0x21c: {  	(v2sf) =	vpush v2, $0xE;
	s18 =	sadd.s32 s2, s13;
	s19 =	sand.u32 $0x1FFFFFF0, s14;
	s20 =	spop (v2sf)  }
0x21d: {  	[tilespmem:s17], [sflag:$0x1] =	stream.linear.gather [hbm4b:s12+s3], $0x80, $0x38;
	[tilespmem:$0x1400] =	vst v63  }
0x21e: {  	(v2sf) =	vpush v2, $0xF;
	s14 =	simm.s32 $0x1100;
	s13 =	simm.s32 $0x1180;
	s23 =	sand.u32 $0x1FFFFFF0, s20  }
0x21f: {  	v63 =	vshll.u32 v62, $0x4;
	[tilespmem:s21], [sflag:$0x1] =	stream.linear.gather [hbm4b:s18+s3], $0x80, $0x38;
	[tilespmem:$0x1400] =	vst v63  }
0x220: {  	(v2sf) =	vpush v63, $0x0;
	s22 =	sadd.s32 s2, s19;
	s28 =	sadd.s32 s2, s23;
	s24 =	spop (v2sf)  }
0x221: {  	[tilespmem:s25], [sflag:$0x1] =	stream.linear.gather [hbm4b:s22+s3], $0x80, $0x38;
	[tilespmem:$0x1400] =	vst v63  }
0x222: {  	s17 =	simm.s32 $0x1080;
	(v2sf) =	vpush v63, $0x1;
	s29 =	sand.u32 $0x1FFFFFF0, s24;
	s30 =	spop (v2sf)  }
0x223: {  	s6 =	sadd.s32 s2, s29;
	s7 =	sand.u32 $0x1FFFFFF0, s30;
	s8 =	spop (v2sf)  }
0x224: {  	[tilespmem:s31], [sflag:$0x1] =	stream.linear.gather [hbm4b:s28+s3], $0x80, $0x38;
	[tilespmem:$0x1400] =	vst v63  }
0x225: {  	(v2sf) =	vpush v63, $0x2;
	s9 =	sadd.s32 s2, s7;
	s10 =	sand.u32 $0x1FFFFFF0, s8;
	s11 =	spop (v2sf)  }
0x226: {  	(v2sf) =	vpush v63, $0x3;
	[tilespmem:s17], [sflag:$0x1] =	stream.linear.gather [hbm4b:s6+s3], $0x80, $0x38;
	[tilespmem:$0x1400] =	vst v63  }
0x227: {  	(v2sf) =	vpush v63, $0x4;
	s12 =	sadd.s32 s2, s10;
	s18 =	sand.u32 $0x1FFFFFF0, s11;
	s19 =	spop (v2sf)  }
0x228: {  	(v2sf) =	vpush v63, $0x5;
	[tilespmem:s14], [sflag:$0x1] =	stream.linear.gather [hbm4b:s9+s3], $0x80, $0x38;
	[tilespmem:$0x1400] =	vst v63  }
0x229: {  	s11 =	simm.s32 $0x1280;
	s10 =	simm.s32 $0x1300;
	(v2sf) =	vpush v63, $0x6;
	s20 =	sadd.s32 s2, s18  }
0x22a: {  	(v2sf) =	vpush v63, $0x7;
	[tilespmem:s13], [sflag:$0x1] =	stream.linear.gather [hbm4b:s12+s3], $0x80, $0x38;
	[tilespmem:$0x1400] =	vst v63  }
0x22b: {  	s21 =	sand.u32 $0x1FFFFFF0, s19;
	s22 =	spop (v2sf);
	(v2sf) =	vpush v63, $0x8;
	s12 =	simm.s32 $0x1200  }
0x22c: {  	(v2sf) =	vpush v63, $0x9;
	[tilespmem:s12], [sflag:$0x1] =	stream.linear.gather [hbm4b:s20+s3], $0x80, $0x38;
	[tilespmem:$0x1400] =	vst v63  }
0x22d: {  	s23 =	sadd.s32 s2, s21;
	s24 =	sand.u32 $0x1FFFFFF0, s22;
	s25 =	spop (v2sf);
	(v2sf) =	vpush v63, $0xA  }
0x22e: {  	(v2sf) =	vpush v63, $0xB;
	[tilespmem:s11], [sflag:$0x1] =	stream.linear.gather [hbm4b:s23+s3], $0x80, $0x38;
	[tilespmem:$0x1400] =	vst v63  }
0x22f: {  	s28 =	sadd.s32 s2, s24;
	s29 =	sand.u32 $0x1FFFFFF0, s25;
	s30 =	spop (v2sf);
	(v2sf) =	vpush v63, $0xC  }
0x230: {  	(v2sf) =	vpush v63, $0xD;
	[tilespmem:s10], [sflag:$0x1] =	stream.linear.gather [hbm4b:s28+s3], $0x80, $0x38;
	[tilespmem:$0x1400] =	vst v63  }
0x231: {  	s8 =	simm.s32 $0x1380;
	s1 =	sadd.s32 s2, s29;
	(v2sf) =	vpush v63, $0xE;
	s5 =	spop (v2sf)  }
0x232: {  	(v2sf) =	vpush v63, $0xF;
	[tilespmem:s8], [sflag:$0x1] =	stream.linear.gather [hbm4b:s1+s3], $0x80, $0x38;
	[tilespmem:$0x1400] =	vst v63  }
0x233: {  	_ =	swait.ge [sflag:s26], $0x80  }
0x234: {  	s6 =	spop (v2sf)  }
0x235: {  	[sflag:s26] =	ssyncset.done $0x0;
	s7 =	spop (v2sf)  }
0x236: {  	[sflag:s26] =	ssyncadd.s32 $0xFFFFFF80;
	s9 =	spop (v2sf)  }
0x237: {  	_ =	swait.ge [sflag:s26], $0x80  }
0x238: {  	s18 =	spop (v2sf)  }
0x239: {  	[sflag:s26] =	ssyncset.done $0x0;
	s20 =	spop (v2sf)  }
0x23a: {  	[sflag:s26] =	ssyncadd.s32 $0xFFFFFF80;
	s21 =	spop (v2sf)  }
0x23b: {  	_ =	swait.ge [sflag:s26], $0x80  }
0x23c: {  	s22 =	spop (v2sf)  }
0x23d: {  	[sflag:s26] =	ssyncset.done $0x0;
	s23 =	spop (v2sf)  }
0x23e: {  	[sflag:s26] =	ssyncadd.s32 $0xFFFFFF80;
	s24 =	spop (v2sf)  }
0x23f: {  	_ =	swait.ge [sflag:s26], $0x80  }
0x240: {  	s25 =	spop (v2sf)  }
0x241: {  	[sflag:s26] =	ssyncset.done $0x0;
	s28 =	spop (v2sf)  }
0x242: {  	[sflag:s26] =	ssyncadd.s32 $0xFFFFFF80;
	s29 =	spop (v2sf)  }
0x243: {  	s19 =	sand.u32 $0x1FFFFFF0, s30;
	s0 =	sand.u32 $0x1FFFFFF0, s5;
	_ =	swait.ge [sflag:s26], $0x80  }
0x244: {  	s5 =	sand.u32 $0x1FFFFFF0, s7;
	s30 =	spop (v2sf);
	[sflag:s26] =	ssyncset.done $0x0  }
0x245: {  	s7 =	sand.u32 $0x1FFFFFF0, s18;
	s18 =	spop (v2sf);
	[sflag:s26] =	ssyncadd.s32 $0xFFFFFF80  }
0x246: {  	_ =	swait.ge [sflag:s26], $0x80  }
0x247: {  	[sflag:s26] =	ssyncset.done $0x0  }
0x248: {  	[sflag:s26] =	ssyncadd.s32 $0xFFFFFF80  }
0x249: {  	_ =	swait.ge [sflag:s26], $0x80  }
0x24a: {  	[sflag:s26] =	ssyncset.done $0x0  }
0x24b: {  	[sflag:s26] =	ssyncadd.s32 $0xFFFFFF80  }
0x24c: {  	_ =	swait.ge [sflag:s26], $0x80  }
0x24d: {  	[sflag:s26] =	ssyncset.done $0x0  }
0x24e: {  	[sflag:s26] =	ssyncadd.s32 $0xFFFFFF80  }
0x24f: {  	_ =	swait.ge [sflag:s26], $0x80  }
0x250: {  	[sflag:s26] =	ssyncset.done $0x0  }
0x251: {  	[sflag:s26] =	ssyncadd.s32 $0xFFFFFF80  }
0x252: {  	_ =	swait.ge [sflag:s26], $0x80  }
0x253: {  	[sflag:s26] =	ssyncset.done $0x0  }
0x254: {  	[sflag:s26] =	ssyncadd.s32 $0xFFFFFF80  }
0x255: {  	_ =	swait.ge [sflag:s26], $0x80  }
0x256: {  	[sflag:s26] =	ssyncset.done $0x0  }
0x257: {  	[sflag:s26] =	ssyncadd.s32 $0xFFFFFF80  }
0x258: {  	_ =	swait.ge [sflag:s26], $0x80  }
0x259: {  	[sflag:s26] =	ssyncset.done $0x0  }
0x25a: {  	[sflag:s26] =	ssyncadd.s32 $0xFFFFFF80  }
0x25b: {  	_ =	swait.ge [sflag:s26], $0x80  }
0x25c: {  	[sflag:s26] =	ssyncset.done $0x0  }
0x25d: {  	[sflag:s26] =	ssyncadd.s32 $0xFFFFFF80  }
0x25e: {  	_ =	swait.ge [sflag:s26], $0x80  }
0x25f: {  	[sflag:s26] =	ssyncset.done $0x0  }
0x260: {  	s19 =	sadd.s32 s4, s19;
	s1 =	sand.u32 $0x1FFFFFF0, s6;
	[sflag:s26] =	ssyncadd.s32 $0xFFFFFF80  }
0x261: {  	s6 =	sand.u32 $0x1FFFFFF0, s9;
	s9 =	sand.u32 $0x1FFFFFF0, s20;
	_ =	swait.ge [sflag:s26], $0x80  }
0x262: {  	s20 =	sand.u32 $0x1FFFFFF0, s21;
	s21 =	sand.u32 $0x1FFFFFF0, s22;
	[sflag:s26] =	ssyncset.done $0x0  }
0x263: {  	s22 =	sand.u32 $0x1FFFFFF0, s23;
	s23 =	sand.u32 $0x1FFFFFF0, s24;
	[sflag:s26] =	ssyncadd.s32 $0xFFFFFF80  }
0x264: {  	s24 =	sand.u32 $0x1FFFFFF0, s25;
	s25 =	sand.u32 $0x1FFFFFF0, s28;
	_ =	swait.ge [sflag:s26], $0x80  }
0x265: {  	s28 =	sand.u32 $0x1FFFFFF0, s29;
	s29 =	sand.u32 $0x1FFFFFF0, s30;
	[sflag:s26] =	ssyncset.done $0x0  }
0x266: {  	s30 =	sand.u32 $0x1FFFFFF0, s18;
	s18 =	simm.s32 $0xC00;
	[sflag:s26] =	ssyncadd.s32 $0xFFFFFF80  }
0x267: {  	[hbm4b:s19+s3] =	stream.linear.scatter [tilespmem:s18], [sflag:$0x3], $0x80, $0x38;
	[tilespmem:$0x1400] =	vst v63  }
0x268: {  	s0 =	sadd.s32 s4, s0;
	s19 =	simm.s32 $0xC80  }
0x269: {  	[hbm4b:s0+s3] =	stream.linear.scatter [tilespmem:s19], [sflag:$0x3], $0x80, $0x38;
	[tilespmem:$0x1400] =	vst v63  }
0x26a: {  	s1 =	sadd.s32 s4, s1;
	s19 =	simm.s32 $0xD00  }
0x26b: {  	[hbm4b:s1+s3] =	stream.linear.scatter [tilespmem:s19], [sflag:$0x3], $0x80, $0x38;
	[tilespmem:$0x1400] =	vst v63  }
0x26c: {  	s18 =	simm.s32 $0xD80;
	s0 =	sadd.s32 s4, s5  }
0x26d: {  	[hbm4b:s0+s3] =	stream.linear.scatter [tilespmem:s18], [sflag:$0x3], $0x80, $0x38;
	[tilespmem:$0x1400] =	vst v63  }
0x26e: {  	s1 =	sadd.s32 s4, s6;
	s6 =	simm.s32 $0xE00  }
0x26f: {  	[hbm4b:s1+s3] =	stream.linear.scatter [tilespmem:s6], [sflag:$0x3], $0x80, $0x38;
	[tilespmem:$0x1400] =	vst v63  }
0x270: {  	s19 =	sadd.s32 s4, s7;
	s7 =	sadd.s32 s4, s9;
	s9 =	simm.s32 $0xE80  }
0x271: {  	[hbm4b:s19+s3] =	stream.linear.scatter [tilespmem:s9], [sflag:$0x3], $0x80, $0x38;
	[tilespmem:$0x1400] =	vst v63  }
0x272: {  	s19 =	simm.s32 $0xF00  }
0x273: {  	[hbm4b:s7+s3] =	stream.linear.scatter [tilespmem:s19], [sflag:$0x3], $0x80, $0x38;
	[tilespmem:$0x1400] =	vst v63  }
0x274: {  	s18 =	sadd.s32 s4, s20;
	s20 =	sadd.s32 s4, s21;
	s21 =	simm.s32 $0xF80  }
0x275: {  	[hbm4b:s18+s3] =	stream.linear.scatter [tilespmem:s21], [sflag:$0x3], $0x80, $0x38;
	[tilespmem:$0x1400] =	vst v63  }
0x276: {  	_ = 	snop  }
0x277: {  	[hbm4b:s20+s3] =	stream.linear.scatter [tilespmem:s31], [sflag:$0x3], $0x80, $0x38;
	[tilespmem:$0x1400] =	vst v63  }
0x278: {  	s22 =	sadd.s32 s4, s22  }
0x279: {  	[hbm4b:s22+s3] =	stream.linear.scatter [tilespmem:s17], [sflag:$0x3], $0x80, $0x38;
	[tilespmem:$0x1400] =	vst v63  }
0x27a: {  	s23 =	sadd.s32 s4, s23  }
0x27b: {  	[hbm4b:s23+s3] =	stream.linear.scatter [tilespmem:s14], [sflag:$0x3], $0x80, $0x38;
	[tilespmem:$0x1400] =	vst v63  }
0x27c: {  	s24 =	sadd.s32 s4, s24  }
0x27d: {  	[hbm4b:s24+s3] =	stream.linear.scatter [tilespmem:s13], [sflag:$0x3], $0x80, $0x38;
	[tilespmem:$0x1400] =	vst v63  }
0x27e: {  	s25 =	sadd.s32 s4, s25  }
0x27f: {  	[hbm4b:s25+s3] =	stream.linear.scatter [tilespmem:s12], [sflag:$0x3], $0x80, $0x38;
	[tilespmem:$0x1400] =	vst v63  }
0x280: {  	s28 =	sadd.s32 s4, s28  }
0x281: {  	[hbm4b:s28+s3] =	stream.linear.scatter [tilespmem:s11], [sflag:$0x3], $0x80, $0x38;
	[tilespmem:$0x1400] =	vst v63  }
0x282: {  	s29 =	sadd.s32 s4, s29  }
0x283: {  	[hbm4b:s29+s3] =	stream.linear.scatter [tilespmem:s10], [sflag:$0x3], $0x80, $0x38;
	[tilespmem:$0x1400] =	vst v63  }
0x284: {  	s31 =	sadd.s32 s4, s30  }
0x285: {  	[hbm4b:s31+s3] =	stream.linear.scatter [tilespmem:s8], [sflag:$0x3], $0x80, $0x38;
	[tilespmem:$0x1400] =	vst v63  }
0x286: {  	s1 =	rddreg [dreg:$0x5];
	_ =	swait.ge [sflag:s15], $0x80  }
0x287: {  	[sflag:s15] =	ssyncset.done $0x0  }
0x288: {  	[sflag:s15] =	ssyncadd.s32 $0xFFFFFF80  }
0x289: {  	_ =	swait.ge [sflag:s15], $0x80  }
0x28a: {  	[sflag:s15] =	ssyncset.done $0x0  }
0x28b: {  	[sflag:s15] =	ssyncadd.s32 $0xFFFFFF80  }
0x28c: {  	_ =	swait.ge [sflag:s15], $0x80  }
0x28d: {  	[sflag:s15] =	ssyncset.done $0x0  }
0x28e: {  	[sflag:s15] =	ssyncadd.s32 $0xFFFFFF80  }
0x28f: {  	_ =	swait.ge [sflag:s15], $0x80  }
0x290: {  	[sflag:s15] =	ssyncset.done $0x0  }
0x291: {  	[sflag:s15] =	ssyncadd.s32 $0xFFFFFF80  }
0x292: {  	_ =	swait.ge [sflag:s15], $0x80  }
0x293: {  	[sflag:s15] =	ssyncset.done $0x0  }
0x294: {  	[sflag:s15] =	ssyncadd.s32 $0xFFFFFF80  }
0x295: {  	_ =	swait.ge [sflag:s15], $0x80  }
0x296: {  	[sflag:s15] =	ssyncset.done $0x0  }
0x297: {  	[sflag:s15] =	ssyncadd.s32 $0xFFFFFF80  }
0x298: {  	_ =	swait.ge [sflag:s15], $0x80  }
0x299: {  	[sflag:s15] =	ssyncset.done $0x0  }
0x29a: {  	[sflag:s15] =	ssyncadd.s32 $0xFFFFFF80  }
0x29b: {  	_ =	swait.ge [sflag:s15], $0x80  }
0x29c: {  	[sflag:s15] =	ssyncset.done $0x0  }
0x29d: {  	[sflag:s15] =	ssyncadd.s32 $0xFFFFFF80  }
0x29e: {  	_ =	swait.ge [sflag:s15], $0x80  }
0x29f: {  	[sflag:s15] =	ssyncset.done $0x0  }
0x2a0: {  	[sflag:s15] =	ssyncadd.s32 $0xFFFFFF80  }
0x2a1: {  	_ =	swait.ge [sflag:s15], $0x80  }
0x2a2: {  	[sflag:s15] =	ssyncset.done $0x0  }
0x2a3: {  	[sflag:s15] =	ssyncadd.s32 $0xFFFFFF80  }
0x2a4: {  	_ =	swait.ge [sflag:s15], $0x80  }
0x2a5: {  	[sflag:s15] =	ssyncset.done $0x0  }
0x2a6: {  	[sflag:s15] =	ssyncadd.s32 $0xFFFFFF80  }
0x2a7: {  	_ =	swait.ge [sflag:s15], $0x80  }
0x2a8: {  	[sflag:s15] =	ssyncset.done $0x0  }
0x2a9: {  	[sflag:s15] =	ssyncadd.s32 $0xFFFFFF80  }
0x2aa: {  	_ =	swait.ge [sflag:s15], $0x80  }
0x2ab: {  	[sflag:s15] =	ssyncset.done $0x0  }
0x2ac: {  	[sflag:s15] =	ssyncadd.s32 $0xFFFFFF80  }
0x2ad: {  	_ =	swait.ge [sflag:s15], $0x80  }
0x2ae: {  	[sflag:s15] =	ssyncset.done $0x0  }
0x2af: {  	[sflag:s15] =	ssyncadd.s32 $0xFFFFFF80  }
0x2b0: {  	_ =	swait.ge [sflag:s15], $0x80  }
0x2b1: {  	[sflag:s15] =	ssyncset.done $0x0  }
0x2b2: {  	[sflag:s15] =	ssyncadd.s32 $0xFFFFFF80  }
0x2b3: {  	_ =	swait.ge [sflag:s15], $0x80  }
0x2b4: {  	[sflag:s15] =	ssyncset.done $0x0  }
0x2b5: {  	[sflag:s15] =	ssyncadd.s32 $0xFFFFFF80  }
0x2b6: {  	_ =	swait.ge [sflag:s16], $0x80  }
0x2b7: {  	[sflag:s16] =	ssyncset.done $0x0  }
0x2b8: {  	[sflag:s16] =	ssyncadd.s32 $0xFFFFFF80  }
0x2b9: {  	_ =	swait.ge [sflag:s16], $0x80  }
0x2ba: {  	[sflag:s16] =	ssyncset.done $0x0  }
0x2bb: {  	[sflag:s16] =	ssyncadd.s32 $0xFFFFFF80  }
0x2bc: {  	_ =	swait.ge [sflag:s16], $0x80  }
0x2bd: {  	[sflag:s16] =	ssyncset.done $0x0  }
0x2be: {  	[sflag:s16] =	ssyncadd.s32 $0xFFFFFF80  }
0x2bf: {  	_ =	swait.ge [sflag:s16], $0x80  }
0x2c0: {  	[sflag:s16] =	ssyncset.done $0x0  }
0x2c1: {  	[sflag:s16] =	ssyncadd.s32 $0xFFFFFF80  }
0x2c2: {  	_ =	swait.ge [sflag:s16], $0x80  }
0x2c3: {  	[sflag:s16] =	ssyncset.done $0x0  }
0x2c4: {  	[sflag:s16] =	ssyncadd.s32 $0xFFFFFF80  }
0x2c5: {  	_ =	swait.ge [sflag:s16], $0x80  }
0x2c6: {  	[sflag:s16] =	ssyncset.done $0x0  }
0x2c7: {  	[sflag:s16] =	ssyncadd.s32 $0xFFFFFF80  }
0x2c8: {  	_ =	swait.ge [sflag:s16], $0x80  }
0x2c9: {  	[sflag:s16] =	ssyncset.done $0x0  }
0x2ca: {  	[sflag:s16] =	ssyncadd.s32 $0xFFFFFF80  }
0x2cb: {  	_ =	swait.ge [sflag:s16], $0x80  }
0x2cc: {  	[sflag:s16] =	ssyncset.done $0x0  }
0x2cd: {  	[sflag:s16] =	ssyncadd.s32 $0xFFFFFF80  }
0x2ce: {  	_ =	swait.ge [sflag:s16], $0x80  }
0x2cf: {  	[sflag:s16] =	ssyncset.done $0x0  }
0x2d0: {  	[sflag:s16] =	ssyncadd.s32 $0xFFFFFF80  }
0x2d1: {  	_ =	swait.ge [sflag:s16], $0x80  }
0x2d2: {  	[sflag:s16] =	ssyncset.done $0x0  }
0x2d3: {  	[sflag:s16] =	ssyncadd.s32 $0xFFFFFF80  }
0x2d4: {  	_ =	swait.ge [sflag:s16], $0x80  }
0x2d5: {  	[sflag:s16] =	ssyncset.done $0x0  }
0x2d6: {  	[sflag:s16] =	ssyncadd.s32 $0xFFFFFF80  }
0x2d7: {  	_ =	swait.ge [sflag:s16], $0x80  }
0x2d8: {  	[sflag:s16] =	ssyncset.done $0x0  }
0x2d9: {  	[sflag:s16] =	ssyncadd.s32 $0xFFFFFF80  }
0x2da: {  	_ =	swait.ge [sflag:s16], $0x80  }
0x2db: {  	[sflag:s16] =	ssyncset.done $0x0  }
0x2dc: {  	[sflag:s16] =	ssyncadd.s32 $0xFFFFFF80  }
.Ltmp0:
0x2dd: {  	_ =	swait.ge [sflag:s16], $0x80;
	(pc) =	sbr.rel @p0 .LBB2_2-.Ltmp0, $4  }
0x2de: {  	[sflag:s16] =	ssyncset.done $0x0  }
0x2df: {  	[sflag:s16] =	ssyncadd.s32 $0xFFFFFF80  }
0x2e0: {  	_ =	swait.ge [sflag:s16], $0x80  }
0x2e1: {  	[sflag:s16] =	ssyncset.done $0x0;
	s0 =	rddreg [dreg:$0x4]  }
0x2e2: {  	[sflag:s16] =	ssyncadd.s32 $0xFFFFFF80  }
0x2e3: {  	_ =	swait.ge [sflag:s16], $0x80  }
0x2e4: {  	[sflag:s16] =	ssyncset.done $0x0  }
0x2e5: {  	s17 =	sshra.s32 s1, $0x2;
	[sflag:s16] =	ssyncadd.s32 $0xFFFFFF80  }
0x2e6: {  	v0 =	vld [tilespmem:s17+$0x200];
	_ =	sdelay $0x4  }
0x2e7: {  	v0 =	vshll.u32 v0, $0x4  }
0x2e8: {  	(v2sf) =	vpush v0, $0x0;
	_ =	sdelay $0x1  }
0x2e9: {  	(v2sf) =	vpush v0, $0x1  }
0x2ea: {  	(v2sf) =	vpush v0, $0x2;
	_ =	sdelay $0x1  }
0x2eb: {  	(v2sf) =	vpush v0, $0x3  }
0x2ec: {  	(v2sf) =	vpush v0, $0x4;
	_ =	sdelay $0x1  }
0x2ed: {  	(v2sf) =	vpush v0, $0x5;
	_ =	sdelay $0x1  }
0x2ee: {  	(v2sf) =	vpush v0, $0x6;
	_ =	sdelay $0x3  }
0x2ef: {  	(v2sf) =	vpush v0, $0x7  }
0x2f0: {  	s6 =	simm.s32 $0x400;
	s21 =	simm.s32 $0x480;
	s0 =	spop (v2sf)  }
0x2f1: {  	s25 =	simm.s32 $0x500;
	s31 =	simm.s32 $0x580;
	(v2sf) =	vpush v0, $0x8;
	s0 =	sand.u32 $0x1FFFFFF0, s0  }
0x2f2: {  	s10 =	simm.s32 $0x600;
	s14 =	spop (v2sf);
	s0 =	sadd.s32 s2, s0  }
0x2f3: {  	(v2sf) =	vpush v0, $0x9;
	s1 =	sand.u32 $0x1FFFFFF0, s14;
	s5 =	spop (v2sf);
	s14 =	simm.s32 $0x680  }
0x2f4: {  	v1 =	vld [tilespmem:s17+$0x0];
	[tilespmem:s6], [sflag:$0x1] =	stream.linear.gather [hbm4b:s0+s3], $0x80, $0x38  }
0x2f5: {  	s18 =	sadd.s32 s2, s1;
	s19 =	sand.u32 $0x1FFFFFF0, s5;
	s20 =	spop (v2sf)  }
0x2f6: {  	(v2sf) =	vpush v0, $0xA;
	s22 =	sadd.s32 s2, s19;
	s23 =	sand.u32 $0x1FFFFFF0, s20;
	s24 =	spop (v2sf)  }
0x2f7: {  	(v2sf) =	vpush v0, $0xB;
	[tilespmem:s21], [sflag:$0x1] =	stream.linear.gather [hbm4b:s18+s3], $0x80, $0x38;
	[tilespmem:$0x1400] =	vst v63  }
0x2f8: {  	s28 =	sadd.s32 s2, s23;
	s29 =	sand.u32 $0x1FFFFFF0, s24;
	s30 =	spop (v2sf)  }
0x2f9: {  	(v2sf) =	vpush v0, $0xC;
	[tilespmem:s25], [sflag:$0x1] =	stream.linear.gather [hbm4b:s22+s3], $0x80, $0x38;
	[tilespmem:$0x1400] =	vst v63  }
0x2fa: {  	s21 =	simm.s32 $0x700;
	s8 =	sand.u32 $0x1FFFFFF0, s30;
	s9 =	spop (v2sf)  }
0x2fb: {  	(v2sf) =	vpush v0, $0xD;
	[tilespmem:s31], [sflag:$0x1] =	stream.linear.gather [hbm4b:s28+s3], $0x80, $0x38;
	[tilespmem:$0x1400] =	vst v63  }
0x2fc: {  	s7 =	sadd.s32 s2, s29;
	s11 =	sadd.s32 s2, s8;
	s12 =	sand.u32 $0x1FFFFFF0, s9  }
0x2fd: {  	[tilespmem:s10], [sflag:$0x1] =	stream.linear.gather [hbm4b:s7+s3], $0x80, $0x38;
	[tilespmem:$0x1400] =	vst v63  }
0x2fe: {  	s13 =	spop (v2sf);
	s25 =	simm.s32 $0x780;
	s18 =	sadd.s32 s2, s12  }
0x2ff: {  	(v2sf) =	vpush v0, $0xE;
	[tilespmem:s14], [sflag:$0x1] =	stream.linear.gather [hbm4b:s11+s3], $0x80, $0x38;
	[tilespmem:$0x1400] =	vst v63  }
0x300: {  	s19 =	sand.u32 $0x1FFFFFF0, s13;
	s20 =	spop (v2sf);
	s13 =	simm.s32 $0x980  }
0x301: {  	(v2sf) =	vpush v0, $0xF;
	[tilespmem:s21], [sflag:$0x1] =	stream.linear.gather [hbm4b:s18+s3], $0x80, $0x38;
	[tilespmem:$0x1400] =	vst v63  }
0x302: {  	v60 =	vshll.u32 v1, $0x4;
	s22 =	sadd.s32 s2, s19;
	s23 =	sand.u32 $0x1FFFFFF0, s20;
	s24 =	spop (v2sf)  }
0x303: {  	(v2sf) =	vpush v60, $0x0;
	[tilespmem:s25], [sflag:$0x1] =	stream.linear.gather [hbm4b:s22+s3], $0x80, $0x38;
	[tilespmem:$0x1400] =	vst v63  }
0x304: {  	s31 =	simm.s32 $0x800;
	s28 =	sadd.s32 s2, s23;
	s29 =	sand.u32 $0x1FFFFFF0, s24  }
0x305: {  	(v2sf) =	vpush v60, $0x1;
	s14 =	simm.s32 $0x900;
	s30 =	spop (v2sf);
	s1 =	sadd.s32 s2, s29  }
0x306: {  	s6 =	sand.u32 $0x1FFFFFF0, s30;
	s7 =	spop (v2sf);
	s30 =	simm.s32 $0x880  }
0x307: {  	[tilespmem:s31], [sflag:$0x1] =	stream.linear.gather [hbm4b:s28+s3], $0x80, $0x38;
	[tilespmem:$0x1400] =	vst v63  }
0x308: {  	(v2sf) =	vpush v60, $0x2;
	s8 =	sadd.s32 s2, s6;
	s9 =	sand.u32 $0x1FFFFFF0, s7;
	s10 =	spop (v2sf)  }
0x309: {  	(v2sf) =	vpush v60, $0x3;
	[tilespmem:s30], [sflag:$0x1] =	stream.linear.gather [hbm4b:s1+s3], $0x80, $0x38;
	[tilespmem:$0x1400] =	vst v63  }
0x30a: {  	(v2sf) =	vpush v60, $0x4;
	s11 =	sadd.s32 s2, s9;
	s12 =	sand.u32 $0x1FFFFFF0, s10;
	s18 =	spop (v2sf)  }
0x30b: {  	(v2sf) =	vpush v60, $0x5;
	[tilespmem:s14], [sflag:$0x1] =	stream.linear.gather [hbm4b:s8+s3], $0x80, $0x38;
	[tilespmem:$0x1400] =	vst v63  }
0x30c: {  	(v2sf) =	vpush v60, $0x6;
	s10 =	simm.s32 $0xB00;
	s19 =	sadd.s32 s2, s12;
	s20 =	sand.u32 $0x1FFFFFF0, s18  }
0x30d: {  	(v2sf) =	vpush v60, $0x7;
	[tilespmem:s13], [sflag:$0x1] =	stream.linear.gather [hbm4b:s11+s3], $0x80, $0x38;
	[tilespmem:$0x1400] =	vst v63  }
0x30e: {  	s21 =	spop (v2sf);
	s12 =	simm.s32 $0xA00;
	(v2sf) =	vpush v60, $0x8;
	s22 =	sadd.s32 s2, s20  }
0x30f: {  	(v2sf) =	vpush v60, $0x9;
	[tilespmem:s12], [sflag:$0x1] =	stream.linear.gather [hbm4b:s19+s3], $0x80, $0x38;
	[tilespmem:$0x1400] =	vst v63  }
0x310: {  	s23 =	sand.u32 $0x1FFFFFF0, s21;
	s24 =	spop (v2sf);
	(v2sf) =	vpush v60, $0xA;
	s11 =	simm.s32 $0xA80  }
0x311: {  	(v2sf) =	vpush v60, $0xB;
	[tilespmem:s11], [sflag:$0x1] =	stream.linear.gather [hbm4b:s22+s3], $0x80, $0x38;
	[tilespmem:$0x1400] =	vst v63  }
0x312: {  	s25 =	sadd.s32 s2, s23;
	s28 =	sand.u32 $0x1FFFFFF0, s24;
	(v2sf) =	vpush v60, $0xC;
	s22 =	spop (v2sf)  }
0x313: {  	(v2sf) =	vpush v60, $0xD;
	[tilespmem:s10], [sflag:$0x1] =	stream.linear.gather [hbm4b:s25+s3], $0x80, $0x38;
	[tilespmem:$0x1400] =	vst v63  }
0x314: {  	s8 =	simm.s32 $0xB80;
	s29 =	sadd.s32 s2, s28;
	(v2sf) =	vpush v60, $0xE;
	s23 =	spop (v2sf)  }
0x315: {  	(v2sf) =	vpush v60, $0xF;
	[tilespmem:s8], [sflag:$0x1] =	stream.linear.gather [hbm4b:s29+s3], $0x80, $0x38;
	[tilespmem:$0x1400] =	vst v63  }
0x316: {  	_ =	swait.ge [sflag:s26], $0x80  }
0x317: {  	s29 =	spop (v2sf)  }
0x318: {  	[sflag:s26] =	ssyncset.done $0x0;
	s28 =	spop (v2sf)  }
0x319: {  	[sflag:s26] =	ssyncadd.s32 $0xFFFFFF80;
	s25 =	spop (v2sf)  }
0x31a: {  	_ =	swait.ge [sflag:s26], $0x80  }
0x31b: {  	s24 =	spop (v2sf)  }
0x31c: {  	[sflag:s26] =	ssyncset.done $0x0;
	s21 =	spop (v2sf)  }
0x31d: {  	[sflag:s26] =	ssyncadd.s32 $0xFFFFFF80;
	s20 =	spop (v2sf)  }
0x31e: {  	_ =	swait.ge [sflag:s26], $0x80  }
0x31f: {  	s19 =	spop (v2sf)  }
0x320: {  	[sflag:s26] =	ssyncset.done $0x0;
	s18 =	spop (v2sf)  }
0x321: {  	[sflag:s26] =	ssyncadd.s32 $0xFFFFFF80;
	s9 =	spop (v2sf)  }
0x322: {  	_ =	swait.ge [sflag:s26], $0x80  }
0x323: {  	s7 =	spop (v2sf)  }
0x324: {  	[sflag:s26] =	ssyncset.done $0x0;
	s6 =	spop (v2sf)  }
0x325: {  	[sflag:s26] =	ssyncadd.s32 $0xFFFFFF80;
	s5 =	spop (v2sf)  }
0x326: {  	_ =	swait.ge [sflag:s26], $0x80  }
0x327: {  	s1 =	spop (v2sf);
	[sflag:s26] =	ssyncset.done $0x0  }
0x328: {  	s0 =	spop (v2sf);
	[sflag:s26] =	ssyncadd.s32 $0xFFFFFF80  }
0x329: {  	_ =	swait.ge [sflag:s26], $0x80  }
0x32a: {  	[sflag:s26] =	ssyncset.done $0x0  }
0x32b: {  	[sflag:s26] =	ssyncadd.s32 $0xFFFFFF80  }
0x32c: {  	_ =	swait.ge [sflag:s26], $0x80  }
0x32d: {  	[sflag:s26] =	ssyncset.done $0x0  }
0x32e: {  	[sflag:s26] =	ssyncadd.s32 $0xFFFFFF80  }
0x32f: {  	_ =	swait.ge [sflag:s26], $0x80  }
0x330: {  	[sflag:s26] =	ssyncset.done $0x0  }
0x331: {  	[sflag:s26] =	ssyncadd.s32 $0xFFFFFF80  }
0x332: {  	_ =	swait.ge [sflag:s26], $0x80  }
0x333: {  	[sflag:s26] =	ssyncset.done $0x0  }
0x334: {  	[sflag:s26] =	ssyncadd.s32 $0xFFFFFF80  }
0x335: {  	_ =	swait.ge [sflag:s26], $0x80  }
0x336: {  	[sflag:s26] =	ssyncset.done $0x0  }
0x337: {  	[sflag:s26] =	ssyncadd.s32 $0xFFFFFF80  }
0x338: {  	_ =	swait.ge [sflag:s26], $0x80  }
0x339: {  	[sflag:s26] =	ssyncset.done $0x0  }
0x33a: {  	[sflag:s26] =	ssyncadd.s32 $0xFFFFFF80  }
0x33b: {  	_ =	swait.ge [sflag:s26], $0x80  }
0x33c: {  	[sflag:s26] =	ssyncset.done $0x0  }
0x33d: {  	[sflag:s26] =	ssyncadd.s32 $0xFFFFFF80  }
0x33e: {  	_ =	swait.ge [sflag:s26], $0x80  }
0x33f: {  	[sflag:s26] =	ssyncset.done $0x0  }
0x340: {  	[sflag:s26] =	ssyncadd.s32 $0xFFFFFF80  }
0x341: {  	_ =	swait.ge [sflag:s26], $0x80  }
0x342: {  	[sflag:s26] =	ssyncset.done $0x0  }
0x343: {  	[sflag:s26] =	ssyncadd.s32 $0xFFFFFF80  }
0x344: {  	_ =	swait.ge [sflag:s26], $0x80  }
0x345: {  	[sflag:s26] =	ssyncset.done $0x0  }
0x346: {  	[sflag:s26] =	ssyncadd.s32 $0xFFFFFF80  }
0x347: {  	_ =	swait.ge [sflag:s26], $0x80  }
0x348: {  	s22 =	sand.u32 $0x1FFFFFF0, s22;
	[sflag:s26] =	ssyncset.done $0x0  }
0x349: {  	s31 =	simm.s32 $0x400;
	s22 =	sadd.s32 s4, s22;
	[sflag:s26] =	ssyncadd.s32 $0xFFFFFF80  }
0x34a: {  	[hbm4b:s22+s3] =	stream.linear.scatter [tilespmem:s31], [sflag:$0x2], $0x80, $0x38;
	[tilespmem:$0x1400] =	vst v63  }
0x34b: {  	s31 =	sand.u32 $0x1FFFFFF0, s23  }
0x34c: {  	s23 =	sand.u32 $0x1FFFFFF0, s29;
	s22 =	sadd.s32 s4, s31;
	s31 =	simm.s32 $0x480  }
0x34d: {  	[hbm4b:s22+s3] =	stream.linear.scatter [tilespmem:s31], [sflag:$0x2], $0x80, $0x38;
	[tilespmem:$0x1400] =	vst v63  }
0x34e: {  	s29 =	simm.s32 $0x500;
	s23 =	sadd.s32 s4, s23;
	s22 =	sand.u32 $0x1FFFFFF0, s28  }
0x34f: {  	[hbm4b:s23+s3] =	stream.linear.scatter [tilespmem:s29], [sflag:$0x2], $0x80, $0x38;
	[tilespmem:$0x1400] =	vst v63  }
0x350: {  	s31 =	sand.u32 $0x1FFFFFF0, s25;
	s28 =	simm.s32 $0x580;
	s22 =	sadd.s32 s4, s22  }
0x351: {  	[hbm4b:s22+s3] =	stream.linear.scatter [tilespmem:s28], [sflag:$0x2], $0x80, $0x38;
	[tilespmem:$0x1400] =	vst v63  }
0x352: {  	s29 =	sand.u32 $0x1FFFFFF0, s24;
	s23 =	sadd.s32 s4, s31;
	s31 =	simm.s32 $0x600  }
0x353: {  	[hbm4b:s23+s3] =	stream.linear.scatter [tilespmem:s31], [sflag:$0x2], $0x80, $0x38;
	[tilespmem:$0x1400] =	vst v63  }
0x354: {  	s21 =	sand.u32 $0x1FFFFFF0, s21;
	s25 =	simm.s32 $0x680;
	s22 =	sadd.s32 s4, s29  }
0x355: {  	[hbm4b:s22+s3] =	stream.linear.scatter [tilespmem:s25], [sflag:$0x2], $0x80, $0x38;
	[tilespmem:$0x1400] =	vst v63  }
0x356: {  	s20 =	sand.u32 $0x1FFFFFF0, s20;
	s21 =	sadd.s32 s4, s21;
	s28 =	simm.s32 $0x700  }
0x357: {  	[hbm4b:s21+s3] =	stream.linear.scatter [tilespmem:s28], [sflag:$0x2], $0x80, $0x38;
	[tilespmem:$0x1400] =	vst v63  }
0x358: {  	s20 =	sadd.s32 s4, s20;
	s19 =	sand.u32 $0x1FFFFFF0, s19;
	s29 =	simm.s32 $0x780  }
0x359: {  	[hbm4b:s20+s3] =	stream.linear.scatter [tilespmem:s29], [sflag:$0x2], $0x80, $0x38;
	[tilespmem:$0x1400] =	vst v63  }
0x35a: {  	s18 =	sand.u32 $0x1FFFFFF0, s18;
	s19 =	sadd.s32 s4, s19;
	s31 =	simm.s32 $0x800  }
0x35b: {  	[hbm4b:s19+s3] =	stream.linear.scatter [tilespmem:s31], [sflag:$0x2], $0x80, $0x38;
	[tilespmem:$0x1400] =	vst v63  }
0x35c: {  	s9 =	sand.u32 $0x1FFFFFF0, s9;
	s18 =	sadd.s32 s4, s18  }
0x35d: {  	[hbm4b:s18+s3] =	stream.linear.scatter [tilespmem:s30], [sflag:$0x2], $0x80, $0x38;
	[tilespmem:$0x1400] =	vst v63  }
0x35e: {  	s9 =	sadd.s32 s4, s9;
	s7 =	sand.u32 $0x1FFFFFF0, s7  }
0x35f: {  	[hbm4b:s9+s3] =	stream.linear.scatter [tilespmem:s14], [sflag:$0x2], $0x80, $0x38;
	[tilespmem:$0x1400] =	vst v63  }
0x360: {  	s6 =	sand.u32 $0x1FFFFFF0, s6;
	s7 =	sadd.s32 s4, s7  }
0x361: {  	[hbm4b:s7+s3] =	stream.linear.scatter [tilespmem:s13], [sflag:$0x2], $0x80, $0x38;
	[tilespmem:$0x1400] =	vst v63  }
0x362: {  	s5 =	sand.u32 $0x1FFFFFF0, s5;
	s6 =	sadd.s32 s4, s6  }
0x363: {  	[hbm4b:s6+s3] =	stream.linear.scatter [tilespmem:s12], [sflag:$0x2], $0x80, $0x38;
	[tilespmem:$0x1400] =	vst v63  }
0x364: {  	s5 =	sadd.s32 s4, s5;
	s1 =	sand.u32 $0x1FFFFFF0, s1  }
0x365: {  	[hbm4b:s5+s3] =	stream.linear.scatter [tilespmem:s11], [sflag:$0x2], $0x80, $0x38;
	[tilespmem:$0x1400] =	vst v63  }
0x366: {  	s0 =	sand.u32 $0x1FFFFFF0, s0;
	s1 =	sadd.s32 s4, s1  }
0x367: {  	[hbm4b:s1+s3] =	stream.linear.scatter [tilespmem:s10], [sflag:$0x2], $0x80, $0x38;
	[tilespmem:$0x1400] =	vst v63  }
0x368: {  	s0 =	sadd.s32 s4, s0  }
0x369: {  	[hbm4b:s0+s3] =	stream.linear.scatter [tilespmem:s8], [sflag:$0x2], $0x80, $0x38;
	[tilespmem:$0x1400] =	vst v63  }
0x36a: {  	v61 =	vld [tilespmem:s17+$0x210];
	_ =	sdelay $0x4  }
0x36b: {  	v0 =	vshll.u32 v61, $0x4  }
0x36c: {  	(v2sf) =	vpush v0, $0x0  }
0x36d: {  	(v2sf) =	vpush v0, $0x1;
	_ =	sdelay $0x2  }
0x36e: {  	(v2sf) =	vpush v0, $0x2  }
0x36f: {  	(v2sf) =	vpush v0, $0x3  }
0x370: {  	(v2sf) =	vpush v0, $0x4;
	_ =	sdelay $0x2  }
0x371: {  	(v2sf) =	vpush v0, $0x5  }
0x372: {  	(v2sf) =	vpush v0, $0x6;
	_ =	sdelay $0x1  }
0x373: {  	(v2sf) =	vpush v0, $0x7;
	_ =	sdelay $0x1  }
0x374: {  	(v2sf) =	vpush v0, $0x8  }
0x375: {  	s22 =	simm.s32 $0xC80;
	s28 =	simm.s32 $0xD00;
	s13 =	spop (v2sf)  }
0x376: {  	s18 =	simm.s32 $0xC00;
	(v2sf) =	vpush v0, $0x9;
	s0 =	sand.u32 $0x1FFFFFF0, s13;
	s14 =	spop (v2sf)  }
0x377: {  	s7 =	simm.s32 $0xD80;
	s0 =	sadd.s32 s2, s0;
	s1 =	sand.u32 $0x1FFFFFF0, s14  }
0x378: {  	v62 =	vld [tilespmem:s17+$0x10];
	[tilespmem:s18], [sflag:$0x1] =	stream.linear.gather [hbm4b:s0+s3], $0x80, $0x38  }
0x379: {  	s11 =	simm.s32 $0xE00;
	s17 =	spop (v2sf);
	s19 =	sadd.s32 s2, s1  }
0x37a: {  	(v2sf) =	vpush v0, $0xA;
	s20 =	sand.u32 $0x1FFFFFF0, s17;
	s21 =	spop (v2sf);
	s17 =	simm.s32 $0xE80  }
0x37b: {  	s23 =	sadd.s32 s2, s20;
	s24 =	sand.u32 $0x1FFFFFF0, s21;
	s25 =	spop (v2sf)  }
0x37c: {  	(v2sf) =	vpush v0, $0xB;
	[tilespmem:s22], [sflag:$0x1] =	stream.linear.gather [hbm4b:s19+s3], $0x80, $0x38;
	[tilespmem:$0x1400] =	vst v63  }
0x37d: {  	s21 =	simm.s32 $0xF00;
	s29 =	sadd.s32 s2, s24;
	s30 =	sand.u32 $0x1FFFFFF0, s25  }
0x37e: {  	(v2sf) =	vpush v0, $0xC;
	s31 =	spop (v2sf);
	s25 =	simm.s32 $0xF80;
	s8 =	sadd.s32 s2, s30  }
0x37f: {  	s9 =	sand.u32 $0x1FFFFFF0, s31;
	s10 =	spop (v2sf);
	s31 =	simm.s32 $0x1000  }
0x380: {  	[tilespmem:s28], [sflag:$0x1] =	stream.linear.gather [hbm4b:s23+s3], $0x80, $0x38;
	[tilespmem:$0x1400] =	vst v63  }
0x381: {  	s12 =	sadd.s32 s2, s9;
	s13 =	sand.u32 $0x1FFFFFF0, s10;
	s14 =	spop (v2sf)  }
0x382: {  	(v2sf) =	vpush v0, $0xD;
	[tilespmem:s7], [sflag:$0x1] =	stream.linear.gather [hbm4b:s29+s3], $0x80, $0x38;
	[tilespmem:$0x1400] =	vst v63  }
0x383: {  	s18 =	sadd.s32 s2, s13;
	s19 =	sand.u32 $0x1FFFFFF0, s14;
	s20 =	spop (v2sf)  }
0x384: {  	(v2sf) =	vpush v0, $0xE;
	[tilespmem:s11], [sflag:$0x1] =	stream.linear.gather [hbm4b:s8+s3], $0x80, $0x38;
	[tilespmem:$0x1400] =	vst v63  }
0x385: {  	s14 =	simm.s32 $0x1100;
	s13 =	simm.s32 $0x1180;
	s24 =	spop (v2sf)  }
0x386: {  	(v2sf) =	vpush v0, $0xF;
	[tilespmem:s17], [sflag:$0x1] =	stream.linear.gather [hbm4b:s12+s3], $0x80, $0x38;
	[tilespmem:$0x1400] =	vst v63  }
0x387: {  	v63 =	vshll.u32 v62, $0x4;
	s22 =	sadd.s32 s2, s19;
	s23 =	sand.u32 $0x1FFFFFF0, s20;
	s29 =	sand.u32 $0x1FFFFFF0, s24  }
0x388: {  	(v2sf) =	vpush v63, $0x0;
	[tilespmem:s21], [sflag:$0x1] =	stream.linear.gather [hbm4b:s18+s3], $0x80, $0x38;
	[tilespmem:$0x1400] =	vst v63  }
0x389: {  	s28 =	sadd.s32 s2, s23;
	s30 =	spop (v2sf);
	s6 =	sadd.s32 s2, s29  }
0x38a: {  	(v2sf) =	vpush v63, $0x1;
	[tilespmem:s25], [sflag:$0x1] =	stream.linear.gather [hbm4b:s22+s3], $0x80, $0x38;
	[tilespmem:$0x1400] =	vst v63  }
0x38b: {  	s7 =	sand.u32 $0x1FFFFFF0, s30;
	s8 =	spop (v2sf);
	s29 =	simm.s32 $0x1080  }
0x38c: {  	[tilespmem:s31], [sflag:$0x1] =	stream.linear.gather [hbm4b:s28+s3], $0x80, $0x38;
	[tilespmem:$0x1400] =	vst v63  }
0x38d: {  	(v2sf) =	vpush v63, $0x2;
	s9 =	sadd.s32 s2, s7;
	s10 =	sand.u32 $0x1FFFFFF0, s8;
	s11 =	spop (v2sf)  }
0x38e: {  	(v2sf) =	vpush v63, $0x3;
	[tilespmem:s29], [sflag:$0x1] =	stream.linear.gather [hbm4b:s6+s3], $0x80, $0x38;
	[tilespmem:$0x1400] =	vst v63  }
0x38f: {  	(v2sf) =	vpush v63, $0x4;
	s12 =	sadd.s32 s2, s10;
	s10 =	simm.s32 $0x1300;
	s17 =	sand.u32 $0x1FFFFFF0, s11  }
0x390: {  	(v2sf) =	vpush v63, $0x5;
	[tilespmem:s14], [sflag:$0x1] =	stream.linear.gather [hbm4b:s9+s3], $0x80, $0x38;
	[tilespmem:$0x1400] =	vst v63  }
0x391: {  	(v2sf) =	vpush v63, $0x6;
	s18 =	spop (v2sf);
	s11 =	simm.s32 $0x1280;
	s19 =	sadd.s32 s2, s17  }
0x392: {  	(v2sf) =	vpush v63, $0x7;
	[tilespmem:s13], [sflag:$0x1] =	stream.linear.gather [hbm4b:s12+s3], $0x80, $0x38;
	[tilespmem:$0x1400] =	vst v63  }
0x393: {  	(v2sf) =	vpush v63, $0x8;
	s20 =	sand.u32 $0x1FFFFFF0, s18;
	s21 =	spop (v2sf);
	s12 =	simm.s32 $0x1200  }
0x394: {  	(v2sf) =	vpush v63, $0x9;
	[tilespmem:s12], [sflag:$0x1] =	stream.linear.gather [hbm4b:s19+s3], $0x80, $0x38;
	[tilespmem:$0x1400] =	vst v63  }
0x395: {  	s22 =	sadd.s32 s2, s20;
	s23 =	sand.u32 $0x1FFFFFF0, s21;
	s24 =	spop (v2sf);
	(v2sf) =	vpush v63, $0xA  }
0x396: {  	(v2sf) =	vpush v63, $0xB;
	[tilespmem:s11], [sflag:$0x1] =	stream.linear.gather [hbm4b:s22+s3], $0x80, $0x38;
	[tilespmem:$0x1400] =	vst v63  }
0x397: {  	s25 =	sadd.s32 s2, s23;
	s28 =	sand.u32 $0x1FFFFFF0, s24;
	s30 =	spop (v2sf);
	(v2sf) =	vpush v63, $0xC  }
0x398: {  	(v2sf) =	vpush v63, $0xD;
	[tilespmem:s10], [sflag:$0x1] =	stream.linear.gather [hbm4b:s25+s3], $0x80, $0x38;
	[tilespmem:$0x1400] =	vst v63  }
0x399: {  	s8 =	simm.s32 $0x1380;
	s24 =	spop (v2sf);
	(v2sf) =	vpush v63, $0xE;
	s22 =	sadd.s32 s2, s28  }
0x39a: {  	(v2sf) =	vpush v63, $0xF;
	[tilespmem:s8], [sflag:$0x1] =	stream.linear.gather [hbm4b:s22+s3], $0x80, $0x38;
	[tilespmem:$0x1400] =	vst v63  }
0x39b: {  	_ =	swait.ge [sflag:s26], $0x80  }
0x39c: {  	s28 =	spop (v2sf)  }
0x39d: {  	[sflag:s26] =	ssyncset.done $0x0;
	s25 =	spop (v2sf)  }
0x39e: {  	[sflag:s26] =	ssyncadd.s32 $0xFFFFFF80;
	s22 =	spop (v2sf)  }
0x39f: {  	_ =	swait.ge [sflag:s26], $0x80  }
0x3a0: {  	s21 =	spop (v2sf)  }
0x3a1: {  	[sflag:s26] =	ssyncset.done $0x0;
	s20 =	spop (v2sf)  }
0x3a2: {  	[sflag:s26] =	ssyncadd.s32 $0xFFFFFF80;
	s19 =	spop (v2sf)  }
0x3a3: {  	_ =	swait.ge [sflag:s26], $0x80  }
0x3a4: {  	s18 =	spop (v2sf)  }
0x3a5: {  	[sflag:s26] =	ssyncset.done $0x0;
	s17 =	spop (v2sf)  }
0x3a6: {  	[sflag:s26] =	ssyncadd.s32 $0xFFFFFF80;
	s9 =	spop (v2sf)  }
0x3a7: {  	_ =	swait.ge [sflag:s26], $0x80  }
0x3a8: {  	s7 =	spop (v2sf)  }
0x3a9: {  	[sflag:s26] =	ssyncset.done $0x0;
	s6 =	spop (v2sf)  }
0x3aa: {  	[sflag:s26] =	ssyncadd.s32 $0xFFFFFF80;
	s5 =	spop (v2sf)  }
0x3ab: {  	_ =	swait.ge [sflag:s26], $0x80  }
0x3ac: {  	s1 =	spop (v2sf);
	[sflag:s26] =	ssyncset.done $0x0  }
0x3ad: {  	s0 =	spop (v2sf);
	[sflag:s26] =	ssyncadd.s32 $0xFFFFFF80  }
0x3ae: {  	_ =	swait.ge [sflag:s26], $0x80  }
0x3af: {  	[sflag:s26] =	ssyncset.done $0x0  }
0x3b0: {  	[sflag:s26] =	ssyncadd.s32 $0xFFFFFF80  }
0x3b1: {  	_ =	swait.ge [sflag:s26], $0x80  }
0x3b2: {  	[sflag:s26] =	ssyncset.done $0x0  }
0x3b3: {  	[sflag:s26] =	ssyncadd.s32 $0xFFFFFF80  }
0x3b4: {  	_ =	swait.ge [sflag:s26], $0x80  }
0x3b5: {  	[sflag:s26] =	ssyncset.done $0x0  }
0x3b6: {  	[sflag:s26] =	ssyncadd.s32 $0xFFFFFF80  }
0x3b7: {  	_ =	swait.ge [sflag:s26], $0x80  }
0x3b8: {  	[sflag:s26] =	ssyncset.done $0x0  }
0x3b9: {  	[sflag:s26] =	ssyncadd.s32 $0xFFFFFF80  }
0x3ba: {  	_ =	swait.ge [sflag:s26], $0x80  }
0x3bb: {  	[sflag:s26] =	ssyncset.done $0x0  }
0x3bc: {  	[sflag:s26] =	ssyncadd.s32 $0xFFFFFF80  }
0x3bd: {  	_ =	swait.ge [sflag:s26], $0x80  }
0x3be: {  	[sflag:s26] =	ssyncset.done $0x0  }
0x3bf: {  	[sflag:s26] =	ssyncadd.s32 $0xFFFFFF80  }
0x3c0: {  	_ =	swait.ge [sflag:s26], $0x80  }
0x3c1: {  	[sflag:s26] =	ssyncset.done $0x0  }
0x3c2: {  	[sflag:s26] =	ssyncadd.s32 $0xFFFFFF80  }
0x3c3: {  	_ =	swait.ge [sflag:s26], $0x80  }
0x3c4: {  	[sflag:s26] =	ssyncset.done $0x0  }
0x3c5: {  	[sflag:s26] =	ssyncadd.s32 $0xFFFFFF80  }
0x3c6: {  	_ =	swait.ge [sflag:s26], $0x80  }
0x3c7: {  	[sflag:s26] =	ssyncset.done $0x0  }
0x3c8: {  	[sflag:s26] =	ssyncadd.s32 $0xFFFFFF80  }
0x3c9: {  	_ =	swait.ge [sflag:s26], $0x80  }
0x3ca: {  	[sflag:s26] =	ssyncset.done $0x0  }
0x3cb: {  	[sflag:s26] =	ssyncadd.s32 $0xFFFFFF80  }
0x3cc: {  	_ =	swait.ge [sflag:s26], $0x80  }
0x3cd: {  	s23 =	sand.u32 $0x1FFFFFF0, s30;
	s30 =	simm.s32 $0xC00;
	[sflag:s26] =	ssyncset.done $0x0  }
0x3ce: {  	s23 =	sadd.s32 s4, s23;
	s24 =	sand.u32 $0x1FFFFFF0, s24;
	[sflag:s26] =	ssyncadd.s32 $0xFFFFFF80  }
0x3cf: {  	[hbm4b:s23+s3] =	stream.linear.scatter [tilespmem:s30], [sflag:$0x3], $0x80, $0x38;
	[tilespmem:$0x1400] =	vst v63  }
0x3d0: {  	s28 =	sand.u32 $0x1FFFFFF0, s28;
	s23 =	sadd.s32 s4, s24;
	s30 =	simm.s32 $0xC80  }
0x3d1: {  	[hbm4b:s23+s3] =	stream.linear.scatter [tilespmem:s30], [sflag:$0x3], $0x80, $0x38;
	[tilespmem:$0x1400] =	vst v63  }
0x3d2: {  	s25 =	sand.u32 $0x1FFFFFF0, s25;
	s23 =	sadd.s32 s4, s28;
	s30 =	simm.s32 $0xD00  }
0x3d3: {  	[hbm4b:s23+s3] =	stream.linear.scatter [tilespmem:s30], [sflag:$0x3], $0x80, $0x38;
	[tilespmem:$0x1400] =	vst v63  }
0x3d4: {  	s22 =	sand.u32 $0x1FFFFFF0, s22;
	s28 =	simm.s32 $0xD80;
	s23 =	sadd.s32 s4, s25  }
0x3d5: {  	[hbm4b:s23+s3] =	stream.linear.scatter [tilespmem:s28], [sflag:$0x3], $0x80, $0x38;
	[tilespmem:$0x1400] =	vst v63  }
0x3d6: {  	s22 =	sadd.s32 s4, s22;
	s21 =	sand.u32 $0x1FFFFFF0, s21;
	s30 =	simm.s32 $0xE00  }
0x3d7: {  	[hbm4b:s22+s3] =	stream.linear.scatter [tilespmem:s30], [sflag:$0x3], $0x80, $0x38;
	[tilespmem:$0x1400] =	vst v63  }
0x3d8: {  	s21 =	sadd.s32 s4, s21;
	s20 =	sand.u32 $0x1FFFFFF0, s20;
	s24 =	simm.s32 $0xE80  }
0x3d9: {  	[hbm4b:s21+s3] =	stream.linear.scatter [tilespmem:s24], [sflag:$0x3], $0x80, $0x38;
	[tilespmem:$0x1400] =	vst v63  }
0x3da: {  	s20 =	sadd.s32 s4, s20;
	s19 =	sand.u32 $0x1FFFFFF0, s19;
	s25 =	simm.s32 $0xF00  }
0x3db: {  	[hbm4b:s20+s3] =	stream.linear.scatter [tilespmem:s25], [sflag:$0x3], $0x80, $0x38;
	[tilespmem:$0x1400] =	vst v63  }
0x3dc: {  	s19 =	sadd.s32 s4, s19;
	s18 =	sand.u32 $0x1FFFFFF0, s18;
	s28 =	simm.s32 $0xF80  }
0x3dd: {  	[hbm4b:s19+s3] =	stream.linear.scatter [tilespmem:s28], [sflag:$0x3], $0x80, $0x38;
	[tilespmem:$0x1400] =	vst v63  }
0x3de: {  	s18 =	sadd.s32 s4, s18;
	s17 =	sand.u32 $0x1FFFFFF0, s17  }
0x3df: {  	[hbm4b:s18+s3] =	stream.linear.scatter [tilespmem:s31], [sflag:$0x3], $0x80, $0x38;
	[tilespmem:$0x1400] =	vst v63  }
0x3e0: {  	s17 =	sadd.s32 s4, s17;
	s9 =	sand.u32 $0x1FFFFFF0, s9  }
0x3e1: {  	[hbm4b:s17+s3] =	stream.linear.scatter [tilespmem:s29], [sflag:$0x3], $0x80, $0x38;
	[tilespmem:$0x1400] =	vst v63  }
0x3e2: {  	s9 =	sadd.s32 s4, s9;
	s7 =	sand.u32 $0x1FFFFFF0, s7  }
0x3e3: {  	[hbm4b:s9+s3] =	stream.linear.scatter [tilespmem:s14], [sflag:$0x3], $0x80, $0x38;
	[tilespmem:$0x1400] =	vst v63  }
0x3e4: {  	s7 =	sadd.s32 s4, s7;
	s6 =	sand.u32 $0x1FFFFFF0, s6  }
0x3e5: {  	[hbm4b:s7+s3] =	stream.linear.scatter [tilespmem:s13], [sflag:$0x3], $0x80, $0x38;
	[tilespmem:$0x1400] =	vst v63  }
0x3e6: {  	s6 =	sadd.s32 s4, s6;
	s5 =	sand.u32 $0x1FFFFFF0, s5  }
0x3e7: {  	[hbm4b:s6+s3] =	stream.linear.scatter [tilespmem:s12], [sflag:$0x3], $0x80, $0x38;
	[tilespmem:$0x1400] =	vst v63  }
0x3e8: {  	s5 =	sadd.s32 s4, s5;
	s1 =	sand.u32 $0x1FFFFFF0, s1  }
0x3e9: {  	[hbm4b:s5+s3] =	stream.linear.scatter [tilespmem:s11], [sflag:$0x3], $0x80, $0x38;
	[tilespmem:$0x1400] =	vst v63  }
0x3ea: {  	s1 =	sadd.s32 s4, s1;
	s0 =	sand.u32 $0x1FFFFFF0, s0  }
0x3eb: {  	[hbm4b:s1+s3] =	stream.linear.scatter [tilespmem:s10], [sflag:$0x3], $0x80, $0x38;
	[tilespmem:$0x1400] =	vst v63  }
0x3ec: {  	s0 =	sadd.s32 s4, s0  }
0x3ed: {  	[hbm4b:s0+s3] =	stream.linear.scatter [tilespmem:s8], [sflag:$0x3], $0x80, $0x38;
	[tilespmem:$0x1400] =	vst v63  }
0x3ee: {  	_ =	swait.ge [sflag:s15], $0x80  }
0x3ef: {  	[sflag:s15] =	ssyncset.done $0x0  }
0x3f0: {  	[sflag:s15] =	ssyncadd.s32 $0xFFFFFF80  }
0x3f1: {  	_ =	swait.ge [sflag:s15], $0x80  }
0x3f2: {  	[sflag:s15] =	ssyncset.done $0x0  }
0x3f3: {  	[sflag:s15] =	ssyncadd.s32 $0xFFFFFF80  }
0x3f4: {  	_ =	swait.ge [sflag:s15], $0x80  }
0x3f5: {  	[sflag:s15] =	ssyncset.done $0x0  }
0x3f6: {  	[sflag:s15] =	ssyncadd.s32 $0xFFFFFF80  }
0x3f7: {  	_ =	swait.ge [sflag:s15], $0x80  }
0x3f8: {  	[sflag:s15] =	ssyncset.done $0x0  }
0x3f9: {  	[sflag:s15] =	ssyncadd.s32 $0xFFFFFF80  }
0x3fa: {  	_ =	swait.ge [sflag:s15], $0x80  }
0x3fb: {  	[sflag:s15] =	ssyncset.done $0x0  }
0x3fc: {  	[sflag:s15] =	ssyncadd.s32 $0xFFFFFF80  }
0x3fd: {  	_ =	swait.ge [sflag:s15], $0x80  }
0x3fe: {  	[sflag:s15] =	ssyncset.done $0x0  }
0x3ff: {  	[sflag:s15] =	ssyncadd.s32 $0xFFFFFF80  }
0x400: {  	_ =	swait.ge [sflag:s15], $0x80  }
0x401: {  	[sflag:s15] =	ssyncset.done $0x0  }
0x402: {  	[sflag:s15] =	ssyncadd.s32 $0xFFFFFF80  }
0x403: {  	_ =	swait.ge [sflag:s15], $0x80  }
0x404: {  	[sflag:s15] =	ssyncset.done $0x0  }
0x405: {  	[sflag:s15] =	ssyncadd.s32 $0xFFFFFF80  }
0x406: {  	_ =	swait.ge [sflag:s15], $0x80  }
0x407: {  	[sflag:s15] =	ssyncset.done $0x0  }
0x408: {  	[sflag:s15] =	ssyncadd.s32 $0xFFFFFF80  }
0x409: {  	_ =	swait.ge [sflag:s15], $0x80  }
0x40a: {  	[sflag:s15] =	ssyncset.done $0x0  }
0x40b: {  	[sflag:s15] =	ssyncadd.s32 $0xFFFFFF80  }
0x40c: {  	_ =	swait.ge [sflag:s15], $0x80  }
0x40d: {  	[sflag:s15] =	ssyncset.done $0x0  }
0x40e: {  	[sflag:s15] =	ssyncadd.s32 $0xFFFFFF80  }
0x40f: {  	_ =	swait.ge [sflag:s15], $0x80  }
0x410: {  	[sflag:s15] =	ssyncset.done $0x0  }
0x411: {  	[sflag:s15] =	ssyncadd.s32 $0xFFFFFF80  }
0x412: {  	_ =	swait.ge [sflag:s15], $0x80  }
0x413: {  	[sflag:s15] =	ssyncset.done $0x0  }
0x414: {  	[sflag:s15] =	ssyncadd.s32 $0xFFFFFF80  }
0x415: {  	_ =	swait.ge [sflag:s15], $0x80  }
0x416: {  	[sflag:s15] =	ssyncset.done $0x0  }
0x417: {  	[sflag:s15] =	ssyncadd.s32 $0xFFFFFF80  }
0x418: {  	_ =	swait.ge [sflag:s15], $0x80  }
0x419: {  	[sflag:s15] =	ssyncset.done $0x0  }
0x41a: {  	[sflag:s15] =	ssyncadd.s32 $0xFFFFFF80  }
0x41b: {  	_ =	swait.ge [sflag:s15], $0x80  }
0x41c: {  	[sflag:s15] =	ssyncset.done $0x0  }
0x41d: {  	[sflag:s15] =	ssyncadd.s32 $0xFFFFFF80  }
0x41e: {  	_ =	swait.ge [sflag:s16], $0x80  }
0x41f: {  	[sflag:s16] =	ssyncset.done $0x0  }
0x420: {  	[sflag:s16] =	ssyncadd.s32 $0xFFFFFF80  }
0x421: {  	_ =	swait.ge [sflag:s16], $0x80  }
0x422: {  	[sflag:s16] =	ssyncset.done $0x0  }
0x423: {  	[sflag:s16] =	ssyncadd.s32 $0xFFFFFF80  }
0x424: {  	_ =	swait.ge [sflag:s16], $0x80  }
0x425: {  	[sflag:s16] =	ssyncset.done $0x0  }
0x426: {  	[sflag:s16] =	ssyncadd.s32 $0xFFFFFF80  }
0x427: {  	_ =	swait.ge [sflag:s16], $0x80  }
0x428: {  	[sflag:s16] =	ssyncset.done $0x0  }
0x429: {  	[sflag:s16] =	ssyncadd.s32 $0xFFFFFF80  }
0x42a: {  	_ =	swait.ge [sflag:s16], $0x80  }
0x42b: {  	[sflag:s16] =	ssyncset.done $0x0  }
0x42c: {  	[sflag:s16] =	ssyncadd.s32 $0xFFFFFF80  }
0x42d: {  	_ =	swait.ge [sflag:s16], $0x80  }
0x42e: {  	[sflag:s16] =	ssyncset.done $0x0  }
0x42f: {  	[sflag:s16] =	ssyncadd.s32 $0xFFFFFF80  }
0x430: {  	_ =	swait.ge [sflag:s16], $0x80  }
0x431: {  	[sflag:s16] =	ssyncset.done $0x0  }
0x432: {  	[sflag:s16] =	ssyncadd.s32 $0xFFFFFF80  }
0x433: {  	_ =	swait.ge [sflag:s16], $0x80  }
0x434: {  	[sflag:s16] =	ssyncset.done $0x0  }
0x435: {  	[sflag:s16] =	ssyncadd.s32 $0xFFFFFF80  }
0x436: {  	_ =	swait.ge [sflag:s16], $0x80  }
0x437: {  	[sflag:s16] =	ssyncset.done $0x0  }
0x438: {  	[sflag:s16] =	ssyncadd.s32 $0xFFFFFF80  }
0x439: {  	_ =	swait.ge [sflag:s16], $0x80  }
0x43a: {  	[sflag:s16] =	ssyncset.done $0x0  }
0x43b: {  	[sflag:s16] =	ssyncadd.s32 $0xFFFFFF80  }
0x43c: {  	_ =	swait.ge [sflag:s16], $0x80  }
0x43d: {  	[sflag:s16] =	ssyncset.done $0x0  }
0x43e: {  	[sflag:s16] =	ssyncadd.s32 $0xFFFFFF80  }
0x43f: {  	_ =	swait.ge [sflag:s16], $0x80  }
0x440: {  	[sflag:s16] =	ssyncset.done $0x0  }
0x441: {  	[sflag:s16] =	ssyncadd.s32 $0xFFFFFF80  }
0x442: {  	_ =	swait.ge [sflag:s16], $0x80  }
0x443: {  	[sflag:s16] =	ssyncset.done $0x0  }
0x444: {  	[sflag:s16] =	ssyncadd.s32 $0xFFFFFF80  }
0x445: {  	_ =	swait.ge [sflag:s16], $0x80  }
0x446: {  	[sflag:s16] =	ssyncset.done $0x0  }
0x447: {  	[sflag:s16] =	ssyncadd.s32 $0xFFFFFF80  }
0x448: {  	_ =	swait.ge [sflag:s16], $0x80  }
0x449: {  	[sflag:s16] =	ssyncset.done $0x0  }
0x44a: {  	[sflag:s16] =	ssyncadd.s32 $0xFFFFFF80  }
0x44b: {  	_ =	swait.ge [sflag:s16], $0x80  }
0x44c: {  	s30 =	rddreg [dreg:$0x9]  }
0x44d: {  	s31 =	rddreg [dreg:$0x8];
	s1 =	sadd.s32 $0x1, s30  }
0x44e: {  	p0 =	sne.s32 s1, s31  }
.Ltmp1:
0x44f: {  	_ = 	snop;
	(pc) =	sbr.rel @p0 .LBB2_1-.Ltmp1, $3  }
0x450: {  	_ =	sdelay $0x1  }
0x451: {  	[sflag:s16] =	ssyncset.done $0x0  }
0x452: {  	[sflag:s16] =	ssyncadd.s32 $0xFFFFFF80  }
0x453: {  	_ =	sfence.sel $0x180000  }
0x454: {  	[bflag:$0x0] =	sbarrier.arrive $0xFFFF  }
0x455: {  	_ =	strace $0x9000004D  }
0x456: {  	s0 =	stileid.u32;
	[bflag:$0x2] =	sbarrier.arrive $0xFFFF  }
0x457: {  	p0 =	sne.s32 s0, $0x0;
	s0 =	rddreg [dreg:$0x3]  }
0x458: {  	s0 =	sadd.s32 @!p0 $0x100000, s0  }
0x459: {  	[sflag:s0] =	ssyncadd.tile.s32 @!p0 $0x1;
	_ =	shalt  }
.Lfunc_end2:
_tile_overlayer_lowered:
.L_overlay_start_2:
0x45a: {  	(tag) =	ssettag $0x2  }
0x45b: {  	s0 =	rddreg [dreg:$0x0];
	s2 =	stileid.u32  }
0x45c: {  	s1 =	rddreg [dreg:$0x1];
	p0 =	sne.s32 s2, $0x0  }
0x45d: {  	s3 =	rddreg [dreg:$0x2];
	[bflag:$0x3] =	sbarrier.arrive $0xFFFF;
	s2 =	simm.s32 @!p0 $0x1C04  }
0x45e: {  	[timem:s3], [sflag:s2] =	dma.local @!p0 [hbm:s0], s1  }
0x45f: {  	s0 =	simm.s32 @!p0 $0x4  }
0x460: {  	_ =	swait.ge @!p0 [sflag:s0], s1  }
0x461: {  	s1 =	ssub.s32 @!p0 $0x0, s1;
	[sflag:s0] =	ssyncset.done @!p0 $0x0  }
0x462: {  	[sflag:s0] =	ssyncadd.s32 @!p0 s1  }
0x463: {  	[bflag:$0x3] =	sbarrier.arrive $0xFFFF  }
0x464: {  	_ =	shalt  }

// kernel: scatter_offload_async_start
scs
__scs_entry_jumppad:
0x0: {  	(pc) =	sbr.rel $0x88, $3  }
0x1: {  	(tag) =	ssettag $0x0;
	lr =	simm.s32 $0x1  }
0x2: {  	[smem:$0x3F9E] =	sst lr;
	_ =	strace $0xD0000000  }
0x3: {  	_ = 	snop  }
0x4: {  	_ = 	snop  }
0x5: {  	_ = 	snop  }
0x6: {  	_ = 	snop  }
0x7: {  	_ = 	snop  }
__scs_overlays_trampoline_lowered:
0x8: {  	[smem:$0x3FAD] =	sst s0  }
0x9: {  	[smem:$0x3FAE] =	sst s1  }
0xa: {  	[smem:$0x3FAF] =	sst s2  }
0xb: {  	[smem:$0x3FB0] =	sst s3  }
0xc: {  	[smem:$0x3FB1] =	sst s4  }
0xd: {  	[smem:$0x3FB2] =	sst s5  }
0xe: {  	[smem:$0x3FB3] =	sst s6  }
0xf: {  	[smem:$0x3FB4] =	sst s7  }
0x10: {  	[smem:$0x3FB5] =	sst s8  }
0x11: {  	[smem:$0x3FB6] =	sst s9;
	s0 =	simm.s32 @!p0 $0x0  }
0x12: {  	s1 =	sld [smem:$0x3F9C];
	s0 =	simm.s32 @p0 $0x1  }
0x13: {  	[smem:$0x3FB7] =	sst s0;
	s0 =	simm.s32 @!p1 $0x0  }
0x14: {  	s2 =	sld [smem:$0x3F9B];
	s0 =	simm.s32 @p1 $0x1  }
0x15: {  	[smem:$0x3FB8] =	sst s0;
	s0 =	simm.s32 @!p2 $0x0  }
0x16: {  	s3 =	sld [smem:$0x3FDB];
	s0 =	simm.s32 @p2 $0x1  }
0x17: {  	s4 =	simm.s32 $0x1BF5;
	[smem:$0x3FBA] =	sst s0  }
0x18: {  	s0 =	sld [smem:$0x3F9D];
	_ =	swait.ge [sflag:s4], $0x0  }
0x19: {  	s7 =	sld [smem:$0x3F9E]  }
0x1a: {  	s8 =	sadd.s32 $0xFFFFE003, lr  }
0x1b: {  	s9 =	sadd.s32 $0xFFFFFEF7, lr;
	s5 =	simm.s32 $0xFFFFFFFF;
	p2 =	slt.u32 s8, $0xFFFFF086  }
0x1c: {  	p1 =	slt.u32 s9, $0xF7A;
	s5 =	simm.s32 @!p2 $0x0  }
0x1d: {  	s5 =	simm.s32 @p1 $0x1;
	p0 =	seq.s32 s7, s2  }
0x1e: {  	s7 =	smul.u32 @!p0 $0xF7A, s2;
	p2 =	seq.s32 @!p0 s5, $0x0  }
0x1f: {  	s9 =	smul.u32 $0xF7A, s1;
	s8 =	simm.s32 @!p0 $0x1BF5;
	p2 =	por !p2, p0  }
0x20: {  	[sflag:s8] =	ssyncset.s32 @!p0 $0xFFFFF086;
	s6 =	sadd.s32 @!p0 s3, s7;
	s7 =	simm.s32 @!p0 $0x108  }
0x21: {  	s3 =	sadd.s32 s3, s9;
	s6 =	sadd.s32 @!p0 $0x88, s6;
	s7 =	simm.s32 @p2 $0x1082  }
0x22: {  	[simem:s7], [sflag:s8] =	dma.local @!p0 [hbm:s6], $0xF7A  }
0x23: {  	s9 =	sor.u32 $0xD0000000, s2;
	s6 =	simm.s32 $0x108;
	_ =	swait.ge @!p0 [sflag:s8], $0x0  }
0x24: {  	s3 =	sadd.s32 $0x88, s3;
	s6 =	simm.s32 @!p1 $0x1082;
	[sflag:s4] =	ssyncset.s32 $0xFFFFF086  }
0x25: {  	[simem:s6], [sflag:s4] =	dma.local [hbm:s3], $0xF7A  }
0x26: {  	[smem:$0x3F9E] =	sst s1;
	(tag) =	ssettag s2;
	_ =	strace s9  }
0x27: {  	s1 =	sld [smem:$0x3FAE]  }
0x28: {  	s2 =	sld [smem:$0x3FAF]  }
0x29: {  	s4 =	sld [smem:$0x3FB1]  }
0x2a: {  	p0 =	seq.s32 s5, $0x0;
	s5 =	sld [smem:$0x3FB2]  }
0x2b: {  	s6 =	sld [smem:$0x3FB3]  }
0x2c: {  	s7 =	sld [smem:$0x3FB4]  }
0x2d: {  	s3 =	simm.s32 $0x108;
	s8 =	sld [smem:$0x3FB5]  }
0x2e: {  	s3 =	simm.s32 @!p0 $0x1082;
	s9 =	sld [smem:$0x3FB6]  }
0x2f: {  	lr =	sadd.s32 s0, s3;
	s0 =	sld [smem:$0x3FAD]  }
0x30: {  	s3 =	sld [smem:$0x3FB0]  }
0x31: {  	[smem:$0x3FB9] =	sst s10  }
0x32: {  	s10 =	sld [smem:$0x3FB7];
	_ =	sdelay $0x3  }
0x33: {  	p0 =	seq.s32 s10, $0x1;
	s10 =	sld [smem:$0x3FB9];
	_ =	sdelay $0x3  }
0x34: {  	[smem:$0x3FB9] =	sst s10  }
0x35: {  	s10 =	sld [smem:$0x3FB8];
	_ =	sdelay $0x3  }
0x36: {  	p1 =	seq.s32 s10, $0x1;
	s10 =	sld [smem:$0x3FB9];
	_ =	sdelay $0x3  }
0x37: {  	[smem:$0x3FB9] =	sst s10  }
0x38: {  	s10 =	sld [smem:$0x3FBA]  }
0x39: {  	_ = 	snop;
	(pc) =	sbr.ind lr, $3  }
0x3a: {  	_ = 	snop  }
0x3b: {  	_ = 	snop  }
0x3c: {  	p2 =	seq.s32 s10, $0x1;
	s10 =	sld [smem:$0x3FB9]  }
0x3d: {  	_ =	shalt  }
0x3e: {  	_ =	shalt  }
0x3f: {  	_ =	shalt  }
0x40: {  	_ =	shalt  }
0x41: {  	_ =	shalt  }
0x42: {  	_ =	shalt  }
0x43: {  	_ =	shalt  }
0x44: {  	_ =	shalt  }
0x45: {  	_ =	shalt  }
0x46: {  	_ =	shalt  }
0x47: {  	_ =	shalt  }
0x48: {  	_ =	shalt  }
0x49: {  	_ =	shalt  }
0x4a: {  	_ =	shalt  }
0x4b: {  	_ =	shalt  }
0x4c: {  	_ =	shalt  }
0x4d: {  	_ =	shalt  }
0x4e: {  	_ =	shalt  }
0x4f: {  	_ =	shalt  }
0x50: {  	_ =	shalt  }
0x51: {  	_ =	shalt  }
0x52: {  	_ =	shalt  }
0x53: {  	_ =	shalt  }
0x54: {  	_ =	shalt  }
0x55: {  	_ =	shalt  }
0x56: {  	_ =	shalt  }
0x57: {  	_ =	shalt  }
0x58: {  	_ =	shalt  }
0x59: {  	_ =	shalt  }
0x5a: {  	_ =	shalt  }
0x5b: {  	_ =	shalt  }
0x5c: {  	_ =	shalt  }
0x5d: {  	_ =	shalt  }
0x5e: {  	_ =	shalt  }
0x5f: {  	_ =	shalt  }
0x60: {  	_ =	shalt  }
0x61: {  	_ =	shalt  }
0x62: {  	_ =	shalt  }
0x63: {  	_ =	shalt  }
0x64: {  	_ =	shalt  }
0x65: {  	_ =	shalt  }
0x66: {  	_ =	shalt  }
0x67: {  	_ =	shalt  }
0x68: {  	_ =	shalt  }
0x69: {  	_ =	shalt  }
0x6a: {  	_ =	shalt  }
0x6b: {  	_ =	shalt  }
0x6c: {  	_ =	shalt  }
0x6d: {  	_ =	shalt  }
0x6e: {  	_ =	shalt  }
0x6f: {  	_ =	shalt  }
0x70: {  	_ =	shalt  }
0x71: {  	_ =	shalt  }
0x72: {  	_ =	shalt  }
0x73: {  	_ =	shalt  }
0x74: {  	_ =	shalt  }
0x75: {  	_ =	shalt  }
0x76: {  	_ =	shalt  }
0x77: {  	_ =	shalt  }
0x78: {  	_ =	shalt  }
0x79: {  	_ =	shalt  }
0x7a: {  	_ =	shalt  }
0x7b: {  	_ =	shalt  }
0x7c: {  	_ =	shalt  }
0x7d: {  	_ =	shalt  }
0x7e: {  	_ =	shalt  }
0x7f: {  	_ =	shalt  }
0x80: {  	_ =	shalt  }
0x81: {  	_ =	shalt  }
0x82: {  	_ =	shalt  }
0x83: {  	_ =	shalt  }
0x84: {  	_ =	shalt  }
0x85: {  	_ =	shalt  }
0x86: {  	_ =	shalt  }
0x87: {  	_ =	shalt  }
.Lfunc_end0:
.L_simem_size_0:
called_computation_lowered:
.L_overlay_start_0:
0x88: {  	s0 =	sld [smem:$0x3FD9]  }
0x89: {  	s1 =	sld [smem:$0x3FFE];
	_ =	sdelay $0x3  }
0x8a: {  	s0 =	sadd.s32 s1, s0  }
0x8b: {  	[smem:$0x3FC5] =	sst s0  }
0x8c: {  	_ = 	snop  }
0x8d: {  	(tm) =	ssettm $0x1  }
0x8e: {  	s15 =	sld [smem:$0x3FFB];
	_ =	sdelay $0x3  }
0x8f: {  	_ =	strace s15  }
0x90: {  	s0 =	sld [smem:$0x3FFC];
	_ =	sdelay $0x3  }
0x91: {  	_ =	strace s0  }
0x92: {  	s0 =	sld [smem:$0x3FFD];
	_ =	sdelay $0x3  }
0x93: {  	_ =	strace s0  }
0x94: {  	_ =	strace $0x8FFFFFFF  }
0x95: {  	s16 =	sld [smem:$0x3FDB];
	_ =	sdelay $0x1  }
0x96: {  	s17 =	simm.s32 $_scs_section_size  }
0x97: {  	s2 =	simm.s32 $_size__tile_overlayer_lowered;
	s3 =	simm.s32 $_tile_overlayer_lowered  }
0x98: {  	s20 =	simm.s32 $0x1BFF;
	s19 =	sshll.u32 s3, $0x1;
	s0 =	sadd.s32 s17, s16  }
0x99: {  	s4 =	simm.s32 $0x0;
	s18 =	sshll.u32 s2, $0x1;
	s2 =	sadd.s32 s19, s0  }
0x9a: {  	[timem:s4], [sflag:s20] =	dma.local [hbm:s2], s18  }
0x9b: {  	_ =	swait.ge [sflag:s20], s18  }
0x9c: {  	s1 =	ssub.s32 $0x0, s18;
	[sflag:s20] =	ssyncset.done $0x0  }
0x9d: {  	[sflag:s20] =	ssyncadd.s32 s1;
	_ =	sdelay $0x1  }
0x9e: {  	s21 =	simm.s32 $0x1B8B  }
0x9f: {  	_ =	swait.ge [sflag:s21], $0x1  }
0xa0: {  	[sflag:s21] =	ssyncset.done $0x0  }
0xa1: {  	s23 =	simm.s32 $0x1B8E;
	s22 =	sld [smem:$0x3FFE];
	[sflag:s21] =	ssyncadd.s32 $0xFFFFFFFF  }
0xa2: {  	s24 =	simm.s32 $execute0_lowered;
	[smem:$0x3FD2] =	sst s23  }
0xa3: {  	s2 =	sshll.u32 s24, $0x1;
	_ =	strace $0x80000046;
	[dreg:$0x1] =	wrdreg $0xFFFFFFFF  }
0xa4: {  	s25 =	simm.s32 $_size_execute0_lowered;
	s0 =	sadd.s32 s0, s2;
	[dreg:$0x0] =	wrdreg $0x0  }
0xa5: {  	s2 =	sshll.u32 s25, $0x1;
	[dreg:$0x2] =	wrdreg s0  }
0xa6: {  	[dreg:$0x3] =	wrdreg s2  }
0xa7: {  	[dreg:$0x4] =	wrdreg $0xC0  }
0xa8: {  	_ =	task [dreg:s4], $0x5FFFF  }
0xa9: {  	[dreg:$0x1] =	wrdreg $0xFFFFFFFF  }
0xaa: {  	[dreg:$0x0] =	wrdreg $0x60  }
0xab: {  	[dreg:$0x2] =	wrdreg s22  }
0xac: {  	[dreg:$0x3] =	wrdreg $0x9  }
0xad: {  	_ =	task.clear_ibuf [dreg:s4], $0x4FFFF;
	_ =	strace $0x90000046  }
0xae: {  	s26 =	simm.s32 $0x9;
	_ =	strace $0x80000048  }
0xaf: {  	_ =	swait.ge [sflag:s26], $0x1  }
0xb0: {  	[sflag:s26] =	ssyncadd.s32 $0xFFFFFFFF  }
0xb1: {  	_ =	strace $0x90000048  }
0xb2: {  	_ =	sfence  }
0xb3: {  	s28 =	sld [smem:$0x0];
	_ =	sdelay $0x1  }
0xb4: {  	s29 =	srdreg.scid  }
0xb5: {  	s30 =	sshll.u32 s29, $0xD;
	s31 =	sshrl.u32 s29, $0x2  }
0xb6: {  	s1 =	sand.u32 $0x1, s29;
	s2 =	sand.u32 $0x4000, s30;
	s0 =	sadd.s32 s31, s28  }
0xb7: {  	s1 =	sor.u32 s2, s1;
	s0 =	sshll.u32 s0, $0x11  }
0xb8: {  	s0 =	sor.u32 s0, s1  }
0xb9: {  	s0 =	sadd.s32 $0x8F2B, s0  }
0xba: {  	[sflag:s0] =	ssyncadd.remote.s32 $0x1  }
0xbb: {  	_ =	sfence.sel $0xFFFF  }
0xbc: {  	[dreg:$0x0] =	wrdreg $0xFFFFFFFF;
	(pc) =	sbr.abs _section_cstart, $3  }
0xbd: {  	[dreg:$0x1] =	wrdreg $0xFFFFFFFF  }
0xbe: {  	_ =	task.clear_ibuf [dreg:s4], $0x2FFFF;
	_ =	strace $0x9FFFFFFF  }
0xbf: {  	(tm) =	ssettm $0x7FFFFFFF  }
tec
execute0_lowered:
.L_overlay_start_1:
0x0: {  	(tag) =	ssettag $0x1  }
0x1: {  	s0 =	rddreg [dreg:$0x0];
	_ =	strace $0x80000047;
	s3 =	simm.s32 $0x1  }
0x2: {  	v1 =	vimm.s32 $0xFFFFFFFF;
	[sflag:s3] =	ssyncpa.u1 $0x0  }
0x3: {  	[tilespmem:$0x10] =	vst v1  }
0x4: {  	v0 =	vimm.s32 $0x80000000;
	[tilespmem:$0x20] =	vst v1  }
0x5: {  	[tilespmem:$0x30] =	vst v0  }
0x6: {  	s2 =	simm.s32 $0x2;
	s6 =	simm.s32 $0x7;
	[tilespmem:$0x40] =	vst v0  }
0x7: {  	s26 =	stileid.u32;
	s7 =	simm.s32 $0x8;
	s31 =	simm.s32 $0x9;
	[tilespmem:$0x50] =	vst v0  }
0x8: {  	s14 =	simm.s32 $0x0;
	s15 =	simm.s32 $0x100;
	s19 =	simm.s32 $0x2500;
	[tilespmem:$0x60] =	vst v1  }
0x9: {  	s20 =	simm.s32 $0xF;
	s21 =	simm.s32 $0x50;
	s22 =	simm.s32 $0x10FF;
	[tilespmem:$0x70] =	vst v1  }
0xa: {  	s23 =	simm.s32 $0x20;
	s24 =	simm.s32 $0x30;
	s25 =	simm.s32 $0x20FF;
	[tilespmem:$0x80] =	vst v1  }
0xb: {  	s30 =	simm.s32 $0x0;
	s29 =	simm.s32 $0x0;
	s1 =	sadd.s32 $0x1C00, s0;
	v1 =	vimm.s32 $0x0;
	[tilespmem:$0xB0] =	vst v0  }
.Ltmp0:
0xc: {  	s4 =	sadd.s32 $0xC00, s0;
	s5 =	sadd.s32 $0x1400, s0;
	[tilespmem:$0x90] =	vst v1;
	(pc) =	sbr.rel .LBB2_1-.Ltmp0, $4  }
0xd: {  	s8 =	sshll.u32 s26, $0xA;
	s10 =	sshll.u32 s26, $0x1;
	[tilespmem:$0xA0] =	vst v1;
	[sflag:s2] =	ssyncpa.u1 $0x0  }
0xe: {  	s12 =	sshllo.u32 s26, $0x1;
	s26 =	simm.s32 $0x80;
	[sflag:s6] =	ssyncpa.u1 $0x0  }
0xf: {  	vm0 =	vmmov $0xffff;
	v2 =	vlaneseq.u32;
	s9 =	sadd.s32 $0x400, s8;
	s11 =	sor.u32 $0x81, s10;
	[sflag:s7] =	ssyncpa.u1 $0x0  }
0x10: {  	vm1 =	vmxor vm1, vm1;
	vm2 =	vmmov $0x1;
	vm3 =	vcmask $0x3F3C;
	s13 =	sor.u32 $0x80, s10;
	s28 =	smov.u32 s8;
	[sflag:s31] =	ssyncpa.u1 $0x0  }
.LBB2_3:
0x11: {  	s0 =	sshrl.u32 s28, $0x3  }
0x12: {  	s2 =	sand.u32 $0x7, s28;
	s0 =	sadd.s32 s4, s0  }
0x13: {  	[tilespmem:s15], [sflag:$0x7] =	stream.linear.gather [hbm4b:s0+s2], $0x400, $0x38;
	[tilespmem:$0x2520] =	vst v63  }
.LBB2_4:
0x14: {  	s0 =	sadd.s32 $0x400, s28  }
0x15: {  	s2 =	smov.u32 s8;
	s29 =	sadd.s32 $0x1, s29;
	p0 =	slt.s32 s0, s9  }
0x16: {  	s2 =	smov.u32 @p0 s0;
	p0 =	sne.s32 s29, $0x4  }
.Ltmp1:
0x17: {  	_ = 	snop;
	(pc) =	sbr.rel @!p0 .LBB2_13-.Ltmp1, $2  }
0x18: {  	_ =	sdelay $0x2  }
0x19: {  	s30 =	smov.u32 s28;
	s28 =	smov.u32 s2  }
.LBB2_1:
0x1a: {  	p0 =	sgt.s32 s29, $0x1  }
.Ltmp2:
0x1b: {  	_ = 	snop;
	(pc) =	sbr.rel @p0 .LBB2_11-.Ltmp2, $1  }
0x1c: {  	_ =	sdelay $0x3  }
0x1d: {  	p0 =	seq.s32 s29, $0x0  }
.Ltmp3:
0x1e: {  	_ = 	snop;
	(pc) =	sbr.rel @p0 .LBB2_3-.Ltmp3, $1  }
0x1f: {  	_ =	sdelay $0x3  }
0x20: {  	_ =	swait.ge [sflag:s6], $0x400  }
0x21: {  	[sflag:s6] =	ssyncset.done $0x0  }
0x22: {  	[sflag:s6] =	ssyncadd.s32 $0xFFFFFC00;
	(ifvalue) =	ssetifvalue $0xFFFFFFFF;
	v3 =	vld.msk [tilespmem:s15+$0x0 ss:$0x1], $0xffff;
	_ =	sdelay $0x4  }
0x23: {  	v4 =	vperm.xlane v3, v1  }
0x24: {  	vm4 =	vlt.u32 v3, $0xF4400  }
0x25: {  	v3 =	vnsel vm4, $0xFFFFFFFE, v3;
	vm4 =	vlt.u32 v4, $0xF4400  }
0x26: {  	[tilespmem:$0x70] =	vst v3;
	v3 =	vnsel vm4, $0xFFFFFFFE, v4  }
0x27: {  	s17 =	simm.s32 $0x4F0;
	[tilespmem:$0x80] =	vst v3  }
0x28: {  	v3 =	vld.msk [tilespmem:s17+$0x0 ss:$0x1], $0xffff;
	_ =	sdelay $0x4  }
0x29: {  	(xrf1) =	vunique.msk.u32 $0xffff, v3;
	_ =	sdelay $0xd  }
0x2a: {  	v4 =	vimm.s32 $0xFFFFFFFF;
	v5, _, _ =	vpop (xrf1)  }
0x2b: {  	vm5 =	vne.s32 v3, v4;
	vm4 =	veq.s32 v5, v2  }
0x2c: {  	vm6 =	vlt.u32 v3, $0xF4400;
	vm4 =	vmand vm5, vm4  }
0x2d: {  	vm4 =	vmand vm6, vm4  }
0x2e: {  	v4 =	vnsel vm4, $0xFFFFFFFF, v3;
	_ =	sdelay $0x3  }
0x2f: {  	s0 =	simm.s32 $0x10F0;
	(ifvalue) =	ssetifvalue $0xFFFFFFFF  }
0x30: {  	v3 =	vperm.xlane v3, v1;
	[tilespmem:s0], [sflag:$0x8] =	stream.indirect_vreg.gather [hbm4b:s1+s14], $0x1, v4, vm0, $0x4038;
	v4 =	vnsel vm6, $0xFFFFFFFE, v4;
	[tilespmem:$0x2520] =	vst v63  }
0x31: {  	s2 =	simm.s32 $0x0;
	s16 =	simm.s32 $0x4E0;
	[tilespmem:s17+$0x0] =	vst v4  }
.LBB2_6:
0x32: {  	v4 =	vld.msk [tilespmem:s16+$0x0 ss:$0x1], $0xffff;
	s2 =	sadd.s32 $0x10, s2;
	v5 =	vmov v3;
	s17 =	smov.u32 s16  }
0x33: {  	p0 =	slt.u32 s2, $0x3F0;
	_ =	sdelay $0x4  }
0x34: {  	v3 =	vperm.xlane v4, v1;
	(xrf1) =	vunique.msk.u32 $0xffff, v4;
	_ =	sdelay $0xd  }
0x35: {  	v6, _, _ =	vpop (xrf1)  }
0x36: {  	vm5 =	vne.s32 v4, v5;
	vm4 =	veq.s32 v6, v2  }
0x37: {  	vm6 =	vlt.u32 v4, $0xF4400;
	vm4 =	vmand vm5, vm4  }
0x38: {  	vm4 =	vmand vm6, vm4  }
0x39: {  	v4 =	vnsel vm4, $0xFFFFFFFF, v4  }
.Ltmp4:
0x3a: {  	v5 =	vnsel vm6, $0xFFFFFFFE, v4;
	(pc) =	sbr.rel @p0 .LBB2_6-.Ltmp4, $3  }
0x3b: {  	_ =	sdelay $0x1  }
0x3c: {  	s16 =	sadd.s32 $0xFFFFFFF0, s16;
	s0 =	sadd.s32 $0xFFFFFFF0, s0;
	(ifvalue) =	ssetifvalue $0xFFFFFFFF  }
0x3d: {  	[tilespmem:s0], [sflag:$0x8] =	stream.indirect_vreg.gather [hbm4b:s1+s14], $0x1, v4, vm0, $0x4038;
	[tilespmem:s17+$0x0] =	vst v5  }
.Ltmp5:
0x3e: {  	(pc) =	sbr.rel .LBB2_4-.Ltmp5, $4  }
0x3f: {  	_ = 	snop  }
0x40: {  	s0 =	sshrl.u32 s30, $0x3  }
0x41: {  	s2 =	simm.s32 $0x1500;
	s0 =	sadd.s32 s5, s0  }
0x42: {  	[tilespmem:s2], [sflag:$0x8] =	stream.linear.gather [hbm:s0], $0x400, $0x38;
	[tilespmem:$0x2520] =	vst v63  }
.LBB2_11:
0x43: {  	p0 =	seq.s32 s29, $0x2  }
.Ltmp6:
0x44: {  	_ = 	snop;
	(pc) =	sbr.rel @!p0 .LBB2_12-.Ltmp6, $1  }
0x45: {  	_ =	sdelay $0x3  }
0x46: {  	_ =	swait.ge [sflag:s7], $0x800  }
0x47: {  	[sflag:s7] =	ssyncset.done $0x0  }
0x48: {  	s0 =	simm.s32 $0x4FF;
	[sflag:s7] =	ssyncadd.s32 $0xFFFFF800  }
0x49: {  	[spmem:s11] =	stream.linear.scatter [tilespmem:s0], [sflag:$0x1], $0x1, $0x38;
	[tilespmem:$0x2520] =	vst v63  }
0x4a: {  	_ =	swait.ge [sflag:s3], $0x1  }
0x4b: {  	[sflag:s3] =	ssyncset.done $0x0  }
0x4c: {  	[sflag:s3] =	ssyncadd.s32 $0xFFFFFFFF  }
0x4d: {  	v4 =	vld [tilespmem:$0x10]  }
0x4e: {  	v5 =	vld [tilespmem:$0x70]  }
0x4f: {  	v3 =	vld [tilespmem:$0x80];
	_ =	sdelay $0x2  }
0x50: {  	(v2sf) =	vpush v4, $0x0  }
0x51: {  	(v2sf) =	vpush v5, $0x0  }
0x52: {  	(v2sf) =	vpush v3, $0x0;
	_ =	sdelay $0xc  }
0x53: {  	s18 =	spop (v2sf)  }
0x54: {  	s2 =	spop (v2sf)  }
0x55: {  	s30 =	spop (v2sf)  }
0x56: {  	p0 =	seq.s32 s18, s2;
	p1 =	seq.s32 s30, s18  }
0x57: {  	p1 =	por p0, p1  }
0x58: {  	s2 =	simm.s32 $0x10;
	v4 =	vpsel p1, $0xFFFFFFFF, v4  }
0x59: {  	[tilespmem:s2+$0x0] =	vst.msk $0x1, v4  }
0x5a: {  	v4 =	vld [tilespmem:$0x30]  }
0x5b: {  	v5 =	vld [tilespmem:$0x1500]  }
0x5c: {  	v6 =	vld [tilespmem:$0x40];
	_ =	sdelay $0x3  }
0x5d: {  	vm4 =	vmmov vm1;
	vm6 =	vmmov vm2;
	vm5 =	vgt.s32 v4, v5  }
0x5e: {  	s16 =	simm.s32 $0x1500;
	vm4 =	vmmov @p0 vm2;
	v5 =	vsel vm5, v4, v5;
	vm5 =	vgt.s32 v4, v6  }
0x5f: {  	vm6 =	vmmov @p1 vm1;
	v4 =	vsel vm5, v4, v6;
	[tilespmem:s16+$0x0] =	vst.msk vm4, v5  }
0x60: {  	[tilespmem:s19+$0x0] =	vst.msk vm6, v4  }
0x61: {  	v4 =	vld [tilespmem:$0x10F0];
	_ =	sdelay $0x4  }
0x62: {  	v4 =	vshift.insert v4, v1, s20;
	_ =	sdelay $0x1  }
0x63: {  	v5 =	vimm.s32 $0x80000000;
	[tilespmem:s21+$0x0] =	vst.msk $0x1, v4  }
0x64: {  	[tilespmem:s22+$0x0] =	vst.msk $0x1, v5  }
0x65: {  	v4 =	vld [tilespmem:$0x4F0];
	_ =	sdelay $0x4  }
0x66: {  	v4 =	vshift.insert v4, v1, s20;
	_ =	sdelay $0x1  }
0x67: {  	[tilespmem:s23+$0x0] =	vst.msk $0x1, v4  }
0x68: {  	v6 =	vld [tilespmem:s16+$0x0]  }
0x69: {  	s17 =	simm.s32 $0x100  }
0x6a: {  	v7 =	vld [tilespmem:s17+$0x0];
	_ =	sdelay $0x2  }
0x6b: {  	vm4 =	vgt.s32 v6, v5  }
0x6c: {  	v5 =	vsel vm4, v6, v5  }
0x6d: {  	vm4 =	vne.s32 v7, $0xFFFFFFFF;
	v5 =	vxor.u32 $0x80000000, v5  }
0x6e: {  	(xrf0) =	vmax.seg.scan.u32 vm4, v5  }
0x6f: {  	s18 =	simm.s32 $0xD00  }
0x70: {  	v8 =	vld [tilespmem:s18+$0x0]  }
0x71: {  	v6 =	vld [tilespmem:$0xA0];
	_ =	sdelay $0x2  }
0x72: {  	v5 =	vperm.xlane v4, v1;
	v9, _, _ =	vpop (xrf0)  }
0x73: {  	vm6 =	veq.s32 v7, v3;
	v9 =	vxor.u32 $0x80000000, v9  }
0x74: {  	vm8 =	veq.s32 v7, v5;
	vm5 =	veq.s32 v6, $0x1;
	vm7 =	vgt.s32 v9, v8  }
0x75: {  	vm8 =	vmor vm8, vm6;
	v6 =	vsel vm7, v9, v8;
	vm7 =	vgt.u32 v7, $0xFFFFFFFD  }
0x76: {  	v10 =	vld [tilespmem:$0x90];
	vm9 =	vmand vm4, vm3;
	vm4 =	vmor vm5, vm6;
	vm5 =	vmor vm8, vm7  }
0x77: {  	v8 =	vsel vm5, $0xFFFFFFFF, v7;
	_ =	sdelay $0x1  }
0x78: {  	s31 =	simm.s32 $0x1D00  }
0x79: {  	s0 =	simm.s32 $0x0;
	s2 =	simm.s32 $0x1510;
	s16 =	simm.s32 $0x110;
	v11 =	vsel vm9, $0x80000000, v9;
	v6 =	vsel vm6, v9, v6  }
0x7a: {  	s17 =	simm.s32 $0x1D10;
	s18 =	simm.s32 $0xD10;
	[tilespmem:s31+$0x0] =	vst v6;
	v6 =	vsel vm6, v9, v10;
	v7 =	vshift.insert v11, v0, s20;
	(ifvalue) =	ssetifvalue $0xFFFFFFFF  }
.LBB2_9:
0x7b: {  	[hbm4b:s1+s14] =	stream.indirect_vreg.scatter [tilespmem:s31], [sflag:$0x2], $0x1, v8, vm0, $0x4038;
	[tilespmem:$0x2520] =	vst v63  }
0x7c: {  	s0 =	sadd.s32 $0x10, s0;
	s31 =	smov.u32 s17;
	v8 =	vld [tilespmem:s2+$0x0]  }
0x7d: {  	p0 =	slt.u32 s0, $0x3F0  }
0x7e: {  	v9 =	vld [tilespmem:s16+$0x0];
	_ =	sdelay $0x2  }
0x7f: {  	vm5 =	vgt.s32 v8, v7  }
0x80: {  	v7 =	vsel vm5, v8, v7  }
0x81: {  	vm5 =	vne.s32 v9, $0xFFFFFFFF;
	v7 =	vxor.u32 $0x80000000, v7  }
0x82: {  	(xrf0) =	vmax.seg.scan.u32 vm5, v7;
	_ =	sdelay $0x2  }
0x83: {  	v7 =	vld [tilespmem:s18+$0x0];
	_ =	sdelay $0x1  }
0x84: {  	vm6 =	veq.s32 v9, v3;
	vm7 =	veq.s32 v9, v5  }
0x85: {  	vm8 =	vgt.u32 v9, $0xFFFFFFFD;
	vm4 =	vmor vm4, vm6;
	vm7 =	vmor vm7, vm6;
	v8, _, _ =	vpop (xrf0)  }
0x86: {  	vm5 =	vmand vm5, vm3;
	vm7 =	vmor vm7, vm8;
	v10 =	vxor.u32 $0x80000000, v8  }
.Ltmp7:
0x87: {  	v8 =	vsel vm7, $0xFFFFFFFF, v9;
	vm7 =	vgt.s32 v10, v7;
	v9 =	vsel vm5, $0x80000000, v10;
	(pc) =	sbr.rel @p0 .LBB2_9-.Ltmp7, $4  }
0x88: {  	v6 =	vsel vm6, v10, v6;
	v11 =	vsel vm7, v10, v7;
	v7 =	vshift.insert v9, v0, s20  }
0x89: {  	v9 =	vsel vm6, v10, v11  }
0x8a: {  	s2 =	sadd.s32 $0x10, s2;
	s16 =	sadd.s32 $0x10, s16;
	[tilespmem:s17+$0x0] =	vst v9  }
0x8b: {  	s18 =	sadd.s32 $0x10, s18;
	s17 =	sadd.s32 $0x10, s17;
	(ifvalue) =	ssetifvalue $0xFFFFFFFF  }
0x8c: {  	_ =	sdelay $0x3  }
0x8d: {  	[hbm4b:s1+s14] =	stream.indirect_vreg.scatter [tilespmem:s31], [sflag:$0x2], $0x1, v8, vm0, $0x4038;
	[tilespmem:$0x2520] =	vst v63  }
0x8e: {  	v3 =	vld [tilespmem:$0x20F0];
	_ =	sdelay $0x4  }
0x8f: {  	v3 =	vshift.insert v3, v1, s20;
	_ =	sdelay $0x1  }
0x90: {  	[tilespmem:s24+$0x0] =	vst.msk $0x1, v3  }
0x91: {  	v3 =	vsel vm4, $0x1, v1;
	[tilespmem:$0x90] =	vst v6  }
0x92: {  	[tilespmem:$0xA0] =	vst v3  }
0x93: {  	[spmem:s12] =	stream.linear.scatter [tilespmem:s25], [sflag:$0x1], $0x1, $0x38;
	[tilespmem:$0x2520] =	vst v63  }
0x94: {  	v3 =	vmctz.xlane vm4;
	_ =	swait.ge [sflag:s3], $0x1  }
0x95: {  	(v2sf) =	vpush v4, $0x0  }
0x96: {  	(v2sf) =	vpush v3, $0x0;
	_ =	sdelay $0xd  }
0x97: {  	s0 =	spop (v2sf)  }
0x98: {  	s2 =	spop (v2sf)  }
0x99: {  	[sflag:s3] =	ssyncset.done $0x0;
	p0 =	sne.s32 s30, s0;
	p1 =	slt.s32 s2, $0xF  }
0x9a: {  	[sflag:s3] =	ssyncadd.s32 $0xFFFFFFFF;
	v3 =	vimm.s32 @!p0 $0xFFFFFFFF;
	s2 =	simm.s32 @!p1 $0xF  }
0x9b: {  	[tilespmem:$0x80] =	vst @!p0 v3;
	s31 =	sadd.s32 $0x90, s2  }
0x9c: {  	[spmem:s10] =	stream.linear.scatter [tilespmem:s31], [sflag:$0x1], $0x1, $0x38;
	[tilespmem:$0x2520] =	vst v63  }
0x9d: {  	_ =	swait.ge [sflag:s3], $0x1  }
0x9e: {  	[sflag:s3] =	ssyncset.done $0x0  }
0x9f: {  	[sflag:s3] =	ssyncadd.s32 $0xFFFFFFFF  }
0xa0: {  	[spmem:s13] =	stream.linear.scatter [tilespmem:s26], [sflag:$0x1], $0x1, $0x38;
	[tilespmem:$0x2520] =	vst v63  }
0xa1: {  	_ =	swait.ge [sflag:s3], $0x1  }
0xa2: {  	[sflag:s3] =	ssyncset.done $0x0  }
0xa3: {  	[sflag:s3] =	ssyncadd.s32 $0xFFFFFFFF;
	(ifvalue) =	ssetifvalue $0xFFFFFFFF;
	v3 =	vld [tilespmem:$0x10];
	_ =	sdelay $0x3  }
.Ltmp8:
0xa4: {  	_ = 	snop;
	(pc) =	sbr.rel .LBB2_4-.Ltmp8, $3  }
0xa5: {  	_ =	sdelay $0x1  }
0xa6: {  	(ifvalue) =	ssetifvalue $0xFFFFFFFF  }
0xa7: {  	[hbm4b:s1+s14] =	stream.indirect_vreg.scatter [tilespmem:s19], [sflag:$0x9], $0x1, v3, vm0, $0x4038;
	[tilespmem:$0x2520] =	vst v63  }
.LBB2_12:
0xa8: {  	s0 =	simm.s32 $0x2  }
0xa9: {  	_ =	swait.ge [sflag:s0], $0x400  }
0xaa: {  	[sflag:s0] =	ssyncset.done $0x0  }
0xab: {  	s31 =	simm.s32 $0x9;
	[sflag:s0] =	ssyncadd.s32 $0xFFFFFC00  }
0xac: {  	_ =	swait.ge [sflag:s31], $0x10  }
0xad: {  	[sflag:s31] =	ssyncset.done $0x0  }
0xae: {  	[sflag:s31] =	ssyncadd.s32 $0xFFFFFFF0  }
.LBB2_13:
0xaf: {  	_ =	sfence.sel $0x180000  }
0xb0: {  	s0 =	simm.s32 $0x7;
	[bflag:$0x0] =	sbarrier.arrive $0xFFFF  }
0xb1: {  	s26 =	simm.s32 $0x8;
	[sflag:s0] =	ssyncpa.u1 $0x1  }
0xb2: {  	s28 =	simm.s32 $0x9;
	[sflag:s26] =	ssyncpa.u1 $0x1  }
0xb3: {  	[sflag:s28] =	ssyncpa.u1 $0x1  }
0xb4: {  	_ =	sfence.stream.spmem  }
0xb5: {  	s29 =	simm.s32 $0x3;
	[bflag:$0x0] =	sbarrier.arrive $0xFFFF  }
0xb6: {  	s30 =	simm.s32 $0x4;
	[sflag:s29] =	ssyncpa.u1 $0x1  }
0xb7: {  	s31 =	simm.s32 $0x3C;
	s2 =	stileid.u32;
	[sflag:s30] =	ssyncpa.u1 $0x1  }
0xb8: {  	p0 =	sne.s32 s2, $0x0;
	[sflag:s31] =	ssyncpa.u1 $0x1  }
0xb9: {  	s0 =	simm.s32 @p0 $0x1;
	_ =	sfence @p0  }
0xba: {  	[sflag:s0] =	ssyncpa.u1 @p0 $0x1;
	s0 =	simm.s32 @p0 $0x2  }
0xbb: {  	[sflag:s0] =	ssyncpa.u1 @p0 $0x1  }
0xbc: {  	_ =	strace @p0 $0x90000047  }
0xbd: {  	[bflag:$0x2] =	sbarrier.arrive @p0 $0xFFFF  }
0xbe: {  	_ =	shalt @p0  }
.LBB2_14:
0xbf: {  	_ =	sfence.stream.spmem;
	s0 =	simm.s32 $0x5  }
0xc0: {  	s2 =	simm.s32 $0x80;
	s3 =	simm.s32 $0xC0;
	[sflag:s0] =	ssyncpa.u1 $0x0  }
0xc1: {  	[tilespmem:s3], [sflag:$0x5] =	stream.linear.gather [spmem:s2], $0x20, $0x38;
	[tilespmem:$0x2520] =	vst v63  }
0xc2: {  	s30 =	simm.s32 $0xE0;
	s2 =	simm.s32 $0x0  }
0xc3: {  	[tilespmem:s30], [sflag:$0x5] =	stream.linear.gather [spmem:s2], $0x20, $0x38;
	[tilespmem:$0x2520] =	vst v63  }
.Ltmp9:
0xc4: {  	_ = 	snop;
	(pc) =	sbr.rel .LBB2_15-.Ltmp9, $4  }
0xc5: {  	_ =	swait.ge [sflag:s0], $0x40  }
0xc6: {  	[sflag:s0] =	ssyncset.done $0x0  }
0xc7: {  	s31 =	simm.s32 $0x6;
	[sflag:s0] =	ssyncadd.s32 $0xFFFFFFC0  }
0xc8: {  	s3 =	simm.s32 $0x0;
	[sflag:s31] =	ssyncpa.u1 $0x0  }
.LBB2_20:
0xc9: {  	p0 =	sgt.u32 s4, $0xF43FF  }
0xca: {  	s0 =	sshrl.u32 @!p0 s4, $0x3  }
0xcb: {  	s4 =	sand.u32 @!p0 $0x7, s4;
	s5 =	simm.s32 @!p0 $0xB0;
	s0 =	sadd.s32 @!p0 s1, s0  }
0xcc: {  	[tilespmem:s5], [sflag:$0x6] =	stream.linear.gather @!p0 [hbm4b:s0+s4], $0x1, $0x38;
	[tilespmem:$0x2520] =	vst v63  }
0xcd: {  	s0 =	simm.s32 @!p0 $0x6  }
0xce: {  	_ =	swait.ge @!p0 [sflag:s0], $0x1  }
0xcf: {  	[sflag:s0] =	ssyncset.done @!p0 $0x0  }
0xd0: {  	[sflag:s0] =	ssyncadd.s32 @!p0 $0xFFFFFFFF  }
0xd1: {  	v1 =	vld.msk @!p0 [tilespmem:$0xB0], $0x1  }
0xd2: {  	v2 =	vld.msk @!p0 [tilespmem:s3+$0xE0], $0x1;
	_ =	sdelay $0x4  }
0xd3: {  	vm0 =	vgt.s32 @!p0 v2, v1  }
0xd4: {  	v1 =	vsel @!p0 vm0, v2, v1  }
0xd5: {  	[tilespmem:s3+$0xE0] =	vst.msk @!p0 $0x1, v1  }
0xd6: {  	[tilespmem:s2+$0xC0] =	vst.msk $0x1, v0  }
0xd7: {  	v0 =	vld.msk [tilespmem:s3+$0xE0], $0x1;
	_ =	sdelay $0x4  }
0xd8: {  	[tilespmem:s2+$0xE0] =	vst.msk $0x1, v0;
	s2 =	sadd.s32 $0x1, s2  }
.LBB2_22:
0xd9: {  	s3 =	sadd.s32 $0x1, s3  }
0xda: {  	p0 =	sne.s32 s3, $0x20  }
.Ltmp10:
0xdb: {  	_ = 	snop;
	(pc) =	sbr.rel @!p0 .LBB2_23-.Ltmp10, $1  }
0xdc: {  	_ =	sdelay $0x3  }
.LBB2_15:
0xdd: {  	v0 =	vld.msk [tilespmem:s3+$0xC0], $0x1;
	_ =	sdelay $0x4  }
0xde: {  	(v2sf) =	vpush v0, $0x0;
	_ =	sdelay $0xe  }
0xdf: {  	s4 =	spop (v2sf)  }
0xe0: {  	p0 =	seq.s32 s4, $0xFFFFFFFF  }
.Ltmp11:
0xe1: {  	_ = 	snop;
	(pc) =	sbr.rel @p0 .LBB2_22-.Ltmp11, $1  }
0xe2: {  	_ =	sdelay $0x3  }
0xe3: {  	p0 =	slt.s32 s2, $0x1  }
.Ltmp12:
0xe4: {  	_ = 	snop;
	(pc) =	sbr.rel @p0 .LBB2_20-.Ltmp12, $1  }
0xe5: {  	_ =	sdelay $0x3  }
0xe6: {  	s0 =	simm.s32 $0xC0;
	p0 =	por $0x0, $0x0  }
0xe7: {  	v1 =	vld.msk @!p0 [tilespmem:s0+$0x0], $0x1;
	_ =	sdelay $0x4  }
0xe8: {  	(v2sf) =	vpush @!p0 v1, $0x0;
	_ =	sdelay $0xd  }
0xe9: {  	p2 =	sne.s32 s2, $0x1  }
.Ltmp13:
0xea: {  	s5 =	spop @!p0 (v2sf);
	(pc) =	sbr.rel @!p2 .LBB2_19-.Ltmp13, $4  }
0xeb: {  	p1 =	seq.s32 @!p0 s4, s5  }
0xec: {  	s5 =	simm.s32 $0x0;
	p1 =	por !p1, p0  }
0xed: {  	s7 =	simm.s32 $0xFFFFFFFF;
	s5 =	simm.s32 @p1 $0xFFFFFFFF  }
0xee: {  	s6 =	simm.s32 $0x1;
	s5 =	smov.u32 @p0 s7  }
.LBB2_18:
0xef: {  	s7 =	smov.u32 s5;
	p0 =	sne.s32 s5, $0xFFFFFFFF  }
0xf0: {  	s0 =	sadd.s32 $0x1, s0;
	s5 =	smov.u32 s6;
	s6 =	sadd.s32 $0x1, s6  }
0xf1: {  	p1 =	sne.s32 s2, s6;
	v1 =	vld.msk @!p0 [tilespmem:s0+$0x0], $0x1;
	_ =	sdelay $0x4  }
0xf2: {  	(v2sf) =	vpush @!p0 v1, $0x0;
	_ =	sdelay $0xe  }
.Ltmp14:
0xf3: {  	s8 =	spop @!p0 (v2sf);
	(pc) =	sbr.rel @p1 .LBB2_18-.Ltmp14, $4  }
0xf4: {  	p2 =	seq.s32 @!p0 s4, s8  }
0xf5: {  	p2 =	por !p2, p0  }
0xf6: {  	s5 =	simm.s32 @p2 $0xFFFFFFFF  }
0xf7: {  	s5 =	smov.u32 @p0 s7  }
.LBB2_19:
0xf8: {  	p0 =	sne.s32 s5, $0xFFFFFFFF  }
.Ltmp15:
0xf9: {  	_ = 	snop;
	(pc) =	sbr.rel @!p0 .LBB2_20-.Ltmp15, $1  }
0xfa: {  	_ =	sdelay $0x3  }
0xfb: {  	v0 =	vld.msk [tilespmem:s3+$0xE0], $0x1  }
0xfc: {  	v1 =	vld.msk [tilespmem:s5+$0xE0], $0x1;
	_ =	sdelay $0x2  }
.Ltmp16:
0xfd: {  	_ = 	snop;
	(pc) =	sbr.rel .LBB2_22-.Ltmp16, $4  }
0xfe: {  	_ = 	snop  }
0xff: {  	vm0 =	vgt.s32 v1, v0  }
0x100: {  	v0 =	vsel vm0, v1, v0  }
0x101: {  	[tilespmem:s5+$0xE0] =	vst.msk $0x1, v0  }
.LBB2_23:
0x102: {  	p0 =	slt.s32 s2, $0x1  }
.Ltmp17:
0x103: {  	_ = 	snop;
	(pc) =	sbr.rel @p0 .LBB2_27-.Ltmp17, $3  }
0x104: {  	_ =	sdelay $0x1  }
0x105: {  	s0 =	simm.s32 $0x6  }
0x106: {  	[sflag:s0] =	ssyncpa.u1 $0x1;
	s0 =	simm.s32 $0x0  }
0x107: {  	s3 =	simm.s32 $0xC0  }
0x108: {  	v0 =	vld.msk [tilespmem:s3+$0x0], $0x1;
	_ =	sdelay $0x4  }
0x109: {  	(v2sf) =	vpush v0, $0x0;
	_ =	sdelay $0xe  }
0x10a: {  	s2 =	sadd.s32 $0xFFFFFFFF, s2;
	s4 =	spop (v2sf)  }
0x10b: {  	p1 =	sne.s32 s2, $0x0;
	p0 =	sgt.u32 s4, $0xF43FF  }
.Ltmp18:
0x10c: {  	s5 =	sshrl.u32 @!p0 s4, $0x3;
	(pc) =	sbr.rel @!p1 .LBB2_26-.Ltmp18, $4  }
0x10d: {  	s3 =	simm.s32 $0xE0;
	s4 =	sand.u32 @!p0 $0x7, s4;
	s5 =	sadd.s32 @!p0 s1, s5  }
0x10e: {  	[hbm4b:s5+s4] =	stream.linear.scatter @!p0 [tilespmem:s3], [sflag:$0x5], $0x1, $0x38;
	[tilespmem:$0x2520] =	vst v63  }
0x10f: {  	s5 =	simm.s32 $0x0  }
0x110: {  	s4 =	simm.s32 $0xC1;
	s5 =	simm.s32 @!p0 $0x4  }
.LBB2_25:
0x111: {  	v0 =	vld.msk [tilespmem:s4+$0x0], $0x1;
	s2 =	sadd.s32 $0xFFFFFFFF, s2;
	s0 =	sadd.s32 s0, s5  }
0x112: {  	p0 =	sne.s32 s2, $0x0;
	_ =	sdelay $0x3  }
0x113: {  	(v2sf) =	vpush v0, $0x0;
	_ =	sdelay $0xe  }
.Ltmp19:
0x114: {  	s6 =	spop (v2sf);
	(pc) =	sbr.rel @p0 .LBB2_25-.Ltmp19, $4  }
0x115: {  	s5 =	simm.s32 $0x0;
	p1 =	sgt.u32 s6, $0xF43FF  }
0x116: {  	s3 =	sadd.s32 $0x1, s3;
	s5 =	simm.s32 @!p1 $0x4;
	s7 =	sshrl.u32 @!p1 s6, $0x3  }
0x117: {  	s4 =	sadd.s32 $0x1, s4;
	s6 =	sand.u32 @!p1 $0x7, s6;
	s7 =	sadd.s32 @!p1 s1, s7  }
0x118: {  	[hbm4b:s7+s6] =	stream.linear.scatter @!p1 [tilespmem:s3], [sflag:$0x5], $0x1, $0x38;
	[tilespmem:$0x2520] =	vst v63  }
.LBB2_26:
0x119: {  	s0 =	sadd.s32 s0, s5  }
0x11a: {  	s0 =	sshrl.u32 s0, $0x2  }
.LBB2_27:
0x11b: {  	s1 =	simm.s32 $0x5  }
0x11c: {  	_ =	swait.ge [sflag:s1], s0  }
0x11d: {  	s28 =	ssub.s32 $0x0, s0;
	[sflag:s1] =	ssyncset.done $0x0  }
0x11e: {  	[sflag:s1] =	ssyncadd.s32 s28  }
0x11f: {  	[sflag:s1] =	ssyncpa.u1 $0x1  }
0x120: {  	s29 =	simm.s32 $0x1;
	_ =	sfence  }
0x121: {  	s30 =	simm.s32 $0x2;
	[sflag:s29] =	ssyncpa.u1 $0x1  }
0x122: {  	[sflag:s30] =	ssyncpa.u1 $0x1  }
0x123: {  	_ =	strace $0x90000047  }
0x124: {  	[bflag:$0x2] =	sbarrier.arrive $0xFFFF  }
0x125: {  	s31 =	rddreg [dreg:$0x1]  }
0x126: {  	s0 =	sadd.s32 $0x100000, s31  }
0x127: {  	[sflag:s0] =	ssyncadd.tile.s32 $0x1;
	_ =	shalt  }
.Lfunc_end2:
_tile_overlayer_lowered:
.L_overlay_start_2:
0x128: {  	(tag) =	ssettag $0x2  }
0x129: {  	s0 =	rddreg [dreg:$0x0];
	s2 =	stileid.u32  }
0x12a: {  	s1 =	rddreg [dreg:$0x1];
	p0 =	sne.s32 s2, $0x0  }
0x12b: {  	s3 =	rddreg [dreg:$0x2];
	[bflag:$0x3] =	sbarrier.arrive $0xFFFF;
	s2 =	simm.s32 @!p0 $0x1C01  }
0x12c: {  	[timem:s3], [sflag:s2] =	dma.local @!p0 [hbm:s0], s1  }
0x12d: {  	s0 =	simm.s32 @!p0 $0x1  }
0x12e: {  	_ =	swait.ge @!p0 [sflag:s0], s1  }
0x12f: {  	s1 =	ssub.s32 @!p0 $0x0, s1;
	[sflag:s0] =	ssyncset.done @!p0 $0x0  }
0x130: {  	[sflag:s0] =	ssyncadd.s32 @!p0 s1  }
0x131: {  	[bflag:$0x3] =	sbarrier.arrive $0xFFFF  }
0x132: {  	_ =	shalt  }

</sc_bundles>
